<compile_context>
chip_gen: v7x
topology: tpu7x:2x2x1
jax: 0.10.2.dev20260603
libtpu: 0.0.44.dev20260713+nightly
codegen_flags: <defaults>
</compile_context>

<pallas_src>
import dataclasses
import functools

import jax
import jax.numpy as jnp
from jax import lax
from jax.experimental import pallas as pl
from jax.experimental.pallas import tpu as pltpu
from jax.experimental.pallas import tpu_sc as plsc


def _hist_kernel(t_hbm, out_hbm, t_v, bins_v, sem, *, chunk, c, nc, lanes):
    wid = lax.axis_index("s") * nc + lax.axis_index("c")
    base = wid * chunk
    pltpu.sync_copy(t_hbm.at[pl.ds(base, chunk)], t_v)

    zero = jnp.zeros((lanes,), jnp.float32)
    for c0 in range(0, c, lanes):
        bins_v[pl.ds(c0, lanes)] = zero

    ones = jnp.ones((lanes,), jnp.float32)

    def body(i, carry):
        idx = t_v[pl.ds(i * lanes, lanes)]
        plsc.addupdate_scatter(bins_v, [idx], ones)
        return carry

    lax.fori_loop(0, chunk // lanes, body, 0)
    pltpu.sync_copy(bins_v, out_hbm.at[wid])


def _target_histogram(t_flat, c):
    info = plsc.get_sparse_core_info()
    nc, ns, lanes = info.num_cores, info.num_subcores, info.num_lanes
    nw = nc * ns
    total = t_flat.shape[0]
    chunk = total // nw

    cp = pltpu.CompilerParams()
    if "needs_layout_passes" in pltpu.CompilerParams.__dataclass_fields__:
        cp = dataclasses.replace(cp, needs_layout_passes=False)
    mesh = plsc.VectorSubcoreMesh(core_axis_name="c", subcore_axis_name="s")
    k = pl.kernel(
        functools.partial(_hist_kernel, chunk=chunk, c=c, nc=nc, lanes=lanes),
        mesh=mesh,
        out_type=jax.ShapeDtypeStruct((nw, c), jnp.float32),
        scratch_types=[
            pltpu.VMEM((chunk,), jnp.int32),
            pltpu.VMEM((c,), jnp.float32),
            pltpu.SemaphoreType.DMA,
        ],
        compiler_params=cp,
    )
    return k(t_flat)


def _loss_kernel(x_ref, t_ref, w_ref, k_ref, out_ref, s_acc, i_acc, ll_acc,
                 *, n_steps, c, n_pix):
    step = pl.program_id(0) * pl.num_programs(1) + pl.program_id(1)

    @pl.when(step == 0)
    def _init():
        s_acc[...] = jnp.zeros_like(s_acc)
        i_acc[...] = jnp.zeros_like(i_acc)
        ll_acc[...] = jnp.zeros_like(ll_acc)

    CH = 128
    B = x_ref.shape[2]
    cio = jax.lax.broadcasted_iota(jnp.int32, (x_ref.shape[1], CH), 0)

    i_part = None
    s_part = None
    ll_part = None
    for j in range(B // CH):
        sl = slice(j * CH, (j + 1) * CH)
        xj = x_ref[0, :, sl]
        tj = t_ref[0, :, sl]
        wj = w_ref[0, :, sl]

        m = jnp.max(xj, axis=0, keepdims=True)
        e = jnp.exp(xj - m)
        z = jnp.sum(e, axis=0, keepdims=True)
        p = e * (1.0 / z)

        mask = cio == tj
        poh = jnp.where(mask, p, 0.0)
        pt = jnp.sum(poh, axis=0, keepdims=True)
        ll = jnp.log(pt) * wj

        i_part = poh if i_part is None else i_part + poh
        s_part = p if s_part is None else s_part + p
        ll_part = ll if ll_part is None else ll_part + ll

    i_acc[...] += i_part
    s_acc[...] += s_part
    ll_acc[...] += ll_part

    @pl.when(step == n_steps - 1)
    def _fin():
        inter = jnp.sum(i_acc[...], axis=1)
        count = jnp.sum(k_ref[...], axis=0)
        den = jnp.sum(s_acc[...], axis=1) + count
        num = 2.0 * inter + 1.0
        dice = jnp.sum(1.0 - num / (den + 1.0001)) / c
        loss_ll = -jnp.sum(ll_acc[...]) / n_pix
        out_ref[...] = jnp.concatenate(
            [jnp.reshape(loss_ll + dice, (1, 1)), jnp.reshape(dice, (1, 1))],
            axis=1)


def kernel(input, target, weight):
    N, C, H, W = input.shape
    HW = H * W
    x = input.reshape(N, C, HW)
    t = target.reshape(N, 1, HW)
    w = weight.reshape(N, 1, HW)

    k_part = _target_histogram(target.reshape(N * HW), C)

    B = 12544
    nb = HW // B
    n_steps = N * nb

    out = pl.pallas_call(
        functools.partial(_loss_kernel, n_steps=n_steps, c=C,
                          n_pix=float(N * HW)),
        grid=(N, nb),
        in_specs=[
            pl.BlockSpec((1, C, B), lambda n, j: (n, 0, j)),
            pl.BlockSpec((1, 1, B), lambda n, j: (n, 0, j)),
            pl.BlockSpec((1, 1, B), lambda n, j: (n, 0, j)),
            pl.BlockSpec(k_part.shape, lambda n, j: (0, 0)),
        ],
        out_specs=pl.BlockSpec((1, 2), lambda n, j: (0, 0)),
        out_shape=jax.ShapeDtypeStruct((1, 2), jnp.float32),
        scratch_shapes=[
            pltpu.VMEM((C, 128), jnp.float32),
            pltpu.VMEM((C, 128), jnp.float32),
            pltpu.VMEM((1, 128), jnp.float32),
        ],
    )(x, t, w, k_part)

    total = out[0, 0]
    dice = out[0, 1]
    return (total, dice)

# --- scband reference (transcript-rebuilt; emitter-appended) ---
"""Pipeline reference for scband-combined-loss-20564303414009 (READ-ONLY COPY).

The authoritative reference and input builder live on the scoring server;
editing this copy changes nothing except your own understanding.
"""

import jax, jax.numpy as jnp
import numpy as np


def _one_hot_scatter(output, target):
    # emulates torch encoded_target.scatter_(1, target, 1) with target [N,1,H,W]
    N, C, H, W = output.shape
    t = target[:, 0]  # [N,H,W]
    n_idx = jnp.arange(N)[:, None, None]
    h_idx = jnp.arange(H)[None, :, None]
    w_idx = jnp.arange(W)[None, None, :]
    return jnp.zeros_like(output).at[n_idx, t, h_idx, w_idx].set(1.0)


def setup_inputs(seed: int = 0) -> dict:
    key = jax.random.key(seed)
    k1, k2, k3 = jax.random.split(key, 3)
    N, C, H, W = 4, 96, 224, 224
    inp = jax.random.normal(k1, (N, C, H, W), dtype=jnp.float32)
    target = jax.random.randint(k2, (N, 1, H, W), 0, C, dtype=jnp.int32)
    weight = jax.random.uniform(k3, (N, H, W), dtype=jnp.float32)
    return {"input": inp, "target": target, "weight": weight}


def reference(input, target, weight):
    input_soft = jax.nn.softmax(input, axis=1)

    # weighted_log_loss
    encoded_target = _one_hot_scatter(input_soft, target)
    log_out = -1.0 * jnp.log(input_soft)
    log_out = log_out * encoded_target
    log_out = jnp.sum(log_out, axis=1)  # [N,H,W]
    loss_out = jnp.mean(log_out * weight)

    # DiceLoss (ignore_index=None, weights=None)
    eps = 0.0001
    smooth = 1.0
    # pred from topk (computed in original forward, unused in loss math)
    _vals, _pred = jax.lax.top_k(jnp.moveaxis(input_soft, 1, -1), 1)
    intersection = input_soft * encoded_target
    numerator = 2.0 * jnp.sum(intersection, axis=(0, 2, 3)) + smooth  # [C]
    denominator = jnp.sum(input_soft + encoded_target, axis=(0, 2, 3)) + eps + smooth  # [C]
    loss_per_channel = 1.0 * (1.0 - numerator / denominator)
    loss_out_dice = jnp.sum(loss_per_channel) / input_soft.shape[1]
    loss_out_dice = jnp.mean(loss_out_dice)

    return (loss_out + loss_out_dice, loss_out_dice)

if __name__ == "__main__":
    import jax
    _d = setup_inputs()
    print(jax.jit(kernel)(*tuple(_d.values())))

</pallas_src>

<mosaic_0001>
#map = affine_map<(d0, d1) -> (0)>
#map1 = affine_map<(d0, d1) -> (0, 0)>
module attributes {stable_mosaic.version = 14 : i64} {
  func.func @_hist_kernel(%arg0: i32, %arg1: i32, %arg2: memref<200704xi32, #tpu.memory_space<hbm>>, %arg3: memref<32x96xf32, #tpu.memory_space<hbm>>, %arg4: memref<6272xi32, #tpu.memory_space<vmem>>, %arg5: memref<96xf32, #tpu.memory_space<vmem>>, %arg6: memref<!tpu.dma_semaphore, #tpu.memory_space<semaphore_mem>>) attributes {dimension_semantics = [#tpu.dimension_semantics<core_parallel>, #tpu.dimension_semantics<subcore_parallel>], iteration_bounds = array<i64: 2, 16>, scalar_prefetch = 0 : i64, scratch_operands = 3 : i64, tpu.core_type = #tpu.core_type<sc_vector_subcore>, window_params = [{transform_indices = #map}, {transform_indices = #map1}]} {
    %mul3A = arith.constant 2 : i32
    %mul3A_0 = arith.muli %arg1, %mul3A : i32
    %add3A = arith.addi %mul3A_0, %arg0 : i32
    %mul3A_1 = arith.constant 6272 : i32
    %mul3A_2 = arith.muli %add3A, %mul3A_1 : i32
    "tpu.region"() ({
      %run_scoped3A = tpu.sem_alloc : memref<!tpu.dma_semaphore, #tpu.memory_space<semaphore_mem>>
      %dma_start3A = tpu.memref_slice %arg2[%mul3A_2] : memref<200704xi32, #tpu.memory_space<hbm>> -> memref<6272xi32, #tpu.memory_space<hbm>>
      %dma_start3A_22 = tpu.memref_slice %arg2[%mul3A_2] : memref<200704xi32, #tpu.memory_space<hbm>> -> memref<6272xi32, #tpu.memory_space<hbm>>
      tpu.enqueue_dma source(%dma_start3A_22 : memref<6272xi32, #tpu.memory_space<hbm>>) target(%arg4 : memref<6272xi32, #tpu.memory_space<vmem>>) target_semaphore(%run_scoped3A : memref<!tpu.dma_semaphore, #tpu.memory_space<semaphore_mem>>)
      %dma_wait3A = tpu.memref_slice %arg2[%mul3A_2] : memref<200704xi32, #tpu.memory_space<hbm>> -> memref<6272xi32, #tpu.memory_space<hbm>>
      %dma_wait3A_23 = tpu.memref_slice %arg2[%mul3A_2] : memref<200704xi32, #tpu.memory_space<hbm>> -> memref<6272xi32, #tpu.memory_space<hbm>>
      tpu.wait_dma2 semaphore(%run_scoped3A : memref<!tpu.dma_semaphore, #tpu.memory_space<semaphore_mem>>) src(%dma_wait3A_23 : memref<6272xi32, #tpu.memory_space<hbm>>) dst(%arg4 : memref<6272xi32, #tpu.memory_space<vmem>>)
      tpu.yield
    }) : () -> ()
    %broadcast_in_dim3A = arith.constant 0.000000e+00 : f32
    %broadcast_in_dim3A_3 = vector.broadcast %broadcast_in_dim3A : f32 to vector<16xf32>
    %swap3A = arith.constant 0 : index
    %swap3A_4 = tpu.vector_load %arg5[%swap3A] {strides = array<i32>} : memref<96xf32, #tpu.memory_space<vmem>>, vector<16xf32>,
    tpu.vector_store %arg5[%swap3A], %broadcast_in_dim3A_3 {strides = array<i32>} : memref<96xf32, #tpu.memory_space<vmem>>, vector<16xf32>,
    %swap3A_5 = arith.constant 16 : index
    %swap3A_6 = tpu.vector_load %arg5[%swap3A_5] {strides = array<i32>} : memref<96xf32, #tpu.memory_space<vmem>>, vector<16xf32>,
    tpu.vector_store %arg5[%swap3A_5], %broadcast_in_dim3A_3 {strides = array<i32>} : memref<96xf32, #tpu.memory_space<vmem>>, vector<16xf32>,
    %swap3A_7 = arith.constant 32 : index
    %swap3A_8 = tpu.vector_load %arg5[%swap3A_7] {strides = array<i32>} : memref<96xf32, #tpu.memory_space<vmem>>, vector<16xf32>,
    tpu.vector_store %arg5[%swap3A_7], %broadcast_in_dim3A_3 {strides = array<i32>} : memref<96xf32, #tpu.memory_space<vmem>>, vector<16xf32>,
    %swap3A_9 = arith.constant 48 : index
    %swap3A_10 = tpu.vector_load %arg5[%swap3A_9] {strides = array<i32>} : memref<96xf32, #tpu.memory_space<vmem>>, vector<16xf32>,
    tpu.vector_store %arg5[%swap3A_9], %broadcast_in_dim3A_3 {strides = array<i32>} : memref<96xf32, #tpu.memory_space<vmem>>, vector<16xf32>,
    %swap3A_11 = arith.constant 64 : index
    %swap3A_12 = tpu.vector_load %arg5[%swap3A_11] {strides = array<i32>} : memref<96xf32, #tpu.memory_space<vmem>>, vector<16xf32>,
    tpu.vector_store %arg5[%swap3A_11], %broadcast_in_dim3A_3 {strides = array<i32>} : memref<96xf32, #tpu.memory_space<vmem>>, vector<16xf32>,
    %swap3A_13 = arith.constant 80 : index
    %swap3A_14 = tpu.vector_load %arg5[%swap3A_13] {strides = array<i32>} : memref<96xf32, #tpu.memory_space<vmem>>, vector<16xf32>,
    tpu.vector_store %arg5[%swap3A_13], %broadcast_in_dim3A_3 {strides = array<i32>} : memref<96xf32, #tpu.memory_space<vmem>>, vector<16xf32>,
    %broadcast_in_dim3A_15 = arith.constant 1.000000e+00 : f32
    %broadcast_in_dim3A_16 = vector.broadcast %broadcast_in_dim3A_15 : f32 to vector<16xf32>
    %scan3A = arith.constant 0 : i32
    %scan3A_17 = arith.constant 0 : i32
    %scan3A_18 = arith.constant 392 : i32
    %scan3A_19 = arith.addi %scan3A_17, %scan3A_18 : i32
    %scan3A_20 = arith.constant 1 : i32
    scf.for %scan3A_22 = %scan3A_17 to %scan3A_19 step %scan3A_20  : i32 {
      %mul3A_23 = arith.constant 16 : i32
      %mul3A_24 = arith.muli %scan3A_22, %mul3A_23 : i32
      %get3A = arith.index_cast %mul3A_24 : i32 to index
      %get3A_25 = tpu.vector_load %arg4[%get3A] {strides = array<i32>} : memref<6272xi32, #tpu.memory_space<vmem>>, vector<16xi32>,
      tpu.vector_store_idx %arg5[%get3A_25], %broadcast_in_dim3A_16 {add = true} : memref<96xf32, #tpu.memory_space<vmem>>[vector<16xi32>], vector<16xf32>,
    }
    %scan3A_21 = arith.constant 392 : i32
    "tpu.region"() ({
      %run_scoped3A = tpu.sem_alloc : memref<!tpu.dma_semaphore, #tpu.memory_space<semaphore_mem>>
      %dma_start3A = arith.constant 0 : i32
      %dma_start3A_22 = tpu.memref_slice %arg3[%add3A, %dma_start3A] : memref<32x96xf32, #tpu.memory_space<hbm>> -> memref<1x96xf32, #tpu.memory_space<hbm>>
      %dma_start3A_23 = tpu.memref_squeeze %dma_start3A_22 : memref<1x96xf32, #tpu.memory_space<hbm>> -> memref<96xf32, #tpu.memory_space<hbm>>
      %dma_start3A_24 = arith.constant 0 : i32
      %dma_start3A_25 = tpu.memref_slice %arg3[%add3A, %dma_start3A_24] : memref<32x96xf32, #tpu.memory_space<hbm>> -> memref<1x96xf32, #tpu.memory_space<hbm>>
      %dma_start3A_26 = tpu.memref_squeeze %dma_start3A_25 : memref<1x96xf32, #tpu.memory_space<hbm>> -> memref<96xf32, #tpu.memory_space<hbm>>
      tpu.enqueue_dma source(%arg5 : memref<96xf32, #tpu.memory_space<vmem>>) target(%dma_start3A_26 : memref<96xf32, #tpu.memory_space<hbm>>) target_semaphore(%run_scoped3A : memref<!tpu.dma_semaphore, #tpu.memory_space<semaphore_mem>>)
      %dma_wait3A = arith.constant 0 : i32
      %dma_wait3A_27 = tpu.memref_slice %arg3[%add3A, %dma_wait3A] : memref<32x96xf32, #tpu.memory_space<hbm>> -> memref<1x96xf32, #tpu.memory_space<hbm>>
      %dma_wait3A_28 = tpu.memref_squeeze %dma_wait3A_27 : memref<1x96xf32, #tpu.memory_space<hbm>> -> memref<96xf32, #tpu.memory_space<hbm>>
      %dma_wait3A_29 = arith.constant 0 : i32
      %dma_wait3A_30 = tpu.memref_slice %arg3[%add3A, %dma_wait3A_29] : memref<32x96xf32, #tpu.memory_space<hbm>> -> memref<1x96xf32, #tpu.memory_space<hbm>>
      %dma_wait3A_31 = tpu.memref_squeeze %dma_wait3A_30 : memref<1x96xf32, #tpu.memory_space<hbm>> -> memref<96xf32, #tpu.memory_space<hbm>>
      tpu.wait_dma2 semaphore(%run_scoped3A : memref<!tpu.dma_semaphore, #tpu.memory_space<semaphore_mem>>) src(%arg5 : memref<96xf32, #tpu.memory_space<vmem>>) dst(%dma_wait3A_31 : memref<96xf32, #tpu.memory_space<hbm>>)
      tpu.yield
    }) : () -> ()
    return
  }
}

module attributes {stable_mosaic.version = 14 : i64} {
  func.func @_loss_kernel(%arg0: i32, %arg1: i32, %arg2: memref<1x96x12544xf32, #tpu.memory_space<vmem>>, %arg3: memref<1x1x12544xi32, #tpu.memory_space<vmem>>, %arg4: memref<1x1x12544xf32, #tpu.memory_space<vmem>>, %arg5: memref<32x96xf32, #tpu.memory_space<vmem>>, %arg6: memref<1x2xf32, #tpu.memory_space<vmem>>, %arg7: memref<96x128xf32, #tpu.memory_space<vmem>>, %arg8: memref<96x128xf32, #tpu.memory_space<vmem>>, %arg9: memref<1x128xf32, #tpu.memory_space<vmem>>) attributes {dimension_semantics = [#tpu.dimension_semantics<arbitrary>, #tpu.dimension_semantics<arbitrary>], iteration_bounds = array<i64: 4, 4>, scalar_prefetch = 0 : i64, scratch_operands = 3 : i64, tpu.core_type = #tpu.core_type<tc>, window_params = [{transform_indices = @transform_0, window_bounds = array<i64: 1, 96, 12544>}, {transform_indices = @transform_1, window_bounds = array<i64: 1, 1, 12544>}, {transform_indices = @transform_2, window_bounds = array<i64: 1, 1, 12544>}, {pipeline_mode = #tpu.pipeline_mode<synchronous>, transform_indices = @transform_3, window_bounds = array<i64: 32, 96>}, {pipeline_mode = #tpu.pipeline_mode<synchronous>, transform_indices = @transform_4, window_bounds = array<i64: 1, 2>}]} {
    %mul3A = arith.constant 4 : i32
    %mul3A_0 = arith.muli %arg0, %mul3A : i32
    %add3A = arith.addi %mul3A_0, %arg1 : i32
    %eq3A = arith.constant 0 : i32
    %eq3A_1 = arith.cmpi eq, %add3A, %eq3A : i32
    %convert_element_type3A = arith.extui %eq3A_1 : i1 to i32
    %cond3A = arith.constant 0 : i32
    %cond3A_2 = arith.cmpi ne, %convert_element_type3A, %cond3A : i32
    scf.if %cond3A_2 {
      %broadcast_in_dim3A_4131 = arith.constant 0.000000e+00 : f32
      %broadcast_in_dim3A_4132 = vector.broadcast %broadcast_in_dim3A_4131 : f32 to vector<96x128xf32>
      %swap3A_4133 = arith.constant 0 : index
      %swap3A_4134 = arith.constant 0 : index
      %swap3A_4135 = vector.load %arg7[%swap3A_4133, %swap3A_4134] : memref<96x128xf32, #tpu.memory_space<vmem>>, vector<96x128xf32>
      tpu.vector_store %arg7[%swap3A_4133, %swap3A_4134], %broadcast_in_dim3A_4132 {strides = array<i32>} : memref<96x128xf32, #tpu.memory_space<vmem>>, vector<96x128xf32>,
      %broadcast_in_dim3A_4136 = arith.constant 0.000000e+00 : f32
      %broadcast_in_dim3A_4137 = vector.broadcast %broadcast_in_dim3A_4136 : f32 to vector<96x128xf32>
      %swap3A_4138 = arith.constant 0 : index
      %swap3A_4139 = arith.constant 0 : index
      %swap3A_4140 = vector.load %arg8[%swap3A_4138, %swap3A_4139] : memref<96x128xf32, #tpu.memory_space<vmem>>, vector<96x128xf32>
      tpu.vector_store %arg8[%swap3A_4138, %swap3A_4139], %broadcast_in_dim3A_4137 {strides = array<i32>} : memref<96x128xf32, #tpu.memory_space<vmem>>, vector<96x128xf32>,
      %broadcast_in_dim3A_4141 = arith.constant 0.000000e+00 : f32
      %broadcast_in_dim3A_4142 = vector.broadcast %broadcast_in_dim3A_4141 : f32 to vector<1x128xf32>
      %swap3A_4143 = arith.constant 0 : index
      %swap3A_4144 = arith.constant 0 : index
      %swap3A_4145 = vector.load %arg9[%swap3A_4143, %swap3A_4144] : memref<1x128xf32, #tpu.memory_space<vmem>>, vector<1x128xf32>
      tpu.vector_store %arg9[%swap3A_4143, %swap3A_4144], %broadcast_in_dim3A_4142 {strides = array<i32>} : memref<1x128xf32, #tpu.memory_space<vmem>>, vector<1x128xf32>,
    } else {
    }
    %iota3A = tpu.iota {dimensions = array<i32: 0>} : vector<96x128xi32>
    %get3A = arith.constant 0 : index
    %get3A_3 = arith.constant 0 : index
    %get3A_4 = arith.constant 0 : index
    %get3A_5 = vector.load %arg2[%get3A, %get3A_3, %get3A_4] : memref<1x96x12544xf32, #tpu.memory_space<vmem>>, vector<1x96x128xf32>
    %get3A_6 = vector.shape_cast %get3A_5 : vector<1x96x128xf32> to vector<96x128xf32>
    %get3A_7 = arith.constant 0 : index
    %get3A_8 = arith.constant 0 : index
    %get3A_9 = arith.constant 0 : index
    %get3A_10 = vector.load %arg3[%get3A_7, %get3A_8, %get3A_9] : memref<1x1x12544xi32, #tpu.memory_space<vmem>>, vector<1x1x128xi32>
    %get3A_11 = vector.shape_cast %get3A_10 : vector<1x1x128xi32> to vector<1x128xi32>
    %get3A_12 = arith.constant 0 : index
    %get3A_13 = arith.constant 0 : index
    %get3A_14 = arith.constant 0 : index
    %get3A_15 = vector.load %arg4[%get3A_12, %get3A_13, %get3A_14] : memref<1x1x12544xf32, #tpu.memory_space<vmem>>, vector<1x1x128xf32>
    %get3A_16 = vector.shape_cast %get3A_15 : vector<1x1x128xf32> to vector<1x128xf32>
    %reduce_max3A = arith.constant dense<0xFF800000> : vector<128xf32>
    %reduce_max3A_17 = vector.multi_reduction <maximumf>, %get3A_6, %reduce_max3A [0] : vector<96x128xf32> to vector<128xf32>
    %broadcast_in_dim3A = vector.shape_cast %reduce_max3A_17 : vector<128xf32> to vector<1x128xf32>
    %sub3A = vector.broadcast %broadcast_in_dim3A : vector<1x128xf32> to vector<96x128xf32>
    %sub3A_18 = arith.subf %get3A_6, %sub3A : vector<96x128xf32>
    %exp3A = math.exp %sub3A_18 : vector<96x128xf32>
    %reduce_sum3A = arith.constant dense<0.000000e+00> : vector<128xf32>
    %reduce_sum3A_19 = vector.multi_reduction <add>, %exp3A, %reduce_sum3A [0] : vector<96x128xf32> to vector<128xf32>
    %broadcast_in_dim3A_20 = vector.shape_cast %reduce_sum3A_19 : vector<128xf32> to vector<1x128xf32>
    %div3A = arith.constant 1.000000e+00 : f32
    %div3A_21 = vector.broadcast %div3A : f32 to vector<1x128xf32>
    %div3A_22 = arith.divf %div3A_21, %broadcast_in_dim3A_20 : vector<1x128xf32>
    %mul3A_23 = vector.broadcast %div3A_22 : vector<1x128xf32> to vector<96x128xf32>
    %mul3A_24 = arith.mulf %exp3A, %mul3A_23 : vector<96x128xf32>
    %eq3A_25 = vector.broadcast %get3A_11 : vector<1x128xi32> to vector<96x128xi32>
    %eq3A_26 = arith.cmpi eq, %iota3A, %eq3A_25 : vector<96x128xi32>
    %jit3A = arith.constant 0.000000e+00 : f32
    %broadcast_in_dim3A_27 = vector.broadcast %jit3A : f32 to vector<96x128xf32>
    %select_n3A = arith.select %eq3A_26, %mul3A_24, %broadcast_in_dim3A_27 : vector<96x128xi1>, vector<96x128xf32>
    %reduce_sum3A_28 = arith.constant dense<0.000000e+00> : vector<128xf32>
    %reduce_sum3A_29 = vector.multi_reduction <add>, %select_n3A, %reduce_sum3A_28 [0] : vector<96x128xf32> to vector<128xf32>
    %broadcast_in_dim3A_30 = vector.shape_cast %reduce_sum3A_29 : vector<128xf32> to vector<1x128xf32>
    %log3A = math.log %broadcast_in_dim3A_30 : vector<1x128xf32>
    %mul3A_31 = arith.mulf %log3A, %get3A_16 : vector<1x128xf32>
    %get3A_32 = arith.constant 0 : index
    %get3A_33 = arith.constant 0 : index
    %get3A_34 = arith.constant 128 : index
    %get3A_35 = vector.load %arg2[%get3A_32, %get3A_33, %get3A_34] : memref<1x96x12544xf32, #tpu.memory_space<vmem>>, vector<1x96x128xf32>
    %get3A_36 = vector.shape_cast %get3A_35 : vector<1x96x128xf32> to vector<96x128xf32>
    %get3A_37 = arith.constant 0 : index
    %get3A_38 = arith.constant 0 : index
    %get3A_39 = arith.constant 128 : index
    %get3A_40 = vector.load %arg3[%get3A_37, %get3A_38, %get3A_39] : memref<1x1x12544xi32, #tpu.memory_space<vmem>>, vector<1x1x128xi32>
    %get3A_41 = vector.shape_cast %get3A_40 : vector<1x1x128xi32> to vector<1x128xi32>
    %get3A_42 = arith.constant 0 : index
    %get3A_43 = arith.constant 0 : index
    %get3A_44 = arith.constant 128 : index
    %get3A_45 = vector.load %arg4[%get3A_42, %get3A_43, %get3A_44] : memref<1x1x12544xf32, #tpu.memory_space<vmem>>, vector<1x1x128xf32>
    %get3A_46 = vector.shape_cast %get3A_45 : vector<1x1x128xf32> to vector<1x128xf32>
    %reduce_max3A_47 = arith.constant dense<0xFF800000> : vector<128xf32>
    %reduce_max3A_48 = vector.multi_reduction <maximumf>, %get3A_36, %reduce_max3A_47 [0] : vector<96x128xf32> to vector<128xf32>
    %broadcast_in_dim3A_49 = vector.shape_cast %reduce_max3A_48 : vector<128xf32> to vector<1x128xf32>
    %sub3A_50 = vector.broadcast %broadcast_in_dim3A_49 : vector<1x128xf32> to vector<96x128xf32>
    %sub3A_51 = arith.subf %get3A_36, %sub3A_50 : vector<96x128xf32>
    %exp3A_52 = math.exp %sub3A_51 : vector<96x128xf32>
    %reduce_sum3A_53 = arith.constant dense<0.000000e+00> : vector<128xf32>
    %reduce_sum3A_54 = vector.multi_reduction <add>, %exp3A_52, %reduce_sum3A_53 [0] : vector<96x128xf32> to vector<128xf32>
    %broadcast_in_dim3A_55 = vector.shape_cast %reduce_sum3A_54 : vector<128xf32> to vector<1x128xf32>
    %div3A_56 = arith.constant 1.000000e+00 : f32
    %div3A_57 = vector.broadcast %div3A_56 : f32 to vector<1x128xf32>
    %div3A_58 = arith.divf %div3A_57, %broadcast_in_dim3A_55 : vector<1x128xf32>
    %mul3A_59 = vector.broadcast %div3A_58 : vector<1x128xf32> to vector<96x128xf32>
    %mul3A_60 = arith.mulf %exp3A_52, %mul3A_59 : vector<96x128xf32>
    %eq3A_61 = vector.broadcast %get3A_41 : vector<1x128xi32> to vector<96x128xi32>
    %eq3A_62 = arith.cmpi eq, %iota3A, %eq3A_61 : vector<96x128xi32>
    %jit3A_63 = arith.constant 0.000000e+00 : f32
    %broadcast_in_dim3A_64 = vector.broadcast %jit3A_63 : f32 to vector<96x128xf32>
    %select_n3A_65 = arith.select %eq3A_62, %mul3A_60, %broadcast_in_dim3A_64 : vector<96x128xi1>, vector<96x128xf32>
    %reduce_sum3A_66 = arith.constant dense<0.000000e+00> : vector<128xf32>
    %reduce_sum3A_67 = vector.multi_reduction <add>, %select_n3A_65, %reduce_sum3A_66 [0] : vector<96x128xf32> to vector<128xf32>
    %broadcast_in_dim3A_68 = vector.shape_cast %reduce_sum3A_67 : vector<128xf32> to vector<1x128xf32>
    %log3A_69 = math.log %broadcast_in_dim3A_68 : vector<1x128xf32>
    %mul3A_70 = arith.mulf %log3A_69, %get3A_46 : vector<1x128xf32>
    %add3A_71 = arith.addf %select_n3A, %select_n3A_65 : vector<96x128xf32>
    %add3A_72 = arith.addf %mul3A_24, %mul3A_60 : vector<96x128xf32>
    %add3A_73 = arith.addf %mul3A_31, %mul3A_70 : vector<1x128xf32>
    %get3A_74 = arith.constant 0 : index
    %get3A_75 = arith.constant 0 : index
    %get3A_76 = arith.constant 256 : index
    %get3A_77 = vector.load %arg2[%get3A_74, %get3A_75, %get3A_76] : memref<1x96x12544xf32, #tpu.memory_space<vmem>>, vector<1x96x128xf32>
    %get3A_78 = vector.shape_cast %get3A_77 : vector<1x96x128xf32> to vector<96x128xf32>
    %get3A_79 = arith.constant 0 : index
    %get3A_80 = arith.constant 0 : index
    %get3A_81 = arith.constant 256 : index
    %get3A_82 = vector.load %arg3[%get3A_79, %get3A_80, %get3A_81] : memref<1x1x12544xi32, #tpu.memory_space<vmem>>, vector<1x1x128xi32>
    %get3A_83 = vector.shape_cast %get3A_82 : vector<1x1x128xi32> to vector<1x128xi32>
    %get3A_84 = arith.constant 0 : index
    %get3A_85 = arith.constant 0 : index
    %get3A_86 = arith.constant 256 : index
    %get3A_87 = vector.load %arg4[%get3A_84, %get3A_85, %get3A_86] : memref<1x1x12544xf32, #tpu.memory_space<vmem>>, vector<1x1x128xf32>
    %get3A_88 = vector.shape_cast %get3A_87 : vector<1x1x128xf32> to vector<1x128xf32>
    %reduce_max3A_89 = arith.constant dense<0xFF800000> : vector<128xf32>
    %reduce_max3A_90 = vector.multi_reduction <maximumf>, %get3A_78, %reduce_max3A_89 [0] : vector<96x128xf32> to vector<128xf32>
    %broadcast_in_dim3A_91 = vector.shape_cast %reduce_max3A_90 : vector<128xf32> to vector<1x128xf32>
    %sub3A_92 = vector.broadcast %broadcast_in_dim3A_91 : vector<1x128xf32> to vector<96x128xf32>
    %sub3A_93 = arith.subf %get3A_78, %sub3A_92 : vector<96x128xf32>
    %exp3A_94 = math.exp %sub3A_93 : vector<96x128xf32>
    %reduce_sum3A_95 = arith.constant dense<0.000000e+00> : vector<128xf32>
    %reduce_sum3A_96 = vector.multi_reduction <add>, %exp3A_94, %reduce_sum3A_95 [0] : vector<96x128xf32> to vector<128xf32>
    %broadcast_in_dim3A_97 = vector.shape_cast %reduce_sum3A_96 : vector<128xf32> to vector<1x128xf32>
    %div3A_98 = arith.constant 1.000000e+00 : f32
    %div3A_99 = vector.broadcast %div3A_98 : f32 to vector<1x128xf32>
    %div3A_100 = arith.divf %div3A_99, %broadcast_in_dim3A_97 : vector<1x128xf32>
    %mul3A_101 = vector.broadcast %div3A_100 : vector<1x128xf32> to vector<96x128xf32>
    %mul3A_102 = arith.mulf %exp3A_94, %mul3A_101 : vector<96x128xf32>
    %eq3A_103 = vector.broadcast %get3A_83 : vector<1x128xi32> to vector<96x128xi32>
    %eq3A_104 = arith.cmpi eq, %iota3A, %eq3A_103 : vector<96x128xi32>
    %jit3A_105 = arith.constant 0.000000e+00 : f32
    %broadcast_in_dim3A_106 = vector.broadcast %jit3A_105 : f32 to vector<96x128xf32>
    %select_n3A_107 = arith.select %eq3A_104, %mul3A_102, %broadcast_in_dim3A_106 : vector<96x128xi1>, vector<96x128xf32>
    %reduce_sum3A_108 = arith.constant dense<0.000000e+00> : vector<128xf32>
    %reduce_sum3A_109 = vector.multi_reduction <add>, %select_n3A_107, %reduce_sum3A_108 [0] : vector<96x128xf32> to vector<128xf32>
    %broadcast_in_dim3A_110 = vector.shape_cast %reduce_sum3A_109 : vector<128xf32> to vector<1x128xf32>
    %log3A_111 = math.log %broadcast_in_dim3A_110 : vector<1x128xf32>
    %mul3A_112 = arith.mulf %log3A_111, %get3A_88 : vector<1x128xf32>
    %add3A_113 = arith.addf %add3A_71, %select_n3A_107 : vector<96x128xf32>
    %add3A_114 = arith.addf %add3A_72, %mul3A_102 : vector<96x128xf32>
    %add3A_115 = arith.addf %add3A_73, %mul3A_112 : vector<1x128xf32>
    %get3A_116 = arith.constant 0 : index
    %get3A_117 = arith.constant 0 : index
    %get3A_118 = arith.constant 384 : index
    %get3A_119 = vector.load %arg2[%get3A_116, %get3A_117, %get3A_118] : memref<1x96x12544xf32, #tpu.memory_space<vmem>>, vector<1x96x128xf32>
    %get3A_120 = vector.shape_cast %get3A_119 : vector<1x96x128xf32> to vector<96x128xf32>
    %get3A_121 = arith.constant 0 : index
    %get3A_122 = arith.constant 0 : index
    %get3A_123 = arith.constant 384 : index
    %get3A_124 = vector.load %arg3[%get3A_121, %get3A_122, %get3A_123] : memref<1x1x12544xi32, #tpu.memory_space<vmem>>, vector<1x1x128xi32>
    %get3A_125 = vector.shape_cast %get3A_124 : vector<1x1x128xi32> to vector<1x128xi32>
    %get3A_126 = arith.constant 0 : index
    %get3A_127 = arith.constant 0 : index
    %get3A_128 = arith.constant 384 : index
    %get3A_129 = vector.load %arg4[%get3A_126, %get3A_127, %get3A_128] : memref<1x1x12544xf32, #tpu.memory_space<vmem>>, vector<1x1x128xf32>
    %get3A_130 = vector.shape_cast %get3A_129 : vector<1x1x128xf32> to vector<1x128xf32>
    %reduce_max3A_131 = arith.constant dense<0xFF800000> : vector<128xf32>
    %reduce_max3A_132 = vector.multi_reduction <maximumf>, %get3A_120, %reduce_max3A_131 [0] : vector<96x128xf32> to vector<128xf32>
    %broadcast_in_dim3A_133 = vector.shape_cast %reduce_max3A_132 : vector<128xf32> to vector<1x128xf32>
    %sub3A_134 = vector.broadcast %broadcast_in_dim3A_133 : vector<1x128xf32> to vector<96x128xf32>
    %sub3A_135 = arith.subf %get3A_120, %sub3A_134 : vector<96x128xf32>
    %exp3A_136 = math.exp %sub3A_135 : vector<96x128xf32>
    %reduce_sum3A_137 = arith.constant dense<0.000000e+00> : vector<128xf32>
    %reduce_sum3A_138 = vector.multi_reduction <add>, %exp3A_136, %reduce_sum3A_137 [0] : vector<96x128xf32> to vector<128xf32>
    %broadcast_in_dim3A_139 = vector.shape_cast %reduce_sum3A_138 : vector<128xf32> to vector<1x128xf32>
    %div3A_140 = arith.constant 1.000000e+00 : f32
    %div3A_141 = vector.broadcast %div3A_140 : f32 to vector<1x128xf32>
    %div3A_142 = arith.divf %div3A_141, %broadcast_in_dim3A_139 : vector<1x128xf32>
    %mul3A_143 = vector.broadcast %div3A_142 : vector<1x128xf32> to vector<96x128xf32>
    %mul3A_144 = arith.mulf %exp3A_136, %mul3A_143 : vector<96x128xf32>
    %eq3A_145 = vector.broadcast %get3A_125 : vector<1x128xi32> to vector<96x128xi32>
    %eq3A_146 = arith.cmpi eq, %iota3A, %eq3A_145 : vector<96x128xi32>
    %jit3A_147 = arith.constant 0.000000e+00 : f32
    %broadcast_in_dim3A_148 = vector.broadcast %jit3A_147 : f32 to vector<96x128xf32>
    %select_n3A_149 = arith.select %eq3A_146, %mul3A_144, %broadcast_in_dim3A_148 : vector<96x128xi1>, vector<96x128xf32>
    %reduce_sum3A_150 = arith.constant dense<0.000000e+00> : vector<128xf32>
    %reduce_sum3A_151 = vector.multi_reduction <add>, %select_n3A_149, %reduce_sum3A_150 [0] : vector<96x128xf32> to vector<128xf32>
    %broadcast_in_dim3A_152 = vector.shape_cast %reduce_sum3A_151 : vector<128xf32> to vector<1x128xf32>
    %log3A_153 = math.log %broadcast_in_dim3A_152 : vector<1x128xf32>
    %mul3A_154 = arith.mulf %log3A_153, %get3A_130 : vector<1x128xf32>
    %add3A_155 = arith.addf %add3A_113, %select_n3A_149 : vector<96x128xf32>
    %add3A_156 = arith.addf %add3A_114, %mul3A_144 : vector<96x128xf32>
    %add3A_157 = arith.addf %add3A_115, %mul3A_154 : vector<1x128xf32>
    %get3A_158 = arith.constant 0 : index
    %get3A_159 = arith.constant 0 : index
    %get3A_160 = arith.constant 512 : index
    %get3A_161 = vector.load %arg2[%get3A_158, %get3A_159, %get3A_160] : memref<1x96x12544xf32, #tpu.memory_space<vmem>>, vector<1x96x128xf32>
    %get3A_162 = vector.shape_cast %get3A_161 : vector<1x96x128xf32> to vector<96x128xf32>
    %get3A_163 = arith.constant 0 : index
    %get3A_164 = arith.constant 0 : index
    %get3A_165 = arith.constant 512 : index
    %get3A_166 = vector.load %arg3[%get3A_163, %get3A_164, %get3A_165] : memref<1x1x12544xi32, #tpu.memory_space<vmem>>, vector<1x1x128xi32>
    %get3A_167 = vector.shape_cast %get3A_166 : vector<1x1x128xi32> to vector<1x128xi32>
    %get3A_168 = arith.constant 0 : index
    %get3A_169 = arith.constant 0 : index
    %get3A_170 = arith.constant 512 : index
    %get3A_171 = vector.load %arg4[%get3A_168, %get3A_169, %get3A_170] : memref<1x1x12544xf32, #tpu.memory_space<vmem>>, vector<1x1x128xf32>
    %get3A_172 = vector.shape_cast %get3A_171 : vector<1x1x128xf32> to vector<1x128xf32>
    %reduce_max3A_173 = arith.constant dense<0xFF800000> : vector<128xf32>
    %reduce_max3A_174 = vector.multi_reduction <maximumf>, %get3A_162, %reduce_max3A_173 [0] : vector<96x128xf32> to vector<128xf32>
    %broadcast_in_dim3A_175 = vector.shape_cast %reduce_max3A_174 : vector<128xf32> to vector<1x128xf32>
    %sub3A_176 = vector.broadcast %broadcast_in_dim3A_175 : vector<1x128xf32> to vector<96x128xf32>
    %sub3A_177 = arith.subf %get3A_162, %sub3A_176 : vector<96x128xf32>
    %exp3A_178 = math.exp %sub3A_177 : vector<96x128xf32>
    %reduce_sum3A_179 = arith.constant dense<0.000000e+00> : vector<128xf32>
    %reduce_sum3A_180 = vector.multi_reduction <add>, %exp3A_178, %reduce_sum3A_179 [0] : vector<96x128xf32> to vector<128xf32>
    %broadcast_in_dim3A_181 = vector.shape_cast %reduce_sum3A_180 : vector<128xf32> to vector<1x128xf32>
    %div3A_182 = arith.constant 1.000000e+00 : f32
    %div3A_183 = vector.broadcast %div3A_182 : f32 to vector<1x128xf32>
    %div3A_184 = arith.divf %div3A_183, %broadcast_in_dim3A_181 : vector<1x128xf32>
    %mul3A_185 = vector.broadcast %div3A_184 : vector<1x128xf32> to vector<96x128xf32>
    %mul3A_186 = arith.mulf %exp3A_178, %mul3A_185 : vector<96x128xf32>
    %eq3A_187 = vector.broadcast %get3A_167 : vector<1x128xi32> to vector<96x128xi32>
    %eq3A_188 = arith.cmpi eq, %iota3A, %eq3A_187 : vector<96x128xi32>
    %jit3A_189 = arith.constant 0.000000e+00 : f32
    %broadcast_in_dim3A_190 = vector.broadcast %jit3A_189 : f32 to vector<96x128xf32>
    %select_n3A_191 = arith.select %eq3A_188, %mul3A_186, %broadcast_in_dim3A_190 : vector<96x128xi1>, vector<96x128xf32>
    %reduce_sum3A_192 = arith.constant dense<0.000000e+00> : vector<128xf32>
    %reduce_sum3A_193 = vector.multi_reduction <add>, %select_n3A_191, %reduce_sum3A_192 [0] : vector<96x128xf32> to vector<128xf32>
    %broadcast_in_dim3A_194 = vector.shape_cast %reduce_sum3A_193 : vector<128xf32> to vector<1x128xf32>
    %log3A_195 = math.log %broadcast_in_dim3A_194 : vector<1x128xf32>
    %mul3A_196 = arith.mulf %log3A_195, %get3A_172 : vector<1x128xf32>
    %add3A_197 = arith.addf %add3A_155, %select_n3A_191 : vector<96x128xf32>
    %add3A_198 = arith.addf %add3A_156, %mul3A_186 : vector<96x128xf32>
    %add3A_199 = arith.addf %add3A_157, %mul3A_196 : vector<1x128xf32>
    %get3A_200 = arith.constant 0 : index
    %get3A_201 = arith.constant 0 : index
    %get3A_202 = arith.constant 640 : index
    %get3A_203 = vector.load %arg2[%get3A_200, %get3A_201, %get3A_202] : memref<1x96x12544xf32, #tpu.memory_space<vmem>>, vector<1x96x128xf32>
    %get3A_204 = vector.shape_cast %get3A_203 : vector<1x96x128xf32> to vector<96x128xf32>
    %get3A_205 = arith.constant 0 : index
    %get3A_206 = arith.constant 0 : index
    %get3A_207 = arith.constant 640 : index
    %get3A_208 = vector.load %arg3[%get3A_205, %get3A_206, %get3A_207] : memref<1x1x12544xi32, #tpu.memory_space<vmem>>, vector<1x1x128xi32>
    %get3A_209 = vector.shape_cast %get3A_208 : vector<1x1x128xi32> to vector<1x128xi32>
    %get3A_210 = arith.constant 0 : index
    %get3A_211 = arith.constant 0 : index
    %get3A_212 = arith.constant 640 : index
    %get3A_213 = vector.load %arg4[%get3A_210, %get3A_211, %get3A_212] : memref<1x1x12544xf32, #tpu.memory_space<vmem>>, vector<1x1x128xf32>
    %get3A_214 = vector.shape_cast %get3A_213 : vector<1x1x128xf32> to vector<1x128xf32>
    %reduce_max3A_215 = arith.constant dense<0xFF800000> : vector<128xf32>
    %reduce_max3A_216 = vector.multi_reduction <maximumf>, %get3A_204, %reduce_max3A_215 [0] : vector<96x128xf32> to vector<128xf32>
    %broadcast_in_dim3A_217 = vector.shape_cast %reduce_max3A_216 : vector<128xf32> to vector<1x128xf32>
    %sub3A_218 = vector.broadcast %broadcast_in_dim3A_217 : vector<1x128xf32> to vector<96x128xf32>
    %sub3A_219 = arith.subf %get3A_204, %sub3A_218 : vector<96x128xf32>
    %exp3A_220 = math.exp %sub3A_219 : vector<96x128xf32>
    %reduce_sum3A_221 = arith.constant dense<0.000000e+00> : vector<128xf32>
    %reduce_sum3A_222 = vector.multi_reduction <add>, %exp3A_220, %reduce_sum3A_221 [0] : vector<96x128xf32> to vector<128xf32>
    %broadcast_in_dim3A_223 = vector.shape_cast %reduce_sum3A_222 : vector<128xf32> to vector<1x128xf32>
    %div3A_224 = arith.constant 1.000000e+00 : f32
    %div3A_225 = vector.broadcast %div3A_224 : f32 to vector<1x128xf32>
    %div3A_226 = arith.divf %div3A_225, %broadcast_in_dim3A_223 : vector<1x128xf32>
    %mul3A_227 = vector.broadcast %div3A_226 : vector<1x128xf32> to vector<96x128xf32>
    %mul3A_228 = arith.mulf %exp3A_220, %mul3A_227 : vector<96x128xf32>
    %eq3A_229 = vector.broadcast %get3A_209 : vector<1x128xi32> to vector<96x128xi32>
    %eq3A_230 = arith.cmpi eq, %iota3A, %eq3A_229 : vector<96x128xi32>
    %jit3A_231 = arith.constant 0.000000e+00 : f32
    %broadcast_in_dim3A_232 = vector.broadcast %jit3A_231 : f32 to vector<96x128xf32>
    %select_n3A_233 = arith.select %eq3A_230, %mul3A_228, %broadcast_in_dim3A_232 : vector<96x128xi1>, vector<96x128xf32>
    %reduce_sum3A_234 = arith.constant dense<0.000000e+00> : vector<128xf32>
    %reduce_sum3A_235 = vector.multi_reduction <add>, %select_n3A_233, %reduce_sum3A_234 [0] : vector<96x128xf32> to vector<128xf32>
    %broadcast_in_dim3A_236 = vector.shape_cast %reduce_sum3A_235 : vector<128xf32> to vector<1x128xf32>
    %log3A_237 = math.log %broadcast_in_dim3A_236 : vector<1x128xf32>
    %mul3A_238 = arith.mulf %log3A_237, %get3A_214 : vector<1x128xf32>
    %add3A_239 = arith.addf %add3A_197, %select_n3A_233 : vector<96x128xf32>
    %add3A_240 = arith.addf %add3A_198, %mul3A_228 : vector<96x128xf32>
    %add3A_241 = arith.addf %add3A_199, %mul3A_238 : vector<1x128xf32>
    %get3A_242 = arith.constant 0 : index
    %get3A_243 = arith.constant 0 : index
    %get3A_244 = arith.constant 768 : index
    %get3A_245 = vector.load %arg2[%get3A_242, %get3A_243, %get3A_244] : memref<1x96x12544xf32, #tpu.memory_space<vmem>>, vector<1x96x128xf32>
    %get3A_246 = vector.shape_cast %get3A_245 : vector<1x96x128xf32> to vector<96x128xf32>
    %get3A_247 = arith.constant 0 : index
    %get3A_248 = arith.constant 0 : index
    %get3A_249 = arith.constant 768 : index
    %get3A_250 = vector.load %arg3[%get3A_247, %get3A_248, %get3A_249] : memref<1x1x12544xi32, #tpu.memory_space<vmem>>, vector<1x1x128xi32>
    %get3A_251 = vector.shape_cast %get3A_250 : vector<1x1x128xi32> to vector<1x128xi32>
    %get3A_252 = arith.constant 0 : index
    %get3A_253 = arith.constant 0 : index
    %get3A_254 = arith.constant 768 : index
    %get3A_255 = vector.load %arg4[%get3A_252, %get3A_253, %get3A_254] : memref<1x1x12544xf32, #tpu.memory_space<vmem>>, vector<1x1x128xf32>
    %get3A_256 = vector.shape_cast %get3A_255 : vector<1x1x128xf32> to vector<1x128xf32>
    %reduce_max3A_257 = arith.constant dense<0xFF800000> : vector<128xf32>
    %reduce_max3A_258 = vector.multi_reduction <maximumf>, %get3A_246, %reduce_max3A_257 [0] : vector<96x128xf32> to vector<128xf32>
    %broadcast_in_dim3A_259 = vector.shape_cast %reduce_max3A_258 : vector<128xf32> to vector<1x128xf32>
    %sub3A_260 = vector.broadcast %broadcast_in_dim3A_259 : vector<1x128xf32> to vector<96x128xf32>
    %sub3A_261 = arith.subf %get3A_246, %sub3A_260 : vector<96x128xf32>
    %exp3A_262 = math.exp %sub3A_261 : vector<96x128xf32>
    %reduce_sum3A_263 = arith.constant dense<0.000000e+00> : vector<128xf32>
    %reduce_sum3A_264 = vector.multi_reduction <add>, %exp3A_262, %reduce_sum3A_263 [0] : vector<96x128xf32> to vector<128xf32>
    %broadcast_in_dim3A_265 = vector.shape_cast %reduce_sum3A_264 : vector<128xf32> to vector<1x128xf32>
    %div3A_266 = arith.constant 1.000000e+00 : f32
    %div3A_267 = vector.broadcast %div3A_266 : f32 to vector<1x128xf32>
    %div3A_268 = arith.divf %div3A_267, %broadcast_in_dim3A_265 : vector<1x128xf32>
    %mul3A_269 = vector.broadcast %div3A_268 : vector<1x128xf32> to vector<96x128xf32>
    %mul3A_270 = arith.mulf %exp3A_262, %mul3A_269 : vector<96x128xf32>
    %eq3A_271 = vector.broadcast %get3A_251 : vector<1x128xi32> to vector<96x128xi32>
    %eq3A_272 = arith.cmpi eq, %iota3A, %eq3A_271 : vector<96x128xi32>
    %jit3A_273 = arith.constant 0.000000e+00 : f32
    %broadcast_in_dim3A_274 = vector.broadcast %jit3A_273 : f32 to vector<96x128xf32>
    %select_n3A_275 = arith.select %eq3A_272, %mul3A_270, %broadcast_in_dim3A_274 : vector<96x128xi1>, vector<96x128xf32>
    %reduce_sum3A_276 = arith.constant dense<0.000000e+00> : vector<128xf32>
    %reduce_sum3A_277 = vector.multi_reduction <add>, %select_n3A_275, %reduce_sum3A_276 [0] : vector<96x128xf32> to vector<128xf32>
    %broadcast_in_dim3A_278 = vector.shape_cast %reduce_sum3A_277 : vector<128xf32> to vector<1x128xf32>
    %log3A_279 = math.log %broadcast_in_dim3A_278 : vector<1x128xf32>
    %mul3A_280 = arith.mulf %log3A_279, %get3A_256 : vector<1x128xf32>
    %add3A_281 = arith.addf %add3A_239, %select_n3A_275 : vector<96x128xf32>
    %add3A_282 = arith.addf %add3A_240, %mul3A_270 : vector<96x128xf32>
    %add3A_283 = arith.addf %add3A_241, %mul3A_280 : vector<1x128xf32>
    %get3A_284 = arith.constant 0 : index
    %get3A_285 = arith.constant 0 : index
    %get3A_286 = arith.constant 896 : index
    %get3A_287 = vector.load %arg2[%get3A_284, %get3A_285, %get3A_286] : memref<1x96x12544xf32, #tpu.memory_space<vmem>>, vector<1x96x128xf32>
    %get3A_288 = vector.shape_cast %get3A_287 : vector<1x96x128xf32> to vector<96x128xf32>
    %get3A_289 = arith.constant 0 : index
    %get3A_290 = arith.constant 0 : index
    %get3A_291 = arith.constant 896 : index
    %get3A_292 = vector.load %arg3[%get3A_289, %get3A_290, %get3A_291] : memref<1x1x12544xi32, #tpu.memory_space<vmem>>, vector<1x1x128xi32>
    %get3A_293 = vector.shape_cast %get3A_292 : vector<1x1x128xi32> to vector<1x128xi32>
    %get3A_294 = arith.constant 0 : index
    %get3A_295 = arith.constant 0 : index
    %get3A_296 = arith.constant 896 : index
    %get3A_297 = vector.load %arg4[%get3A_294, %get3A_295, %get3A_296] : memref<1x1x12544xf32, #tpu.memory_space<vmem>>, vector<1x1x128xf32>
    %get3A_298 = vector.shape_cast %get3A_297 : vector<1x1x128xf32> to vector<1x128xf32>
    %reduce_max3A_299 = arith.constant dense<0xFF800000> : vector<128xf32>
    %reduce_max3A_300 = vector.multi_reduction <maximumf>, %get3A_288, %reduce_max3A_299 [0] : vector<96x128xf32> to vector<128xf32>
    %broadcast_in_dim3A_301 = vector.shape_cast %reduce_max3A_300 : vector<128xf32> to vector<1x128xf32>
    %sub3A_302 = vector.broadcast %broadcast_in_dim3A_301 : vector<1x128xf32> to vector<96x128xf32>
    %sub3A_303 = arith.subf %get3A_288, %sub3A_302 : vector<96x128xf32>
    %exp3A_304 = math.exp %sub3A_303 : vector<96x128xf32>
    %reduce_sum3A_305 = arith.constant dense<0.000000e+00> : vector<128xf32>
    %reduce_sum3A_306 = vector.multi_reduction <add>, %exp3A_304, %reduce_sum3A_305 [0] : vector<96x128xf32> to vector<128xf32>
    %broadcast_in_dim3A_307 = vector.shape_cast %reduce_sum3A_306 : vector<128xf32> to vector<1x128xf32>
    %div3A_308 = arith.constant 1.000000e+00 : f32
    %div3A_309 = vector.broadcast %div3A_308 : f32 to vector<1x128xf32>
    %div3A_310 = arith.divf %div3A_309, %broadcast_in_dim3A_307 : vector<1x128xf32>
    %mul3A_311 = vector.broadcast %div3A_310 : vector<1x128xf32> to vector<96x128xf32>
    %mul3A_312 = arith.mulf %exp3A_304, %mul3A_311 : vector<96x128xf32>
    %eq3A_313 = vector.broadcast %get3A_293 : vector<1x128xi32> to vector<96x128xi32>
    %eq3A_314 = arith.cmpi eq, %iota3A, %eq3A_313 : vector<96x128xi32>
    %jit3A_315 = arith.constant 0.000000e+00 : f32
    %broadcast_in_dim3A_316 = vector.broadcast %jit3A_315 : f32 to vector<96x128xf32>
    %select_n3A_317 = arith.select %eq3A_314, %mul3A_312, %broadcast_in_dim3A_316 : vector<96x128xi1>, vector<96x128xf32>
    %reduce_sum3A_318 = arith.constant dense<0.000000e+00> : vector<128xf32>
    %reduce_sum3A_319 = vector.multi_reduction <add>, %select_n3A_317, %reduce_sum3A_318 [0] : vector<96x128xf32> to vector<128xf32>
    %broadcast_in_dim3A_320 = vector.shape_cast %reduce_sum3A_319 : vector<128xf32> to vector<1x128xf32>
    %log3A_321 = math.log %broadcast_in_dim3A_320 : vector<1x128xf32>
    %mul3A_322 = arith.mulf %log3A_321, %get3A_298 : vector<1x128xf32>
    %add3A_323 = arith.addf %add3A_281, %select_n3A_317 : vector<96x128xf32>
    %add3A_324 = arith.addf %add3A_282, %mul3A_312 : vector<96x128xf32>
    %add3A_325 = arith.addf %add3A_283, %mul3A_322 : vector<1x128xf32>
    %get3A_326 = arith.constant 0 : index
    %get3A_327 = arith.constant 0 : index
    %get3A_328 = arith.constant 1024 : index
    %get3A_329 = vector.load %arg2[%get3A_326, %get3A_327, %get3A_328] : memref<1x96x12544xf32, #tpu.memory_space<vmem>>, vector<1x96x128xf32>
    %get3A_330 = vector.shape_cast %get3A_329 : vector<1x96x128xf32> to vector<96x128xf32>
    %get3A_331 = arith.constant 0 : index
    %get3A_332 = arith.constant 0 : index
    %get3A_333 = arith.constant 1024 : index
    %get3A_334 = vector.load %arg3[%get3A_331, %get3A_332, %get3A_333] : memref<1x1x12544xi32, #tpu.memory_space<vmem>>, vector<1x1x128xi32>
    %get3A_335 = vector.shape_cast %get3A_334 : vector<1x1x128xi32> to vector<1x128xi32>
    %get3A_336 = arith.constant 0 : index
    %get3A_337 = arith.constant 0 : index
    %get3A_338 = arith.constant 1024 : index
    %get3A_339 = vector.load %arg4[%get3A_336, %get3A_337, %get3A_338] : memref<1x1x12544xf32, #tpu.memory_space<vmem>>, vector<1x1x128xf32>
    %get3A_340 = vector.shape_cast %get3A_339 : vector<1x1x128xf32> to vector<1x128xf32>
    %reduce_max3A_341 = arith.constant dense<0xFF800000> : vector<128xf32>
    %reduce_max3A_342 = vector.multi_reduction <maximumf>, %get3A_330, %reduce_max3A_341 [0] : vector<96x128xf32> to vector<128xf32>
    %broadcast_in_dim3A_343 = vector.shape_cast %reduce_max3A_342 : vector<128xf32> to vector<1x128xf32>
    %sub3A_344 = vector.broadcast %broadcast_in_dim3A_343 : vector<1x128xf32> to vector<96x128xf32>
    %sub3A_345 = arith.subf %get3A_330, %sub3A_344 : vector<96x128xf32>
    %exp3A_346 = math.exp %sub3A_345 : vector<96x128xf32>
    %reduce_sum3A_347 = arith.constant dense<0.000000e+00> : vector<128xf32>
    %reduce_sum3A_348 = vector.multi_reduction <add>, %exp3A_346, %reduce_sum3A_347 [0] : vector<96x128xf32> to vector<128xf32>
    %broadcast_in_dim3A_349 = vector.shape_cast %reduce_sum3A_348 : vector<128xf32> to vector<1x128xf32>
    %div3A_350 = arith.constant 1.000000e+00 : f32
    %div3A_351 = vector.broadcast %div3A_350 : f32 to vector<1x128xf32>
    %div3A_352 = arith.divf %div3A_351, %broadcast_in_dim3A_349 : vector<1x128xf32>
    %mul3A_353 = vector.broadcast %div3A_352 : vector<1x128xf32> to vector<96x128xf32>
    %mul3A_354 = arith.mulf %exp3A_346, %mul3A_353 : vector<96x128xf32>
    %eq3A_355 = vector.broadcast %get3A_335 : vector<1x128xi32> to vector<96x128xi32>
    %eq3A_356 = arith.cmpi eq, %iota3A, %eq3A_355 : vector<96x128xi32>
    %jit3A_357 = arith.constant 0.000000e+00 : f32
    %broadcast_in_dim3A_358 = vector.broadcast %jit3A_357 : f32 to vector<96x128xf32>
    %select_n3A_359 = arith.select %eq3A_356, %mul3A_354, %broadcast_in_dim3A_358 : vector<96x128xi1>, vector<96x128xf32>
    %reduce_sum3A_360 = arith.constant dense<0.000000e+00> : vector<128xf32>
    %reduce_sum3A_361 = vector.multi_reduction <add>, %select_n3A_359, %reduce_sum3A_360 [0] : vector<96x128xf32> to vector<128xf32>
    %broadcast_in_dim3A_362 = vector.shape_cast %reduce_sum3A_361 : vector<128xf32> to vector<1x128xf32>
    %log3A_363 = math.log %broadcast_in_dim3A_362 : vector<1x128xf32>
    %mul3A_364 = arith.mulf %log3A_363, %get3A_340 : vector<1x128xf32>
    %add3A_365 = arith.addf %add3A_323, %select_n3A_359 : vector<96x128xf32>
    %add3A_366 = arith.addf %add3A_324, %mul3A_354 : vector<96x128xf32>
    %add3A_367 = arith.addf %add3A_325, %mul3A_364 : vector<1x128xf32>
    %get3A_368 = arith.constant 0 : index
    %get3A_369 = arith.constant 0 : index
    %get3A_370 = arith.constant 1152 : index
    %get3A_371 = vector.load %arg2[%get3A_368, %get3A_369, %get3A_370] : memref<1x96x12544xf32, #tpu.memory_space<vmem>>, vector<1x96x128xf32>
    %get3A_372 = vector.shape_cast %get3A_371 : vector<1x96x128xf32> to vector<96x128xf32>
    %get3A_373 = arith.constant 0 : index
    %get3A_374 = arith.constant 0 : index
    %get3A_375 = arith.constant 1152 : index
    %get3A_376 = vector.load %arg3[%get3A_373, %get3A_374, %get3A_375] : memref<1x1x12544xi32, #tpu.memory_space<vmem>>, vector<1x1x128xi32>
    %get3A_377 = vector.shape_cast %get3A_376 : vector<1x1x128xi32> to vector<1x128xi32>
    %get3A_378 = arith.constant 0 : index
    %get3A_379 = arith.constant 0 : index
    %get3A_380 = arith.constant 1152 : index
    %get3A_381 = vector.load %arg4[%get3A_378, %get3A_379, %get3A_380] : memref<1x1x12544xf32, #tpu.memory_space<vmem>>, vector<1x1x128xf32>
    %get3A_382 = vector.shape_cast %get3A_381 : vector<1x1x128xf32> to vector<1x128xf32>
    %reduce_max3A_383 = arith.constant dense<0xFF800000> : vector<128xf32>
    %reduce_max3A_384 = vector.multi_reduction <maximumf>, %get3A_372, %reduce_max3A_383 [0] : vector<96x128xf32> to vector<128xf32>
    %broadcast_in_dim3A_385 = vector.shape_cast %reduce_max3A_384 : vector<128xf32> to vector<1x128xf32>
    %sub3A_386 = vector.broadcast %broadcast_in_dim3A_385 : vector<1x128xf32> to vector<96x128xf32>
    %sub3A_387 = arith.subf %get3A_372, %sub3A_386 : vector<96x128xf32>
    %exp3A_388 = math.exp %sub3A_387 : vector<96x128xf32>
    %reduce_sum3A_389 = arith.constant dense<0.000000e+00> : vector<128xf32>
    %reduce_sum3A_390 = vector.multi_reduction <add>, %exp3A_388, %reduce_sum3A_389 [0] : vector<96x128xf32> to vector<128xf32>
    %broadcast_in_dim3A_391 = vector.shape_cast %reduce_sum3A_390 : vector<128xf32> to vector<1x128xf32>
    %div3A_392 = arith.constant 1.000000e+00 : f32
    %div3A_393 = vector.broadcast %div3A_392 : f32 to vector<1x128xf32>
    %div3A_394 = arith.divf %div3A_393, %broadcast_in_dim3A_391 : vector<1x128xf32>
    %mul3A_395 = vector.broadcast %div3A_394 : vector<1x128xf32> to vector<96x128xf32>
    %mul3A_396 = arith.mulf %exp3A_388, %mul3A_395 : vector<96x128xf32>
    %eq3A_397 = vector.broadcast %get3A_377 : vector<1x128xi32> to vector<96x128xi32>
    %eq3A_398 = arith.cmpi eq, %iota3A, %eq3A_397 : vector<96x128xi32>
    %jit3A_399 = arith.constant 0.000000e+00 : f32
    %broadcast_in_dim3A_400 = vector.broadcast %jit3A_399 : f32 to vector<96x128xf32>
    %select_n3A_401 = arith.select %eq3A_398, %mul3A_396, %broadcast_in_dim3A_400 : vector<96x128xi1>, vector<96x128xf32>
    %reduce_sum3A_402 = arith.constant dense<0.000000e+00> : vector<128xf32>
    %reduce_sum3A_403 = vector.multi_reduction <add>, %select_n3A_401, %reduce_sum3A_402 [0] : vector<96x128xf32> to vector<128xf32>
    %broadcast_in_dim3A_404 = vector.shape_cast %reduce_sum3A_403 : vector<128xf32> to vector<1x128xf32>
    %log3A_405 = math.log %broadcast_in_dim3A_404 : vector<1x128xf32>
    %mul3A_406 = arith.mulf %log3A_405, %get3A_382 : vector<1x128xf32>
    %add3A_407 = arith.addf %add3A_365, %select_n3A_401 : vector<96x128xf32>
    %add3A_408 = arith.addf %add3A_366, %mul3A_396 : vector<96x128xf32>
    %add3A_409 = arith.addf %add3A_367, %mul3A_406 : vector<1x128xf32>
    %get3A_410 = arith.constant 0 : index
    %get3A_411 = arith.constant 0 : index
    %get3A_412 = arith.constant 1280 : index
    %get3A_413 = vector.load %arg2[%get3A_410, %get3A_411, %get3A_412] : memref<1x96x12544xf32, #tpu.memory_space<vmem>>, vector<1x96x128xf32>
    %get3A_414 = vector.shape_cast %get3A_413 : vector<1x96x128xf32> to vector<96x128xf32>
    %get3A_415 = arith.constant 0 : index
    %get3A_416 = arith.constant 0 : index
    %get3A_417 = arith.constant 1280 : index
    %get3A_418 = vector.load %arg3[%get3A_415, %get3A_416, %get3A_417] : memref<1x1x12544xi32, #tpu.memory_space<vmem>>, vector<1x1x128xi32>
    %get3A_419 = vector.shape_cast %get3A_418 : vector<1x1x128xi32> to vector<1x128xi32>
    %get3A_420 = arith.constant 0 : index
    %get3A_421 = arith.constant 0 : index
    %get3A_422 = arith.constant 1280 : index
    %get3A_423 = vector.load %arg4[%get3A_420, %get3A_421, %get3A_422] : memref<1x1x12544xf32, #tpu.memory_space<vmem>>, vector<1x1x128xf32>
    %get3A_424 = vector.shape_cast %get3A_423 : vector<1x1x128xf32> to vector<1x128xf32>
    %reduce_max3A_425 = arith.constant dense<0xFF800000> : vector<128xf32>
    %reduce_max3A_426 = vector.multi_reduction <maximumf>, %get3A_414, %reduce_max3A_425 [0] : vector<96x128xf32> to vector<128xf32>
    %broadcast_in_dim3A_427 = vector.shape_cast %reduce_max3A_426 : vector<128xf32> to vector<1x128xf32>
    %sub3A_428 = vector.broadcast %broadcast_in_dim3A_427 : vector<1x128xf32> to vector<96x128xf32>
    %sub3A_429 = arith.subf %get3A_414, %sub3A_428 : vector<96x128xf32>
    %exp3A_430 = math.exp %sub3A_429 : vector<96x128xf32>
    %reduce_sum3A_431 = arith.constant dense<0.000000e+00> : vector<128xf32>
    %reduce_sum3A_432 = vector.multi_reduction <add>, %exp3A_430, %reduce_sum3A_431 [0] : vector<96x128xf32> to vector<128xf32>
    %broadcast_in_dim3A_433 = vector.shape_cast %reduce_sum3A_432 : vector<128xf32> to vector<1x128xf32>
    %div3A_434 = arith.constant 1.000000e+00 : f32
    %div3A_435 = vector.broadcast %div3A_434 : f32 to vector<1x128xf32>
    %div3A_436 = arith.divf %div3A_435, %broadcast_in_dim3A_433 : vector<1x128xf32>
    %mul3A_437 = vector.broadcast %div3A_436 : vector<1x128xf32> to vector<96x128xf32>
    %mul3A_438 = arith.mulf %exp3A_430, %mul3A_437 : vector<96x128xf32>
    %eq3A_439 = vector.broadcast %get3A_419 : vector<1x128xi32> to vector<96x128xi32>
    %eq3A_440 = arith.cmpi eq, %iota3A, %eq3A_439 : vector<96x128xi32>
    %jit3A_441 = arith.constant 0.000000e+00 : f32
    %broadcast_in_dim3A_442 = vector.broadcast %jit3A_441 : f32 to vector<96x128xf32>
    %select_n3A_443 = arith.select %eq3A_440, %mul3A_438, %broadcast_in_dim3A_442 : vector<96x128xi1>, vector<96x128xf32>
    %reduce_sum3A_444 = arith.constant dense<0.000000e+00> : vector<128xf32>
    %reduce_sum3A_445 = vector.multi_reduction <add>, %select_n3A_443, %reduce_sum3A_444 [0] : vector<96x128xf32> to vector<128xf32>
    %broadcast_in_dim3A_446 = vector.shape_cast %reduce_sum3A_445 : vector<128xf32> to vector<1x128xf32>
    %log3A_447 = math.log %broadcast_in_dim3A_446 : vector<1x128xf32>
    %mul3A_448 = arith.mulf %log3A_447, %get3A_424 : vector<1x128xf32>
    %add3A_449 = arith.addf %add3A_407, %select_n3A_443 : vector<96x128xf32>
    %add3A_450 = arith.addf %add3A_408, %mul3A_438 : vector<96x128xf32>
    %add3A_451 = arith.addf %add3A_409, %mul3A_448 : vector<1x128xf32>
    %get3A_452 = arith.constant 0 : index
    %get3A_453 = arith.constant 0 : index
    %get3A_454 = arith.constant 1408 : index
    %get3A_455 = vector.load %arg2[%get3A_452, %get3A_453, %get3A_454] : memref<1x96x12544xf32, #tpu.memory_space<vmem>>, vector<1x96x128xf32>
    %get3A_456 = vector.shape_cast %get3A_455 : vector<1x96x128xf32> to vector<96x128xf32>
    %get3A_457 = arith.constant 0 : index
    %get3A_458 = arith.constant 0 : index
    %get3A_459 = arith.constant 1408 : index
    %get3A_460 = vector.load %arg3[%get3A_457, %get3A_458, %get3A_459] : memref<1x1x12544xi32, #tpu.memory_space<vmem>>, vector<1x1x128xi32>
    %get3A_461 = vector.shape_cast %get3A_460 : vector<1x1x128xi32> to vector<1x128xi32>
    %get3A_462 = arith.constant 0 : index
    %get3A_463 = arith.constant 0 : index
    %get3A_464 = arith.constant 1408 : index
    %get3A_465 = vector.load %arg4[%get3A_462, %get3A_463, %get3A_464] : memref<1x1x12544xf32, #tpu.memory_space<vmem>>, vector<1x1x128xf32>
    %get3A_466 = vector.shape_cast %get3A_465 : vector<1x1x128xf32> to vector<1x128xf32>
    %reduce_max3A_467 = arith.constant dense<0xFF800000> : vector<128xf32>
    %reduce_max3A_468 = vector.multi_reduction <maximumf>, %get3A_456, %reduce_max3A_467 [0] : vector<96x128xf32> to vector<128xf32>
    %broadcast_in_dim3A_469 = vector.shape_cast %reduce_max3A_468 : vector<128xf32> to vector<1x128xf32>
    %sub3A_470 = vector.broadcast %broadcast_in_dim3A_469 : vector<1x128xf32> to vector<96x128xf32>
    %sub3A_471 = arith.subf %get3A_456, %sub3A_470 : vector<96x128xf32>
    %exp3A_472 = math.exp %sub3A_471 : vector<96x128xf32>
    %reduce_sum3A_473 = arith.constant dense<0.000000e+00> : vector<128xf32>
    %reduce_sum3A_474 = vector.multi_reduction <add>, %exp3A_472, %reduce_sum3A_473 [0] : vector<96x128xf32> to vector<128xf32>
    %broadcast_in_dim3A_475 = vector.shape_cast %reduce_sum3A_474 : vector<128xf32> to vector<1x128xf32>
    %div3A_476 = arith.constant 1.000000e+00 : f32
    %div3A_477 = vector.broadcast %div3A_476 : f32 to vector<1x128xf32>
    %div3A_478 = arith.divf %div3A_477, %broadcast_in_dim3A_475 : vector<1x128xf32>
    %mul3A_479 = vector.broadcast %div3A_478 : vector<1x128xf32> to vector<96x128xf32>
    %mul3A_480 = arith.mulf %exp3A_472, %mul3A_479 : vector<96x128xf32>
    %eq3A_481 = vector.broadcast %get3A_461 : vector<1x128xi32> to vector<96x128xi32>
    %eq3A_482 = arith.cmpi eq, %iota3A, %eq3A_481 : vector<96x128xi32>
    %jit3A_483 = arith.constant 0.000000e+00 : f32
    %broadcast_in_dim3A_484 = vector.broadcast %jit3A_483 : f32 to vector<96x128xf32>
    %select_n3A_485 = arith.select %eq3A_482, %mul3A_480, %broadcast_in_dim3A_484 : vector<96x128xi1>, vector<96x128xf32>
    %reduce_sum3A_486 = arith.constant dense<0.000000e+00> : vector<128xf32>
    %reduce_sum3A_487 = vector.multi_reduction <add>, %select_n3A_485, %reduce_sum3A_486 [0] : vector<96x128xf32> to vector<128xf32>
    %broadcast_in_dim3A_488 = vector.shape_cast %reduce_sum3A_487 : vector<128xf32> to vector<1x128xf32>
    %log3A_489 = math.log %broadcast_in_dim3A_488 : vector<1x128xf32>
    %mul3A_490 = arith.mulf %log3A_489, %get3A_466 : vector<1x128xf32>
    %add3A_491 = arith.addf %add3A_449, %select_n3A_485 : vector<96x128xf32>
    %add3A_492 = arith.addf %add3A_450, %mul3A_480 : vector<96x128xf32>
    %add3A_493 = arith.addf %add3A_451, %mul3A_490 : vector<1x128xf32>
    %get3A_494 = arith.constant 0 : index
    %get3A_495 = arith.constant 0 : index
    %get3A_496 = arith.constant 1536 : index
    %get3A_497 = vector.load %arg2[%get3A_494, %get3A_495, %get3A_496] : memref<1x96x12544xf32, #tpu.memory_space<vmem>>, vector<1x96x128xf32>
    %get3A_498 = vector.shape_cast %get3A_497 : vector<1x96x128xf32> to vector<96x128xf32>
    %get3A_499 = arith.constant 0 : index
    %get3A_500 = arith.constant 0 : index
    %get3A_501 = arith.constant 1536 : index
    %get3A_502 = vector.load %arg3[%get3A_499, %get3A_500, %get3A_501] : memref<1x1x12544xi32, #tpu.memory_space<vmem>>, vector<1x1x128xi32>
    %get3A_503 = vector.shape_cast %get3A_502 : vector<1x1x128xi32> to vector<1x128xi32>
    %get3A_504 = arith.constant 0 : index
    %get3A_505 = arith.constant 0 : index
    %get3A_506 = arith.constant 1536 : index
    %get3A_507 = vector.load %arg4[%get3A_504, %get3A_505, %get3A_506] : memref<1x1x12544xf32, #tpu.memory_space<vmem>>, vector<1x1x128xf32>
    %get3A_508 = vector.shape_cast %get3A_507 : vector<1x1x128xf32> to vector<1x128xf32>
    %reduce_max3A_509 = arith.constant dense<0xFF800000> : vector<128xf32>
    %reduce_max3A_510 = vector.multi_reduction <maximumf>, %get3A_498, %reduce_max3A_509 [0] : vector<96x128xf32> to vector<128xf32>
    %broadcast_in_dim3A_511 = vector.shape_cast %reduce_max3A_510 : vector<128xf32> to vector<1x128xf32>
    %sub3A_512 = vector.broadcast %broadcast_in_dim3A_511 : vector<1x128xf32> to vector<96x128xf32>
    %sub3A_513 = arith.subf %get3A_498, %sub3A_512 : vector<96x128xf32>
    %exp3A_514 = math.exp %sub3A_513 : vector<96x128xf32>
    %reduce_sum3A_515 = arith.constant dense<0.000000e+00> : vector<128xf32>
    %reduce_sum3A_516 = vector.multi_reduction <add>, %exp3A_514, %reduce_sum3A_515 [0] : vector<96x128xf32> to vector<128xf32>
    %broadcast_in_dim3A_517 = vector.shape_cast %reduce_sum3A_516 : vector<128xf32> to vector<1x128xf32>
    %div3A_518 = arith.constant 1.000000e+00 : f32
    %div3A_519 = vector.broadcast %div3A_518 : f32 to vector<1x128xf32>
    %div3A_520 = arith.divf %div3A_519, %broadcast_in_dim3A_517 : vector<1x128xf32>
    %mul3A_521 = vector.broadcast %div3A_520 : vector<1x128xf32> to vector<96x128xf32>
    %mul3A_522 = arith.mulf %exp3A_514, %mul3A_521 : vector<96x128xf32>
    %eq3A_523 = vector.broadcast %get3A_503 : vector<1x128xi32> to vector<96x128xi32>
    %eq3A_524 = arith.cmpi eq, %iota3A, %eq3A_523 : vector<96x128xi32>
    %jit3A_525 = arith.constant 0.000000e+00 : f32
    %broadcast_in_dim3A_526 = vector.broadcast %jit3A_525 : f32 to vector<96x128xf32>
    %select_n3A_527 = arith.select %eq3A_524, %mul3A_522, %broadcast_in_dim3A_526 : vector<96x128xi1>, vector<96x128xf32>
    %reduce_sum3A_528 = arith.constant dense<0.000000e+00> : vector<128xf32>
    %reduce_sum3A_529 = vector.multi_reduction <add>, %select_n3A_527, %reduce_sum3A_528 [0] : vector<96x128xf32> to vector<128xf32>
    %broadcast_in_dim3A_530 = vector.shape_cast %reduce_sum3A_529 : vector<128xf32> to vector<1x128xf32>
    %log3A_531 = math.log %broadcast_in_dim3A_530 : vector<1x128xf32>
    %mul3A_532 = arith.mulf %log3A_531, %get3A_508 : vector<1x128xf32>
    %add3A_533 = arith.addf %add3A_491, %select_n3A_527 : vector<96x128xf32>
    %add3A_534 = arith.addf %add3A_492, %mul3A_522 : vector<96x128xf32>
    %add3A_535 = arith.addf %add3A_493, %mul3A_532 : vector<1x128xf32>
    %get3A_536 = arith.constant 0 : index
    %get3A_537 = arith.constant 0 : index
    %get3A_538 = arith.constant 1664 : index
    %get3A_539 = vector.load %arg2[%get3A_536, %get3A_537, %get3A_538] : memref<1x96x12544xf32, #tpu.memory_space<vmem>>, vector<1x96x128xf32>
    %get3A_540 = vector.shape_cast %get3A_539 : vector<1x96x128xf32> to vector<96x128xf32>
    %get3A_541 = arith.constant 0 : index
    %get3A_542 = arith.constant 0 : index
    %get3A_543 = arith.constant 1664 : index
    %get3A_544 = vector.load %arg3[%get3A_541, %get3A_542, %get3A_543] : memref<1x1x12544xi32, #tpu.memory_space<vmem>>, vector<1x1x128xi32>
    %get3A_545 = vector.shape_cast %get3A_544 : vector<1x1x128xi32> to vector<1x128xi32>
    %get3A_546 = arith.constant 0 : index
    %get3A_547 = arith.constant 0 : index
    %get3A_548 = arith.constant 1664 : index
    %get3A_549 = vector.load %arg4[%get3A_546, %get3A_547, %get3A_548] : memref<1x1x12544xf32, #tpu.memory_space<vmem>>, vector<1x1x128xf32>
    %get3A_550 = vector.shape_cast %get3A_549 : vector<1x1x128xf32> to vector<1x128xf32>
    %reduce_max3A_551 = arith.constant dense<0xFF800000> : vector<128xf32>
    %reduce_max3A_552 = vector.multi_reduction <maximumf>, %get3A_540, %reduce_max3A_551 [0] : vector<96x128xf32> to vector<128xf32>
    %broadcast_in_dim3A_553 = vector.shape_cast %reduce_max3A_552 : vector<128xf32> to vector<1x128xf32>
    %sub3A_554 = vector.broadcast %broadcast_in_dim3A_553 : vector<1x128xf32> to vector<96x128xf32>
    %sub3A_555 = arith.subf %get3A_540, %sub3A_554 : vector<96x128xf32>
    %exp3A_556 = math.exp %sub3A_555 : vector<96x128xf32>
    %reduce_sum3A_557 = arith.constant dense<0.000000e+00> : vector<128xf32>
    %reduce_sum3A_558 = vector.multi_reduction <add>, %exp3A_556, %reduce_sum3A_557 [0] : vector<96x128xf32> to vector<128xf32>
    %broadcast_in_dim3A_559 = vector.shape_cast %reduce_sum3A_558 : vector<128xf32> to vector<1x128xf32>
    %div3A_560 = arith.constant 1.000000e+00 : f32
    %div3A_561 = vector.broadcast %div3A_560 : f32 to vector<1x128xf32>
    %div3A_562 = arith.divf %div3A_561, %broadcast_in_dim3A_559 : vector<1x128xf32>
    %mul3A_563 = vector.broadcast %div3A_562 : vector<1x128xf32> to vector<96x128xf32>
    %mul3A_564 = arith.mulf %exp3A_556, %mul3A_563 : vector<96x128xf32>
    %eq3A_565 = vector.broadcast %get3A_545 : vector<1x128xi32> to vector<96x128xi32>
    %eq3A_566 = arith.cmpi eq, %iota3A, %eq3A_565 : vector<96x128xi32>
    %jit3A_567 = arith.constant 0.000000e+00 : f32
    %broadcast_in_dim3A_568 = vector.broadcast %jit3A_567 : f32 to vector<96x128xf32>
    %select_n3A_569 = arith.select %eq3A_566, %mul3A_564, %broadcast_in_dim3A_568 : vector<96x128xi1>, vector<96x128xf32>
    %reduce_sum3A_570 = arith.constant dense<0.000000e+00> : vector<128xf32>
    %reduce_sum3A_571 = vector.multi_reduction <add>, %select_n3A_569, %reduce_sum3A_570 [0] : vector<96x128xf32> to vector<128xf32>
    %broadcast_in_dim3A_572 = vector.shape_cast %reduce_sum3A_571 : vector<128xf32> to vector<1x128xf32>
    %log3A_573 = math.log %broadcast_in_dim3A_572 : vector<1x128xf32>
    %mul3A_574 = arith.mulf %log3A_573, %get3A_550 : vector<1x128xf32>
    %add3A_575 = arith.addf %add3A_533, %select_n3A_569 : vector<96x128xf32>
    %add3A_576 = arith.addf %add3A_534, %mul3A_564 : vector<96x128xf32>
    %add3A_577 = arith.addf %add3A_535, %mul3A_574 : vector<1x128xf32>
    %get3A_578 = arith.constant 0 : index
    %get3A_579 = arith.constant 0 : index
    %get3A_580 = arith.constant 1792 : index
    %get3A_581 = vector.load %arg2[%get3A_578, %get3A_579, %get3A_580] : memref<1x96x12544xf32, #tpu.memory_space<vmem>>, vector<1x96x128xf32>
    %get3A_582 = vector.shape_cast %get3A_581 : vector<1x96x128xf32> to vector<96x128xf32>
    %get3A_583 = arith.constant 0 : index
    %get3A_584 = arith.constant 0 : index
    %get3A_585 = arith.constant 1792 : index
    %get3A_586 = vector.load %arg3[%get3A_583, %get3A_584, %get3A_585] : memref<1x1x12544xi32, #tpu.memory_space<vmem>>, vector<1x1x128xi32>
    %get3A_587 = vector.shape_cast %get3A_586 : vector<1x1x128xi32> to vector<1x128xi32>
    %get3A_588 = arith.constant 0 : index
    %get3A_589 = arith.constant 0 : index
    %get3A_590 = arith.constant 1792 : index
    %get3A_591 = vector.load %arg4[%get3A_588, %get3A_589, %get3A_590] : memref<1x1x12544xf32, #tpu.memory_space<vmem>>, vector<1x1x128xf32>
    %get3A_592 = vector.shape_cast %get3A_591 : vector<1x1x128xf32> to vector<1x128xf32>
    %reduce_max3A_593 = arith.constant dense<0xFF800000> : vector<128xf32>
    %reduce_max3A_594 = vector.multi_reduction <maximumf>, %get3A_582, %reduce_max3A_593 [0] : vector<96x128xf32> to vector<128xf32>
    %broadcast_in_dim3A_595 = vector.shape_cast %reduce_max3A_594 : vector<128xf32> to vector<1x128xf32>
    %sub3A_596 = vector.broadcast %broadcast_in_dim3A_595 : vector<1x128xf32> to vector<96x128xf32>
    %sub3A_597 = arith.subf %get3A_582, %sub3A_596 : vector<96x128xf32>
    %exp3A_598 = math.exp %sub3A_597 : vector<96x128xf32>
    %reduce_sum3A_599 = arith.constant dense<0.000000e+00> : vector<128xf32>
    %reduce_sum3A_600 = vector.multi_reduction <add>, %exp3A_598, %reduce_sum3A_599 [0] : vector<96x128xf32> to vector<128xf32>
    %broadcast_in_dim3A_601 = vector.shape_cast %reduce_sum3A_600 : vector<128xf32> to vector<1x128xf32>
    %div3A_602 = arith.constant 1.000000e+00 : f32
    %div3A_603 = vector.broadcast %div3A_602 : f32 to vector<1x128xf32>
    %div3A_604 = arith.divf %div3A_603, %broadcast_in_dim3A_601 : vector<1x128xf32>
    %mul3A_605 = vector.broadcast %div3A_604 : vector<1x128xf32> to vector<96x128xf32>
    %mul3A_606 = arith.mulf %exp3A_598, %mul3A_605 : vector<96x128xf32>
    %eq3A_607 = vector.broadcast %get3A_587 : vector<1x128xi32> to vector<96x128xi32>
    %eq3A_608 = arith.cmpi eq, %iota3A, %eq3A_607 : vector<96x128xi32>
    %jit3A_609 = arith.constant 0.000000e+00 : f32
    %broadcast_in_dim3A_610 = vector.broadcast %jit3A_609 : f32 to vector<96x128xf32>
    %select_n3A_611 = arith.select %eq3A_608, %mul3A_606, %broadcast_in_dim3A_610 : vector<96x128xi1>, vector<96x128xf32>
    %reduce_sum3A_612 = arith.constant dense<0.000000e+00> : vector<128xf32>
    %reduce_sum3A_613 = vector.multi_reduction <add>, %select_n3A_611, %reduce_sum3A_612 [0] : vector<96x128xf32> to vector<128xf32>
    %broadcast_in_dim3A_614 = vector.shape_cast %reduce_sum3A_613 : vector<128xf32> to vector<1x128xf32>
    %log3A_615 = math.log %broadcast_in_dim3A_614 : vector<1x128xf32>
    %mul3A_616 = arith.mulf %log3A_615, %get3A_592 : vector<1x128xf32>
    %add3A_617 = arith.addf %add3A_575, %select_n3A_611 : vector<96x128xf32>
    %add3A_618 = arith.addf %add3A_576, %mul3A_606 : vector<96x128xf32>
    %add3A_619 = arith.addf %add3A_577, %mul3A_616 : vector<1x128xf32>
    %get3A_620 = arith.constant 0 : index
    %get3A_621 = arith.constant 0 : index
    %get3A_622 = arith.constant 1920 : index
    %get3A_623 = vector.load %arg2[%get3A_620, %get3A_621, %get3A_622] : memref<1x96x12544xf32, #tpu.memory_space<vmem>>, vector<1x96x128xf32>
    %get3A_624 = vector.shape_cast %get3A_623 : vector<1x96x128xf32> to vector<96x128xf32>
    %get3A_625 = arith.constant 0 : index
    %get3A_626 = arith.constant 0 : index
    %get3A_627 = arith.constant 1920 : index
    %get3A_628 = vector.load %arg3[%get3A_625, %get3A_626, %get3A_627] : memref<1x1x12544xi32, #tpu.memory_space<vmem>>, vector<1x1x128xi32>
    %get3A_629 = vector.shape_cast %get3A_628 : vector<1x1x128xi32> to vector<1x128xi32>
    %get3A_630 = arith.constant 0 : index
    %get3A_631 = arith.constant 0 : index
    %get3A_632 = arith.constant 1920 : index
    %get3A_633 = vector.load %arg4[%get3A_630, %get3A_631, %get3A_632] : memref<1x1x12544xf32, #tpu.memory_space<vmem>>, vector<1x1x128xf32>
    %get3A_634 = vector.shape_cast %get3A_633 : vector<1x1x128xf32> to vector<1x128xf32>
    %reduce_max3A_635 = arith.constant dense<0xFF800000> : vector<128xf32>
    %reduce_max3A_636 = vector.multi_reduction <maximumf>, %get3A_624, %reduce_max3A_635 [0] : vector<96x128xf32> to vector<128xf32>
    %broadcast_in_dim3A_637 = vector.shape_cast %reduce_max3A_636 : vector<128xf32> to vector<1x128xf32>
    %sub3A_638 = vector.broadcast %broadcast_in_dim3A_637 : vector<1x128xf32> to vector<96x128xf32>
    %sub3A_639 = arith.subf %get3A_624, %sub3A_638 : vector<96x128xf32>
    %exp3A_640 = math.exp %sub3A_639 : vector<96x128xf32>
    %reduce_sum3A_641 = arith.constant dense<0.000000e+00> : vector<128xf32>
    %reduce_sum3A_642 = vector.multi_reduction <add>, %exp3A_640, %reduce_sum3A_641 [0] : vector<96x128xf32> to vector<128xf32>
    %broadcast_in_dim3A_643 = vector.shape_cast %reduce_sum3A_642 : vector<128xf32> to vector<1x128xf32>
    %div3A_644 = arith.constant 1.000000e+00 : f32
    %div3A_645 = vector.broadcast %div3A_644 : f32 to vector<1x128xf32>
    %div3A_646 = arith.divf %div3A_645, %broadcast_in_dim3A_643 : vector<1x128xf32>
    %mul3A_647 = vector.broadcast %div3A_646 : vector<1x128xf32> to vector<96x128xf32>
    %mul3A_648 = arith.mulf %exp3A_640, %mul3A_647 : vector<96x128xf32>
    %eq3A_649 = vector.broadcast %get3A_629 : vector<1x128xi32> to vector<96x128xi32>
    %eq3A_650 = arith.cmpi eq, %iota3A, %eq3A_649 : vector<96x128xi32>
    %jit3A_651 = arith.constant 0.000000e+00 : f32
    %broadcast_in_dim3A_652 = vector.broadcast %jit3A_651 : f32 to vector<96x128xf32>
    %select_n3A_653 = arith.select %eq3A_650, %mul3A_648, %broadcast_in_dim3A_652 : vector<96x128xi1>, vector<96x128xf32>
    %reduce_sum3A_654 = arith.constant dense<0.000000e+00> : vector<128xf32>
    %reduce_sum3A_655 = vector.multi_reduction <add>, %select_n3A_653, %reduce_sum3A_654 [0] : vector<96x128xf32> to vector<128xf32>
    %broadcast_in_dim3A_656 = vector.shape_cast %reduce_sum3A_655 : vector<128xf32> to vector<1x128xf32>
    %log3A_657 = math.log %broadcast_in_dim3A_656 : vector<1x128xf32>
    %mul3A_658 = arith.mulf %log3A_657, %get3A_634 : vector<1x128xf32>
    %add3A_659 = arith.addf %add3A_617, %select_n3A_653 : vector<96x128xf32>
    %add3A_660 = arith.addf %add3A_618, %mul3A_648 : vector<96x128xf32>
    %add3A_661 = arith.addf %add3A_619, %mul3A_658 : vector<1x128xf32>
    %get3A_662 = arith.constant 0 : index
    %get3A_663 = arith.constant 0 : index
    %get3A_664 = arith.constant 2048 : index
    %get3A_665 = vector.load %arg2[%get3A_662, %get3A_663, %get3A_664] : memref<1x96x12544xf32, #tpu.memory_space<vmem>>, vector<1x96x128xf32>
    %get3A_666 = vector.shape_cast %get3A_665 : vector<1x96x128xf32> to vector<96x128xf32>
    %get3A_667 = arith.constant 0 : index
    %get3A_668 = arith.constant 0 : index
    %get3A_669 = arith.constant 2048 : index
    %get3A_670 = vector.load %arg3[%get3A_667, %get3A_668, %get3A_669] : memref<1x1x12544xi32, #tpu.memory_space<vmem>>, vector<1x1x128xi32>
    %get3A_671 = vector.shape_cast %get3A_670 : vector<1x1x128xi32> to vector<1x128xi32>
    %get3A_672 = arith.constant 0 : index
    %get3A_673 = arith.constant 0 : index
    %get3A_674 = arith.constant 2048 : index
    %get3A_675 = vector.load %arg4[%get3A_672, %get3A_673, %get3A_674] : memref<1x1x12544xf32, #tpu.memory_space<vmem>>, vector<1x1x128xf32>
    %get3A_676 = vector.shape_cast %get3A_675 : vector<1x1x128xf32> to vector<1x128xf32>
    %reduce_max3A_677 = arith.constant dense<0xFF800000> : vector<128xf32>
    %reduce_max3A_678 = vector.multi_reduction <maximumf>, %get3A_666, %reduce_max3A_677 [0] : vector<96x128xf32> to vector<128xf32>
    %broadcast_in_dim3A_679 = vector.shape_cast %reduce_max3A_678 : vector<128xf32> to vector<1x128xf32>
    %sub3A_680 = vector.broadcast %broadcast_in_dim3A_679 : vector<1x128xf32> to vector<96x128xf32>
    %sub3A_681 = arith.subf %get3A_666, %sub3A_680 : vector<96x128xf32>
    %exp3A_682 = math.exp %sub3A_681 : vector<96x128xf32>
    %reduce_sum3A_683 = arith.constant dense<0.000000e+00> : vector<128xf32>
    %reduce_sum3A_684 = vector.multi_reduction <add>, %exp3A_682, %reduce_sum3A_683 [0] : vector<96x128xf32> to vector<128xf32>
    %broadcast_in_dim3A_685 = vector.shape_cast %reduce_sum3A_684 : vector<128xf32> to vector<1x128xf32>
    %div3A_686 = arith.constant 1.000000e+00 : f32
    %div3A_687 = vector.broadcast %div3A_686 : f32 to vector<1x128xf32>
    %div3A_688 = arith.divf %div3A_687, %broadcast_in_dim3A_685 : vector<1x128xf32>
    %mul3A_689 = vector.broadcast %div3A_688 : vector<1x128xf32> to vector<96x128xf32>
    %mul3A_690 = arith.mulf %exp3A_682, %mul3A_689 : vector<96x128xf32>
    %eq3A_691 = vector.broadcast %get3A_671 : vector<1x128xi32> to vector<96x128xi32>
    %eq3A_692 = arith.cmpi eq, %iota3A, %eq3A_691 : vector<96x128xi32>
    %jit3A_693 = arith.constant 0.000000e+00 : f32
    %broadcast_in_dim3A_694 = vector.broadcast %jit3A_693 : f32 to vector<96x128xf32>
    %select_n3A_695 = arith.select %eq3A_692, %mul3A_690, %broadcast_in_dim3A_694 : vector<96x128xi1>, vector<96x128xf32>
    %reduce_sum3A_696 = arith.constant dense<0.000000e+00> : vector<128xf32>
    %reduce_sum3A_697 = vector.multi_reduction <add>, %select_n3A_695, %reduce_sum3A_696 [0] : vector<96x128xf32> to vector<128xf32>
    %broadcast_in_dim3A_698 = vector.shape_cast %reduce_sum3A_697 : vector<128xf32> to vector<1x128xf32>
    %log3A_699 = math.log %broadcast_in_dim3A_698 : vector<1x128xf32>
    %mul3A_700 = arith.mulf %log3A_699, %get3A_676 : vector<1x128xf32>
    %add3A_701 = arith.addf %add3A_659, %select_n3A_695 : vector<96x128xf32>
    %add3A_702 = arith.addf %add3A_660, %mul3A_690 : vector<96x128xf32>
    %add3A_703 = arith.addf %add3A_661, %mul3A_700 : vector<1x128xf32>
    %get3A_704 = arith.constant 0 : index
    %get3A_705 = arith.constant 0 : index
    %get3A_706 = arith.constant 2176 : index
    %get3A_707 = vector.load %arg2[%get3A_704, %get3A_705, %get3A_706] : memref<1x96x12544xf32, #tpu.memory_space<vmem>>, vector<1x96x128xf32>
    %get3A_708 = vector.shape_cast %get3A_707 : vector<1x96x128xf32> to vector<96x128xf32>
    %get3A_709 = arith.constant 0 : index
    %get3A_710 = arith.constant 0 : index
    %get3A_711 = arith.constant 2176 : index
    %get3A_712 = vector.load %arg3[%get3A_709, %get3A_710, %get3A_711] : memref<1x1x12544xi32, #tpu.memory_space<vmem>>, vector<1x1x128xi32>
    %get3A_713 = vector.shape_cast %get3A_712 : vector<1x1x128xi32> to vector<1x128xi32>
    %get3A_714 = arith.constant 0 : index
    %get3A_715 = arith.constant 0 : index
    %get3A_716 = arith.constant 2176 : index
    %get3A_717 = vector.load %arg4[%get3A_714, %get3A_715, %get3A_716] : memref<1x1x12544xf32, #tpu.memory_space<vmem>>, vector<1x1x128xf32>
    %get3A_718 = vector.shape_cast %get3A_717 : vector<1x1x128xf32> to vector<1x128xf32>
    %reduce_max3A_719 = arith.constant dense<0xFF800000> : vector<128xf32>
    %reduce_max3A_720 = vector.multi_reduction <maximumf>, %get3A_708, %reduce_max3A_719 [0] : vector<96x128xf32> to vector<128xf32>
    %broadcast_in_dim3A_721 = vector.shape_cast %reduce_max3A_720 : vector<128xf32> to vector<1x128xf32>
    %sub3A_722 = vector.broadcast %broadcast_in_dim3A_721 : vector<1x128xf32> to vector<96x128xf32>
    %sub3A_723 = arith.subf %get3A_708, %sub3A_722 : vector<96x128xf32>
    %exp3A_724 = math.exp %sub3A_723 : vector<96x128xf32>
    %reduce_sum3A_725 = arith.constant dense<0.000000e+00> : vector<128xf32>
    %reduce_sum3A_726 = vector.multi_reduction <add>, %exp3A_724, %reduce_sum3A_725 [0] : vector<96x128xf32> to vector<128xf32>
    %broadcast_in_dim3A_727 = vector.shape_cast %reduce_sum3A_726 : vector<128xf32> to vector<1x128xf32>
    %div3A_728 = arith.constant 1.000000e+00 : f32
    %div3A_729 = vector.broadcast %div3A_728 : f32 to vector<1x128xf32>
    %div3A_730 = arith.divf %div3A_729, %broadcast_in_dim3A_727 : vector<1x128xf32>
    %mul3A_731 = vector.broadcast %div3A_730 : vector<1x128xf32> to vector<96x128xf32>
    %mul3A_732 = arith.mulf %exp3A_724, %mul3A_731 : vector<96x128xf32>
    %eq3A_733 = vector.broadcast %get3A_713 : vector<1x128xi32> to vector<96x128xi32>
    %eq3A_734 = arith.cmpi eq, %iota3A, %eq3A_733 : vector<96x128xi32>
    %jit3A_735 = arith.constant 0.000000e+00 : f32
    %broadcast_in_dim3A_736 = vector.broadcast %jit3A_735 : f32 to vector<96x128xf32>
    %select_n3A_737 = arith.select %eq3A_734, %mul3A_732, %broadcast_in_dim3A_736 : vector<96x128xi1>, vector<96x128xf32>
    %reduce_sum3A_738 = arith.constant dense<0.000000e+00> : vector<128xf32>
    %reduce_sum3A_739 = vector.multi_reduction <add>, %select_n3A_737, %reduce_sum3A_738 [0] : vector<96x128xf32> to vector<128xf32>
    %broadcast_in_dim3A_740 = vector.shape_cast %reduce_sum3A_739 : vector<128xf32> to vector<1x128xf32>
    %log3A_741 = math.log %broadcast_in_dim3A_740 : vector<1x128xf32>
    %mul3A_742 = arith.mulf %log3A_741, %get3A_718 : vector<1x128xf32>
    %add3A_743 = arith.addf %add3A_701, %select_n3A_737 : vector<96x128xf32>
    %add3A_744 = arith.addf %add3A_702, %mul3A_732 : vector<96x128xf32>
    %add3A_745 = arith.addf %add3A_703, %mul3A_742 : vector<1x128xf32>
    %get3A_746 = arith.constant 0 : index
    %get3A_747 = arith.constant 0 : index
    %get3A_748 = arith.constant 2304 : index
    %get3A_749 = vector.load %arg2[%get3A_746, %get3A_747, %get3A_748] : memref<1x96x12544xf32, #tpu.memory_space<vmem>>, vector<1x96x128xf32>
    %get3A_750 = vector.shape_cast %get3A_749 : vector<1x96x128xf32> to vector<96x128xf32>
    %get3A_751 = arith.constant 0 : index
    %get3A_752 = arith.constant 0 : index
    %get3A_753 = arith.constant 2304 : index
    %get3A_754 = vector.load %arg3[%get3A_751, %get3A_752, %get3A_753] : memref<1x1x12544xi32, #tpu.memory_space<vmem>>, vector<1x1x128xi32>
    %get3A_755 = vector.shape_cast %get3A_754 : vector<1x1x128xi32> to vector<1x128xi32>
    %get3A_756 = arith.constant 0 : index
    %get3A_757 = arith.constant 0 : index
    %get3A_758 = arith.constant 2304 : index
    %get3A_759 = vector.load %arg4[%get3A_756, %get3A_757, %get3A_758] : memref<1x1x12544xf32, #tpu.memory_space<vmem>>, vector<1x1x128xf32>
    %get3A_760 = vector.shape_cast %get3A_759 : vector<1x1x128xf32> to vector<1x128xf32>
    %reduce_max3A_761 = arith.constant dense<0xFF800000> : vector<128xf32>
    %reduce_max3A_762 = vector.multi_reduction <maximumf>, %get3A_750, %reduce_max3A_761 [0] : vector<96x128xf32> to vector<128xf32>
    %broadcast_in_dim3A_763 = vector.shape_cast %reduce_max3A_762 : vector<128xf32> to vector<1x128xf32>
    %sub3A_764 = vector.broadcast %broadcast_in_dim3A_763 : vector<1x128xf32> to vector<96x128xf32>
    %sub3A_765 = arith.subf %get3A_750, %sub3A_764 : vector<96x128xf32>
    %exp3A_766 = math.exp %sub3A_765 : vector<96x128xf32>
    %reduce_sum3A_767 = arith.constant dense<0.000000e+00> : vector<128xf32>
    %reduce_sum3A_768 = vector.multi_reduction <add>, %exp3A_766, %reduce_sum3A_767 [0] : vector<96x128xf32> to vector<128xf32>
    %broadcast_in_dim3A_769 = vector.shape_cast %reduce_sum3A_768 : vector<128xf32> to vector<1x128xf32>
    %div3A_770 = arith.constant 1.000000e+00 : f32
    %div3A_771 = vector.broadcast %div3A_770 : f32 to vector<1x128xf32>
    %div3A_772 = arith.divf %div3A_771, %broadcast_in_dim3A_769 : vector<1x128xf32>
    %mul3A_773 = vector.broadcast %div3A_772 : vector<1x128xf32> to vector<96x128xf32>
    %mul3A_774 = arith.mulf %exp3A_766, %mul3A_773 : vector<96x128xf32>
    %eq3A_775 = vector.broadcast %get3A_755 : vector<1x128xi32> to vector<96x128xi32>
    %eq3A_776 = arith.cmpi eq, %iota3A, %eq3A_775 : vector<96x128xi32>
    %jit3A_777 = arith.constant 0.000000e+00 : f32
    %broadcast_in_dim3A_778 = vector.broadcast %jit3A_777 : f32 to vector<96x128xf32>
    %select_n3A_779 = arith.select %eq3A_776, %mul3A_774, %broadcast_in_dim3A_778 : vector<96x128xi1>, vector<96x128xf32>
    %reduce_sum3A_780 = arith.constant dense<0.000000e+00> : vector<128xf32>
    %reduce_sum3A_781 = vector.multi_reduction <add>, %select_n3A_779, %reduce_sum3A_780 [0] : vector<96x128xf32> to vector<128xf32>
    %broadcast_in_dim3A_782 = vector.shape_cast %reduce_sum3A_781 : vector<128xf32> to vector<1x128xf32>
    %log3A_783 = math.log %broadcast_in_dim3A_782 : vector<1x128xf32>
    %mul3A_784 = arith.mulf %log3A_783, %get3A_760 : vector<1x128xf32>
    %add3A_785 = arith.addf %add3A_743, %select_n3A_779 : vector<96x128xf32>
    %add3A_786 = arith.addf %add3A_744, %mul3A_774 : vector<96x128xf32>
    %add3A_787 = arith.addf %add3A_745, %mul3A_784 : vector<1x128xf32>
    %get3A_788 = arith.constant 0 : index
    %get3A_789 = arith.constant 0 : index
    %get3A_790 = arith.constant 2432 : index
    %get3A_791 = vector.load %arg2[%get3A_788, %get3A_789, %get3A_790] : memref<1x96x12544xf32, #tpu.memory_space<vmem>>, vector<1x96x128xf32>
    %get3A_792 = vector.shape_cast %get3A_791 : vector<1x96x128xf32> to vector<96x128xf32>
    %get3A_793 = arith.constant 0 : index
    %get3A_794 = arith.constant 0 : index
    %get3A_795 = arith.constant 2432 : index
    %get3A_796 = vector.load %arg3[%get3A_793, %get3A_794, %get3A_795] : memref<1x1x12544xi32, #tpu.memory_space<vmem>>, vector<1x1x128xi32>
    %get3A_797 = vector.shape_cast %get3A_796 : vector<1x1x128xi32> to vector<1x128xi32>
    %get3A_798 = arith.constant 0 : index
    %get3A_799 = arith.constant 0 : index
    %get3A_800 = arith.constant 2432 : index
    %get3A_801 = vector.load %arg4[%get3A_798, %get3A_799, %get3A_800] : memref<1x1x12544xf32, #tpu.memory_space<vmem>>, vector<1x1x128xf32>
    %get3A_802 = vector.shape_cast %get3A_801 : vector<1x1x128xf32> to vector<1x128xf32>
    %reduce_max3A_803 = arith.constant dense<0xFF800000> : vector<128xf32>
    %reduce_max3A_804 = vector.multi_reduction <maximumf>, %get3A_792, %reduce_max3A_803 [0] : vector<96x128xf32> to vector<128xf32>
    %broadcast_in_dim3A_805 = vector.shape_cast %reduce_max3A_804 : vector<128xf32> to vector<1x128xf32>
    %sub3A_806 = vector.broadcast %broadcast_in_dim3A_805 : vector<1x128xf32> to vector<96x128xf32>
    %sub3A_807 = arith.subf %get3A_792, %sub3A_806 : vector<96x128xf32>
    %exp3A_808 = math.exp %sub3A_807 : vector<96x128xf32>
    %reduce_sum3A_809 = arith.constant dense<0.000000e+00> : vector<128xf32>
    %reduce_sum3A_810 = vector.multi_reduction <add>, %exp3A_808, %reduce_sum3A_809 [0] : vector<96x128xf32> to vector<128xf32>
    %broadcast_in_dim3A_811 = vector.shape_cast %reduce_sum3A_810 : vector<128xf32> to vector<1x128xf32>
    %div3A_812 = arith.constant 1.000000e+00 : f32
    %div3A_813 = vector.broadcast %div3A_812 : f32 to vector<1x128xf32>
    %div3A_814 = arith.divf %div3A_813, %broadcast_in_dim3A_811 : vector<1x128xf32>
    %mul3A_815 = vector.broadcast %div3A_814 : vector<1x128xf32> to vector<96x128xf32>
    %mul3A_816 = arith.mulf %exp3A_808, %mul3A_815 : vector<96x128xf32>
    %eq3A_817 = vector.broadcast %get3A_797 : vector<1x128xi32> to vector<96x128xi32>
    %eq3A_818 = arith.cmpi eq, %iota3A, %eq3A_817 : vector<96x128xi32>
    %jit3A_819 = arith.constant 0.000000e+00 : f32
    %broadcast_in_dim3A_820 = vector.broadcast %jit3A_819 : f32 to vector<96x128xf32>
    %select_n3A_821 = arith.select %eq3A_818, %mul3A_816, %broadcast_in_dim3A_820 : vector<96x128xi1>, vector<96x128xf32>
    %reduce_sum3A_822 = arith.constant dense<0.000000e+00> : vector<128xf32>
    %reduce_sum3A_823 = vector.multi_reduction <add>, %select_n3A_821, %reduce_sum3A_822 [0] : vector<96x128xf32> to vector<128xf32>
    %broadcast_in_dim3A_824 = vector.shape_cast %reduce_sum3A_823 : vector<128xf32> to vector<1x128xf32>
    %log3A_825 = math.log %broadcast_in_dim3A_824 : vector<1x128xf32>
    %mul3A_826 = arith.mulf %log3A_825, %get3A_802 : vector<1x128xf32>
    %add3A_827 = arith.addf %add3A_785, %select_n3A_821 : vector<96x128xf32>
    %add3A_828 = arith.addf %add3A_786, %mul3A_816 : vector<96x128xf32>
    %add3A_829 = arith.addf %add3A_787, %mul3A_826 : vector<1x128xf32>
    %get3A_830 = arith.constant 0 : index
    %get3A_831 = arith.constant 0 : index
    %get3A_832 = arith.constant 2560 : index
    %get3A_833 = vector.load %arg2[%get3A_830, %get3A_831, %get3A_832] : memref<1x96x12544xf32, #tpu.memory_space<vmem>>, vector<1x96x128xf32>
    %get3A_834 = vector.shape_cast %get3A_833 : vector<1x96x128xf32> to vector<96x128xf32>
    %get3A_835 = arith.constant 0 : index
    %get3A_836 = arith.constant 0 : index
    %get3A_837 = arith.constant 2560 : index
    %get3A_838 = vector.load %arg3[%get3A_835, %get3A_836, %get3A_837] : memref<1x1x12544xi32, #tpu.memory_space<vmem>>, vector<1x1x128xi32>
    %get3A_839 = vector.shape_cast %get3A_838 : vector<1x1x128xi32> to vector<1x128xi32>
    %get3A_840 = arith.constant 0 : index
    %get3A_841 = arith.constant 0 : index
    %get3A_842 = arith.constant 2560 : index
    %get3A_843 = vector.load %arg4[%get3A_840, %get3A_841, %get3A_842] : memref<1x1x12544xf32, #tpu.memory_space<vmem>>, vector<1x1x128xf32>
    %get3A_844 = vector.shape_cast %get3A_843 : vector<1x1x128xf32> to vector<1x128xf32>
    %reduce_max3A_845 = arith.constant dense<0xFF800000> : vector<128xf32>
    %reduce_max3A_846 = vector.multi_reduction <maximumf>, %get3A_834, %reduce_max3A_845 [0] : vector<96x128xf32> to vector<128xf32>
    %broadcast_in_dim3A_847 = vector.shape_cast %reduce_max3A_846 : vector<128xf32> to vector<1x128xf32>
    %sub3A_848 = vector.broadcast %broadcast_in_dim3A_847 : vector<1x128xf32> to vector<96x128xf32>
    %sub3A_849 = arith.subf %get3A_834, %sub3A_848 : vector<96x128xf32>
    %exp3A_850 = math.exp %sub3A_849 : vector<96x128xf32>
    %reduce_sum3A_851 = arith.constant dense<0.000000e+00> : vector<128xf32>
    %reduce_sum3A_852 = vector.multi_reduction <add>, %exp3A_850, %reduce_sum3A_851 [0] : vector<96x128xf32> to vector<128xf32>
    %broadcast_in_dim3A_853 = vector.shape_cast %reduce_sum3A_852 : vector<128xf32> to vector<1x128xf32>
    %div3A_854 = arith.constant 1.000000e+00 : f32
    %div3A_855 = vector.broadcast %div3A_854 : f32 to vector<1x128xf32>
    %div3A_856 = arith.divf %div3A_855, %broadcast_in_dim3A_853 : vector<1x128xf32>
    %mul3A_857 = vector.broadcast %div3A_856 : vector<1x128xf32> to vector<96x128xf32>
    %mul3A_858 = arith.mulf %exp3A_850, %mul3A_857 : vector<96x128xf32>
    %eq3A_859 = vector.broadcast %get3A_839 : vector<1x128xi32> to vector<96x128xi32>
    %eq3A_860 = arith.cmpi eq, %iota3A, %eq3A_859 : vector<96x128xi32>
    %jit3A_861 = arith.constant 0.000000e+00 : f32
    %broadcast_in_dim3A_862 = vector.broadcast %jit3A_861 : f32 to vector<96x128xf32>
    %select_n3A_863 = arith.select %eq3A_860, %mul3A_858, %broadcast_in_dim3A_862 : vector<96x128xi1>, vector<96x128xf32>
    %reduce_sum3A_864 = arith.constant dense<0.000000e+00> : vector<128xf32>
    %reduce_sum3A_865 = vector.multi_reduction <add>, %select_n3A_863, %reduce_sum3A_864 [0] : vector<96x128xf32> to vector<128xf32>
    %broadcast_in_dim3A_866 = vector.shape_cast %reduce_sum3A_865 : vector<128xf32> to vector<1x128xf32>
    %log3A_867 = math.log %broadcast_in_dim3A_866 : vector<1x128xf32>
    %mul3A_868 = arith.mulf %log3A_867, %get3A_844 : vector<1x128xf32>
    %add3A_869 = arith.addf %add3A_827, %select_n3A_863 : vector<96x128xf32>
    %add3A_870 = arith.addf %add3A_828, %mul3A_858 : vector<96x128xf32>
    %add3A_871 = arith.addf %add3A_829, %mul3A_868 : vector<1x128xf32>
    %get3A_872 = arith.constant 0 : index
    %get3A_873 = arith.constant 0 : index
    %get3A_874 = arith.constant 2688 : index
    %get3A_875 = vector.load %arg2[%get3A_872, %get3A_873, %get3A_874] : memref<1x96x12544xf32, #tpu.memory_space<vmem>>, vector<1x96x128xf32>
    %get3A_876 = vector.shape_cast %get3A_875 : vector<1x96x128xf32> to vector<96x128xf32>
    %get3A_877 = arith.constant 0 : index
    %get3A_878 = arith.constant 0 : index
    %get3A_879 = arith.constant 2688 : index
    %get3A_880 = vector.load %arg3[%get3A_877, %get3A_878, %get3A_879] : memref<1x1x12544xi32, #tpu.memory_space<vmem>>, vector<1x1x128xi32>
    %get3A_881 = vector.shape_cast %get3A_880 : vector<1x1x128xi32> to vector<1x128xi32>
    %get3A_882 = arith.constant 0 : index
    %get3A_883 = arith.constant 0 : index
    %get3A_884 = arith.constant 2688 : index
    %get3A_885 = vector.load %arg4[%get3A_882, %get3A_883, %get3A_884] : memref<1x1x12544xf32, #tpu.memory_space<vmem>>, vector<1x1x128xf32>
    %get3A_886 = vector.shape_cast %get3A_885 : vector<1x1x128xf32> to vector<1x128xf32>
    %reduce_max3A_887 = arith.constant dense<0xFF800000> : vector<128xf32>
    %reduce_max3A_888 = vector.multi_reduction <maximumf>, %get3A_876, %reduce_max3A_887 [0] : vector<96x128xf32> to vector<128xf32>
    %broadcast_in_dim3A_889 = vector.shape_cast %reduce_max3A_888 : vector<128xf32> to vector<1x128xf32>
    %sub3A_890 = vector.broadcast %broadcast_in_dim3A_889 : vector<1x128xf32> to vector<96x128xf32>
    %sub3A_891 = arith.subf %get3A_876, %sub3A_890 : vector<96x128xf32>
    %exp3A_892 = math.exp %sub3A_891 : vector<96x128xf32>
    %reduce_sum3A_893 = arith.constant dense<0.000000e+00> : vector<128xf32>
    %reduce_sum3A_894 = vector.multi_reduction <add>, %exp3A_892, %reduce_sum3A_893 [0] : vector<96x128xf32> to vector<128xf32>
    %broadcast_in_dim3A_895 = vector.shape_cast %reduce_sum3A_894 : vector<128xf32> to vector<1x128xf32>
    %div3A_896 = arith.constant 1.000000e+00 : f32
    %div3A_897 = vector.broadcast %div3A_896 : f32 to vector<1x128xf32>
    %div3A_898 = arith.divf %div3A_897, %broadcast_in_dim3A_895 : vector<1x128xf32>
    %mul3A_899 = vector.broadcast %div3A_898 : vector<1x128xf32> to vector<96x128xf32>
    %mul3A_900 = arith.mulf %exp3A_892, %mul3A_899 : vector<96x128xf32>
    %eq3A_901 = vector.broadcast %get3A_881 : vector<1x128xi32> to vector<96x128xi32>
    %eq3A_902 = arith.cmpi eq, %iota3A, %eq3A_901 : vector<96x128xi32>
    %jit3A_903 = arith.constant 0.000000e+00 : f32
    %broadcast_in_dim3A_904 = vector.broadcast %jit3A_903 : f32 to vector<96x128xf32>
    %select_n3A_905 = arith.select %eq3A_902, %mul3A_900, %broadcast_in_dim3A_904 : vector<96x128xi1>, vector<96x128xf32>
    %reduce_sum3A_906 = arith.constant dense<0.000000e+00> : vector<128xf32>
    %reduce_sum3A_907 = vector.multi_reduction <add>, %select_n3A_905, %reduce_sum3A_906 [0] : vector<96x128xf32> to vector<128xf32>
    %broadcast_in_dim3A_908 = vector.shape_cast %reduce_sum3A_907 : vector<128xf32> to vector<1x128xf32>
    %log3A_909 = math.log %broadcast_in_dim3A_908 : vector<1x128xf32>
    %mul3A_910 = arith.mulf %log3A_909, %get3A_886 : vector<1x128xf32>
    %add3A_911 = arith.addf %add3A_869, %select_n3A_905 : vector<96x128xf32>
    %add3A_912 = arith.addf %add3A_870, %mul3A_900 : vector<96x128xf32>
    %add3A_913 = arith.addf %add3A_871, %mul3A_910 : vector<1x128xf32>
    %get3A_914 = arith.constant 0 : index
    %get3A_915 = arith.constant 0 : index
    %get3A_916 = arith.constant 2816 : index
    %get3A_917 = vector.load %arg2[%get3A_914, %get3A_915, %get3A_916] : memref<1x96x12544xf32, #tpu.memory_space<vmem>>, vector<1x96x128xf32>
    %get3A_918 = vector.shape_cast %get3A_917 : vector<1x96x128xf32> to vector<96x128xf32>
    %get3A_919 = arith.constant 0 : index
    %get3A_920 = arith.constant 0 : index
    %get3A_921 = arith.constant 2816 : index
    %get3A_922 = vector.load %arg3[%get3A_919, %get3A_920, %get3A_921] : memref<1x1x12544xi32, #tpu.memory_space<vmem>>, vector<1x1x128xi32>
    %get3A_923 = vector.shape_cast %get3A_922 : vector<1x1x128xi32> to vector<1x128xi32>
    %get3A_924 = arith.constant 0 : index
    %get3A_925 = arith.constant 0 : index
    %get3A_926 = arith.constant 2816 : index
    %get3A_927 = vector.load %arg4[%get3A_924, %get3A_925, %get3A_926] : memref<1x1x12544xf32, #tpu.memory_space<vmem>>, vector<1x1x128xf32>
    %get3A_928 = vector.shape_cast %get3A_927 : vector<1x1x128xf32> to vector<1x128xf32>
    %reduce_max3A_929 = arith.constant dense<0xFF800000> : vector<128xf32>
    %reduce_max3A_930 = vector.multi_reduction <maximumf>, %get3A_918, %reduce_max3A_929 [0] : vector<96x128xf32> to vector<128xf32>
    %broadcast_in_dim3A_931 = vector.shape_cast %reduce_max3A_930 : vector<128xf32> to vector<1x128xf32>
    %sub3A_932 = vector.broadcast %broadcast_in_dim3A_931 : vector<1x128xf32> to vector<96x128xf32>
    %sub3A_933 = arith.subf %get3A_918, %sub3A_932 : vector<96x128xf32>
    %exp3A_934 = math.exp %sub3A_933 : vector<96x128xf32>
    %reduce_sum3A_935 = arith.constant dense<0.000000e+00> : vector<128xf32>
    %reduce_sum3A_936 = vector.multi_reduction <add>, %exp3A_934, %reduce_sum3A_935 [0] : vector<96x128xf32> to vector<128xf32>
    %broadcast_in_dim3A_937 = vector.shape_cast %reduce_sum3A_936 : vector<128xf32> to vector<1x128xf32>
    %div3A_938 = arith.constant 1.000000e+00 : f32
    %div3A_939 = vector.broadcast %div3A_938 : f32 to vector<1x128xf32>
    %div3A_940 = arith.divf %div3A_939, %broadcast_in_dim3A_937 : vector<1x128xf32>
    %mul3A_941 = vector.broadcast %div3A_940 : vector<1x128xf32> to vector<96x128xf32>
    %mul3A_942 = arith.mulf %exp3A_934, %mul3A_941 : vector<96x128xf32>
    %eq3A_943 = vector.broadcast %get3A_923 : vector<1x128xi32> to vector<96x128xi32>
    %eq3A_944 = arith.cmpi eq, %iota3A, %eq3A_943 : vector<96x128xi32>
    %jit3A_945 = arith.constant 0.000000e+00 : f32
    %broadcast_in_dim3A_946 = vector.broadcast %jit3A_945 : f32 to vector<96x128xf32>
    %select_n3A_947 = arith.select %eq3A_944, %mul3A_942, %broadcast_in_dim3A_946 : vector<96x128xi1>, vector<96x128xf32>
    %reduce_sum3A_948 = arith.constant dense<0.000000e+00> : vector<128xf32>
    %reduce_sum3A_949 = vector.multi_reduction <add>, %select_n3A_947, %reduce_sum3A_948 [0] : vector<96x128xf32> to vector<128xf32>
    %broadcast_in_dim3A_950 = vector.shape_cast %reduce_sum3A_949 : vector<128xf32> to vector<1x128xf32>
    %log3A_951 = math.log %broadcast_in_dim3A_950 : vector<1x128xf32>
    %mul3A_952 = arith.mulf %log3A_951, %get3A_928 : vector<1x128xf32>
    %add3A_953 = arith.addf %add3A_911, %select_n3A_947 : vector<96x128xf32>
    %add3A_954 = arith.addf %add3A_912, %mul3A_942 : vector<96x128xf32>
    %add3A_955 = arith.addf %add3A_913, %mul3A_952 : vector<1x128xf32>
    %get3A_956 = arith.constant 0 : index
    %get3A_957 = arith.constant 0 : index
    %get3A_958 = arith.constant 2944 : index
    %get3A_959 = vector.load %arg2[%get3A_956, %get3A_957, %get3A_958] : memref<1x96x12544xf32, #tpu.memory_space<vmem>>, vector<1x96x128xf32>
    %get3A_960 = vector.shape_cast %get3A_959 : vector<1x96x128xf32> to vector<96x128xf32>
    %get3A_961 = arith.constant 0 : index
    %get3A_962 = arith.constant 0 : index
    %get3A_963 = arith.constant 2944 : index
    %get3A_964 = vector.load %arg3[%get3A_961, %get3A_962, %get3A_963] : memref<1x1x12544xi32, #tpu.memory_space<vmem>>, vector<1x1x128xi32>
    %get3A_965 = vector.shape_cast %get3A_964 : vector<1x1x128xi32> to vector<1x128xi32>
    %get3A_966 = arith.constant 0 : index
    %get3A_967 = arith.constant 0 : index
    %get3A_968 = arith.constant 2944 : index
    %get3A_969 = vector.load %arg4[%get3A_966, %get3A_967, %get3A_968] : memref<1x1x12544xf32, #tpu.memory_space<vmem>>, vector<1x1x128xf32>
    %get3A_970 = vector.shape_cast %get3A_969 : vector<1x1x128xf32> to vector<1x128xf32>
    %reduce_max3A_971 = arith.constant dense<0xFF800000> : vector<128xf32>
    %reduce_max3A_972 = vector.multi_reduction <maximumf>, %get3A_960, %reduce_max3A_971 [0] : vector<96x128xf32> to vector<128xf32>
    %broadcast_in_dim3A_973 = vector.shape_cast %reduce_max3A_972 : vector<128xf32> to vector<1x128xf32>
    %sub3A_974 = vector.broadcast %broadcast_in_dim3A_973 : vector<1x128xf32> to vector<96x128xf32>
    %sub3A_975 = arith.subf %get3A_960, %sub3A_974 : vector<96x128xf32>
    %exp3A_976 = math.exp %sub3A_975 : vector<96x128xf32>
    %reduce_sum3A_977 = arith.constant dense<0.000000e+00> : vector<128xf32>
    %reduce_sum3A_978 = vector.multi_reduction <add>, %exp3A_976, %reduce_sum3A_977 [0] : vector<96x128xf32> to vector<128xf32>
    %broadcast_in_dim3A_979 = vector.shape_cast %reduce_sum3A_978 : vector<128xf32> to vector<1x128xf32>
    %div3A_980 = arith.constant 1.000000e+00 : f32
    %div3A_981 = vector.broadcast %div3A_980 : f32 to vector<1x128xf32>
    %div3A_982 = arith.divf %div3A_981, %broadcast_in_dim3A_979 : vector<1x128xf32>
    %mul3A_983 = vector.broadcast %div3A_982 : vector<1x128xf32> to vector<96x128xf32>
    %mul3A_984 = arith.mulf %exp3A_976, %mul3A_983 : vector<96x128xf32>
    %eq3A_985 = vector.broadcast %get3A_965 : vector<1x128xi32> to vector<96x128xi32>
    %eq3A_986 = arith.cmpi eq, %iota3A, %eq3A_985 : vector<96x128xi32>
    %jit3A_987 = arith.constant 0.000000e+00 : f32
    %broadcast_in_dim3A_988 = vector.broadcast %jit3A_987 : f32 to vector<96x128xf32>
    %select_n3A_989 = arith.select %eq3A_986, %mul3A_984, %broadcast_in_dim3A_988 : vector<96x128xi1>, vector<96x128xf32>
    %reduce_sum3A_990 = arith.constant dense<0.000000e+00> : vector<128xf32>
    %reduce_sum3A_991 = vector.multi_reduction <add>, %select_n3A_989, %reduce_sum3A_990 [0] : vector<96x128xf32> to vector<128xf32>
    %broadcast_in_dim3A_992 = vector.shape_cast %reduce_sum3A_991 : vector<128xf32> to vector<1x128xf32>
    %log3A_993 = math.log %broadcast_in_dim3A_992 : vector<1x128xf32>
    %mul3A_994 = arith.mulf %log3A_993, %get3A_970 : vector<1x128xf32>
    %add3A_995 = arith.addf %add3A_953, %select_n3A_989 : vector<96x128xf32>
    %add3A_996 = arith.addf %add3A_954, %mul3A_984 : vector<96x128xf32>
    %add3A_997 = arith.addf %add3A_955, %mul3A_994 : vector<1x128xf32>
    %get3A_998 = arith.constant 0 : index
    %get3A_999 = arith.constant 0 : index
    %get3A_1000 = arith.constant 3072 : index
    %get3A_1001 = vector.load %arg2[%get3A_998, %get3A_999, %get3A_1000] : memref<1x96x12544xf32, #tpu.memory_space<vmem>>, vector<1x96x128xf32>
    %get3A_1002 = vector.shape_cast %get3A_1001 : vector<1x96x128xf32> to vector<96x128xf32>
    %get3A_1003 = arith.constant 0 : index
    %get3A_1004 = arith.constant 0 : index
    %get3A_1005 = arith.constant 3072 : index
    %get3A_1006 = vector.load %arg3[%get3A_1003, %get3A_1004, %get3A_1005] : memref<1x1x12544xi32, #tpu.memory_space<vmem>>, vector<1x1x128xi32>
    %get3A_1007 = vector.shape_cast %get3A_1006 : vector<1x1x128xi32> to vector<1x128xi32>
    %get3A_1008 = arith.constant 0 : index
    %get3A_1009 = arith.constant 0 : index
    %get3A_1010 = arith.constant 3072 : index
    %get3A_1011 = vector.load %arg4[%get3A_1008, %get3A_1009, %get3A_1010] : memref<1x1x12544xf32, #tpu.memory_space<vmem>>, vector<1x1x128xf32>
    %get3A_1012 = vector.shape_cast %get3A_1011 : vector<1x1x128xf32> to vector<1x128xf32>
    %reduce_max3A_1013 = arith.constant dense<0xFF800000> : vector<128xf32>
    %reduce_max3A_1014 = vector.multi_reduction <maximumf>, %get3A_1002, %reduce_max3A_1013 [0] : vector<96x128xf32> to vector<128xf32>
    %broadcast_in_dim3A_1015 = vector.shape_cast %reduce_max3A_1014 : vector<128xf32> to vector<1x128xf32>
    %sub3A_1016 = vector.broadcast %broadcast_in_dim3A_1015 : vector<1x128xf32> to vector<96x128xf32>
    %sub3A_1017 = arith.subf %get3A_1002, %sub3A_1016 : vector<96x128xf32>
    %exp3A_1018 = math.exp %sub3A_1017 : vector<96x128xf32>
    %reduce_sum3A_1019 = arith.constant dense<0.000000e+00> : vector<128xf32>
    %reduce_sum3A_1020 = vector.multi_reduction <add>, %exp3A_1018, %reduce_sum3A_1019 [0] : vector<96x128xf32> to vector<128xf32>
    %broadcast_in_dim3A_1021 = vector.shape_cast %reduce_sum3A_1020 : vector<128xf32> to vector<1x128xf32>
    %div3A_1022 = arith.constant 1.000000e+00 : f32
    %div3A_1023 = vector.broadcast %div3A_1022 : f32 to vector<1x128xf32>
    %div3A_1024 = arith.divf %div3A_1023, %broadcast_in_dim3A_1021 : vector<1x128xf32>
    %mul3A_1025 = vector.broadcast %div3A_1024 : vector<1x128xf32> to vector<96x128xf32>
    %mul3A_1026 = arith.mulf %exp3A_1018, %mul3A_1025 : vector<96x128xf32>
    %eq3A_1027 = vector.broadcast %get3A_1007 : vector<1x128xi32> to vector<96x128xi32>
    %eq3A_1028 = arith.cmpi eq, %iota3A, %eq3A_1027 : vector<96x128xi32>
    %jit3A_1029 = arith.constant 0.000000e+00 : f32
    %broadcast_in_dim3A_1030 = vector.broadcast %jit3A_1029 : f32 to vector<96x128xf32>
    %select_n3A_1031 = arith.select %eq3A_1028, %mul3A_1026, %broadcast_in_dim3A_1030 : vector<96x128xi1>, vector<96x128xf32>
    %reduce_sum3A_1032 = arith.constant dense<0.000000e+00> : vector<128xf32>
    %reduce_sum3A_1033 = vector.multi_reduction <add>, %select_n3A_1031, %reduce_sum3A_1032 [0] : vector<96x128xf32> to vector<128xf32>
    %broadcast_in_dim3A_1034 = vector.shape_cast %reduce_sum3A_1033 : vector<128xf32> to vector<1x128xf32>
    %log3A_1035 = math.log %broadcast_in_dim3A_1034 : vector<1x128xf32>
    %mul3A_1036 = arith.mulf %log3A_1035, %get3A_1012 : vector<1x128xf32>
    %add3A_1037 = arith.addf %add3A_995, %select_n3A_1031 : vector<96x128xf32>
    %add3A_1038 = arith.addf %add3A_996, %mul3A_1026 : vector<96x128xf32>
    %add3A_1039 = arith.addf %add3A_997, %mul3A_1036 : vector<1x128xf32>
    %get3A_1040 = arith.constant 0 : index
    %get3A_1041 = arith.constant 0 : index
    %get3A_1042 = arith.constant 3200 : index
    %get3A_1043 = vector.load %arg2[%get3A_1040, %get3A_1041, %get3A_1042] : memref<1x96x12544xf32, #tpu.memory_space<vmem>>, vector<1x96x128xf32>
    %get3A_1044 = vector.shape_cast %get3A_1043 : vector<1x96x128xf32> to vector<96x128xf32>
    %get3A_1045 = arith.constant 0 : index
    %get3A_1046 = arith.constant 0 : index
    %get3A_1047 = arith.constant 3200 : index
    %get3A_1048 = vector.load %arg3[%get3A_1045, %get3A_1046, %get3A_1047] : memref<1x1x12544xi32, #tpu.memory_space<vmem>>, vector<1x1x128xi32>
    %get3A_1049 = vector.shape_cast %get3A_1048 : vector<1x1x128xi32> to vector<1x128xi32>
    %get3A_1050 = arith.constant 0 : index
    %get3A_1051 = arith.constant 0 : index
    %get3A_1052 = arith.constant 3200 : index
    %get3A_1053 = vector.load %arg4[%get3A_1050, %get3A_1051, %get3A_1052] : memref<1x1x12544xf32, #tpu.memory_space<vmem>>, vector<1x1x128xf32>
    %get3A_1054 = vector.shape_cast %get3A_1053 : vector<1x1x128xf32> to vector<1x128xf32>
    %reduce_max3A_1055 = arith.constant dense<0xFF800000> : vector<128xf32>
    %reduce_max3A_1056 = vector.multi_reduction <maximumf>, %get3A_1044, %reduce_max3A_1055 [0] : vector<96x128xf32> to vector<128xf32>
    %broadcast_in_dim3A_1057 = vector.shape_cast %reduce_max3A_1056 : vector<128xf32> to vector<1x128xf32>
    %sub3A_1058 = vector.broadcast %broadcast_in_dim3A_1057 : vector<1x128xf32> to vector<96x128xf32>
    %sub3A_1059 = arith.subf %get3A_1044, %sub3A_1058 : vector<96x128xf32>
    %exp3A_1060 = math.exp %sub3A_1059 : vector<96x128xf32>
    %reduce_sum3A_1061 = arith.constant dense<0.000000e+00> : vector<128xf32>
    %reduce_sum3A_1062 = vector.multi_reduction <add>, %exp3A_1060, %reduce_sum3A_1061 [0] : vector<96x128xf32> to vector<128xf32>
    %broadcast_in_dim3A_1063 = vector.shape_cast %reduce_sum3A_1062 : vector<128xf32> to vector<1x128xf32>
    %div3A_1064 = arith.constant 1.000000e+00 : f32
    %div3A_1065 = vector.broadcast %div3A_1064 : f32 to vector<1x128xf32>
    %div3A_1066 = arith.divf %div3A_1065, %broadcast_in_dim3A_1063 : vector<1x128xf32>
    %mul3A_1067 = vector.broadcast %div3A_1066 : vector<1x128xf32> to vector<96x128xf32>
    %mul3A_1068 = arith.mulf %exp3A_1060, %mul3A_1067 : vector<96x128xf32>
    %eq3A_1069 = vector.broadcast %get3A_1049 : vector<1x128xi32> to vector<96x128xi32>
    %eq3A_1070 = arith.cmpi eq, %iota3A, %eq3A_1069 : vector<96x128xi32>
    %jit3A_1071 = arith.constant 0.000000e+00 : f32
    %broadcast_in_dim3A_1072 = vector.broadcast %jit3A_1071 : f32 to vector<96x128xf32>
    %select_n3A_1073 = arith.select %eq3A_1070, %mul3A_1068, %broadcast_in_dim3A_1072 : vector<96x128xi1>, vector<96x128xf32>
    %reduce_sum3A_1074 = arith.constant dense<0.000000e+00> : vector<128xf32>
    %reduce_sum3A_1075 = vector.multi_reduction <add>, %select_n3A_1073, %reduce_sum3A_1074 [0] : vector<96x128xf32> to vector<128xf32>
    %broadcast_in_dim3A_1076 = vector.shape_cast %reduce_sum3A_1075 : vector<128xf32> to vector<1x128xf32>
    %log3A_1077 = math.log %broadcast_in_dim3A_1076 : vector<1x128xf32>
    %mul3A_1078 = arith.mulf %log3A_1077, %get3A_1054 : vector<1x128xf32>
    %add3A_1079 = arith.addf %add3A_1037, %select_n3A_1073 : vector<96x128xf32>
    %add3A_1080 = arith.addf %add3A_1038, %mul3A_1068 : vector<96x128xf32>
    %add3A_1081 = arith.addf %add3A_1039, %mul3A_1078 : vector<1x128xf32>
    %get3A_1082 = arith.constant 0 : index
    %get3A_1083 = arith.constant 0 : index
    %get3A_1084 = arith.constant 3328 : index
    %get3A_1085 = vector.load %arg2[%get3A_1082, %get3A_1083, %get3A_1084] : memref<1x96x12544xf32, #tpu.memory_space<vmem>>, vector<1x96x128xf32>
    %get3A_1086 = vector.shape_cast %get3A_1085 : vector<1x96x128xf32> to vector<96x128xf32>
    %get3A_1087 = arith.constant 0 : index
    %get3A_1088 = arith.constant 0 : index
    %get3A_1089 = arith.constant 3328 : index
    %get3A_1090 = vector.load %arg3[%get3A_1087, %get3A_1088, %get3A_1089] : memref<1x1x12544xi32, #tpu.memory_space<vmem>>, vector<1x1x128xi32>
    %get3A_1091 = vector.shape_cast %get3A_1090 : vector<1x1x128xi32> to vector<1x128xi32>
    %get3A_1092 = arith.constant 0 : index
    %get3A_1093 = arith.constant 0 : index
    %get3A_1094 = arith.constant 3328 : index
    %get3A_1095 = vector.load %arg4[%get3A_1092, %get3A_1093, %get3A_1094] : memref<1x1x12544xf32, #tpu.memory_space<vmem>>, vector<1x1x128xf32>
    %get3A_1096 = vector.shape_cast %get3A_1095 : vector<1x1x128xf32> to vector<1x128xf32>
    %reduce_max3A_1097 = arith.constant dense<0xFF800000> : vector<128xf32>
    %reduce_max3A_1098 = vector.multi_reduction <maximumf>, %get3A_1086, %reduce_max3A_1097 [0] : vector<96x128xf32> to vector<128xf32>
    %broadcast_in_dim3A_1099 = vector.shape_cast %reduce_max3A_1098 : vector<128xf32> to vector<1x128xf32>
    %sub3A_1100 = vector.broadcast %broadcast_in_dim3A_1099 : vector<1x128xf32> to vector<96x128xf32>
    %sub3A_1101 = arith.subf %get3A_1086, %sub3A_1100 : vector<96x128xf32>
    %exp3A_1102 = math.exp %sub3A_1101 : vector<96x128xf32>
    %reduce_sum3A_1103 = arith.constant dense<0.000000e+00> : vector<128xf32>
    %reduce_sum3A_1104 = vector.multi_reduction <add>, %exp3A_1102, %reduce_sum3A_1103 [0] : vector<96x128xf32> to vector<128xf32>
    %broadcast_in_dim3A_1105 = vector.shape_cast %reduce_sum3A_1104 : vector<128xf32> to vector<1x128xf32>
    %div3A_1106 = arith.constant 1.000000e+00 : f32
    %div3A_1107 = vector.broadcast %div3A_1106 : f32 to vector<1x128xf32>
    %div3A_1108 = arith.divf %div3A_1107, %broadcast_in_dim3A_1105 : vector<1x128xf32>
    %mul3A_1109 = vector.broadcast %div3A_1108 : vector<1x128xf32> to vector<96x128xf32>
    %mul3A_1110 = arith.mulf %exp3A_1102, %mul3A_1109 : vector<96x128xf32>
    %eq3A_1111 = vector.broadcast %get3A_1091 : vector<1x128xi32> to vector<96x128xi32>
    %eq3A_1112 = arith.cmpi eq, %iota3A, %eq3A_1111 : vector<96x128xi32>
    %jit3A_1113 = arith.constant 0.000000e+00 : f32
    %broadcast_in_dim3A_1114 = vector.broadcast %jit3A_1113 : f32 to vector<96x128xf32>
    %select_n3A_1115 = arith.select %eq3A_1112, %mul3A_1110, %broadcast_in_dim3A_1114 : vector<96x128xi1>, vector<96x128xf32>
    %reduce_sum3A_1116 = arith.constant dense<0.000000e+00> : vector<128xf32>
    %reduce_sum3A_1117 = vector.multi_reduction <add>, %select_n3A_1115, %reduce_sum3A_1116 [0] : vector<96x128xf32> to vector<128xf32>
    %broadcast_in_dim3A_1118 = vector.shape_cast %reduce_sum3A_1117 : vector<128xf32> to vector<1x128xf32>
    %log3A_1119 = math.log %broadcast_in_dim3A_1118 : vector<1x128xf32>
    %mul3A_1120 = arith.mulf %log3A_1119, %get3A_1096 : vector<1x128xf32>
    %add3A_1121 = arith.addf %add3A_1079, %select_n3A_1115 : vector<96x128xf32>
    %add3A_1122 = arith.addf %add3A_1080, %mul3A_1110 : vector<96x128xf32>
    %add3A_1123 = arith.addf %add3A_1081, %mul3A_1120 : vector<1x128xf32>
    %get3A_1124 = arith.constant 0 : index
    %get3A_1125 = arith.constant 0 : index
    %get3A_1126 = arith.constant 3456 : index
    %get3A_1127 = vector.load %arg2[%get3A_1124, %get3A_1125, %get3A_1126] : memref<1x96x12544xf32, #tpu.memory_space<vmem>>, vector<1x96x128xf32>
    %get3A_1128 = vector.shape_cast %get3A_1127 : vector<1x96x128xf32> to vector<96x128xf32>
    %get3A_1129 = arith.constant 0 : index
    %get3A_1130 = arith.constant 0 : index
    %get3A_1131 = arith.constant 3456 : index
    %get3A_1132 = vector.load %arg3[%get3A_1129, %get3A_1130, %get3A_1131] : memref<1x1x12544xi32, #tpu.memory_space<vmem>>, vector<1x1x128xi32>
    %get3A_1133 = vector.shape_cast %get3A_1132 : vector<1x1x128xi32> to vector<1x128xi32>
    %get3A_1134 = arith.constant 0 : index
    %get3A_1135 = arith.constant 0 : index
    %get3A_1136 = arith.constant 3456 : index
    %get3A_1137 = vector.load %arg4[%get3A_1134, %get3A_1135, %get3A_1136] : memref<1x1x12544xf32, #tpu.memory_space<vmem>>, vector<1x1x128xf32>
    %get3A_1138 = vector.shape_cast %get3A_1137 : vector<1x1x128xf32> to vector<1x128xf32>
    %reduce_max3A_1139 = arith.constant dense<0xFF800000> : vector<128xf32>
    %reduce_max3A_1140 = vector.multi_reduction <maximumf>, %get3A_1128, %reduce_max3A_1139 [0] : vector<96x128xf32> to vector<128xf32>
    %broadcast_in_dim3A_1141 = vector.shape_cast %reduce_max3A_1140 : vector<128xf32> to vector<1x128xf32>
    %sub3A_1142 = vector.broadcast %broadcast_in_dim3A_1141 : vector<1x128xf32> to vector<96x128xf32>
    %sub3A_1143 = arith.subf %get3A_1128, %sub3A_1142 : vector<96x128xf32>
    %exp3A_1144 = math.exp %sub3A_1143 : vector<96x128xf32>
    %reduce_sum3A_1145 = arith.constant dense<0.000000e+00> : vector<128xf32>
    %reduce_sum3A_1146 = vector.multi_reduction <add>, %exp3A_1144, %reduce_sum3A_1145 [0] : vector<96x128xf32> to vector<128xf32>
    %broadcast_in_dim3A_1147 = vector.shape_cast %reduce_sum3A_1146 : vector<128xf32> to vector<1x128xf32>
    %div3A_1148 = arith.constant 1.000000e+00 : f32
    %div3A_1149 = vector.broadcast %div3A_1148 : f32 to vector<1x128xf32>
    %div3A_1150 = arith.divf %div3A_1149, %broadcast_in_dim3A_1147 : vector<1x128xf32>
    %mul3A_1151 = vector.broadcast %div3A_1150 : vector<1x128xf32> to vector<96x128xf32>
    %mul3A_1152 = arith.mulf %exp3A_1144, %mul3A_1151 : vector<96x128xf32>
    %eq3A_1153 = vector.broadcast %get3A_1133 : vector<1x128xi32> to vector<96x128xi32>
    %eq3A_1154 = arith.cmpi eq, %iota3A, %eq3A_1153 : vector<96x128xi32>
    %jit3A_1155 = arith.constant 0.000000e+00 : f32
    %broadcast_in_dim3A_1156 = vector.broadcast %jit3A_1155 : f32 to vector<96x128xf32>
    %select_n3A_1157 = arith.select %eq3A_1154, %mul3A_1152, %broadcast_in_dim3A_1156 : vector<96x128xi1>, vector<96x128xf32>
    %reduce_sum3A_1158 = arith.constant dense<0.000000e+00> : vector<128xf32>
    %reduce_sum3A_1159 = vector.multi_reduction <add>, %select_n3A_1157, %reduce_sum3A_1158 [0] : vector<96x128xf32> to vector<128xf32>
    %broadcast_in_dim3A_1160 = vector.shape_cast %reduce_sum3A_1159 : vector<128xf32> to vector<1x128xf32>
    %log3A_1161 = math.log %broadcast_in_dim3A_1160 : vector<1x128xf32>
    %mul3A_1162 = arith.mulf %log3A_1161, %get3A_1138 : vector<1x128xf32>
    %add3A_1163 = arith.addf %add3A_1121, %select_n3A_1157 : vector<96x128xf32>
    %add3A_1164 = arith.addf %add3A_1122, %mul3A_1152 : vector<96x128xf32>
    %add3A_1165 = arith.addf %add3A_1123, %mul3A_1162 : vector<1x128xf32>
    %get3A_1166 = arith.constant 0 : index
    %get3A_1167 = arith.constant 0 : index
    %get3A_1168 = arith.constant 3584 : index
    %get3A_1169 = vector.load %arg2[%get3A_1166, %get3A_1167, %get3A_1168] : memref<1x96x12544xf32, #tpu.memory_space<vmem>>, vector<1x96x128xf32>
    %get3A_1170 = vector.shape_cast %get3A_1169 : vector<1x96x128xf32> to vector<96x128xf32>
    %get3A_1171 = arith.constant 0 : index
    %get3A_1172 = arith.constant 0 : index
    %get3A_1173 = arith.constant 3584 : index
    %get3A_1174 = vector.load %arg3[%get3A_1171, %get3A_1172, %get3A_1173] : memref<1x1x12544xi32, #tpu.memory_space<vmem>>, vector<1x1x128xi32>
    %get3A_1175 = vector.shape_cast %get3A_1174 : vector<1x1x128xi32> to vector<1x128xi32>
    %get3A_1176 = arith.constant 0 : index
    %get3A_1177 = arith.constant 0 : index
    %get3A_1178 = arith.constant 3584 : index
    %get3A_1179 = vector.load %arg4[%get3A_1176, %get3A_1177, %get3A_1178] : memref<1x1x12544xf32, #tpu.memory_space<vmem>>, vector<1x1x128xf32>
    %get3A_1180 = vector.shape_cast %get3A_1179 : vector<1x1x128xf32> to vector<1x128xf32>
    %reduce_max3A_1181 = arith.constant dense<0xFF800000> : vector<128xf32>
    %reduce_max3A_1182 = vector.multi_reduction <maximumf>, %get3A_1170, %reduce_max3A_1181 [0] : vector<96x128xf32> to vector<128xf32>
    %broadcast_in_dim3A_1183 = vector.shape_cast %reduce_max3A_1182 : vector<128xf32> to vector<1x128xf32>
    %sub3A_1184 = vector.broadcast %broadcast_in_dim3A_1183 : vector<1x128xf32> to vector<96x128xf32>
    %sub3A_1185 = arith.subf %get3A_1170, %sub3A_1184 : vector<96x128xf32>
    %exp3A_1186 = math.exp %sub3A_1185 : vector<96x128xf32>
    %reduce_sum3A_1187 = arith.constant dense<0.000000e+00> : vector<128xf32>
    %reduce_sum3A_1188 = vector.multi_reduction <add>, %exp3A_1186, %reduce_sum3A_1187 [0] : vector<96x128xf32> to vector<128xf32>
    %broadcast_in_dim3A_1189 = vector.shape_cast %reduce_sum3A_1188 : vector<128xf32> to vector<1x128xf32>
    %div3A_1190 = arith.constant 1.000000e+00 : f32
    %div3A_1191 = vector.broadcast %div3A_1190 : f32 to vector<1x128xf32>
    %div3A_1192 = arith.divf %div3A_1191, %broadcast_in_dim3A_1189 : vector<1x128xf32>
    %mul3A_1193 = vector.broadcast %div3A_1192 : vector<1x128xf32> to vector<96x128xf32>
    %mul3A_1194 = arith.mulf %exp3A_1186, %mul3A_1193 : vector<96x128xf32>
    %eq3A_1195 = vector.broadcast %get3A_1175 : vector<1x128xi32> to vector<96x128xi32>
    %eq3A_1196 = arith.cmpi eq, %iota3A, %eq3A_1195 : vector<96x128xi32>
    %jit3A_1197 = arith.constant 0.000000e+00 : f32
    %broadcast_in_dim3A_1198 = vector.broadcast %jit3A_1197 : f32 to vector<96x128xf32>
    %select_n3A_1199 = arith.select %eq3A_1196, %mul3A_1194, %broadcast_in_dim3A_1198 : vector<96x128xi1>, vector<96x128xf32>
    %reduce_sum3A_1200 = arith.constant dense<0.000000e+00> : vector<128xf32>
    %reduce_sum3A_1201 = vector.multi_reduction <add>, %select_n3A_1199, %reduce_sum3A_1200 [0] : vector<96x128xf32> to vector<128xf32>
    %broadcast_in_dim3A_1202 = vector.shape_cast %reduce_sum3A_1201 : vector<128xf32> to vector<1x128xf32>
    %log3A_1203 = math.log %broadcast_in_dim3A_1202 : vector<1x128xf32>
    %mul3A_1204 = arith.mulf %log3A_1203, %get3A_1180 : vector<1x128xf32>
    %add3A_1205 = arith.addf %add3A_1163, %select_n3A_1199 : vector<96x128xf32>
    %add3A_1206 = arith.addf %add3A_1164, %mul3A_1194 : vector<96x128xf32>
    %add3A_1207 = arith.addf %add3A_1165, %mul3A_1204 : vector<1x128xf32>
    %get3A_1208 = arith.constant 0 : index
    %get3A_1209 = arith.constant 0 : index
    %get3A_1210 = arith.constant 3712 : index
    %get3A_1211 = vector.load %arg2[%get3A_1208, %get3A_1209, %get3A_1210] : memref<1x96x12544xf32, #tpu.memory_space<vmem>>, vector<1x96x128xf32>
    %get3A_1212 = vector.shape_cast %get3A_1211 : vector<1x96x128xf32> to vector<96x128xf32>
    %get3A_1213 = arith.constant 0 : index
    %get3A_1214 = arith.constant 0 : index
    %get3A_1215 = arith.constant 3712 : index
    %get3A_1216 = vector.load %arg3[%get3A_1213, %get3A_1214, %get3A_1215] : memref<1x1x12544xi32, #tpu.memory_space<vmem>>, vector<1x1x128xi32>
    %get3A_1217 = vector.shape_cast %get3A_1216 : vector<1x1x128xi32> to vector<1x128xi32>
    %get3A_1218 = arith.constant 0 : index
    %get3A_1219 = arith.constant 0 : index
    %get3A_1220 = arith.constant 3712 : index
    %get3A_1221 = vector.load %arg4[%get3A_1218, %get3A_1219, %get3A_1220] : memref<1x1x12544xf32, #tpu.memory_space<vmem>>, vector<1x1x128xf32>
    %get3A_1222 = vector.shape_cast %get3A_1221 : vector<1x1x128xf32> to vector<1x128xf32>
    %reduce_max3A_1223 = arith.constant dense<0xFF800000> : vector<128xf32>
    %reduce_max3A_1224 = vector.multi_reduction <maximumf>, %get3A_1212, %reduce_max3A_1223 [0] : vector<96x128xf32> to vector<128xf32>
    %broadcast_in_dim3A_1225 = vector.shape_cast %reduce_max3A_1224 : vector<128xf32> to vector<1x128xf32>
    %sub3A_1226 = vector.broadcast %broadcast_in_dim3A_1225 : vector<1x128xf32> to vector<96x128xf32>
    %sub3A_1227 = arith.subf %get3A_1212, %sub3A_1226 : vector<96x128xf32>
    %exp3A_1228 = math.exp %sub3A_1227 : vector<96x128xf32>
    %reduce_sum3A_1229 = arith.constant dense<0.000000e+00> : vector<128xf32>
    %reduce_sum3A_1230 = vector.multi_reduction <add>, %exp3A_1228, %reduce_sum3A_1229 [0] : vector<96x128xf32> to vector<128xf32>
    %broadcast_in_dim3A_1231 = vector.shape_cast %reduce_sum3A_1230 : vector<128xf32> to vector<1x128xf32>
    %div3A_1232 = arith.constant 1.000000e+00 : f32
    %div3A_1233 = vector.broadcast %div3A_1232 : f32 to vector<1x128xf32>
    %div3A_1234 = arith.divf %div3A_1233, %broadcast_in_dim3A_1231 : vector<1x128xf32>
    %mul3A_1235 = vector.broadcast %div3A_1234 : vector<1x128xf32> to vector<96x128xf32>
    %mul3A_1236 = arith.mulf %exp3A_1228, %mul3A_1235 : vector<96x128xf32>
    %eq3A_1237 = vector.broadcast %get3A_1217 : vector<1x128xi32> to vector<96x128xi32>
    %eq3A_1238 = arith.cmpi eq, %iota3A, %eq3A_1237 : vector<96x128xi32>
    %jit3A_1239 = arith.constant 0.000000e+00 : f32
    %broadcast_in_dim3A_1240 = vector.broadcast %jit3A_1239 : f32 to vector<96x128xf32>
    %select_n3A_1241 = arith.select %eq3A_1238, %mul3A_1236, %broadcast_in_dim3A_1240 : vector<96x128xi1>, vector<96x128xf32>
    %reduce_sum3A_1242 = arith.constant dense<0.000000e+00> : vector<128xf32>
    %reduce_sum3A_1243 = vector.multi_reduction <add>, %select_n3A_1241, %reduce_sum3A_1242 [0] : vector<96x128xf32> to vector<128xf32>
    %broadcast_in_dim3A_1244 = vector.shape_cast %reduce_sum3A_1243 : vector<128xf32> to vector<1x128xf32>
    %log3A_1245 = math.log %broadcast_in_dim3A_1244 : vector<1x128xf32>
    %mul3A_1246 = arith.mulf %log3A_1245, %get3A_1222 : vector<1x128xf32>
    %add3A_1247 = arith.addf %add3A_1205, %select_n3A_1241 : vector<96x128xf32>
    %add3A_1248 = arith.addf %add3A_1206, %mul3A_1236 : vector<96x128xf32>
    %add3A_1249 = arith.addf %add3A_1207, %mul3A_1246 : vector<1x128xf32>
    %get3A_1250 = arith.constant 0 : index
    %get3A_1251 = arith.constant 0 : index
    %get3A_1252 = arith.constant 3840 : index
    %get3A_1253 = vector.load %arg2[%get3A_1250, %get3A_1251, %get3A_1252] : memref<1x96x12544xf32, #tpu.memory_space<vmem>>, vector<1x96x128xf32>
    %get3A_1254 = vector.shape_cast %get3A_1253 : vector<1x96x128xf32> to vector<96x128xf32>
    %get3A_1255 = arith.constant 0 : index
    %get3A_1256 = arith.constant 0 : index
    %get3A_1257 = arith.constant 3840 : index
    %get3A_1258 = vector.load %arg3[%get3A_1255, %get3A_1256, %get3A_1257] : memref<1x1x12544xi32, #tpu.memory_space<vmem>>, vector<1x1x128xi32>
    %get3A_1259 = vector.shape_cast %get3A_1258 : vector<1x1x128xi32> to vector<1x128xi32>
    %get3A_1260 = arith.constant 0 : index
    %get3A_1261 = arith.constant 0 : index
    %get3A_1262 = arith.constant 3840 : index
    %get3A_1263 = vector.load %arg4[%get3A_1260, %get3A_1261, %get3A_1262] : memref<1x1x12544xf32, #tpu.memory_space<vmem>>, vector<1x1x128xf32>
    %get3A_1264 = vector.shape_cast %get3A_1263 : vector<1x1x128xf32> to vector<1x128xf32>
    %reduce_max3A_1265 = arith.constant dense<0xFF800000> : vector<128xf32>
    %reduce_max3A_1266 = vector.multi_reduction <maximumf>, %get3A_1254, %reduce_max3A_1265 [0] : vector<96x128xf32> to vector<128xf32>
    %broadcast_in_dim3A_1267 = vector.shape_cast %reduce_max3A_1266 : vector<128xf32> to vector<1x128xf32>
    %sub3A_1268 = vector.broadcast %broadcast_in_dim3A_1267 : vector<1x128xf32> to vector<96x128xf32>
    %sub3A_1269 = arith.subf %get3A_1254, %sub3A_1268 : vector<96x128xf32>
    %exp3A_1270 = math.exp %sub3A_1269 : vector<96x128xf32>
    %reduce_sum3A_1271 = arith.constant dense<0.000000e+00> : vector<128xf32>
    %reduce_sum3A_1272 = vector.multi_reduction <add>, %exp3A_1270, %reduce_sum3A_1271 [0] : vector<96x128xf32> to vector<128xf32>
    %broadcast_in_dim3A_1273 = vector.shape_cast %reduce_sum3A_1272 : vector<128xf32> to vector<1x128xf32>
    %div3A_1274 = arith.constant 1.000000e+00 : f32
    %div3A_1275 = vector.broadcast %div3A_1274 : f32 to vector<1x128xf32>
    %div3A_1276 = arith.divf %div3A_1275, %broadcast_in_dim3A_1273 : vector<1x128xf32>
    %mul3A_1277 = vector.broadcast %div3A_1276 : vector<1x128xf32> to vector<96x128xf32>
    %mul3A_1278 = arith.mulf %exp3A_1270, %mul3A_1277 : vector<96x128xf32>
    %eq3A_1279 = vector.broadcast %get3A_1259 : vector<1x128xi32> to vector<96x128xi32>
    %eq3A_1280 = arith.cmpi eq, %iota3A, %eq3A_1279 : vector<96x128xi32>
    %jit3A_1281 = arith.constant 0.000000e+00 : f32
    %broadcast_in_dim3A_1282 = vector.broadcast %jit3A_1281 : f32 to vector<96x128xf32>
    %select_n3A_1283 = arith.select %eq3A_1280, %mul3A_1278, %broadcast_in_dim3A_1282 : vector<96x128xi1>, vector<96x128xf32>
    %reduce_sum3A_1284 = arith.constant dense<0.000000e+00> : vector<128xf32>
    %reduce_sum3A_1285 = vector.multi_reduction <add>, %select_n3A_1283, %reduce_sum3A_1284 [0] : vector<96x128xf32> to vector<128xf32>
    %broadcast_in_dim3A_1286 = vector.shape_cast %reduce_sum3A_1285 : vector<128xf32> to vector<1x128xf32>
    %log3A_1287 = math.log %broadcast_in_dim3A_1286 : vector<1x128xf32>
    %mul3A_1288 = arith.mulf %log3A_1287, %get3A_1264 : vector<1x128xf32>
    %add3A_1289 = arith.addf %add3A_1247, %select_n3A_1283 : vector<96x128xf32>
    %add3A_1290 = arith.addf %add3A_1248, %mul3A_1278 : vector<96x128xf32>
    %add3A_1291 = arith.addf %add3A_1249, %mul3A_1288 : vector<1x128xf32>
    %get3A_1292 = arith.constant 0 : index
    %get3A_1293 = arith.constant 0 : index
    %get3A_1294 = arith.constant 3968 : index
    %get3A_1295 = vector.load %arg2[%get3A_1292, %get3A_1293, %get3A_1294] : memref<1x96x12544xf32, #tpu.memory_space<vmem>>, vector<1x96x128xf32>
    %get3A_1296 = vector.shape_cast %get3A_1295 : vector<1x96x128xf32> to vector<96x128xf32>
    %get3A_1297 = arith.constant 0 : index
    %get3A_1298 = arith.constant 0 : index
    %get3A_1299 = arith.constant 3968 : index
    %get3A_1300 = vector.load %arg3[%get3A_1297, %get3A_1298, %get3A_1299] : memref<1x1x12544xi32, #tpu.memory_space<vmem>>, vector<1x1x128xi32>
    %get3A_1301 = vector.shape_cast %get3A_1300 : vector<1x1x128xi32> to vector<1x128xi32>
    %get3A_1302 = arith.constant 0 : index
    %get3A_1303 = arith.constant 0 : index
    %get3A_1304 = arith.constant 3968 : index
    %get3A_1305 = vector.load %arg4[%get3A_1302, %get3A_1303, %get3A_1304] : memref<1x1x12544xf32, #tpu.memory_space<vmem>>, vector<1x1x128xf32>
    %get3A_1306 = vector.shape_cast %get3A_1305 : vector<1x1x128xf32> to vector<1x128xf32>
    %reduce_max3A_1307 = arith.constant dense<0xFF800000> : vector<128xf32>
    %reduce_max3A_1308 = vector.multi_reduction <maximumf>, %get3A_1296, %reduce_max3A_1307 [0] : vector<96x128xf32> to vector<128xf32>
    %broadcast_in_dim3A_1309 = vector.shape_cast %reduce_max3A_1308 : vector<128xf32> to vector<1x128xf32>
    %sub3A_1310 = vector.broadcast %broadcast_in_dim3A_1309 : vector<1x128xf32> to vector<96x128xf32>
    %sub3A_1311 = arith.subf %get3A_1296, %sub3A_1310 : vector<96x128xf32>
    %exp3A_1312 = math.exp %sub3A_1311 : vector<96x128xf32>
    %reduce_sum3A_1313 = arith.constant dense<0.000000e+00> : vector<128xf32>
    %reduce_sum3A_1314 = vector.multi_reduction <add>, %exp3A_1312, %reduce_sum3A_1313 [0] : vector<96x128xf32> to vector<128xf32>
    %broadcast_in_dim3A_1315 = vector.shape_cast %reduce_sum3A_1314 : vector<128xf32> to vector<1x128xf32>
    %div3A_1316 = arith.constant 1.000000e+00 : f32
    %div3A_1317 = vector.broadcast %div3A_1316 : f32 to vector<1x128xf32>
    %div3A_1318 = arith.divf %div3A_1317, %broadcast_in_dim3A_1315 : vector<1x128xf32>
    %mul3A_1319 = vector.broadcast %div3A_1318 : vector<1x128xf32> to vector<96x128xf32>
    %mul3A_1320 = arith.mulf %exp3A_1312, %mul3A_1319 : vector<96x128xf32>
    %eq3A_1321 = vector.broadcast %get3A_1301 : vector<1x128xi32> to vector<96x128xi32>
    %eq3A_1322 = arith.cmpi eq, %iota3A, %eq3A_1321 : vector<96x128xi32>
    %jit3A_1323 = arith.constant 0.000000e+00 : f32
    %broadcast_in_dim3A_1324 = vector.broadcast %jit3A_1323 : f32 to vector<96x128xf32>
    %select_n3A_1325 = arith.select %eq3A_1322, %mul3A_1320, %broadcast_in_dim3A_1324 : vector<96x128xi1>, vector<96x128xf32>
    %reduce_sum3A_1326 = arith.constant dense<0.000000e+00> : vector<128xf32>
    %reduce_sum3A_1327 = vector.multi_reduction <add>, %select_n3A_1325, %reduce_sum3A_1326 [0] : vector<96x128xf32> to vector<128xf32>
    %broadcast_in_dim3A_1328 = vector.shape_cast %reduce_sum3A_1327 : vector<128xf32> to vector<1x128xf32>
    %log3A_1329 = math.log %broadcast_in_dim3A_1328 : vector<1x128xf32>
    %mul3A_1330 = arith.mulf %log3A_1329, %get3A_1306 : vector<1x128xf32>
    %add3A_1331 = arith.addf %add3A_1289, %select_n3A_1325 : vector<96x128xf32>
    %add3A_1332 = arith.addf %add3A_1290, %mul3A_1320 : vector<96x128xf32>
    %add3A_1333 = arith.addf %add3A_1291, %mul3A_1330 : vector<1x128xf32>
    %get3A_1334 = arith.constant 0 : index
    %get3A_1335 = arith.constant 0 : index
    %get3A_1336 = arith.constant 4096 : index
    %get3A_1337 = vector.load %arg2[%get3A_1334, %get3A_1335, %get3A_1336] : memref<1x96x12544xf32, #tpu.memory_space<vmem>>, vector<1x96x128xf32>
    %get3A_1338 = vector.shape_cast %get3A_1337 : vector<1x96x128xf32> to vector<96x128xf32>
    %get3A_1339 = arith.constant 0 : index
    %get3A_1340 = arith.constant 0 : index
    %get3A_1341 = arith.constant 4096 : index
    %get3A_1342 = vector.load %arg3[%get3A_1339, %get3A_1340, %get3A_1341] : memref<1x1x12544xi32, #tpu.memory_space<vmem>>, vector<1x1x128xi32>
    %get3A_1343 = vector.shape_cast %get3A_1342 : vector<1x1x128xi32> to vector<1x128xi32>
    %get3A_1344 = arith.constant 0 : index
    %get3A_1345 = arith.constant 0 : index
    %get3A_1346 = arith.constant 4096 : index
    %get3A_1347 = vector.load %arg4[%get3A_1344, %get3A_1345, %get3A_1346] : memref<1x1x12544xf32, #tpu.memory_space<vmem>>, vector<1x1x128xf32>
    %get3A_1348 = vector.shape_cast %get3A_1347 : vector<1x1x128xf32> to vector<1x128xf32>
    %reduce_max3A_1349 = arith.constant dense<0xFF800000> : vector<128xf32>
    %reduce_max3A_1350 = vector.multi_reduction <maximumf>, %get3A_1338, %reduce_max3A_1349 [0] : vector<96x128xf32> to vector<128xf32>
    %broadcast_in_dim3A_1351 = vector.shape_cast %reduce_max3A_1350 : vector<128xf32> to vector<1x128xf32>
    %sub3A_1352 = vector.broadcast %broadcast_in_dim3A_1351 : vector<1x128xf32> to vector<96x128xf32>
    %sub3A_1353 = arith.subf %get3A_1338, %sub3A_1352 : vector<96x128xf32>
    %exp3A_1354 = math.exp %sub3A_1353 : vector<96x128xf32>
    %reduce_sum3A_1355 = arith.constant dense<0.000000e+00> : vector<128xf32>
    %reduce_sum3A_1356 = vector.multi_reduction <add>, %exp3A_1354, %reduce_sum3A_1355 [0] : vector<96x128xf32> to vector<128xf32>
    %broadcast_in_dim3A_1357 = vector.shape_cast %reduce_sum3A_1356 : vector<128xf32> to vector<1x128xf32>
    %div3A_1358 = arith.constant 1.000000e+00 : f32
    %div3A_1359 = vector.broadcast %div3A_1358 : f32 to vector<1x128xf32>
    %div3A_1360 = arith.divf %div3A_1359, %broadcast_in_dim3A_1357 : vector<1x128xf32>
    %mul3A_1361 = vector.broadcast %div3A_1360 : vector<1x128xf32> to vector<96x128xf32>
    %mul3A_1362 = arith.mulf %exp3A_1354, %mul3A_1361 : vector<96x128xf32>
    %eq3A_1363 = vector.broadcast %get3A_1343 : vector<1x128xi32> to vector<96x128xi32>
    %eq3A_1364 = arith.cmpi eq, %iota3A, %eq3A_1363 : vector<96x128xi32>
    %jit3A_1365 = arith.constant 0.000000e+00 : f32
    %broadcast_in_dim3A_1366 = vector.broadcast %jit3A_1365 : f32 to vector<96x128xf32>
    %select_n3A_1367 = arith.select %eq3A_1364, %mul3A_1362, %broadcast_in_dim3A_1366 : vector<96x128xi1>, vector<96x128xf32>
    %reduce_sum3A_1368 = arith.constant dense<0.000000e+00> : vector<128xf32>
    %reduce_sum3A_1369 = vector.multi_reduction <add>, %select_n3A_1367, %reduce_sum3A_1368 [0] : vector<96x128xf32> to vector<128xf32>
    %broadcast_in_dim3A_1370 = vector.shape_cast %reduce_sum3A_1369 : vector<128xf32> to vector<1x128xf32>
    %log3A_1371 = math.log %broadcast_in_dim3A_1370 : vector<1x128xf32>
    %mul3A_1372 = arith.mulf %log3A_1371, %get3A_1348 : vector<1x128xf32>
    %add3A_1373 = arith.addf %add3A_1331, %select_n3A_1367 : vector<96x128xf32>
    %add3A_1374 = arith.addf %add3A_1332, %mul3A_1362 : vector<96x128xf32>
    %add3A_1375 = arith.addf %add3A_1333, %mul3A_1372 : vector<1x128xf32>
    %get3A_1376 = arith.constant 0 : index
    %get3A_1377 = arith.constant 0 : index
    %get3A_1378 = arith.constant 4224 : index
    %get3A_1379 = vector.load %arg2[%get3A_1376, %get3A_1377, %get3A_1378] : memref<1x96x12544xf32, #tpu.memory_space<vmem>>, vector<1x96x128xf32>
    %get3A_1380 = vector.shape_cast %get3A_1379 : vector<1x96x128xf32> to vector<96x128xf32>
    %get3A_1381 = arith.constant 0 : index
    %get3A_1382 = arith.constant 0 : index
    %get3A_1383 = arith.constant 4224 : index
    %get3A_1384 = vector.load %arg3[%get3A_1381, %get3A_1382, %get3A_1383] : memref<1x1x12544xi32, #tpu.memory_space<vmem>>, vector<1x1x128xi32>
    %get3A_1385 = vector.shape_cast %get3A_1384 : vector<1x1x128xi32> to vector<1x128xi32>
    %get3A_1386 = arith.constant 0 : index
    %get3A_1387 = arith.constant 0 : index
    %get3A_1388 = arith.constant 4224 : index
    %get3A_1389 = vector.load %arg4[%get3A_1386, %get3A_1387, %get3A_1388] : memref<1x1x12544xf32, #tpu.memory_space<vmem>>, vector<1x1x128xf32>
    %get3A_1390 = vector.shape_cast %get3A_1389 : vector<1x1x128xf32> to vector<1x128xf32>
    %reduce_max3A_1391 = arith.constant dense<0xFF800000> : vector<128xf32>
    %reduce_max3A_1392 = vector.multi_reduction <maximumf>, %get3A_1380, %reduce_max3A_1391 [0] : vector<96x128xf32> to vector<128xf32>
    %broadcast_in_dim3A_1393 = vector.shape_cast %reduce_max3A_1392 : vector<128xf32> to vector<1x128xf32>
    %sub3A_1394 = vector.broadcast %broadcast_in_dim3A_1393 : vector<1x128xf32> to vector<96x128xf32>
    %sub3A_1395 = arith.subf %get3A_1380, %sub3A_1394 : vector<96x128xf32>
    %exp3A_1396 = math.exp %sub3A_1395 : vector<96x128xf32>
    %reduce_sum3A_1397 = arith.constant dense<0.000000e+00> : vector<128xf32>
    %reduce_sum3A_1398 = vector.multi_reduction <add>, %exp3A_1396, %reduce_sum3A_1397 [0] : vector<96x128xf32> to vector<128xf32>
    %broadcast_in_dim3A_1399 = vector.shape_cast %reduce_sum3A_1398 : vector<128xf32> to vector<1x128xf32>
    %div3A_1400 = arith.constant 1.000000e+00 : f32
    %div3A_1401 = vector.broadcast %div3A_1400 : f32 to vector<1x128xf32>
    %div3A_1402 = arith.divf %div3A_1401, %broadcast_in_dim3A_1399 : vector<1x128xf32>
    %mul3A_1403 = vector.broadcast %div3A_1402 : vector<1x128xf32> to vector<96x128xf32>
    %mul3A_1404 = arith.mulf %exp3A_1396, %mul3A_1403 : vector<96x128xf32>
    %eq3A_1405 = vector.broadcast %get3A_1385 : vector<1x128xi32> to vector<96x128xi32>
    %eq3A_1406 = arith.cmpi eq, %iota3A, %eq3A_1405 : vector<96x128xi32>
    %jit3A_1407 = arith.constant 0.000000e+00 : f32
    %broadcast_in_dim3A_1408 = vector.broadcast %jit3A_1407 : f32 to vector<96x128xf32>
    %select_n3A_1409 = arith.select %eq3A_1406, %mul3A_1404, %broadcast_in_dim3A_1408 : vector<96x128xi1>, vector<96x128xf32>
    %reduce_sum3A_1410 = arith.constant dense<0.000000e+00> : vector<128xf32>
    %reduce_sum3A_1411 = vector.multi_reduction <add>, %select_n3A_1409, %reduce_sum3A_1410 [0] : vector<96x128xf32> to vector<128xf32>
    %broadcast_in_dim3A_1412 = vector.shape_cast %reduce_sum3A_1411 : vector<128xf32> to vector<1x128xf32>
    %log3A_1413 = math.log %broadcast_in_dim3A_1412 : vector<1x128xf32>
    %mul3A_1414 = arith.mulf %log3A_1413, %get3A_1390 : vector<1x128xf32>
    %add3A_1415 = arith.addf %add3A_1373, %select_n3A_1409 : vector<96x128xf32>
    %add3A_1416 = arith.addf %add3A_1374, %mul3A_1404 : vector<96x128xf32>
    %add3A_1417 = arith.addf %add3A_1375, %mul3A_1414 : vector<1x128xf32>
    %get3A_1418 = arith.constant 0 : index
    %get3A_1419 = arith.constant 0 : index
    %get3A_1420 = arith.constant 4352 : index
    %get3A_1421 = vector.load %arg2[%get3A_1418, %get3A_1419, %get3A_1420] : memref<1x96x12544xf32, #tpu.memory_space<vmem>>, vector<1x96x128xf32>
    %get3A_1422 = vector.shape_cast %get3A_1421 : vector<1x96x128xf32> to vector<96x128xf32>
    %get3A_1423 = arith.constant 0 : index
    %get3A_1424 = arith.constant 0 : index
    %get3A_1425 = arith.constant 4352 : index
    %get3A_1426 = vector.load %arg3[%get3A_1423, %get3A_1424, %get3A_1425] : memref<1x1x12544xi32, #tpu.memory_space<vmem>>, vector<1x1x128xi32>
    %get3A_1427 = vector.shape_cast %get3A_1426 : vector<1x1x128xi32> to vector<1x128xi32>
    %get3A_1428 = arith.constant 0 : index
    %get3A_1429 = arith.constant 0 : index
    %get3A_1430 = arith.constant 4352 : index
    %get3A_1431 = vector.load %arg4[%get3A_1428, %get3A_1429, %get3A_1430] : memref<1x1x12544xf32, #tpu.memory_space<vmem>>, vector<1x1x128xf32>
    %get3A_1432 = vector.shape_cast %get3A_1431 : vector<1x1x128xf32> to vector<1x128xf32>
    %reduce_max3A_1433 = arith.constant dense<0xFF800000> : vector<128xf32>
    %reduce_max3A_1434 = vector.multi_reduction <maximumf>, %get3A_1422, %reduce_max3A_1433 [0] : vector<96x128xf32> to vector<128xf32>
    %broadcast_in_dim3A_1435 = vector.shape_cast %reduce_max3A_1434 : vector<128xf32> to vector<1x128xf32>
    %sub3A_1436 = vector.broadcast %broadcast_in_dim3A_1435 : vector<1x128xf32> to vector<96x128xf32>
    %sub3A_1437 = arith.subf %get3A_1422, %sub3A_1436 : vector<96x128xf32>
    %exp3A_1438 = math.exp %sub3A_1437 : vector<96x128xf32>
    %reduce_sum3A_1439 = arith.constant dense<0.000000e+00> : vector<128xf32>
    %reduce_sum3A_1440 = vector.multi_reduction <add>, %exp3A_1438, %reduce_sum3A_1439 [0] : vector<96x128xf32> to vector<128xf32>
    %broadcast_in_dim3A_1441 = vector.shape_cast %reduce_sum3A_1440 : vector<128xf32> to vector<1x128xf32>
    %div3A_1442 = arith.constant 1.000000e+00 : f32
    %div3A_1443 = vector.broadcast %div3A_1442 : f32 to vector<1x128xf32>
    %div3A_1444 = arith.divf %div3A_1443, %broadcast_in_dim3A_1441 : vector<1x128xf32>
    %mul3A_1445 = vector.broadcast %div3A_1444 : vector<1x128xf32> to vector<96x128xf32>
    %mul3A_1446 = arith.mulf %exp3A_1438, %mul3A_1445 : vector<96x128xf32>
    %eq3A_1447 = vector.broadcast %get3A_1427 : vector<1x128xi32> to vector<96x128xi32>
    %eq3A_1448 = arith.cmpi eq, %iota3A, %eq3A_1447 : vector<96x128xi32>
    %jit3A_1449 = arith.constant 0.000000e+00 : f32
    %broadcast_in_dim3A_1450 = vector.broadcast %jit3A_1449 : f32 to vector<96x128xf32>
    %select_n3A_1451 = arith.select %eq3A_1448, %mul3A_1446, %broadcast_in_dim3A_1450 : vector<96x128xi1>, vector<96x128xf32>
    %reduce_sum3A_1452 = arith.constant dense<0.000000e+00> : vector<128xf32>
    %reduce_sum3A_1453 = vector.multi_reduction <add>, %select_n3A_1451, %reduce_sum3A_1452 [0] : vector<96x128xf32> to vector<128xf32>
    %broadcast_in_dim3A_1454 = vector.shape_cast %reduce_sum3A_1453 : vector<128xf32> to vector<1x128xf32>
    %log3A_1455 = math.log %broadcast_in_dim3A_1454 : vector<1x128xf32>
    %mul3A_1456 = arith.mulf %log3A_1455, %get3A_1432 : vector<1x128xf32>
    %add3A_1457 = arith.addf %add3A_1415, %select_n3A_1451 : vector<96x128xf32>
    %add3A_1458 = arith.addf %add3A_1416, %mul3A_1446 : vector<96x128xf32>
    %add3A_1459 = arith.addf %add3A_1417, %mul3A_1456 : vector<1x128xf32>
    %get3A_1460 = arith.constant 0 : index
    %get3A_1461 = arith.constant 0 : index
    %get3A_1462 = arith.constant 4480 : index
    %get3A_1463 = vector.load %arg2[%get3A_1460, %get3A_1461, %get3A_1462] : memref<1x96x12544xf32, #tpu.memory_space<vmem>>, vector<1x96x128xf32>
    %get3A_1464 = vector.shape_cast %get3A_1463 : vector<1x96x128xf32> to vector<96x128xf32>
    %get3A_1465 = arith.constant 0 : index
    %get3A_1466 = arith.constant 0 : index
    %get3A_1467 = arith.constant 4480 : index
    %get3A_1468 = vector.load %arg3[%get3A_1465, %get3A_1466, %get3A_1467] : memref<1x1x12544xi32, #tpu.memory_space<vmem>>, vector<1x1x128xi32>
    %get3A_1469 = vector.shape_cast %get3A_1468 : vector<1x1x128xi32> to vector<1x128xi32>
    %get3A_1470 = arith.constant 0 : index
    %get3A_1471 = arith.constant 0 : index
    %get3A_1472 = arith.constant 4480 : index
    %get3A_1473 = vector.load %arg4[%get3A_1470, %get3A_1471, %get3A_1472] : memref<1x1x12544xf32, #tpu.memory_space<vmem>>, vector<1x1x128xf32>
    %get3A_1474 = vector.shape_cast %get3A_1473 : vector<1x1x128xf32> to vector<1x128xf32>
    %reduce_max3A_1475 = arith.constant dense<0xFF800000> : vector<128xf32>
    %reduce_max3A_1476 = vector.multi_reduction <maximumf>, %get3A_1464, %reduce_max3A_1475 [0] : vector<96x128xf32> to vector<128xf32>
    %broadcast_in_dim3A_1477 = vector.shape_cast %reduce_max3A_1476 : vector<128xf32> to vector<1x128xf32>
    %sub3A_1478 = vector.broadcast %broadcast_in_dim3A_1477 : vector<1x128xf32> to vector<96x128xf32>
    %sub3A_1479 = arith.subf %get3A_1464, %sub3A_1478 : vector<96x128xf32>
    %exp3A_1480 = math.exp %sub3A_1479 : vector<96x128xf32>
    %reduce_sum3A_1481 = arith.constant dense<0.000000e+00> : vector<128xf32>
    %reduce_sum3A_1482 = vector.multi_reduction <add>, %exp3A_1480, %reduce_sum3A_1481 [0] : vector<96x128xf32> to vector<128xf32>
    %broadcast_in_dim3A_1483 = vector.shape_cast %reduce_sum3A_1482 : vector<128xf32> to vector<1x128xf32>
    %div3A_1484 = arith.constant 1.000000e+00 : f32
    %div3A_1485 = vector.broadcast %div3A_1484 : f32 to vector<1x128xf32>
    %div3A_1486 = arith.divf %div3A_1485, %broadcast_in_dim3A_1483 : vector<1x128xf32>
    %mul3A_1487 = vector.broadcast %div3A_1486 : vector<1x128xf32> to vector<96x128xf32>
    %mul3A_1488 = arith.mulf %exp3A_1480, %mul3A_1487 : vector<96x128xf32>
    %eq3A_1489 = vector.broadcast %get3A_1469 : vector<1x128xi32> to vector<96x128xi32>
    %eq3A_1490 = arith.cmpi eq, %iota3A, %eq3A_1489 : vector<96x128xi32>
    %jit3A_1491 = arith.constant 0.000000e+00 : f32
    %broadcast_in_dim3A_1492 = vector.broadcast %jit3A_1491 : f32 to vector<96x128xf32>
    %select_n3A_1493 = arith.select %eq3A_1490, %mul3A_1488, %broadcast_in_dim3A_1492 : vector<96x128xi1>, vector<96x128xf32>
    %reduce_sum3A_1494 = arith.constant dense<0.000000e+00> : vector<128xf32>
    %reduce_sum3A_1495 = vector.multi_reduction <add>, %select_n3A_1493, %reduce_sum3A_1494 [0] : vector<96x128xf32> to vector<128xf32>
    %broadcast_in_dim3A_1496 = vector.shape_cast %reduce_sum3A_1495 : vector<128xf32> to vector<1x128xf32>
    %log3A_1497 = math.log %broadcast_in_dim3A_1496 : vector<1x128xf32>
    %mul3A_1498 = arith.mulf %log3A_1497, %get3A_1474 : vector<1x128xf32>
    %add3A_1499 = arith.addf %add3A_1457, %select_n3A_1493 : vector<96x128xf32>
    %add3A_1500 = arith.addf %add3A_1458, %mul3A_1488 : vector<96x128xf32>
    %add3A_1501 = arith.addf %add3A_1459, %mul3A_1498 : vector<1x128xf32>
    %get3A_1502 = arith.constant 0 : index
    %get3A_1503 = arith.constant 0 : index
    %get3A_1504 = arith.constant 4608 : index
    %get3A_1505 = vector.load %arg2[%get3A_1502, %get3A_1503, %get3A_1504] : memref<1x96x12544xf32, #tpu.memory_space<vmem>>, vector<1x96x128xf32>
    %get3A_1506 = vector.shape_cast %get3A_1505 : vector<1x96x128xf32> to vector<96x128xf32>
    %get3A_1507 = arith.constant 0 : index
    %get3A_1508 = arith.constant 0 : index
    %get3A_1509 = arith.constant 4608 : index
    %get3A_1510 = vector.load %arg3[%get3A_1507, %get3A_1508, %get3A_1509] : memref<1x1x12544xi32, #tpu.memory_space<vmem>>, vector<1x1x128xi32>
    %get3A_1511 = vector.shape_cast %get3A_1510 : vector<1x1x128xi32> to vector<1x128xi32>
    %get3A_1512 = arith.constant 0 : index
    %get3A_1513 = arith.constant 0 : index
    %get3A_1514 = arith.constant 4608 : index
    %get3A_1515 = vector.load %arg4[%get3A_1512, %get3A_1513, %get3A_1514] : memref<1x1x12544xf32, #tpu.memory_space<vmem>>, vector<1x1x128xf32>
    %get3A_1516 = vector.shape_cast %get3A_1515 : vector<1x1x128xf32> to vector<1x128xf32>
    %reduce_max3A_1517 = arith.constant dense<0xFF800000> : vector<128xf32>
    %reduce_max3A_1518 = vector.multi_reduction <maximumf>, %get3A_1506, %reduce_max3A_1517 [0] : vector<96x128xf32> to vector<128xf32>
    %broadcast_in_dim3A_1519 = vector.shape_cast %reduce_max3A_1518 : vector<128xf32> to vector<1x128xf32>
    %sub3A_1520 = vector.broadcast %broadcast_in_dim3A_1519 : vector<1x128xf32> to vector<96x128xf32>
    %sub3A_1521 = arith.subf %get3A_1506, %sub3A_1520 : vector<96x128xf32>
    %exp3A_1522 = math.exp %sub3A_1521 : vector<96x128xf32>
    %reduce_sum3A_1523 = arith.constant dense<0.000000e+00> : vector<128xf32>
    %reduce_sum3A_1524 = vector.multi_reduction <add>, %exp3A_1522, %reduce_sum3A_1523 [0] : vector<96x128xf32> to vector<128xf32>
    %broadcast_in_dim3A_1525 = vector.shape_cast %reduce_sum3A_1524 : vector<128xf32> to vector<1x128xf32>
    %div3A_1526 = arith.constant 1.000000e+00 : f32
    %div3A_1527 = vector.broadcast %div3A_1526 : f32 to vector<1x128xf32>
    %div3A_1528 = arith.divf %div3A_1527, %broadcast_in_dim3A_1525 : vector<1x128xf32>
    %mul3A_1529 = vector.broadcast %div3A_1528 : vector<1x128xf32> to vector<96x128xf32>
    %mul3A_1530 = arith.mulf %exp3A_1522, %mul3A_1529 : vector<96x128xf32>
    %eq3A_1531 = vector.broadcast %get3A_1511 : vector<1x128xi32> to vector<96x128xi32>
    %eq3A_1532 = arith.cmpi eq, %iota3A, %eq3A_1531 : vector<96x128xi32>
    %jit3A_1533 = arith.constant 0.000000e+00 : f32
    %broadcast_in_dim3A_1534 = vector.broadcast %jit3A_1533 : f32 to vector<96x128xf32>
    %select_n3A_1535 = arith.select %eq3A_1532, %mul3A_1530, %broadcast_in_dim3A_1534 : vector<96x128xi1>, vector<96x128xf32>
    %reduce_sum3A_1536 = arith.constant dense<0.000000e+00> : vector<128xf32>
    %reduce_sum3A_1537 = vector.multi_reduction <add>, %select_n3A_1535, %reduce_sum3A_1536 [0] : vector<96x128xf32> to vector<128xf32>
    %broadcast_in_dim3A_1538 = vector.shape_cast %reduce_sum3A_1537 : vector<128xf32> to vector<1x128xf32>
    %log3A_1539 = math.log %broadcast_in_dim3A_1538 : vector<1x128xf32>
    %mul3A_1540 = arith.mulf %log3A_1539, %get3A_1516 : vector<1x128xf32>
    %add3A_1541 = arith.addf %add3A_1499, %select_n3A_1535 : vector<96x128xf32>
    %add3A_1542 = arith.addf %add3A_1500, %mul3A_1530 : vector<96x128xf32>
    %add3A_1543 = arith.addf %add3A_1501, %mul3A_1540 : vector<1x128xf32>
    %get3A_1544 = arith.constant 0 : index
    %get3A_1545 = arith.constant 0 : index
    %get3A_1546 = arith.constant 4736 : index
    %get3A_1547 = vector.load %arg2[%get3A_1544, %get3A_1545, %get3A_1546] : memref<1x96x12544xf32, #tpu.memory_space<vmem>>, vector<1x96x128xf32>
    %get3A_1548 = vector.shape_cast %get3A_1547 : vector<1x96x128xf32> to vector<96x128xf32>
    %get3A_1549 = arith.constant 0 : index
    %get3A_1550 = arith.constant 0 : index
    %get3A_1551 = arith.constant 4736 : index
    %get3A_1552 = vector.load %arg3[%get3A_1549, %get3A_1550, %get3A_1551] : memref<1x1x12544xi32, #tpu.memory_space<vmem>>, vector<1x1x128xi32>
    %get3A_1553 = vector.shape_cast %get3A_1552 : vector<1x1x128xi32> to vector<1x128xi32>
    %get3A_1554 = arith.constant 0 : index
    %get3A_1555 = arith.constant 0 : index
    %get3A_1556 = arith.constant 4736 : index
    %get3A_1557 = vector.load %arg4[%get3A_1554, %get3A_1555, %get3A_1556] : memref<1x1x12544xf32, #tpu.memory_space<vmem>>, vector<1x1x128xf32>
    %get3A_1558 = vector.shape_cast %get3A_1557 : vector<1x1x128xf32> to vector<1x128xf32>
    %reduce_max3A_1559 = arith.constant dense<0xFF800000> : vector<128xf32>
    %reduce_max3A_1560 = vector.multi_reduction <maximumf>, %get3A_1548, %reduce_max3A_1559 [0] : vector<96x128xf32> to vector<128xf32>
    %broadcast_in_dim3A_1561 = vector.shape_cast %reduce_max3A_1560 : vector<128xf32> to vector<1x128xf32>
    %sub3A_1562 = vector.broadcast %broadcast_in_dim3A_1561 : vector<1x128xf32> to vector<96x128xf32>
    %sub3A_1563 = arith.subf %get3A_1548, %sub3A_1562 : vector<96x128xf32>
    %exp3A_1564 = math.exp %sub3A_1563 : vector<96x128xf32>
    %reduce_sum3A_1565 = arith.constant dense<0.000000e+00> : vector<128xf32>
    %reduce_sum3A_1566 = vector.multi_reduction <add>, %exp3A_1564, %reduce_sum3A_1565 [0] : vector<96x128xf32> to vector<128xf32>
    %broadcast_in_dim3A_1567 = vector.shape_cast %reduce_sum3A_1566 : vector<128xf32> to vector<1x128xf32>
    %div3A_1568 = arith.constant 1.000000e+00 : f32
    %div3A_1569 = vector.broadcast %div3A_1568 : f32 to vector<1x128xf32>
    %div3A_1570 = arith.divf %div3A_1569, %broadcast_in_dim3A_1567 : vector<1x128xf32>
    %mul3A_1571 = vector.broadcast %div3A_1570 : vector<1x128xf32> to vector<96x128xf32>
    %mul3A_1572 = arith.mulf %exp3A_1564, %mul3A_1571 : vector<96x128xf32>
    %eq3A_1573 = vector.broadcast %get3A_1553 : vector<1x128xi32> to vector<96x128xi32>
    %eq3A_1574 = arith.cmpi eq, %iota3A, %eq3A_1573 : vector<96x128xi32>
    %jit3A_1575 = arith.constant 0.000000e+00 : f32
    %broadcast_in_dim3A_1576 = vector.broadcast %jit3A_1575 : f32 to vector<96x128xf32>
    %select_n3A_1577 = arith.select %eq3A_1574, %mul3A_1572, %broadcast_in_dim3A_1576 : vector<96x128xi1>, vector<96x128xf32>
    %reduce_sum3A_1578 = arith.constant dense<0.000000e+00> : vector<128xf32>
    %reduce_sum3A_1579 = vector.multi_reduction <add>, %select_n3A_1577, %reduce_sum3A_1578 [0] : vector<96x128xf32> to vector<128xf32>
    %broadcast_in_dim3A_1580 = vector.shape_cast %reduce_sum3A_1579 : vector<128xf32> to vector<1x128xf32>
    %log3A_1581 = math.log %broadcast_in_dim3A_1580 : vector<1x128xf32>
    %mul3A_1582 = arith.mulf %log3A_1581, %get3A_1558 : vector<1x128xf32>
    %add3A_1583 = arith.addf %add3A_1541, %select_n3A_1577 : vector<96x128xf32>
    %add3A_1584 = arith.addf %add3A_1542, %mul3A_1572 : vector<96x128xf32>
    %add3A_1585 = arith.addf %add3A_1543, %mul3A_1582 : vector<1x128xf32>
    %get3A_1586 = arith.constant 0 : index
    %get3A_1587 = arith.constant 0 : index
    %get3A_1588 = arith.constant 4864 : index
    %get3A_1589 = vector.load %arg2[%get3A_1586, %get3A_1587, %get3A_1588] : memref<1x96x12544xf32, #tpu.memory_space<vmem>>, vector<1x96x128xf32>
    %get3A_1590 = vector.shape_cast %get3A_1589 : vector<1x96x128xf32> to vector<96x128xf32>
    %get3A_1591 = arith.constant 0 : index
    %get3A_1592 = arith.constant 0 : index
    %get3A_1593 = arith.constant 4864 : index
    %get3A_1594 = vector.load %arg3[%get3A_1591, %get3A_1592, %get3A_1593] : memref<1x1x12544xi32, #tpu.memory_space<vmem>>, vector<1x1x128xi32>
    %get3A_1595 = vector.shape_cast %get3A_1594 : vector<1x1x128xi32> to vector<1x128xi32>
    %get3A_1596 = arith.constant 0 : index
    %get3A_1597 = arith.constant 0 : index
    %get3A_1598 = arith.constant 4864 : index
    %get3A_1599 = vector.load %arg4[%get3A_1596, %get3A_1597, %get3A_1598] : memref<1x1x12544xf32, #tpu.memory_space<vmem>>, vector<1x1x128xf32>
    %get3A_1600 = vector.shape_cast %get3A_1599 : vector<1x1x128xf32> to vector<1x128xf32>
    %reduce_max3A_1601 = arith.constant dense<0xFF800000> : vector<128xf32>
    %reduce_max3A_1602 = vector.multi_reduction <maximumf>, %get3A_1590, %reduce_max3A_1601 [0] : vector<96x128xf32> to vector<128xf32>
    %broadcast_in_dim3A_1603 = vector.shape_cast %reduce_max3A_1602 : vector<128xf32> to vector<1x128xf32>
    %sub3A_1604 = vector.broadcast %broadcast_in_dim3A_1603 : vector<1x128xf32> to vector<96x128xf32>
    %sub3A_1605 = arith.subf %get3A_1590, %sub3A_1604 : vector<96x128xf32>
    %exp3A_1606 = math.exp %sub3A_1605 : vector<96x128xf32>
    %reduce_sum3A_1607 = arith.constant dense<0.000000e+00> : vector<128xf32>
    %reduce_sum3A_1608 = vector.multi_reduction <add>, %exp3A_1606, %reduce_sum3A_1607 [0] : vector<96x128xf32> to vector<128xf32>
    %broadcast_in_dim3A_1609 = vector.shape_cast %reduce_sum3A_1608 : vector<128xf32> to vector<1x128xf32>
    %div3A_1610 = arith.constant 1.000000e+00 : f32
    %div3A_1611 = vector.broadcast %div3A_1610 : f32 to vector<1x128xf32>
    %div3A_1612 = arith.divf %div3A_1611, %broadcast_in_dim3A_1609 : vector<1x128xf32>
    %mul3A_1613 = vector.broadcast %div3A_1612 : vector<1x128xf32> to vector<96x128xf32>
    %mul3A_1614 = arith.mulf %exp3A_1606, %mul3A_1613 : vector<96x128xf32>
    %eq3A_1615 = vector.broadcast %get3A_1595 : vector<1x128xi32> to vector<96x128xi32>
    %eq3A_1616 = arith.cmpi eq, %iota3A, %eq3A_1615 : vector<96x128xi32>
    %jit3A_1617 = arith.constant 0.000000e+00 : f32
    %broadcast_in_dim3A_1618 = vector.broadcast %jit3A_1617 : f32 to vector<96x128xf32>
    %select_n3A_1619 = arith.select %eq3A_1616, %mul3A_1614, %broadcast_in_dim3A_1618 : vector<96x128xi1>, vector<96x128xf32>
    %reduce_sum3A_1620 = arith.constant dense<0.000000e+00> : vector<128xf32>
    %reduce_sum3A_1621 = vector.multi_reduction <add>, %select_n3A_1619, %reduce_sum3A_1620 [0] : vector<96x128xf32> to vector<128xf32>
    %broadcast_in_dim3A_1622 = vector.shape_cast %reduce_sum3A_1621 : vector<128xf32> to vector<1x128xf32>
    %log3A_1623 = math.log %broadcast_in_dim3A_1622 : vector<1x128xf32>
    %mul3A_1624 = arith.mulf %log3A_1623, %get3A_1600 : vector<1x128xf32>
    %add3A_1625 = arith.addf %add3A_1583, %select_n3A_1619 : vector<96x128xf32>
    %add3A_1626 = arith.addf %add3A_1584, %mul3A_1614 : vector<96x128xf32>
    %add3A_1627 = arith.addf %add3A_1585, %mul3A_1624 : vector<1x128xf32>
    %get3A_1628 = arith.constant 0 : index
    %get3A_1629 = arith.constant 0 : index
    %get3A_1630 = arith.constant 4992 : index
    %get3A_1631 = vector.load %arg2[%get3A_1628, %get3A_1629, %get3A_1630] : memref<1x96x12544xf32, #tpu.memory_space<vmem>>, vector<1x96x128xf32>
    %get3A_1632 = vector.shape_cast %get3A_1631 : vector<1x96x128xf32> to vector<96x128xf32>
    %get3A_1633 = arith.constant 0 : index
    %get3A_1634 = arith.constant 0 : index
    %get3A_1635 = arith.constant 4992 : index
    %get3A_1636 = vector.load %arg3[%get3A_1633, %get3A_1634, %get3A_1635] : memref<1x1x12544xi32, #tpu.memory_space<vmem>>, vector<1x1x128xi32>
    %get3A_1637 = vector.shape_cast %get3A_1636 : vector<1x1x128xi32> to vector<1x128xi32>
    %get3A_1638 = arith.constant 0 : index
    %get3A_1639 = arith.constant 0 : index
    %get3A_1640 = arith.constant 4992 : index
    %get3A_1641 = vector.load %arg4[%get3A_1638, %get3A_1639, %get3A_1640] : memref<1x1x12544xf32, #tpu.memory_space<vmem>>, vector<1x1x128xf32>
    %get3A_1642 = vector.shape_cast %get3A_1641 : vector<1x1x128xf32> to vector<1x128xf32>
    %reduce_max3A_1643 = arith.constant dense<0xFF800000> : vector<128xf32>
    %reduce_max3A_1644 = vector.multi_reduction <maximumf>, %get3A_1632, %reduce_max3A_1643 [0] : vector<96x128xf32> to vector<128xf32>
    %broadcast_in_dim3A_1645 = vector.shape_cast %reduce_max3A_1644 : vector<128xf32> to vector<1x128xf32>
    %sub3A_1646 = vector.broadcast %broadcast_in_dim3A_1645 : vector<1x128xf32> to vector<96x128xf32>
    %sub3A_1647 = arith.subf %get3A_1632, %sub3A_1646 : vector<96x128xf32>
    %exp3A_1648 = math.exp %sub3A_1647 : vector<96x128xf32>
    %reduce_sum3A_1649 = arith.constant dense<0.000000e+00> : vector<128xf32>
    %reduce_sum3A_1650 = vector.multi_reduction <add>, %exp3A_1648, %reduce_sum3A_1649 [0] : vector<96x128xf32> to vector<128xf32>
    %broadcast_in_dim3A_1651 = vector.shape_cast %reduce_sum3A_1650 : vector<128xf32> to vector<1x128xf32>
    %div3A_1652 = arith.constant 1.000000e+00 : f32
    %div3A_1653 = vector.broadcast %div3A_1652 : f32 to vector<1x128xf32>
    %div3A_1654 = arith.divf %div3A_1653, %broadcast_in_dim3A_1651 : vector<1x128xf32>
    %mul3A_1655 = vector.broadcast %div3A_1654 : vector<1x128xf32> to vector<96x128xf32>
    %mul3A_1656 = arith.mulf %exp3A_1648, %mul3A_1655 : vector<96x128xf32>
    %eq3A_1657 = vector.broadcast %get3A_1637 : vector<1x128xi32> to vector<96x128xi32>
    %eq3A_1658 = arith.cmpi eq, %iota3A, %eq3A_1657 : vector<96x128xi32>
    %jit3A_1659 = arith.constant 0.000000e+00 : f32
    %broadcast_in_dim3A_1660 = vector.broadcast %jit3A_1659 : f32 to vector<96x128xf32>
    %select_n3A_1661 = arith.select %eq3A_1658, %mul3A_1656, %broadcast_in_dim3A_1660 : vector<96x128xi1>, vector<96x128xf32>
    %reduce_sum3A_1662 = arith.constant dense<0.000000e+00> : vector<128xf32>
    %reduce_sum3A_1663 = vector.multi_reduction <add>, %select_n3A_1661, %reduce_sum3A_1662 [0] : vector<96x128xf32> to vector<128xf32>
    %broadcast_in_dim3A_1664 = vector.shape_cast %reduce_sum3A_1663 : vector<128xf32> to vector<1x128xf32>
    %log3A_1665 = math.log %broadcast_in_dim3A_1664 : vector<1x128xf32>
    %mul3A_1666 = arith.mulf %log3A_1665, %get3A_1642 : vector<1x128xf32>
    %add3A_1667 = arith.addf %add3A_1625, %select_n3A_1661 : vector<96x128xf32>
    %add3A_1668 = arith.addf %add3A_1626, %mul3A_1656 : vector<96x128xf32>
    %add3A_1669 = arith.addf %add3A_1627, %mul3A_1666 : vector<1x128xf32>
    %get3A_1670 = arith.constant 0 : index
    %get3A_1671 = arith.constant 0 : index
    %get3A_1672 = arith.constant 5120 : index
    %get3A_1673 = vector.load %arg2[%get3A_1670, %get3A_1671, %get3A_1672] : memref<1x96x12544xf32, #tpu.memory_space<vmem>>, vector<1x96x128xf32>
    %get3A_1674 = vector.shape_cast %get3A_1673 : vector<1x96x128xf32> to vector<96x128xf32>
    %get3A_1675 = arith.constant 0 : index
    %get3A_1676 = arith.constant 0 : index
    %get3A_1677 = arith.constant 5120 : index
    %get3A_1678 = vector.load %arg3[%get3A_1675, %get3A_1676, %get3A_1677] : memref<1x1x12544xi32, #tpu.memory_space<vmem>>, vector<1x1x128xi32>
    %get3A_1679 = vector.shape_cast %get3A_1678 : vector<1x1x128xi32> to vector<1x128xi32>
    %get3A_1680 = arith.constant 0 : index
    %get3A_1681 = arith.constant 0 : index
    %get3A_1682 = arith.constant 5120 : index
    %get3A_1683 = vector.load %arg4[%get3A_1680, %get3A_1681, %get3A_1682] : memref<1x1x12544xf32, #tpu.memory_space<vmem>>, vector<1x1x128xf32>
    %get3A_1684 = vector.shape_cast %get3A_1683 : vector<1x1x128xf32> to vector<1x128xf32>
    %reduce_max3A_1685 = arith.constant dense<0xFF800000> : vector<128xf32>
    %reduce_max3A_1686 = vector.multi_reduction <maximumf>, %get3A_1674, %reduce_max3A_1685 [0] : vector<96x128xf32> to vector<128xf32>
    %broadcast_in_dim3A_1687 = vector.shape_cast %reduce_max3A_1686 : vector<128xf32> to vector<1x128xf32>
    %sub3A_1688 = vector.broadcast %broadcast_in_dim3A_1687 : vector<1x128xf32> to vector<96x128xf32>
    %sub3A_1689 = arith.subf %get3A_1674, %sub3A_1688 : vector<96x128xf32>
    %exp3A_1690 = math.exp %sub3A_1689 : vector<96x128xf32>
    %reduce_sum3A_1691 = arith.constant dense<0.000000e+00> : vector<128xf32>
    %reduce_sum3A_1692 = vector.multi_reduction <add>, %exp3A_1690, %reduce_sum3A_1691 [0] : vector<96x128xf32> to vector<128xf32>
    %broadcast_in_dim3A_1693 = vector.shape_cast %reduce_sum3A_1692 : vector<128xf32> to vector<1x128xf32>
    %div3A_1694 = arith.constant 1.000000e+00 : f32
    %div3A_1695 = vector.broadcast %div3A_1694 : f32 to vector<1x128xf32>
    %div3A_1696 = arith.divf %div3A_1695, %broadcast_in_dim3A_1693 : vector<1x128xf32>
    %mul3A_1697 = vector.broadcast %div3A_1696 : vector<1x128xf32> to vector<96x128xf32>
    %mul3A_1698 = arith.mulf %exp3A_1690, %mul3A_1697 : vector<96x128xf32>
    %eq3A_1699 = vector.broadcast %get3A_1679 : vector<1x128xi32> to vector<96x128xi32>
    %eq3A_1700 = arith.cmpi eq, %iota3A, %eq3A_1699 : vector<96x128xi32>
    %jit3A_1701 = arith.constant 0.000000e+00 : f32
    %broadcast_in_dim3A_1702 = vector.broadcast %jit3A_1701 : f32 to vector<96x128xf32>
    %select_n3A_1703 = arith.select %eq3A_1700, %mul3A_1698, %broadcast_in_dim3A_1702 : vector<96x128xi1>, vector<96x128xf32>
    %reduce_sum3A_1704 = arith.constant dense<0.000000e+00> : vector<128xf32>
    %reduce_sum3A_1705 = vector.multi_reduction <add>, %select_n3A_1703, %reduce_sum3A_1704 [0] : vector<96x128xf32> to vector<128xf32>
    %broadcast_in_dim3A_1706 = vector.shape_cast %reduce_sum3A_1705 : vector<128xf32> to vector<1x128xf32>
    %log3A_1707 = math.log %broadcast_in_dim3A_1706 : vector<1x128xf32>
    %mul3A_1708 = arith.mulf %log3A_1707, %get3A_1684 : vector<1x128xf32>
    %add3A_1709 = arith.addf %add3A_1667, %select_n3A_1703 : vector<96x128xf32>
    %add3A_1710 = arith.addf %add3A_1668, %mul3A_1698 : vector<96x128xf32>
    %add3A_1711 = arith.addf %add3A_1669, %mul3A_1708 : vector<1x128xf32>
    %get3A_1712 = arith.constant 0 : index
    %get3A_1713 = arith.constant 0 : index
    %get3A_1714 = arith.constant 5248 : index
    %get3A_1715 = vector.load %arg2[%get3A_1712, %get3A_1713, %get3A_1714] : memref<1x96x12544xf32, #tpu.memory_space<vmem>>, vector<1x96x128xf32>
    %get3A_1716 = vector.shape_cast %get3A_1715 : vector<1x96x128xf32> to vector<96x128xf32>
    %get3A_1717 = arith.constant 0 : index
    %get3A_1718 = arith.constant 0 : index
    %get3A_1719 = arith.constant 5248 : index
    %get3A_1720 = vector.load %arg3[%get3A_1717, %get3A_1718, %get3A_1719] : memref<1x1x12544xi32, #tpu.memory_space<vmem>>, vector<1x1x128xi32>
    %get3A_1721 = vector.shape_cast %get3A_1720 : vector<1x1x128xi32> to vector<1x128xi32>
    %get3A_1722 = arith.constant 0 : index
    %get3A_1723 = arith.constant 0 : index
    %get3A_1724 = arith.constant 5248 : index
    %get3A_1725 = vector.load %arg4[%get3A_1722, %get3A_1723, %get3A_1724] : memref<1x1x12544xf32, #tpu.memory_space<vmem>>, vector<1x1x128xf32>
    %get3A_1726 = vector.shape_cast %get3A_1725 : vector<1x1x128xf32> to vector<1x128xf32>
    %reduce_max3A_1727 = arith.constant dense<0xFF800000> : vector<128xf32>
    %reduce_max3A_1728 = vector.multi_reduction <maximumf>, %get3A_1716, %reduce_max3A_1727 [0] : vector<96x128xf32> to vector<128xf32>
    %broadcast_in_dim3A_1729 = vector.shape_cast %reduce_max3A_1728 : vector<128xf32> to vector<1x128xf32>
    %sub3A_1730 = vector.broadcast %broadcast_in_dim3A_1729 : vector<1x128xf32> to vector<96x128xf32>
    %sub3A_1731 = arith.subf %get3A_1716, %sub3A_1730 : vector<96x128xf32>
    %exp3A_1732 = math.exp %sub3A_1731 : vector<96x128xf32>
    %reduce_sum3A_1733 = arith.constant dense<0.000000e+00> : vector<128xf32>
    %reduce_sum3A_1734 = vector.multi_reduction <add>, %exp3A_1732, %reduce_sum3A_1733 [0] : vector<96x128xf32> to vector<128xf32>
    %broadcast_in_dim3A_1735 = vector.shape_cast %reduce_sum3A_1734 : vector<128xf32> to vector<1x128xf32>
    %div3A_1736 = arith.constant 1.000000e+00 : f32
    %div3A_1737 = vector.broadcast %div3A_1736 : f32 to vector<1x128xf32>
    %div3A_1738 = arith.divf %div3A_1737, %broadcast_in_dim3A_1735 : vector<1x128xf32>
    %mul3A_1739 = vector.broadcast %div3A_1738 : vector<1x128xf32> to vector<96x128xf32>
    %mul3A_1740 = arith.mulf %exp3A_1732, %mul3A_1739 : vector<96x128xf32>
    %eq3A_1741 = vector.broadcast %get3A_1721 : vector<1x128xi32> to vector<96x128xi32>
    %eq3A_1742 = arith.cmpi eq, %iota3A, %eq3A_1741 : vector<96x128xi32>
    %jit3A_1743 = arith.constant 0.000000e+00 : f32
    %broadcast_in_dim3A_1744 = vector.broadcast %jit3A_1743 : f32 to vector<96x128xf32>
    %select_n3A_1745 = arith.select %eq3A_1742, %mul3A_1740, %broadcast_in_dim3A_1744 : vector<96x128xi1>, vector<96x128xf32>
    %reduce_sum3A_1746 = arith.constant dense<0.000000e+00> : vector<128xf32>
    %reduce_sum3A_1747 = vector.multi_reduction <add>, %select_n3A_1745, %reduce_sum3A_1746 [0] : vector<96x128xf32> to vector<128xf32>
    %broadcast_in_dim3A_1748 = vector.shape_cast %reduce_sum3A_1747 : vector<128xf32> to vector<1x128xf32>
    %log3A_1749 = math.log %broadcast_in_dim3A_1748 : vector<1x128xf32>
    %mul3A_1750 = arith.mulf %log3A_1749, %get3A_1726 : vector<1x128xf32>
    %add3A_1751 = arith.addf %add3A_1709, %select_n3A_1745 : vector<96x128xf32>
    %add3A_1752 = arith.addf %add3A_1710, %mul3A_1740 : vector<96x128xf32>
    %add3A_1753 = arith.addf %add3A_1711, %mul3A_1750 : vector<1x128xf32>
    %get3A_1754 = arith.constant 0 : index
    %get3A_1755 = arith.constant 0 : index
    %get3A_1756 = arith.constant 5376 : index
    %get3A_1757 = vector.load %arg2[%get3A_1754, %get3A_1755, %get3A_1756] : memref<1x96x12544xf32, #tpu.memory_space<vmem>>, vector<1x96x128xf32>
    %get3A_1758 = vector.shape_cast %get3A_1757 : vector<1x96x128xf32> to vector<96x128xf32>
    %get3A_1759 = arith.constant 0 : index
    %get3A_1760 = arith.constant 0 : index
    %get3A_1761 = arith.constant 5376 : index
    %get3A_1762 = vector.load %arg3[%get3A_1759, %get3A_1760, %get3A_1761] : memref<1x1x12544xi32, #tpu.memory_space<vmem>>, vector<1x1x128xi32>
    %get3A_1763 = vector.shape_cast %get3A_1762 : vector<1x1x128xi32> to vector<1x128xi32>
    %get3A_1764 = arith.constant 0 : index
    %get3A_1765 = arith.constant 0 : index
    %get3A_1766 = arith.constant 5376 : index
    %get3A_1767 = vector.load %arg4[%get3A_1764, %get3A_1765, %get3A_1766] : memref<1x1x12544xf32, #tpu.memory_space<vmem>>, vector<1x1x128xf32>
    %get3A_1768 = vector.shape_cast %get3A_1767 : vector<1x1x128xf32> to vector<1x128xf32>
    %reduce_max3A_1769 = arith.constant dense<0xFF800000> : vector<128xf32>
    %reduce_max3A_1770 = vector.multi_reduction <maximumf>, %get3A_1758, %reduce_max3A_1769 [0] : vector<96x128xf32> to vector<128xf32>
    %broadcast_in_dim3A_1771 = vector.shape_cast %reduce_max3A_1770 : vector<128xf32> to vector<1x128xf32>
    %sub3A_1772 = vector.broadcast %broadcast_in_dim3A_1771 : vector<1x128xf32> to vector<96x128xf32>
    %sub3A_1773 = arith.subf %get3A_1758, %sub3A_1772 : vector<96x128xf32>
    %exp3A_1774 = math.exp %sub3A_1773 : vector<96x128xf32>
    %reduce_sum3A_1775 = arith.constant dense<0.000000e+00> : vector<128xf32>
    %reduce_sum3A_1776 = vector.multi_reduction <add>, %exp3A_1774, %reduce_sum3A_1775 [0] : vector<96x128xf32> to vector<128xf32>
    %broadcast_in_dim3A_1777 = vector.shape_cast %reduce_sum3A_1776 : vector<128xf32> to vector<1x128xf32>
    %div3A_1778 = arith.constant 1.000000e+00 : f32
    %div3A_1779 = vector.broadcast %div3A_1778 : f32 to vector<1x128xf32>
    %div3A_1780 = arith.divf %div3A_1779, %broadcast_in_dim3A_1777 : vector<1x128xf32>
    %mul3A_1781 = vector.broadcast %div3A_1780 : vector<1x128xf32> to vector<96x128xf32>
    %mul3A_1782 = arith.mulf %exp3A_1774, %mul3A_1781 : vector<96x128xf32>
    %eq3A_1783 = vector.broadcast %get3A_1763 : vector<1x128xi32> to vector<96x128xi32>
    %eq3A_1784 = arith.cmpi eq, %iota3A, %eq3A_1783 : vector<96x128xi32>
    %jit3A_1785 = arith.constant 0.000000e+00 : f32
    %broadcast_in_dim3A_1786 = vector.broadcast %jit3A_1785 : f32 to vector<96x128xf32>
    %select_n3A_1787 = arith.select %eq3A_1784, %mul3A_1782, %broadcast_in_dim3A_1786 : vector<96x128xi1>, vector<96x128xf32>
    %reduce_sum3A_1788 = arith.constant dense<0.000000e+00> : vector<128xf32>
    %reduce_sum3A_1789 = vector.multi_reduction <add>, %select_n3A_1787, %reduce_sum3A_1788 [0] : vector<96x128xf32> to vector<128xf32>
    %broadcast_in_dim3A_1790 = vector.shape_cast %reduce_sum3A_1789 : vector<128xf32> to vector<1x128xf32>
    %log3A_1791 = math.log %broadcast_in_dim3A_1790 : vector<1x128xf32>
    %mul3A_1792 = arith.mulf %log3A_1791, %get3A_1768 : vector<1x128xf32>
    %add3A_1793 = arith.addf %add3A_1751, %select_n3A_1787 : vector<96x128xf32>
    %add3A_1794 = arith.addf %add3A_1752, %mul3A_1782 : vector<96x128xf32>
    %add3A_1795 = arith.addf %add3A_1753, %mul3A_1792 : vector<1x128xf32>
    %get3A_1796 = arith.constant 0 : index
    %get3A_1797 = arith.constant 0 : index
    %get3A_1798 = arith.constant 5504 : index
    %get3A_1799 = vector.load %arg2[%get3A_1796, %get3A_1797, %get3A_1798] : memref<1x96x12544xf32, #tpu.memory_space<vmem>>, vector<1x96x128xf32>
    %get3A_1800 = vector.shape_cast %get3A_1799 : vector<1x96x128xf32> to vector<96x128xf32>
    %get3A_1801 = arith.constant 0 : index
    %get3A_1802 = arith.constant 0 : index
    %get3A_1803 = arith.constant 5504 : index
    %get3A_1804 = vector.load %arg3[%get3A_1801, %get3A_1802, %get3A_1803] : memref<1x1x12544xi32, #tpu.memory_space<vmem>>, vector<1x1x128xi32>
    %get3A_1805 = vector.shape_cast %get3A_1804 : vector<1x1x128xi32> to vector<1x128xi32>
    %get3A_1806 = arith.constant 0 : index
    %get3A_1807 = arith.constant 0 : index
    %get3A_1808 = arith.constant 5504 : index
    %get3A_1809 = vector.load %arg4[%get3A_1806, %get3A_1807, %get3A_1808] : memref<1x1x12544xf32, #tpu.memory_space<vmem>>, vector<1x1x128xf32>
    %get3A_1810 = vector.shape_cast %get3A_1809 : vector<1x1x128xf32> to vector<1x128xf32>
    %reduce_max3A_1811 = arith.constant dense<0xFF800000> : vector<128xf32>
    %reduce_max3A_1812 = vector.multi_reduction <maximumf>, %get3A_1800, %reduce_max3A_1811 [0] : vector<96x128xf32> to vector<128xf32>
    %broadcast_in_dim3A_1813 = vector.shape_cast %reduce_max3A_1812 : vector<128xf32> to vector<1x128xf32>
    %sub3A_1814 = vector.broadcast %broadcast_in_dim3A_1813 : vector<1x128xf32> to vector<96x128xf32>
    %sub3A_1815 = arith.subf %get3A_1800, %sub3A_1814 : vector<96x128xf32>
    %exp3A_1816 = math.exp %sub3A_1815 : vector<96x128xf32>
    %reduce_sum3A_1817 = arith.constant dense<0.000000e+00> : vector<128xf32>
    %reduce_sum3A_1818 = vector.multi_reduction <add>, %exp3A_1816, %reduce_sum3A_1817 [0] : vector<96x128xf32> to vector<128xf32>
    %broadcast_in_dim3A_1819 = vector.shape_cast %reduce_sum3A_1818 : vector<128xf32> to vector<1x128xf32>
    %div3A_1820 = arith.constant 1.000000e+00 : f32
    %div3A_1821 = vector.broadcast %div3A_1820 : f32 to vector<1x128xf32>
    %div3A_1822 = arith.divf %div3A_1821, %broadcast_in_dim3A_1819 : vector<1x128xf32>
    %mul3A_1823 = vector.broadcast %div3A_1822 : vector<1x128xf32> to vector<96x128xf32>
    %mul3A_1824 = arith.mulf %exp3A_1816, %mul3A_1823 : vector<96x128xf32>
    %eq3A_1825 = vector.broadcast %get3A_1805 : vector<1x128xi32> to vector<96x128xi32>
    %eq3A_1826 = arith.cmpi eq, %iota3A, %eq3A_1825 : vector<96x128xi32>
    %jit3A_1827 = arith.constant 0.000000e+00 : f32
    %broadcast_in_dim3A_1828 = vector.broadcast %jit3A_1827 : f32 to vector<96x128xf32>
    %select_n3A_1829 = arith.select %eq3A_1826, %mul3A_1824, %broadcast_in_dim3A_1828 : vector<96x128xi1>, vector<96x128xf32>
    %reduce_sum3A_1830 = arith.constant dense<0.000000e+00> : vector<128xf32>
    %reduce_sum3A_1831 = vector.multi_reduction <add>, %select_n3A_1829, %reduce_sum3A_1830 [0] : vector<96x128xf32> to vector<128xf32>
    %broadcast_in_dim3A_1832 = vector.shape_cast %reduce_sum3A_1831 : vector<128xf32> to vector<1x128xf32>
    %log3A_1833 = math.log %broadcast_in_dim3A_1832 : vector<1x128xf32>
    %mul3A_1834 = arith.mulf %log3A_1833, %get3A_1810 : vector<1x128xf32>
    %add3A_1835 = arith.addf %add3A_1793, %select_n3A_1829 : vector<96x128xf32>
    %add3A_1836 = arith.addf %add3A_1794, %mul3A_1824 : vector<96x128xf32>
    %add3A_1837 = arith.addf %add3A_1795, %mul3A_1834 : vector<1x128xf32>
    %get3A_1838 = arith.constant 0 : index
    %get3A_1839 = arith.constant 0 : index
    %get3A_1840 = arith.constant 5632 : index
    %get3A_1841 = vector.load %arg2[%get3A_1838, %get3A_1839, %get3A_1840] : memref<1x96x12544xf32, #tpu.memory_space<vmem>>, vector<1x96x128xf32>
    %get3A_1842 = vector.shape_cast %get3A_1841 : vector<1x96x128xf32> to vector<96x128xf32>
    %get3A_1843 = arith.constant 0 : index
    %get3A_1844 = arith.constant 0 : index
    %get3A_1845 = arith.constant 5632 : index
    %get3A_1846 = vector.load %arg3[%get3A_1843, %get3A_1844, %get3A_1845] : memref<1x1x12544xi32, #tpu.memory_space<vmem>>, vector<1x1x128xi32>
    %get3A_1847 = vector.shape_cast %get3A_1846 : vector<1x1x128xi32> to vector<1x128xi32>
    %get3A_1848 = arith.constant 0 : index
    %get3A_1849 = arith.constant 0 : index
    %get3A_1850 = arith.constant 5632 : index
    %get3A_1851 = vector.load %arg4[%get3A_1848, %get3A_1849, %get3A_1850] : memref<1x1x12544xf32, #tpu.memory_space<vmem>>, vector<1x1x128xf32>
    %get3A_1852 = vector.shape_cast %get3A_1851 : vector<1x1x128xf32> to vector<1x128xf32>
    %reduce_max3A_1853 = arith.constant dense<0xFF800000> : vector<128xf32>
    %reduce_max3A_1854 = vector.multi_reduction <maximumf>, %get3A_1842, %reduce_max3A_1853 [0] : vector<96x128xf32> to vector<128xf32>
    %broadcast_in_dim3A_1855 = vector.shape_cast %reduce_max3A_1854 : vector<128xf32> to vector<1x128xf32>
    %sub3A_1856 = vector.broadcast %broadcast_in_dim3A_1855 : vector<1x128xf32> to vector<96x128xf32>
    %sub3A_1857 = arith.subf %get3A_1842, %sub3A_1856 : vector<96x128xf32>
    %exp3A_1858 = math.exp %sub3A_1857 : vector<96x128xf32>
    %reduce_sum3A_1859 = arith.constant dense<0.000000e+00> : vector<128xf32>
    %reduce_sum3A_1860 = vector.multi_reduction <add>, %exp3A_1858, %reduce_sum3A_1859 [0] : vector<96x128xf32> to vector<128xf32>
    %broadcast_in_dim3A_1861 = vector.shape_cast %reduce_sum3A_1860 : vector<128xf32> to vector<1x128xf32>
    %div3A_1862 = arith.constant 1.000000e+00 : f32
    %div3A_1863 = vector.broadcast %div3A_1862 : f32 to vector<1x128xf32>
    %div3A_1864 = arith.divf %div3A_1863, %broadcast_in_dim3A_1861 : vector<1x128xf32>
    %mul3A_1865 = vector.broadcast %div3A_1864 : vector<1x128xf32> to vector<96x128xf32>
    %mul3A_1866 = arith.mulf %exp3A_1858, %mul3A_1865 : vector<96x128xf32>
    %eq3A_1867 = vector.broadcast %get3A_1847 : vector<1x128xi32> to vector<96x128xi32>
    %eq3A_1868 = arith.cmpi eq, %iota3A, %eq3A_1867 : vector<96x128xi32>
    %jit3A_1869 = arith.constant 0.000000e+00 : f32
    %broadcast_in_dim3A_1870 = vector.broadcast %jit3A_1869 : f32 to vector<96x128xf32>
    %select_n3A_1871 = arith.select %eq3A_1868, %mul3A_1866, %broadcast_in_dim3A_1870 : vector<96x128xi1>, vector<96x128xf32>
    %reduce_sum3A_1872 = arith.constant dense<0.000000e+00> : vector<128xf32>
    %reduce_sum3A_1873 = vector.multi_reduction <add>, %select_n3A_1871, %reduce_sum3A_1872 [0] : vector<96x128xf32> to vector<128xf32>
    %broadcast_in_dim3A_1874 = vector.shape_cast %reduce_sum3A_1873 : vector<128xf32> to vector<1x128xf32>
    %log3A_1875 = math.log %broadcast_in_dim3A_1874 : vector<1x128xf32>
    %mul3A_1876 = arith.mulf %log3A_1875, %get3A_1852 : vector<1x128xf32>
    %add3A_1877 = arith.addf %add3A_1835, %select_n3A_1871 : vector<96x128xf32>
    %add3A_1878 = arith.addf %add3A_1836, %mul3A_1866 : vector<96x128xf32>
    %add3A_1879 = arith.addf %add3A_1837, %mul3A_1876 : vector<1x128xf32>
    %get3A_1880 = arith.constant 0 : index
    %get3A_1881 = arith.constant 0 : index
    %get3A_1882 = arith.constant 5760 : index
    %get3A_1883 = vector.load %arg2[%get3A_1880, %get3A_1881, %get3A_1882] : memref<1x96x12544xf32, #tpu.memory_space<vmem>>, vector<1x96x128xf32>
    %get3A_1884 = vector.shape_cast %get3A_1883 : vector<1x96x128xf32> to vector<96x128xf32>
    %get3A_1885 = arith.constant 0 : index
    %get3A_1886 = arith.constant 0 : index
    %get3A_1887 = arith.constant 5760 : index
    %get3A_1888 = vector.load %arg3[%get3A_1885, %get3A_1886, %get3A_1887] : memref<1x1x12544xi32, #tpu.memory_space<vmem>>, vector<1x1x128xi32>
    %get3A_1889 = vector.shape_cast %get3A_1888 : vector<1x1x128xi32> to vector<1x128xi32>
    %get3A_1890 = arith.constant 0 : index
    %get3A_1891 = arith.constant 0 : index
    %get3A_1892 = arith.constant 5760 : index
    %get3A_1893 = vector.load %arg4[%get3A_1890, %get3A_1891, %get3A_1892] : memref<1x1x12544xf32, #tpu.memory_space<vmem>>, vector<1x1x128xf32>
    %get3A_1894 = vector.shape_cast %get3A_1893 : vector<1x1x128xf32> to vector<1x128xf32>
    %reduce_max3A_1895 = arith.constant dense<0xFF800000> : vector<128xf32>
    %reduce_max3A_1896 = vector.multi_reduction <maximumf>, %get3A_1884, %reduce_max3A_1895 [0] : vector<96x128xf32> to vector<128xf32>
    %broadcast_in_dim3A_1897 = vector.shape_cast %reduce_max3A_1896 : vector<128xf32> to vector<1x128xf32>
    %sub3A_1898 = vector.broadcast %broadcast_in_dim3A_1897 : vector<1x128xf32> to vector<96x128xf32>
    %sub3A_1899 = arith.subf %get3A_1884, %sub3A_1898 : vector<96x128xf32>
    %exp3A_1900 = math.exp %sub3A_1899 : vector<96x128xf32>
    %reduce_sum3A_1901 = arith.constant dense<0.000000e+00> : vector<128xf32>
    %reduce_sum3A_1902 = vector.multi_reduction <add>, %exp3A_1900, %reduce_sum3A_1901 [0] : vector<96x128xf32> to vector<128xf32>
    %broadcast_in_dim3A_1903 = vector.shape_cast %reduce_sum3A_1902 : vector<128xf32> to vector<1x128xf32>
    %div3A_1904 = arith.constant 1.000000e+00 : f32
    %div3A_1905 = vector.broadcast %div3A_1904 : f32 to vector<1x128xf32>
    %div3A_1906 = arith.divf %div3A_1905, %broadcast_in_dim3A_1903 : vector<1x128xf32>
    %mul3A_1907 = vector.broadcast %div3A_1906 : vector<1x128xf32> to vector<96x128xf32>
    %mul3A_1908 = arith.mulf %exp3A_1900, %mul3A_1907 : vector<96x128xf32>
    %eq3A_1909 = vector.broadcast %get3A_1889 : vector<1x128xi32> to vector<96x128xi32>
    %eq3A_1910 = arith.cmpi eq, %iota3A, %eq3A_1909 : vector<96x128xi32>
    %jit3A_1911 = arith.constant 0.000000e+00 : f32
    %broadcast_in_dim3A_1912 = vector.broadcast %jit3A_1911 : f32 to vector<96x128xf32>
    %select_n3A_1913 = arith.select %eq3A_1910, %mul3A_1908, %broadcast_in_dim3A_1912 : vector<96x128xi1>, vector<96x128xf32>
    %reduce_sum3A_1914 = arith.constant dense<0.000000e+00> : vector<128xf32>
    %reduce_sum3A_1915 = vector.multi_reduction <add>, %select_n3A_1913, %reduce_sum3A_1914 [0] : vector<96x128xf32> to vector<128xf32>
    %broadcast_in_dim3A_1916 = vector.shape_cast %reduce_sum3A_1915 : vector<128xf32> to vector<1x128xf32>
    %log3A_1917 = math.log %broadcast_in_dim3A_1916 : vector<1x128xf32>
    %mul3A_1918 = arith.mulf %log3A_1917, %get3A_1894 : vector<1x128xf32>
    %add3A_1919 = arith.addf %add3A_1877, %select_n3A_1913 : vector<96x128xf32>
    %add3A_1920 = arith.addf %add3A_1878, %mul3A_1908 : vector<96x128xf32>
    %add3A_1921 = arith.addf %add3A_1879, %mul3A_1918 : vector<1x128xf32>
    %get3A_1922 = arith.constant 0 : index
    %get3A_1923 = arith.constant 0 : index
    %get3A_1924 = arith.constant 5888 : index
    %get3A_1925 = vector.load %arg2[%get3A_1922, %get3A_1923, %get3A_1924] : memref<1x96x12544xf32, #tpu.memory_space<vmem>>, vector<1x96x128xf32>
    %get3A_1926 = vector.shape_cast %get3A_1925 : vector<1x96x128xf32> to vector<96x128xf32>
    %get3A_1927 = arith.constant 0 : index
    %get3A_1928 = arith.constant 0 : index
    %get3A_1929 = arith.constant 5888 : index
    %get3A_1930 = vector.load %arg3[%get3A_1927, %get3A_1928, %get3A_1929] : memref<1x1x12544xi32, #tpu.memory_space<vmem>>, vector<1x1x128xi32>
    %get3A_1931 = vector.shape_cast %get3A_1930 : vector<1x1x128xi32> to vector<1x128xi32>
    %get3A_1932 = arith.constant 0 : index
    %get3A_1933 = arith.constant 0 : index
    %get3A_1934 = arith.constant 5888 : index
    %get3A_1935 = vector.load %arg4[%get3A_1932, %get3A_1933, %get3A_1934] : memref<1x1x12544xf32, #tpu.memory_space<vmem>>, vector<1x1x128xf32>
    %get3A_1936 = vector.shape_cast %get3A_1935 : vector<1x1x128xf32> to vector<1x128xf32>
    %reduce_max3A_1937 = arith.constant dense<0xFF800000> : vector<128xf32>
    %reduce_max3A_1938 = vector.multi_reduction <maximumf>, %get3A_1926, %reduce_max3A_1937 [0] : vector<96x128xf32> to vector<128xf32>
    %broadcast_in_dim3A_1939 = vector.shape_cast %reduce_max3A_1938 : vector<128xf32> to vector<1x128xf32>
    %sub3A_1940 = vector.broadcast %broadcast_in_dim3A_1939 : vector<1x128xf32> to vector<96x128xf32>
    %sub3A_1941 = arith.subf %get3A_1926, %sub3A_1940 : vector<96x128xf32>
    %exp3A_1942 = math.exp %sub3A_1941 : vector<96x128xf32>
    %reduce_sum3A_1943 = arith.constant dense<0.000000e+00> : vector<128xf32>
    %reduce_sum3A_1944 = vector.multi_reduction <add>, %exp3A_1942, %reduce_sum3A_1943 [0] : vector<96x128xf32> to vector<128xf32>
    %broadcast_in_dim3A_1945 = vector.shape_cast %reduce_sum3A_1944 : vector<128xf32> to vector<1x128xf32>
    %div3A_1946 = arith.constant 1.000000e+00 : f32
    %div3A_1947 = vector.broadcast %div3A_1946 : f32 to vector<1x128xf32>
    %div3A_1948 = arith.divf %div3A_1947, %broadcast_in_dim3A_1945 : vector<1x128xf32>
    %mul3A_1949 = vector.broadcast %div3A_1948 : vector<1x128xf32> to vector<96x128xf32>
    %mul3A_1950 = arith.mulf %exp3A_1942, %mul3A_1949 : vector<96x128xf32>
    %eq3A_1951 = vector.broadcast %get3A_1931 : vector<1x128xi32> to vector<96x128xi32>
    %eq3A_1952 = arith.cmpi eq, %iota3A, %eq3A_1951 : vector<96x128xi32>
    %jit3A_1953 = arith.constant 0.000000e+00 : f32
    %broadcast_in_dim3A_1954 = vector.broadcast %jit3A_1953 : f32 to vector<96x128xf32>
    %select_n3A_1955 = arith.select %eq3A_1952, %mul3A_1950, %broadcast_in_dim3A_1954 : vector<96x128xi1>, vector<96x128xf32>
    %reduce_sum3A_1956 = arith.constant dense<0.000000e+00> : vector<128xf32>
    %reduce_sum3A_1957 = vector.multi_reduction <add>, %select_n3A_1955, %reduce_sum3A_1956 [0] : vector<96x128xf32> to vector<128xf32>
    %broadcast_in_dim3A_1958 = vector.shape_cast %reduce_sum3A_1957 : vector<128xf32> to vector<1x128xf32>
    %log3A_1959 = math.log %broadcast_in_dim3A_1958 : vector<1x128xf32>
    %mul3A_1960 = arith.mulf %log3A_1959, %get3A_1936 : vector<1x128xf32>
    %add3A_1961 = arith.addf %add3A_1919, %select_n3A_1955 : vector<96x128xf32>
    %add3A_1962 = arith.addf %add3A_1920, %mul3A_1950 : vector<96x128xf32>
    %add3A_1963 = arith.addf %add3A_1921, %mul3A_1960 : vector<1x128xf32>
    %get3A_1964 = arith.constant 0 : index
    %get3A_1965 = arith.constant 0 : index
    %get3A_1966 = arith.constant 6016 : index
    %get3A_1967 = vector.load %arg2[%get3A_1964, %get3A_1965, %get3A_1966] : memref<1x96x12544xf32, #tpu.memory_space<vmem>>, vector<1x96x128xf32>
    %get3A_1968 = vector.shape_cast %get3A_1967 : vector<1x96x128xf32> to vector<96x128xf32>
    %get3A_1969 = arith.constant 0 : index
    %get3A_1970 = arith.constant 0 : index
    %get3A_1971 = arith.constant 6016 : index
    %get3A_1972 = vector.load %arg3[%get3A_1969, %get3A_1970, %get3A_1971] : memref<1x1x12544xi32, #tpu.memory_space<vmem>>, vector<1x1x128xi32>
    %get3A_1973 = vector.shape_cast %get3A_1972 : vector<1x1x128xi32> to vector<1x128xi32>
    %get3A_1974 = arith.constant 0 : index
    %get3A_1975 = arith.constant 0 : index
    %get3A_1976 = arith.constant 6016 : index
    %get3A_1977 = vector.load %arg4[%get3A_1974, %get3A_1975, %get3A_1976] : memref<1x1x12544xf32, #tpu.memory_space<vmem>>, vector<1x1x128xf32>
    %get3A_1978 = vector.shape_cast %get3A_1977 : vector<1x1x128xf32> to vector<1x128xf32>
    %reduce_max3A_1979 = arith.constant dense<0xFF800000> : vector<128xf32>
    %reduce_max3A_1980 = vector.multi_reduction <maximumf>, %get3A_1968, %reduce_max3A_1979 [0] : vector<96x128xf32> to vector<128xf32>
    %broadcast_in_dim3A_1981 = vector.shape_cast %reduce_max3A_1980 : vector<128xf32> to vector<1x128xf32>
    %sub3A_1982 = vector.broadcast %broadcast_in_dim3A_1981 : vector<1x128xf32> to vector<96x128xf32>
    %sub3A_1983 = arith.subf %get3A_1968, %sub3A_1982 : vector<96x128xf32>
    %exp3A_1984 = math.exp %sub3A_1983 : vector<96x128xf32>
    %reduce_sum3A_1985 = arith.constant dense<0.000000e+00> : vector<128xf32>
    %reduce_sum3A_1986 = vector.multi_reduction <add>, %exp3A_1984, %reduce_sum3A_1985 [0] : vector<96x128xf32> to vector<128xf32>
    %broadcast_in_dim3A_1987 = vector.shape_cast %reduce_sum3A_1986 : vector<128xf32> to vector<1x128xf32>
    %div3A_1988 = arith.constant 1.000000e+00 : f32
    %div3A_1989 = vector.broadcast %div3A_1988 : f32 to vector<1x128xf32>
    %div3A_1990 = arith.divf %div3A_1989, %broadcast_in_dim3A_1987 : vector<1x128xf32>
    %mul3A_1991 = vector.broadcast %div3A_1990 : vector<1x128xf32> to vector<96x128xf32>
    %mul3A_1992 = arith.mulf %exp3A_1984, %mul3A_1991 : vector<96x128xf32>
    %eq3A_1993 = vector.broadcast %get3A_1973 : vector<1x128xi32> to vector<96x128xi32>
    %eq3A_1994 = arith.cmpi eq, %iota3A, %eq3A_1993 : vector<96x128xi32>
    %jit3A_1995 = arith.constant 0.000000e+00 : f32
    %broadcast_in_dim3A_1996 = vector.broadcast %jit3A_1995 : f32 to vector<96x128xf32>
    %select_n3A_1997 = arith.select %eq3A_1994, %mul3A_1992, %broadcast_in_dim3A_1996 : vector<96x128xi1>, vector<96x128xf32>
    %reduce_sum3A_1998 = arith.constant dense<0.000000e+00> : vector<128xf32>
    %reduce_sum3A_1999 = vector.multi_reduction <add>, %select_n3A_1997, %reduce_sum3A_1998 [0] : vector<96x128xf32> to vector<128xf32>
    %broadcast_in_dim3A_2000 = vector.shape_cast %reduce_sum3A_1999 : vector<128xf32> to vector<1x128xf32>
    %log3A_2001 = math.log %broadcast_in_dim3A_2000 : vector<1x128xf32>
    %mul3A_2002 = arith.mulf %log3A_2001, %get3A_1978 : vector<1x128xf32>
    %add3A_2003 = arith.addf %add3A_1961, %select_n3A_1997 : vector<96x128xf32>
    %add3A_2004 = arith.addf %add3A_1962, %mul3A_1992 : vector<96x128xf32>
    %add3A_2005 = arith.addf %add3A_1963, %mul3A_2002 : vector<1x128xf32>
    %get3A_2006 = arith.constant 0 : index
    %get3A_2007 = arith.constant 0 : index
    %get3A_2008 = arith.constant 6144 : index
    %get3A_2009 = vector.load %arg2[%get3A_2006, %get3A_2007, %get3A_2008] : memref<1x96x12544xf32, #tpu.memory_space<vmem>>, vector<1x96x128xf32>
    %get3A_2010 = vector.shape_cast %get3A_2009 : vector<1x96x128xf32> to vector<96x128xf32>
    %get3A_2011 = arith.constant 0 : index
    %get3A_2012 = arith.constant 0 : index
    %get3A_2013 = arith.constant 6144 : index
    %get3A_2014 = vector.load %arg3[%get3A_2011, %get3A_2012, %get3A_2013] : memref<1x1x12544xi32, #tpu.memory_space<vmem>>, vector<1x1x128xi32>
    %get3A_2015 = vector.shape_cast %get3A_2014 : vector<1x1x128xi32> to vector<1x128xi32>
    %get3A_2016 = arith.constant 0 : index
    %get3A_2017 = arith.constant 0 : index
    %get3A_2018 = arith.constant 6144 : index
    %get3A_2019 = vector.load %arg4[%get3A_2016, %get3A_2017, %get3A_2018] : memref<1x1x12544xf32, #tpu.memory_space<vmem>>, vector<1x1x128xf32>
    %get3A_2020 = vector.shape_cast %get3A_2019 : vector<1x1x128xf32> to vector<1x128xf32>
    %reduce_max3A_2021 = arith.constant dense<0xFF800000> : vector<128xf32>
    %reduce_max3A_2022 = vector.multi_reduction <maximumf>, %get3A_2010, %reduce_max3A_2021 [0] : vector<96x128xf32> to vector<128xf32>
    %broadcast_in_dim3A_2023 = vector.shape_cast %reduce_max3A_2022 : vector<128xf32> to vector<1x128xf32>
    %sub3A_2024 = vector.broadcast %broadcast_in_dim3A_2023 : vector<1x128xf32> to vector<96x128xf32>
    %sub3A_2025 = arith.subf %get3A_2010, %sub3A_2024 : vector<96x128xf32>
    %exp3A_2026 = math.exp %sub3A_2025 : vector<96x128xf32>
    %reduce_sum3A_2027 = arith.constant dense<0.000000e+00> : vector<128xf32>
    %reduce_sum3A_2028 = vector.multi_reduction <add>, %exp3A_2026, %reduce_sum3A_2027 [0] : vector<96x128xf32> to vector<128xf32>
    %broadcast_in_dim3A_2029 = vector.shape_cast %reduce_sum3A_2028 : vector<128xf32> to vector<1x128xf32>
    %div3A_2030 = arith.constant 1.000000e+00 : f32
    %div3A_2031 = vector.broadcast %div3A_2030 : f32 to vector<1x128xf32>
    %div3A_2032 = arith.divf %div3A_2031, %broadcast_in_dim3A_2029 : vector<1x128xf32>
    %mul3A_2033 = vector.broadcast %div3A_2032 : vector<1x128xf32> to vector<96x128xf32>
    %mul3A_2034 = arith.mulf %exp3A_2026, %mul3A_2033 : vector<96x128xf32>
    %eq3A_2035 = vector.broadcast %get3A_2015 : vector<1x128xi32> to vector<96x128xi32>
    %eq3A_2036 = arith.cmpi eq, %iota3A, %eq3A_2035 : vector<96x128xi32>
    %jit3A_2037 = arith.constant 0.000000e+00 : f32
    %broadcast_in_dim3A_2038 = vector.broadcast %jit3A_2037 : f32 to vector<96x128xf32>
    %select_n3A_2039 = arith.select %eq3A_2036, %mul3A_2034, %broadcast_in_dim3A_2038 : vector<96x128xi1>, vector<96x128xf32>
    %reduce_sum3A_2040 = arith.constant dense<0.000000e+00> : vector<128xf32>
    %reduce_sum3A_2041 = vector.multi_reduction <add>, %select_n3A_2039, %reduce_sum3A_2040 [0] : vector<96x128xf32> to vector<128xf32>
    %broadcast_in_dim3A_2042 = vector.shape_cast %reduce_sum3A_2041 : vector<128xf32> to vector<1x128xf32>
    %log3A_2043 = math.log %broadcast_in_dim3A_2042 : vector<1x128xf32>
    %mul3A_2044 = arith.mulf %log3A_2043, %get3A_2020 : vector<1x128xf32>
    %add3A_2045 = arith.addf %add3A_2003, %select_n3A_2039 : vector<96x128xf32>
    %add3A_2046 = arith.addf %add3A_2004, %mul3A_2034 : vector<96x128xf32>
    %add3A_2047 = arith.addf %add3A_2005, %mul3A_2044 : vector<1x128xf32>
    %get3A_2048 = arith.constant 0 : index
    %get3A_2049 = arith.constant 0 : index
    %get3A_2050 = arith.constant 6272 : index
    %get3A_2051 = vector.load %arg2[%get3A_2048, %get3A_2049, %get3A_2050] : memref<1x96x12544xf32, #tpu.memory_space<vmem>>, vector<1x96x128xf32>
    %get3A_2052 = vector.shape_cast %get3A_2051 : vector<1x96x128xf32> to vector<96x128xf32>
    %get3A_2053 = arith.constant 0 : index
    %get3A_2054 = arith.constant 0 : index
    %get3A_2055 = arith.constant 6272 : index
    %get3A_2056 = vector.load %arg3[%get3A_2053, %get3A_2054, %get3A_2055] : memref<1x1x12544xi32, #tpu.memory_space<vmem>>, vector<1x1x128xi32>
    %get3A_2057 = vector.shape_cast %get3A_2056 : vector<1x1x128xi32> to vector<1x128xi32>
    %get3A_2058 = arith.constant 0 : index
    %get3A_2059 = arith.constant 0 : index
    %get3A_2060 = arith.constant 6272 : index
    %get3A_2061 = vector.load %arg4[%get3A_2058, %get3A_2059, %get3A_2060] : memref<1x1x12544xf32, #tpu.memory_space<vmem>>, vector<1x1x128xf32>
    %get3A_2062 = vector.shape_cast %get3A_2061 : vector<1x1x128xf32> to vector<1x128xf32>
    %reduce_max3A_2063 = arith.constant dense<0xFF800000> : vector<128xf32>
    %reduce_max3A_2064 = vector.multi_reduction <maximumf>, %get3A_2052, %reduce_max3A_2063 [0] : vector<96x128xf32> to vector<128xf32>
    %broadcast_in_dim3A_2065 = vector.shape_cast %reduce_max3A_2064 : vector<128xf32> to vector<1x128xf32>
    %sub3A_2066 = vector.broadcast %broadcast_in_dim3A_2065 : vector<1x128xf32> to vector<96x128xf32>
    %sub3A_2067 = arith.subf %get3A_2052, %sub3A_2066 : vector<96x128xf32>
    %exp3A_2068 = math.exp %sub3A_2067 : vector<96x128xf32>
    %reduce_sum3A_2069 = arith.constant dense<0.000000e+00> : vector<128xf32>
    %reduce_sum3A_2070 = vector.multi_reduction <add>, %exp3A_2068, %reduce_sum3A_2069 [0] : vector<96x128xf32> to vector<128xf32>
    %broadcast_in_dim3A_2071 = vector.shape_cast %reduce_sum3A_2070 : vector<128xf32> to vector<1x128xf32>
    %div3A_2072 = arith.constant 1.000000e+00 : f32
    %div3A_2073 = vector.broadcast %div3A_2072 : f32 to vector<1x128xf32>
    %div3A_2074 = arith.divf %div3A_2073, %broadcast_in_dim3A_2071 : vector<1x128xf32>
    %mul3A_2075 = vector.broadcast %div3A_2074 : vector<1x128xf32> to vector<96x128xf32>
    %mul3A_2076 = arith.mulf %exp3A_2068, %mul3A_2075 : vector<96x128xf32>
    %eq3A_2077 = vector.broadcast %get3A_2057 : vector<1x128xi32> to vector<96x128xi32>
    %eq3A_2078 = arith.cmpi eq, %iota3A, %eq3A_2077 : vector<96x128xi32>
    %jit3A_2079 = arith.constant 0.000000e+00 : f32
    %broadcast_in_dim3A_2080 = vector.broadcast %jit3A_2079 : f32 to vector<96x128xf32>
    %select_n3A_2081 = arith.select %eq3A_2078, %mul3A_2076, %broadcast_in_dim3A_2080 : vector<96x128xi1>, vector<96x128xf32>
    %reduce_sum3A_2082 = arith.constant dense<0.000000e+00> : vector<128xf32>
    %reduce_sum3A_2083 = vector.multi_reduction <add>, %select_n3A_2081, %reduce_sum3A_2082 [0] : vector<96x128xf32> to vector<128xf32>
    %broadcast_in_dim3A_2084 = vector.shape_cast %reduce_sum3A_2083 : vector<128xf32> to vector<1x128xf32>
    %log3A_2085 = math.log %broadcast_in_dim3A_2084 : vector<1x128xf32>
    %mul3A_2086 = arith.mulf %log3A_2085, %get3A_2062 : vector<1x128xf32>
    %add3A_2087 = arith.addf %add3A_2045, %select_n3A_2081 : vector<96x128xf32>
    %add3A_2088 = arith.addf %add3A_2046, %mul3A_2076 : vector<96x128xf32>
    %add3A_2089 = arith.addf %add3A_2047, %mul3A_2086 : vector<1x128xf32>
    %get3A_2090 = arith.constant 0 : index
    %get3A_2091 = arith.constant 0 : index
    %get3A_2092 = arith.constant 6400 : index
    %get3A_2093 = vector.load %arg2[%get3A_2090, %get3A_2091, %get3A_2092] : memref<1x96x12544xf32, #tpu.memory_space<vmem>>, vector<1x96x128xf32>
    %get3A_2094 = vector.shape_cast %get3A_2093 : vector<1x96x128xf32> to vector<96x128xf32>
    %get3A_2095 = arith.constant 0 : index
    %get3A_2096 = arith.constant 0 : index
    %get3A_2097 = arith.constant 6400 : index
    %get3A_2098 = vector.load %arg3[%get3A_2095, %get3A_2096, %get3A_2097] : memref<1x1x12544xi32, #tpu.memory_space<vmem>>, vector<1x1x128xi32>
    %get3A_2099 = vector.shape_cast %get3A_2098 : vector<1x1x128xi32> to vector<1x128xi32>
    %get3A_2100 = arith.constant 0 : index
    %get3A_2101 = arith.constant 0 : index
    %get3A_2102 = arith.constant 6400 : index
    %get3A_2103 = vector.load %arg4[%get3A_2100, %get3A_2101, %get3A_2102] : memref<1x1x12544xf32, #tpu.memory_space<vmem>>, vector<1x1x128xf32>
    %get3A_2104 = vector.shape_cast %get3A_2103 : vector<1x1x128xf32> to vector<1x128xf32>
    %reduce_max3A_2105 = arith.constant dense<0xFF800000> : vector<128xf32>
    %reduce_max3A_2106 = vector.multi_reduction <maximumf>, %get3A_2094, %reduce_max3A_2105 [0] : vector<96x128xf32> to vector<128xf32>
    %broadcast_in_dim3A_2107 = vector.shape_cast %reduce_max3A_2106 : vector<128xf32> to vector<1x128xf32>
    %sub3A_2108 = vector.broadcast %broadcast_in_dim3A_2107 : vector<1x128xf32> to vector<96x128xf32>
    %sub3A_2109 = arith.subf %get3A_2094, %sub3A_2108 : vector<96x128xf32>
    %exp3A_2110 = math.exp %sub3A_2109 : vector<96x128xf32>
    %reduce_sum3A_2111 = arith.constant dense<0.000000e+00> : vector<128xf32>
    %reduce_sum3A_2112 = vector.multi_reduction <add>, %exp3A_2110, %reduce_sum3A_2111 [0] : vector<96x128xf32> to vector<128xf32>
    %broadcast_in_dim3A_2113 = vector.shape_cast %reduce_sum3A_2112 : vector<128xf32> to vector<1x128xf32>
    %div3A_2114 = arith.constant 1.000000e+00 : f32
    %div3A_2115 = vector.broadcast %div3A_2114 : f32 to vector<1x128xf32>
    %div3A_2116 = arith.divf %div3A_2115, %broadcast_in_dim3A_2113 : vector<1x128xf32>
    %mul3A_2117 = vector.broadcast %div3A_2116 : vector<1x128xf32> to vector<96x128xf32>
    %mul3A_2118 = arith.mulf %exp3A_2110, %mul3A_2117 : vector<96x128xf32>
    %eq3A_2119 = vector.broadcast %get3A_2099 : vector<1x128xi32> to vector<96x128xi32>
    %eq3A_2120 = arith.cmpi eq, %iota3A, %eq3A_2119 : vector<96x128xi32>
    %jit3A_2121 = arith.constant 0.000000e+00 : f32
    %broadcast_in_dim3A_2122 = vector.broadcast %jit3A_2121 : f32 to vector<96x128xf32>
    %select_n3A_2123 = arith.select %eq3A_2120, %mul3A_2118, %broadcast_in_dim3A_2122 : vector<96x128xi1>, vector<96x128xf32>
    %reduce_sum3A_2124 = arith.constant dense<0.000000e+00> : vector<128xf32>
    %reduce_sum3A_2125 = vector.multi_reduction <add>, %select_n3A_2123, %reduce_sum3A_2124 [0] : vector<96x128xf32> to vector<128xf32>
    %broadcast_in_dim3A_2126 = vector.shape_cast %reduce_sum3A_2125 : vector<128xf32> to vector<1x128xf32>
    %log3A_2127 = math.log %broadcast_in_dim3A_2126 : vector<1x128xf32>
    %mul3A_2128 = arith.mulf %log3A_2127, %get3A_2104 : vector<1x128xf32>
    %add3A_2129 = arith.addf %add3A_2087, %select_n3A_2123 : vector<96x128xf32>
    %add3A_2130 = arith.addf %add3A_2088, %mul3A_2118 : vector<96x128xf32>
    %add3A_2131 = arith.addf %add3A_2089, %mul3A_2128 : vector<1x128xf32>
    %get3A_2132 = arith.constant 0 : index
    %get3A_2133 = arith.constant 0 : index
    %get3A_2134 = arith.constant 6528 : index
    %get3A_2135 = vector.load %arg2[%get3A_2132, %get3A_2133, %get3A_2134] : memref<1x96x12544xf32, #tpu.memory_space<vmem>>, vector<1x96x128xf32>
    %get3A_2136 = vector.shape_cast %get3A_2135 : vector<1x96x128xf32> to vector<96x128xf32>
    %get3A_2137 = arith.constant 0 : index
    %get3A_2138 = arith.constant 0 : index
    %get3A_2139 = arith.constant 6528 : index
    %get3A_2140 = vector.load %arg3[%get3A_2137, %get3A_2138, %get3A_2139] : memref<1x1x12544xi32, #tpu.memory_space<vmem>>, vector<1x1x128xi32>
    %get3A_2141 = vector.shape_cast %get3A_2140 : vector<1x1x128xi32> to vector<1x128xi32>
    %get3A_2142 = arith.constant 0 : index
    %get3A_2143 = arith.constant 0 : index
    %get3A_2144 = arith.constant 6528 : index
    %get3A_2145 = vector.load %arg4[%get3A_2142, %get3A_2143, %get3A_2144] : memref<1x1x12544xf32, #tpu.memory_space<vmem>>, vector<1x1x128xf32>
    %get3A_2146 = vector.shape_cast %get3A_2145 : vector<1x1x128xf32> to vector<1x128xf32>
    %reduce_max3A_2147 = arith.constant dense<0xFF800000> : vector<128xf32>
    %reduce_max3A_2148 = vector.multi_reduction <maximumf>, %get3A_2136, %reduce_max3A_2147 [0] : vector<96x128xf32> to vector<128xf32>
    %broadcast_in_dim3A_2149 = vector.shape_cast %reduce_max3A_2148 : vector<128xf32> to vector<1x128xf32>
    %sub3A_2150 = vector.broadcast %broadcast_in_dim3A_2149 : vector<1x128xf32> to vector<96x128xf32>
    %sub3A_2151 = arith.subf %get3A_2136, %sub3A_2150 : vector<96x128xf32>
    %exp3A_2152 = math.exp %sub3A_2151 : vector<96x128xf32>
    %reduce_sum3A_2153 = arith.constant dense<0.000000e+00> : vector<128xf32>
    %reduce_sum3A_2154 = vector.multi_reduction <add>, %exp3A_2152, %reduce_sum3A_2153 [0] : vector<96x128xf32> to vector<128xf32>
    %broadcast_in_dim3A_2155 = vector.shape_cast %reduce_sum3A_2154 : vector<128xf32> to vector<1x128xf32>
    %div3A_2156 = arith.constant 1.000000e+00 : f32
    %div3A_2157 = vector.broadcast %div3A_2156 : f32 to vector<1x128xf32>
    %div3A_2158 = arith.divf %div3A_2157, %broadcast_in_dim3A_2155 : vector<1x128xf32>
    %mul3A_2159 = vector.broadcast %div3A_2158 : vector<1x128xf32> to vector<96x128xf32>
    %mul3A_2160 = arith.mulf %exp3A_2152, %mul3A_2159 : vector<96x128xf32>
    %eq3A_2161 = vector.broadcast %get3A_2141 : vector<1x128xi32> to vector<96x128xi32>
    %eq3A_2162 = arith.cmpi eq, %iota3A, %eq3A_2161 : vector<96x128xi32>
    %jit3A_2163 = arith.constant 0.000000e+00 : f32
    %broadcast_in_dim3A_2164 = vector.broadcast %jit3A_2163 : f32 to vector<96x128xf32>
    %select_n3A_2165 = arith.select %eq3A_2162, %mul3A_2160, %broadcast_in_dim3A_2164 : vector<96x128xi1>, vector<96x128xf32>
    %reduce_sum3A_2166 = arith.constant dense<0.000000e+00> : vector<128xf32>
    %reduce_sum3A_2167 = vector.multi_reduction <add>, %select_n3A_2165, %reduce_sum3A_2166 [0] : vector<96x128xf32> to vector<128xf32>
    %broadcast_in_dim3A_2168 = vector.shape_cast %reduce_sum3A_2167 : vector<128xf32> to vector<1x128xf32>
    %log3A_2169 = math.log %broadcast_in_dim3A_2168 : vector<1x128xf32>
    %mul3A_2170 = arith.mulf %log3A_2169, %get3A_2146 : vector<1x128xf32>
    %add3A_2171 = arith.addf %add3A_2129, %select_n3A_2165 : vector<96x128xf32>
    %add3A_2172 = arith.addf %add3A_2130, %mul3A_2160 : vector<96x128xf32>
    %add3A_2173 = arith.addf %add3A_2131, %mul3A_2170 : vector<1x128xf32>
    %get3A_2174 = arith.constant 0 : index
    %get3A_2175 = arith.constant 0 : index
    %get3A_2176 = arith.constant 6656 : index
    %get3A_2177 = vector.load %arg2[%get3A_2174, %get3A_2175, %get3A_2176] : memref<1x96x12544xf32, #tpu.memory_space<vmem>>, vector<1x96x128xf32>
    %get3A_2178 = vector.shape_cast %get3A_2177 : vector<1x96x128xf32> to vector<96x128xf32>
    %get3A_2179 = arith.constant 0 : index
    %get3A_2180 = arith.constant 0 : index
    %get3A_2181 = arith.constant 6656 : index
    %get3A_2182 = vector.load %arg3[%get3A_2179, %get3A_2180, %get3A_2181] : memref<1x1x12544xi32, #tpu.memory_space<vmem>>, vector<1x1x128xi32>
    %get3A_2183 = vector.shape_cast %get3A_2182 : vector<1x1x128xi32> to vector<1x128xi32>
    %get3A_2184 = arith.constant 0 : index
    %get3A_2185 = arith.constant 0 : index
    %get3A_2186 = arith.constant 6656 : index
    %get3A_2187 = vector.load %arg4[%get3A_2184, %get3A_2185, %get3A_2186] : memref<1x1x12544xf32, #tpu.memory_space<vmem>>, vector<1x1x128xf32>
    %get3A_2188 = vector.shape_cast %get3A_2187 : vector<1x1x128xf32> to vector<1x128xf32>
    %reduce_max3A_2189 = arith.constant dense<0xFF800000> : vector<128xf32>
    %reduce_max3A_2190 = vector.multi_reduction <maximumf>, %get3A_2178, %reduce_max3A_2189 [0] : vector<96x128xf32> to vector<128xf32>
    %broadcast_in_dim3A_2191 = vector.shape_cast %reduce_max3A_2190 : vector<128xf32> to vector<1x128xf32>
    %sub3A_2192 = vector.broadcast %broadcast_in_dim3A_2191 : vector<1x128xf32> to vector<96x128xf32>
    %sub3A_2193 = arith.subf %get3A_2178, %sub3A_2192 : vector<96x128xf32>
    %exp3A_2194 = math.exp %sub3A_2193 : vector<96x128xf32>
    %reduce_sum3A_2195 = arith.constant dense<0.000000e+00> : vector<128xf32>
    %reduce_sum3A_2196 = vector.multi_reduction <add>, %exp3A_2194, %reduce_sum3A_2195 [0] : vector<96x128xf32> to vector<128xf32>
    %broadcast_in_dim3A_2197 = vector.shape_cast %reduce_sum3A_2196 : vector<128xf32> to vector<1x128xf32>
    %div3A_2198 = arith.constant 1.000000e+00 : f32
    %div3A_2199 = vector.broadcast %div3A_2198 : f32 to vector<1x128xf32>
    %div3A_2200 = arith.divf %div3A_2199, %broadcast_in_dim3A_2197 : vector<1x128xf32>
    %mul3A_2201 = vector.broadcast %div3A_2200 : vector<1x128xf32> to vector<96x128xf32>
    %mul3A_2202 = arith.mulf %exp3A_2194, %mul3A_2201 : vector<96x128xf32>
    %eq3A_2203 = vector.broadcast %get3A_2183 : vector<1x128xi32> to vector<96x128xi32>
    %eq3A_2204 = arith.cmpi eq, %iota3A, %eq3A_2203 : vector<96x128xi32>
    %jit3A_2205 = arith.constant 0.000000e+00 : f32
    %broadcast_in_dim3A_2206 = vector.broadcast %jit3A_2205 : f32 to vector<96x128xf32>
    %select_n3A_2207 = arith.select %eq3A_2204, %mul3A_2202, %broadcast_in_dim3A_2206 : vector<96x128xi1>, vector<96x128xf32>
    %reduce_sum3A_2208 = arith.constant dense<0.000000e+00> : vector<128xf32>
    %reduce_sum3A_2209 = vector.multi_reduction <add>, %select_n3A_2207, %reduce_sum3A_2208 [0] : vector<96x128xf32> to vector<128xf32>
    %broadcast_in_dim3A_2210 = vector.shape_cast %reduce_sum3A_2209 : vector<128xf32> to vector<1x128xf32>
    %log3A_2211 = math.log %broadcast_in_dim3A_2210 : vector<1x128xf32>
    %mul3A_2212 = arith.mulf %log3A_2211, %get3A_2188 : vector<1x128xf32>
    %add3A_2213 = arith.addf %add3A_2171, %select_n3A_2207 : vector<96x128xf32>
    %add3A_2214 = arith.addf %add3A_2172, %mul3A_2202 : vector<96x128xf32>
    %add3A_2215 = arith.addf %add3A_2173, %mul3A_2212 : vector<1x128xf32>
    %get3A_2216 = arith.constant 0 : index
    %get3A_2217 = arith.constant 0 : index
    %get3A_2218 = arith.constant 6784 : index
    %get3A_2219 = vector.load %arg2[%get3A_2216, %get3A_2217, %get3A_2218] : memref<1x96x12544xf32, #tpu.memory_space<vmem>>, vector<1x96x128xf32>
    %get3A_2220 = vector.shape_cast %get3A_2219 : vector<1x96x128xf32> to vector<96x128xf32>
    %get3A_2221 = arith.constant 0 : index
    %get3A_2222 = arith.constant 0 : index
    %get3A_2223 = arith.constant 6784 : index
    %get3A_2224 = vector.load %arg3[%get3A_2221, %get3A_2222, %get3A_2223] : memref<1x1x12544xi32, #tpu.memory_space<vmem>>, vector<1x1x128xi32>
    %get3A_2225 = vector.shape_cast %get3A_2224 : vector<1x1x128xi32> to vector<1x128xi32>
    %get3A_2226 = arith.constant 0 : index
    %get3A_2227 = arith.constant 0 : index
    %get3A_2228 = arith.constant 6784 : index
    %get3A_2229 = vector.load %arg4[%get3A_2226, %get3A_2227, %get3A_2228] : memref<1x1x12544xf32, #tpu.memory_space<vmem>>, vector<1x1x128xf32>
    %get3A_2230 = vector.shape_cast %get3A_2229 : vector<1x1x128xf32> to vector<1x128xf32>
    %reduce_max3A_2231 = arith.constant dense<0xFF800000> : vector<128xf32>
    %reduce_max3A_2232 = vector.multi_reduction <maximumf>, %get3A_2220, %reduce_max3A_2231 [0] : vector<96x128xf32> to vector<128xf32>
    %broadcast_in_dim3A_2233 = vector.shape_cast %reduce_max3A_2232 : vector<128xf32> to vector<1x128xf32>
    %sub3A_2234 = vector.broadcast %broadcast_in_dim3A_2233 : vector<1x128xf32> to vector<96x128xf32>
    %sub3A_2235 = arith.subf %get3A_2220, %sub3A_2234 : vector<96x128xf32>
    %exp3A_2236 = math.exp %sub3A_2235 : vector<96x128xf32>
    %reduce_sum3A_2237 = arith.constant dense<0.000000e+00> : vector<128xf32>
    %reduce_sum3A_2238 = vector.multi_reduction <add>, %exp3A_2236, %reduce_sum3A_2237 [0] : vector<96x128xf32> to vector<128xf32>
    %broadcast_in_dim3A_2239 = vector.shape_cast %reduce_sum3A_2238 : vector<128xf32> to vector<1x128xf32>
    %div3A_2240 = arith.constant 1.000000e+00 : f32
    %div3A_2241 = vector.broadcast %div3A_2240 : f32 to vector<1x128xf32>
    %div3A_2242 = arith.divf %div3A_2241, %broadcast_in_dim3A_2239 : vector<1x128xf32>
    %mul3A_2243 = vector.broadcast %div3A_2242 : vector<1x128xf32> to vector<96x128xf32>
    %mul3A_2244 = arith.mulf %exp3A_2236, %mul3A_2243 : vector<96x128xf32>
    %eq3A_2245 = vector.broadcast %get3A_2225 : vector<1x128xi32> to vector<96x128xi32>
    %eq3A_2246 = arith.cmpi eq, %iota3A, %eq3A_2245 : vector<96x128xi32>
    %jit3A_2247 = arith.constant 0.000000e+00 : f32
    %broadcast_in_dim3A_2248 = vector.broadcast %jit3A_2247 : f32 to vector<96x128xf32>
    %select_n3A_2249 = arith.select %eq3A_2246, %mul3A_2244, %broadcast_in_dim3A_2248 : vector<96x128xi1>, vector<96x128xf32>
    %reduce_sum3A_2250 = arith.constant dense<0.000000e+00> : vector<128xf32>
    %reduce_sum3A_2251 = vector.multi_reduction <add>, %select_n3A_2249, %reduce_sum3A_2250 [0] : vector<96x128xf32> to vector<128xf32>
    %broadcast_in_dim3A_2252 = vector.shape_cast %reduce_sum3A_2251 : vector<128xf32> to vector<1x128xf32>
    %log3A_2253 = math.log %broadcast_in_dim3A_2252 : vector<1x128xf32>
    %mul3A_2254 = arith.mulf %log3A_2253, %get3A_2230 : vector<1x128xf32>
    %add3A_2255 = arith.addf %add3A_2213, %select_n3A_2249 : vector<96x128xf32>
    %add3A_2256 = arith.addf %add3A_2214, %mul3A_2244 : vector<96x128xf32>
    %add3A_2257 = arith.addf %add3A_2215, %mul3A_2254 : vector<1x128xf32>
    %get3A_2258 = arith.constant 0 : index
    %get3A_2259 = arith.constant 0 : index
    %get3A_2260 = arith.constant 6912 : index
    %get3A_2261 = vector.load %arg2[%get3A_2258, %get3A_2259, %get3A_2260] : memref<1x96x12544xf32, #tpu.memory_space<vmem>>, vector<1x96x128xf32>
    %get3A_2262 = vector.shape_cast %get3A_2261 : vector<1x96x128xf32> to vector<96x128xf32>
    %get3A_2263 = arith.constant 0 : index
    %get3A_2264 = arith.constant 0 : index
    %get3A_2265 = arith.constant 6912 : index
    %get3A_2266 = vector.load %arg3[%get3A_2263, %get3A_2264, %get3A_2265] : memref<1x1x12544xi32, #tpu.memory_space<vmem>>, vector<1x1x128xi32>
    %get3A_2267 = vector.shape_cast %get3A_2266 : vector<1x1x128xi32> to vector<1x128xi32>
    %get3A_2268 = arith.constant 0 : index
    %get3A_2269 = arith.constant 0 : index
    %get3A_2270 = arith.constant 6912 : index
    %get3A_2271 = vector.load %arg4[%get3A_2268, %get3A_2269, %get3A_2270] : memref<1x1x12544xf32, #tpu.memory_space<vmem>>, vector<1x1x128xf32>
    %get3A_2272 = vector.shape_cast %get3A_2271 : vector<1x1x128xf32> to vector<1x128xf32>
    %reduce_max3A_2273 = arith.constant dense<0xFF800000> : vector<128xf32>
    %reduce_max3A_2274 = vector.multi_reduction <maximumf>, %get3A_2262, %reduce_max3A_2273 [0] : vector<96x128xf32> to vector<128xf32>
    %broadcast_in_dim3A_2275 = vector.shape_cast %reduce_max3A_2274 : vector<128xf32> to vector<1x128xf32>
    %sub3A_2276 = vector.broadcast %broadcast_in_dim3A_2275 : vector<1x128xf32> to vector<96x128xf32>
    %sub3A_2277 = arith.subf %get3A_2262, %sub3A_2276 : vector<96x128xf32>
    %exp3A_2278 = math.exp %sub3A_2277 : vector<96x128xf32>
    %reduce_sum3A_2279 = arith.constant dense<0.000000e+00> : vector<128xf32>
    %reduce_sum3A_2280 = vector.multi_reduction <add>, %exp3A_2278, %reduce_sum3A_2279 [0] : vector<96x128xf32> to vector<128xf32>
    %broadcast_in_dim3A_2281 = vector.shape_cast %reduce_sum3A_2280 : vector<128xf32> to vector<1x128xf32>
    %div3A_2282 = arith.constant 1.000000e+00 : f32
    %div3A_2283 = vector.broadcast %div3A_2282 : f32 to vector<1x128xf32>
    %div3A_2284 = arith.divf %div3A_2283, %broadcast_in_dim3A_2281 : vector<1x128xf32>
    %mul3A_2285 = vector.broadcast %div3A_2284 : vector<1x128xf32> to vector<96x128xf32>
    %mul3A_2286 = arith.mulf %exp3A_2278, %mul3A_2285 : vector<96x128xf32>
    %eq3A_2287 = vector.broadcast %get3A_2267 : vector<1x128xi32> to vector<96x128xi32>
    %eq3A_2288 = arith.cmpi eq, %iota3A, %eq3A_2287 : vector<96x128xi32>
    %jit3A_2289 = arith.constant 0.000000e+00 : f32
    %broadcast_in_dim3A_2290 = vector.broadcast %jit3A_2289 : f32 to vector<96x128xf32>
    %select_n3A_2291 = arith.select %eq3A_2288, %mul3A_2286, %broadcast_in_dim3A_2290 : vector<96x128xi1>, vector<96x128xf32>
    %reduce_sum3A_2292 = arith.constant dense<0.000000e+00> : vector<128xf32>
    %reduce_sum3A_2293 = vector.multi_reduction <add>, %select_n3A_2291, %reduce_sum3A_2292 [0] : vector<96x128xf32> to vector<128xf32>
    %broadcast_in_dim3A_2294 = vector.shape_cast %reduce_sum3A_2293 : vector<128xf32> to vector<1x128xf32>
    %log3A_2295 = math.log %broadcast_in_dim3A_2294 : vector<1x128xf32>
    %mul3A_2296 = arith.mulf %log3A_2295, %get3A_2272 : vector<1x128xf32>
    %add3A_2297 = arith.addf %add3A_2255, %select_n3A_2291 : vector<96x128xf32>
    %add3A_2298 = arith.addf %add3A_2256, %mul3A_2286 : vector<96x128xf32>
    %add3A_2299 = arith.addf %add3A_2257, %mul3A_2296 : vector<1x128xf32>
    %get3A_2300 = arith.constant 0 : index
    %get3A_2301 = arith.constant 0 : index
    %get3A_2302 = arith.constant 7040 : index
    %get3A_2303 = vector.load %arg2[%get3A_2300, %get3A_2301, %get3A_2302] : memref<1x96x12544xf32, #tpu.memory_space<vmem>>, vector<1x96x128xf32>
    %get3A_2304 = vector.shape_cast %get3A_2303 : vector<1x96x128xf32> to vector<96x128xf32>
    %get3A_2305 = arith.constant 0 : index
    %get3A_2306 = arith.constant 0 : index
    %get3A_2307 = arith.constant 7040 : index
    %get3A_2308 = vector.load %arg3[%get3A_2305, %get3A_2306, %get3A_2307] : memref<1x1x12544xi32, #tpu.memory_space<vmem>>, vector<1x1x128xi32>
    %get3A_2309 = vector.shape_cast %get3A_2308 : vector<1x1x128xi32> to vector<1x128xi32>
    %get3A_2310 = arith.constant 0 : index
    %get3A_2311 = arith.constant 0 : index
    %get3A_2312 = arith.constant 7040 : index
    %get3A_2313 = vector.load %arg4[%get3A_2310, %get3A_2311, %get3A_2312] : memref<1x1x12544xf32, #tpu.memory_space<vmem>>, vector<1x1x128xf32>
    %get3A_2314 = vector.shape_cast %get3A_2313 : vector<1x1x128xf32> to vector<1x128xf32>
    %reduce_max3A_2315 = arith.constant dense<0xFF800000> : vector<128xf32>
    %reduce_max3A_2316 = vector.multi_reduction <maximumf>, %get3A_2304, %reduce_max3A_2315 [0] : vector<96x128xf32> to vector<128xf32>
    %broadcast_in_dim3A_2317 = vector.shape_cast %reduce_max3A_2316 : vector<128xf32> to vector<1x128xf32>
    %sub3A_2318 = vector.broadcast %broadcast_in_dim3A_2317 : vector<1x128xf32> to vector<96x128xf32>
    %sub3A_2319 = arith.subf %get3A_2304, %sub3A_2318 : vector<96x128xf32>
    %exp3A_2320 = math.exp %sub3A_2319 : vector<96x128xf32>
    %reduce_sum3A_2321 = arith.constant dense<0.000000e+00> : vector<128xf32>
    %reduce_sum3A_2322 = vector.multi_reduction <add>, %exp3A_2320, %reduce_sum3A_2321 [0] : vector<96x128xf32> to vector<128xf32>
    %broadcast_in_dim3A_2323 = vector.shape_cast %reduce_sum3A_2322 : vector<128xf32> to vector<1x128xf32>
    %div3A_2324 = arith.constant 1.000000e+00 : f32
    %div3A_2325 = vector.broadcast %div3A_2324 : f32 to vector<1x128xf32>
    %div3A_2326 = arith.divf %div3A_2325, %broadcast_in_dim3A_2323 : vector<1x128xf32>
    %mul3A_2327 = vector.broadcast %div3A_2326 : vector<1x128xf32> to vector<96x128xf32>
    %mul3A_2328 = arith.mulf %exp3A_2320, %mul3A_2327 : vector<96x128xf32>
    %eq3A_2329 = vector.broadcast %get3A_2309 : vector<1x128xi32> to vector<96x128xi32>
    %eq3A_2330 = arith.cmpi eq, %iota3A, %eq3A_2329 : vector<96x128xi32>
    %jit3A_2331 = arith.constant 0.000000e+00 : f32
    %broadcast_in_dim3A_2332 = vector.broadcast %jit3A_2331 : f32 to vector<96x128xf32>
    %select_n3A_2333 = arith.select %eq3A_2330, %mul3A_2328, %broadcast_in_dim3A_2332 : vector<96x128xi1>, vector<96x128xf32>
    %reduce_sum3A_2334 = arith.constant dense<0.000000e+00> : vector<128xf32>
    %reduce_sum3A_2335 = vector.multi_reduction <add>, %select_n3A_2333, %reduce_sum3A_2334 [0] : vector<96x128xf32> to vector<128xf32>
    %broadcast_in_dim3A_2336 = vector.shape_cast %reduce_sum3A_2335 : vector<128xf32> to vector<1x128xf32>
    %log3A_2337 = math.log %broadcast_in_dim3A_2336 : vector<1x128xf32>
    %mul3A_2338 = arith.mulf %log3A_2337, %get3A_2314 : vector<1x128xf32>
    %add3A_2339 = arith.addf %add3A_2297, %select_n3A_2333 : vector<96x128xf32>
    %add3A_2340 = arith.addf %add3A_2298, %mul3A_2328 : vector<96x128xf32>
    %add3A_2341 = arith.addf %add3A_2299, %mul3A_2338 : vector<1x128xf32>
    %get3A_2342 = arith.constant 0 : index
    %get3A_2343 = arith.constant 0 : index
    %get3A_2344 = arith.constant 7168 : index
    %get3A_2345 = vector.load %arg2[%get3A_2342, %get3A_2343, %get3A_2344] : memref<1x96x12544xf32, #tpu.memory_space<vmem>>, vector<1x96x128xf32>
    %get3A_2346 = vector.shape_cast %get3A_2345 : vector<1x96x128xf32> to vector<96x128xf32>
    %get3A_2347 = arith.constant 0 : index
    %get3A_2348 = arith.constant 0 : index
    %get3A_2349 = arith.constant 7168 : index
    %get3A_2350 = vector.load %arg3[%get3A_2347, %get3A_2348, %get3A_2349] : memref<1x1x12544xi32, #tpu.memory_space<vmem>>, vector<1x1x128xi32>
    %get3A_2351 = vector.shape_cast %get3A_2350 : vector<1x1x128xi32> to vector<1x128xi32>
    %get3A_2352 = arith.constant 0 : index
    %get3A_2353 = arith.constant 0 : index
    %get3A_2354 = arith.constant 7168 : index
    %get3A_2355 = vector.load %arg4[%get3A_2352, %get3A_2353, %get3A_2354] : memref<1x1x12544xf32, #tpu.memory_space<vmem>>, vector<1x1x128xf32>
    %get3A_2356 = vector.shape_cast %get3A_2355 : vector<1x1x128xf32> to vector<1x128xf32>
    %reduce_max3A_2357 = arith.constant dense<0xFF800000> : vector<128xf32>
    %reduce_max3A_2358 = vector.multi_reduction <maximumf>, %get3A_2346, %reduce_max3A_2357 [0] : vector<96x128xf32> to vector<128xf32>
    %broadcast_in_dim3A_2359 = vector.shape_cast %reduce_max3A_2358 : vector<128xf32> to vector<1x128xf32>
    %sub3A_2360 = vector.broadcast %broadcast_in_dim3A_2359 : vector<1x128xf32> to vector<96x128xf32>
    %sub3A_2361 = arith.subf %get3A_2346, %sub3A_2360 : vector<96x128xf32>
    %exp3A_2362 = math.exp %sub3A_2361 : vector<96x128xf32>
    %reduce_sum3A_2363 = arith.constant dense<0.000000e+00> : vector<128xf32>
    %reduce_sum3A_2364 = vector.multi_reduction <add>, %exp3A_2362, %reduce_sum3A_2363 [0] : vector<96x128xf32> to vector<128xf32>
    %broadcast_in_dim3A_2365 = vector.shape_cast %reduce_sum3A_2364 : vector<128xf32> to vector<1x128xf32>
    %div3A_2366 = arith.constant 1.000000e+00 : f32
    %div3A_2367 = vector.broadcast %div3A_2366 : f32 to vector<1x128xf32>
    %div3A_2368 = arith.divf %div3A_2367, %broadcast_in_dim3A_2365 : vector<1x128xf32>
    %mul3A_2369 = vector.broadcast %div3A_2368 : vector<1x128xf32> to vector<96x128xf32>
    %mul3A_2370 = arith.mulf %exp3A_2362, %mul3A_2369 : vector<96x128xf32>
    %eq3A_2371 = vector.broadcast %get3A_2351 : vector<1x128xi32> to vector<96x128xi32>
    %eq3A_2372 = arith.cmpi eq, %iota3A, %eq3A_2371 : vector<96x128xi32>
    %jit3A_2373 = arith.constant 0.000000e+00 : f32
    %broadcast_in_dim3A_2374 = vector.broadcast %jit3A_2373 : f32 to vector<96x128xf32>
    %select_n3A_2375 = arith.select %eq3A_2372, %mul3A_2370, %broadcast_in_dim3A_2374 : vector<96x128xi1>, vector<96x128xf32>
    %reduce_sum3A_2376 = arith.constant dense<0.000000e+00> : vector<128xf32>
    %reduce_sum3A_2377 = vector.multi_reduction <add>, %select_n3A_2375, %reduce_sum3A_2376 [0] : vector<96x128xf32> to vector<128xf32>
    %broadcast_in_dim3A_2378 = vector.shape_cast %reduce_sum3A_2377 : vector<128xf32> to vector<1x128xf32>
    %log3A_2379 = math.log %broadcast_in_dim3A_2378 : vector<1x128xf32>
    %mul3A_2380 = arith.mulf %log3A_2379, %get3A_2356 : vector<1x128xf32>
    %add3A_2381 = arith.addf %add3A_2339, %select_n3A_2375 : vector<96x128xf32>
    %add3A_2382 = arith.addf %add3A_2340, %mul3A_2370 : vector<96x128xf32>
    %add3A_2383 = arith.addf %add3A_2341, %mul3A_2380 : vector<1x128xf32>
    %get3A_2384 = arith.constant 0 : index
    %get3A_2385 = arith.constant 0 : index
    %get3A_2386 = arith.constant 7296 : index
    %get3A_2387 = vector.load %arg2[%get3A_2384, %get3A_2385, %get3A_2386] : memref<1x96x12544xf32, #tpu.memory_space<vmem>>, vector<1x96x128xf32>
    %get3A_2388 = vector.shape_cast %get3A_2387 : vector<1x96x128xf32> to vector<96x128xf32>
    %get3A_2389 = arith.constant 0 : index
    %get3A_2390 = arith.constant 0 : index
    %get3A_2391 = arith.constant 7296 : index
    %get3A_2392 = vector.load %arg3[%get3A_2389, %get3A_2390, %get3A_2391] : memref<1x1x12544xi32, #tpu.memory_space<vmem>>, vector<1x1x128xi32>
    %get3A_2393 = vector.shape_cast %get3A_2392 : vector<1x1x128xi32> to vector<1x128xi32>
    %get3A_2394 = arith.constant 0 : index
    %get3A_2395 = arith.constant 0 : index
    %get3A_2396 = arith.constant 7296 : index
    %get3A_2397 = vector.load %arg4[%get3A_2394, %get3A_2395, %get3A_2396] : memref<1x1x12544xf32, #tpu.memory_space<vmem>>, vector<1x1x128xf32>
    %get3A_2398 = vector.shape_cast %get3A_2397 : vector<1x1x128xf32> to vector<1x128xf32>
    %reduce_max3A_2399 = arith.constant dense<0xFF800000> : vector<128xf32>
    %reduce_max3A_2400 = vector.multi_reduction <maximumf>, %get3A_2388, %reduce_max3A_2399 [0] : vector<96x128xf32> to vector<128xf32>
    %broadcast_in_dim3A_2401 = vector.shape_cast %reduce_max3A_2400 : vector<128xf32> to vector<1x128xf32>
    %sub3A_2402 = vector.broadcast %broadcast_in_dim3A_2401 : vector<1x128xf32> to vector<96x128xf32>
    %sub3A_2403 = arith.subf %get3A_2388, %sub3A_2402 : vector<96x128xf32>
    %exp3A_2404 = math.exp %sub3A_2403 : vector<96x128xf32>
    %reduce_sum3A_2405 = arith.constant dense<0.000000e+00> : vector<128xf32>
    %reduce_sum3A_2406 = vector.multi_reduction <add>, %exp3A_2404, %reduce_sum3A_2405 [0] : vector<96x128xf32> to vector<128xf32>
    %broadcast_in_dim3A_2407 = vector.shape_cast %reduce_sum3A_2406 : vector<128xf32> to vector<1x128xf32>
    %div3A_2408 = arith.constant 1.000000e+00 : f32
    %div3A_2409 = vector.broadcast %div3A_2408 : f32 to vector<1x128xf32>
    %div3A_2410 = arith.divf %div3A_2409, %broadcast_in_dim3A_2407 : vector<1x128xf32>
    %mul3A_2411 = vector.broadcast %div3A_2410 : vector<1x128xf32> to vector<96x128xf32>
    %mul3A_2412 = arith.mulf %exp3A_2404, %mul3A_2411 : vector<96x128xf32>
    %eq3A_2413 = vector.broadcast %get3A_2393 : vector<1x128xi32> to vector<96x128xi32>
    %eq3A_2414 = arith.cmpi eq, %iota3A, %eq3A_2413 : vector<96x128xi32>
    %jit3A_2415 = arith.constant 0.000000e+00 : f32
    %broadcast_in_dim3A_2416 = vector.broadcast %jit3A_2415 : f32 to vector<96x128xf32>
    %select_n3A_2417 = arith.select %eq3A_2414, %mul3A_2412, %broadcast_in_dim3A_2416 : vector<96x128xi1>, vector<96x128xf32>
    %reduce_sum3A_2418 = arith.constant dense<0.000000e+00> : vector<128xf32>
    %reduce_sum3A_2419 = vector.multi_reduction <add>, %select_n3A_2417, %reduce_sum3A_2418 [0] : vector<96x128xf32> to vector<128xf32>
    %broadcast_in_dim3A_2420 = vector.shape_cast %reduce_sum3A_2419 : vector<128xf32> to vector<1x128xf32>
    %log3A_2421 = math.log %broadcast_in_dim3A_2420 : vector<1x128xf32>
    %mul3A_2422 = arith.mulf %log3A_2421, %get3A_2398 : vector<1x128xf32>
    %add3A_2423 = arith.addf %add3A_2381, %select_n3A_2417 : vector<96x128xf32>
    %add3A_2424 = arith.addf %add3A_2382, %mul3A_2412 : vector<96x128xf32>
    %add3A_2425 = arith.addf %add3A_2383, %mul3A_2422 : vector<1x128xf32>
    %get3A_2426 = arith.constant 0 : index
    %get3A_2427 = arith.constant 0 : index
    %get3A_2428 = arith.constant 7424 : index
    %get3A_2429 = vector.load %arg2[%get3A_2426, %get3A_2427, %get3A_2428] : memref<1x96x12544xf32, #tpu.memory_space<vmem>>, vector<1x96x128xf32>
    %get3A_2430 = vector.shape_cast %get3A_2429 : vector<1x96x128xf32> to vector<96x128xf32>
    %get3A_2431 = arith.constant 0 : index
    %get3A_2432 = arith.constant 0 : index
    %get3A_2433 = arith.constant 7424 : index
    %get3A_2434 = vector.load %arg3[%get3A_2431, %get3A_2432, %get3A_2433] : memref<1x1x12544xi32, #tpu.memory_space<vmem>>, vector<1x1x128xi32>
    %get3A_2435 = vector.shape_cast %get3A_2434 : vector<1x1x128xi32> to vector<1x128xi32>
    %get3A_2436 = arith.constant 0 : index
    %get3A_2437 = arith.constant 0 : index
    %get3A_2438 = arith.constant 7424 : index
    %get3A_2439 = vector.load %arg4[%get3A_2436, %get3A_2437, %get3A_2438] : memref<1x1x12544xf32, #tpu.memory_space<vmem>>, vector<1x1x128xf32>
    %get3A_2440 = vector.shape_cast %get3A_2439 : vector<1x1x128xf32> to vector<1x128xf32>
    %reduce_max3A_2441 = arith.constant dense<0xFF800000> : vector<128xf32>
    %reduce_max3A_2442 = vector.multi_reduction <maximumf>, %get3A_2430, %reduce_max3A_2441 [0] : vector<96x128xf32> to vector<128xf32>
    %broadcast_in_dim3A_2443 = vector.shape_cast %reduce_max3A_2442 : vector<128xf32> to vector<1x128xf32>
    %sub3A_2444 = vector.broadcast %broadcast_in_dim3A_2443 : vector<1x128xf32> to vector<96x128xf32>
    %sub3A_2445 = arith.subf %get3A_2430, %sub3A_2444 : vector<96x128xf32>
    %exp3A_2446 = math.exp %sub3A_2445 : vector<96x128xf32>
    %reduce_sum3A_2447 = arith.constant dense<0.000000e+00> : vector<128xf32>
    %reduce_sum3A_2448 = vector.multi_reduction <add>, %exp3A_2446, %reduce_sum3A_2447 [0] : vector<96x128xf32> to vector<128xf32>
    %broadcast_in_dim3A_2449 = vector.shape_cast %reduce_sum3A_2448 : vector<128xf32> to vector<1x128xf32>
    %div3A_2450 = arith.constant 1.000000e+00 : f32
    %div3A_2451 = vector.broadcast %div3A_2450 : f32 to vector<1x128xf32>
    %div3A_2452 = arith.divf %div3A_2451, %broadcast_in_dim3A_2449 : vector<1x128xf32>
    %mul3A_2453 = vector.broadcast %div3A_2452 : vector<1x128xf32> to vector<96x128xf32>
    %mul3A_2454 = arith.mulf %exp3A_2446, %mul3A_2453 : vector<96x128xf32>
    %eq3A_2455 = vector.broadcast %get3A_2435 : vector<1x128xi32> to vector<96x128xi32>
    %eq3A_2456 = arith.cmpi eq, %iota3A, %eq3A_2455 : vector<96x128xi32>
    %jit3A_2457 = arith.constant 0.000000e+00 : f32
    %broadcast_in_dim3A_2458 = vector.broadcast %jit3A_2457 : f32 to vector<96x128xf32>
    %select_n3A_2459 = arith.select %eq3A_2456, %mul3A_2454, %broadcast_in_dim3A_2458 : vector<96x128xi1>, vector<96x128xf32>
    %reduce_sum3A_2460 = arith.constant dense<0.000000e+00> : vector<128xf32>
    %reduce_sum3A_2461 = vector.multi_reduction <add>, %select_n3A_2459, %reduce_sum3A_2460 [0] : vector<96x128xf32> to vector<128xf32>
    %broadcast_in_dim3A_2462 = vector.shape_cast %reduce_sum3A_2461 : vector<128xf32> to vector<1x128xf32>
    %log3A_2463 = math.log %broadcast_in_dim3A_2462 : vector<1x128xf32>
    %mul3A_2464 = arith.mulf %log3A_2463, %get3A_2440 : vector<1x128xf32>
    %add3A_2465 = arith.addf %add3A_2423, %select_n3A_2459 : vector<96x128xf32>
    %add3A_2466 = arith.addf %add3A_2424, %mul3A_2454 : vector<96x128xf32>
    %add3A_2467 = arith.addf %add3A_2425, %mul3A_2464 : vector<1x128xf32>
    %get3A_2468 = arith.constant 0 : index
    %get3A_2469 = arith.constant 0 : index
    %get3A_2470 = arith.constant 7552 : index
    %get3A_2471 = vector.load %arg2[%get3A_2468, %get3A_2469, %get3A_2470] : memref<1x96x12544xf32, #tpu.memory_space<vmem>>, vector<1x96x128xf32>
    %get3A_2472 = vector.shape_cast %get3A_2471 : vector<1x96x128xf32> to vector<96x128xf32>
    %get3A_2473 = arith.constant 0 : index
    %get3A_2474 = arith.constant 0 : index
    %get3A_2475 = arith.constant 7552 : index
    %get3A_2476 = vector.load %arg3[%get3A_2473, %get3A_2474, %get3A_2475] : memref<1x1x12544xi32, #tpu.memory_space<vmem>>, vector<1x1x128xi32>
    %get3A_2477 = vector.shape_cast %get3A_2476 : vector<1x1x128xi32> to vector<1x128xi32>
    %get3A_2478 = arith.constant 0 : index
    %get3A_2479 = arith.constant 0 : index
    %get3A_2480 = arith.constant 7552 : index
    %get3A_2481 = vector.load %arg4[%get3A_2478, %get3A_2479, %get3A_2480] : memref<1x1x12544xf32, #tpu.memory_space<vmem>>, vector<1x1x128xf32>
    %get3A_2482 = vector.shape_cast %get3A_2481 : vector<1x1x128xf32> to vector<1x128xf32>
    %reduce_max3A_2483 = arith.constant dense<0xFF800000> : vector<128xf32>
    %reduce_max3A_2484 = vector.multi_reduction <maximumf>, %get3A_2472, %reduce_max3A_2483 [0] : vector<96x128xf32> to vector<128xf32>
    %broadcast_in_dim3A_2485 = vector.shape_cast %reduce_max3A_2484 : vector<128xf32> to vector<1x128xf32>
    %sub3A_2486 = vector.broadcast %broadcast_in_dim3A_2485 : vector<1x128xf32> to vector<96x128xf32>
    %sub3A_2487 = arith.subf %get3A_2472, %sub3A_2486 : vector<96x128xf32>
    %exp3A_2488 = math.exp %sub3A_2487 : vector<96x128xf32>
    %reduce_sum3A_2489 = arith.constant dense<0.000000e+00> : vector<128xf32>
    %reduce_sum3A_2490 = vector.multi_reduction <add>, %exp3A_2488, %reduce_sum3A_2489 [0] : vector<96x128xf32> to vector<128xf32>
    %broadcast_in_dim3A_2491 = vector.shape_cast %reduce_sum3A_2490 : vector<128xf32> to vector<1x128xf32>
    %div3A_2492 = arith.constant 1.000000e+00 : f32
    %div3A_2493 = vector.broadcast %div3A_2492 : f32 to vector<1x128xf32>
    %div3A_2494 = arith.divf %div3A_2493, %broadcast_in_dim3A_2491 : vector<1x128xf32>
    %mul3A_2495 = vector.broadcast %div3A_2494 : vector<1x128xf32> to vector<96x128xf32>
    %mul3A_2496 = arith.mulf %exp3A_2488, %mul3A_2495 : vector<96x128xf32>
    %eq3A_2497 = vector.broadcast %get3A_2477 : vector<1x128xi32> to vector<96x128xi32>
    %eq3A_2498 = arith.cmpi eq, %iota3A, %eq3A_2497 : vector<96x128xi32>
    %jit3A_2499 = arith.constant 0.000000e+00 : f32
    %broadcast_in_dim3A_2500 = vector.broadcast %jit3A_2499 : f32 to vector<96x128xf32>
    %select_n3A_2501 = arith.select %eq3A_2498, %mul3A_2496, %broadcast_in_dim3A_2500 : vector<96x128xi1>, vector<96x128xf32>
    %reduce_sum3A_2502 = arith.constant dense<0.000000e+00> : vector<128xf32>
    %reduce_sum3A_2503 = vector.multi_reduction <add>, %select_n3A_2501, %reduce_sum3A_2502 [0] : vector<96x128xf32> to vector<128xf32>
    %broadcast_in_dim3A_2504 = vector.shape_cast %reduce_sum3A_2503 : vector<128xf32> to vector<1x128xf32>
    %log3A_2505 = math.log %broadcast_in_dim3A_2504 : vector<1x128xf32>
    %mul3A_2506 = arith.mulf %log3A_2505, %get3A_2482 : vector<1x128xf32>
    %add3A_2507 = arith.addf %add3A_2465, %select_n3A_2501 : vector<96x128xf32>
    %add3A_2508 = arith.addf %add3A_2466, %mul3A_2496 : vector<96x128xf32>
    %add3A_2509 = arith.addf %add3A_2467, %mul3A_2506 : vector<1x128xf32>
    %get3A_2510 = arith.constant 0 : index
    %get3A_2511 = arith.constant 0 : index
    %get3A_2512 = arith.constant 7680 : index
    %get3A_2513 = vector.load %arg2[%get3A_2510, %get3A_2511, %get3A_2512] : memref<1x96x12544xf32, #tpu.memory_space<vmem>>, vector<1x96x128xf32>
    %get3A_2514 = vector.shape_cast %get3A_2513 : vector<1x96x128xf32> to vector<96x128xf32>
    %get3A_2515 = arith.constant 0 : index
    %get3A_2516 = arith.constant 0 : index
    %get3A_2517 = arith.constant 7680 : index
    %get3A_2518 = vector.load %arg3[%get3A_2515, %get3A_2516, %get3A_2517] : memref<1x1x12544xi32, #tpu.memory_space<vmem>>, vector<1x1x128xi32>
    %get3A_2519 = vector.shape_cast %get3A_2518 : vector<1x1x128xi32> to vector<1x128xi32>
    %get3A_2520 = arith.constant 0 : index
    %get3A_2521 = arith.constant 0 : index
    %get3A_2522 = arith.constant 7680 : index
    %get3A_2523 = vector.load %arg4[%get3A_2520, %get3A_2521, %get3A_2522] : memref<1x1x12544xf32, #tpu.memory_space<vmem>>, vector<1x1x128xf32>
    %get3A_2524 = vector.shape_cast %get3A_2523 : vector<1x1x128xf32> to vector<1x128xf32>
    %reduce_max3A_2525 = arith.constant dense<0xFF800000> : vector<128xf32>
    %reduce_max3A_2526 = vector.multi_reduction <maximumf>, %get3A_2514, %reduce_max3A_2525 [0] : vector<96x128xf32> to vector<128xf32>
    %broadcast_in_dim3A_2527 = vector.shape_cast %reduce_max3A_2526 : vector<128xf32> to vector<1x128xf32>
    %sub3A_2528 = vector.broadcast %broadcast_in_dim3A_2527 : vector<1x128xf32> to vector<96x128xf32>
    %sub3A_2529 = arith.subf %get3A_2514, %sub3A_2528 : vector<96x128xf32>
    %exp3A_2530 = math.exp %sub3A_2529 : vector<96x128xf32>
    %reduce_sum3A_2531 = arith.constant dense<0.000000e+00> : vector<128xf32>
    %reduce_sum3A_2532 = vector.multi_reduction <add>, %exp3A_2530, %reduce_sum3A_2531 [0] : vector<96x128xf32> to vector<128xf32>
    %broadcast_in_dim3A_2533 = vector.shape_cast %reduce_sum3A_2532 : vector<128xf32> to vector<1x128xf32>
    %div3A_2534 = arith.constant 1.000000e+00 : f32
    %div3A_2535 = vector.broadcast %div3A_2534 : f32 to vector<1x128xf32>
    %div3A_2536 = arith.divf %div3A_2535, %broadcast_in_dim3A_2533 : vector<1x128xf32>
    %mul3A_2537 = vector.broadcast %div3A_2536 : vector<1x128xf32> to vector<96x128xf32>
    %mul3A_2538 = arith.mulf %exp3A_2530, %mul3A_2537 : vector<96x128xf32>
    %eq3A_2539 = vector.broadcast %get3A_2519 : vector<1x128xi32> to vector<96x128xi32>
    %eq3A_2540 = arith.cmpi eq, %iota3A, %eq3A_2539 : vector<96x128xi32>
    %jit3A_2541 = arith.constant 0.000000e+00 : f32
    %broadcast_in_dim3A_2542 = vector.broadcast %jit3A_2541 : f32 to vector<96x128xf32>
    %select_n3A_2543 = arith.select %eq3A_2540, %mul3A_2538, %broadcast_in_dim3A_2542 : vector<96x128xi1>, vector<96x128xf32>
    %reduce_sum3A_2544 = arith.constant dense<0.000000e+00> : vector<128xf32>
    %reduce_sum3A_2545 = vector.multi_reduction <add>, %select_n3A_2543, %reduce_sum3A_2544 [0] : vector<96x128xf32> to vector<128xf32>
    %broadcast_in_dim3A_2546 = vector.shape_cast %reduce_sum3A_2545 : vector<128xf32> to vector<1x128xf32>
    %log3A_2547 = math.log %broadcast_in_dim3A_2546 : vector<1x128xf32>
    %mul3A_2548 = arith.mulf %log3A_2547, %get3A_2524 : vector<1x128xf32>
    %add3A_2549 = arith.addf %add3A_2507, %select_n3A_2543 : vector<96x128xf32>
    %add3A_2550 = arith.addf %add3A_2508, %mul3A_2538 : vector<96x128xf32>
    %add3A_2551 = arith.addf %add3A_2509, %mul3A_2548 : vector<1x128xf32>
    %get3A_2552 = arith.constant 0 : index
    %get3A_2553 = arith.constant 0 : index
    %get3A_2554 = arith.constant 7808 : index
    %get3A_2555 = vector.load %arg2[%get3A_2552, %get3A_2553, %get3A_2554] : memref<1x96x12544xf32, #tpu.memory_space<vmem>>, vector<1x96x128xf32>
    %get3A_2556 = vector.shape_cast %get3A_2555 : vector<1x96x128xf32> to vector<96x128xf32>
    %get3A_2557 = arith.constant 0 : index
    %get3A_2558 = arith.constant 0 : index
    %get3A_2559 = arith.constant 7808 : index
    %get3A_2560 = vector.load %arg3[%get3A_2557, %get3A_2558, %get3A_2559] : memref<1x1x12544xi32, #tpu.memory_space<vmem>>, vector<1x1x128xi32>
    %get3A_2561 = vector.shape_cast %get3A_2560 : vector<1x1x128xi32> to vector<1x128xi32>
    %get3A_2562 = arith.constant 0 : index
    %get3A_2563 = arith.constant 0 : index
    %get3A_2564 = arith.constant 7808 : index
    %get3A_2565 = vector.load %arg4[%get3A_2562, %get3A_2563, %get3A_2564] : memref<1x1x12544xf32, #tpu.memory_space<vmem>>, vector<1x1x128xf32>
    %get3A_2566 = vector.shape_cast %get3A_2565 : vector<1x1x128xf32> to vector<1x128xf32>
    %reduce_max3A_2567 = arith.constant dense<0xFF800000> : vector<128xf32>
    %reduce_max3A_2568 = vector.multi_reduction <maximumf>, %get3A_2556, %reduce_max3A_2567 [0] : vector<96x128xf32> to vector<128xf32>
    %broadcast_in_dim3A_2569 = vector.shape_cast %reduce_max3A_2568 : vector<128xf32> to vector<1x128xf32>
    %sub3A_2570 = vector.broadcast %broadcast_in_dim3A_2569 : vector<1x128xf32> to vector<96x128xf32>
    %sub3A_2571 = arith.subf %get3A_2556, %sub3A_2570 : vector<96x128xf32>
    %exp3A_2572 = math.exp %sub3A_2571 : vector<96x128xf32>
    %reduce_sum3A_2573 = arith.constant dense<0.000000e+00> : vector<128xf32>
    %reduce_sum3A_2574 = vector.multi_reduction <add>, %exp3A_2572, %reduce_sum3A_2573 [0] : vector<96x128xf32> to vector<128xf32>
    %broadcast_in_dim3A_2575 = vector.shape_cast %reduce_sum3A_2574 : vector<128xf32> to vector<1x128xf32>
    %div3A_2576 = arith.constant 1.000000e+00 : f32
    %div3A_2577 = vector.broadcast %div3A_2576 : f32 to vector<1x128xf32>
    %div3A_2578 = arith.divf %div3A_2577, %broadcast_in_dim3A_2575 : vector<1x128xf32>
    %mul3A_2579 = vector.broadcast %div3A_2578 : vector<1x128xf32> to vector<96x128xf32>
    %mul3A_2580 = arith.mulf %exp3A_2572, %mul3A_2579 : vector<96x128xf32>
    %eq3A_2581 = vector.broadcast %get3A_2561 : vector<1x128xi32> to vector<96x128xi32>
    %eq3A_2582 = arith.cmpi eq, %iota3A, %eq3A_2581 : vector<96x128xi32>
    %jit3A_2583 = arith.constant 0.000000e+00 : f32
    %broadcast_in_dim3A_2584 = vector.broadcast %jit3A_2583 : f32 to vector<96x128xf32>
    %select_n3A_2585 = arith.select %eq3A_2582, %mul3A_2580, %broadcast_in_dim3A_2584 : vector<96x128xi1>, vector<96x128xf32>
    %reduce_sum3A_2586 = arith.constant dense<0.000000e+00> : vector<128xf32>
    %reduce_sum3A_2587 = vector.multi_reduction <add>, %select_n3A_2585, %reduce_sum3A_2586 [0] : vector<96x128xf32> to vector<128xf32>
    %broadcast_in_dim3A_2588 = vector.shape_cast %reduce_sum3A_2587 : vector<128xf32> to vector<1x128xf32>
    %log3A_2589 = math.log %broadcast_in_dim3A_2588 : vector<1x128xf32>
    %mul3A_2590 = arith.mulf %log3A_2589, %get3A_2566 : vector<1x128xf32>
    %add3A_2591 = arith.addf %add3A_2549, %select_n3A_2585 : vector<96x128xf32>
    %add3A_2592 = arith.addf %add3A_2550, %mul3A_2580 : vector<96x128xf32>
    %add3A_2593 = arith.addf %add3A_2551, %mul3A_2590 : vector<1x128xf32>
    %get3A_2594 = arith.constant 0 : index
    %get3A_2595 = arith.constant 0 : index
    %get3A_2596 = arith.constant 7936 : index
    %get3A_2597 = vector.load %arg2[%get3A_2594, %get3A_2595, %get3A_2596] : memref<1x96x12544xf32, #tpu.memory_space<vmem>>, vector<1x96x128xf32>
    %get3A_2598 = vector.shape_cast %get3A_2597 : vector<1x96x128xf32> to vector<96x128xf32>
    %get3A_2599 = arith.constant 0 : index
    %get3A_2600 = arith.constant 0 : index
    %get3A_2601 = arith.constant 7936 : index
    %get3A_2602 = vector.load %arg3[%get3A_2599, %get3A_2600, %get3A_2601] : memref<1x1x12544xi32, #tpu.memory_space<vmem>>, vector<1x1x128xi32>
    %get3A_2603 = vector.shape_cast %get3A_2602 : vector<1x1x128xi32> to vector<1x128xi32>
    %get3A_2604 = arith.constant 0 : index
    %get3A_2605 = arith.constant 0 : index
    %get3A_2606 = arith.constant 7936 : index
    %get3A_2607 = vector.load %arg4[%get3A_2604, %get3A_2605, %get3A_2606] : memref<1x1x12544xf32, #tpu.memory_space<vmem>>, vector<1x1x128xf32>
    %get3A_2608 = vector.shape_cast %get3A_2607 : vector<1x1x128xf32> to vector<1x128xf32>
    %reduce_max3A_2609 = arith.constant dense<0xFF800000> : vector<128xf32>
    %reduce_max3A_2610 = vector.multi_reduction <maximumf>, %get3A_2598, %reduce_max3A_2609 [0] : vector<96x128xf32> to vector<128xf32>
    %broadcast_in_dim3A_2611 = vector.shape_cast %reduce_max3A_2610 : vector<128xf32> to vector<1x128xf32>
    %sub3A_2612 = vector.broadcast %broadcast_in_dim3A_2611 : vector<1x128xf32> to vector<96x128xf32>
    %sub3A_2613 = arith.subf %get3A_2598, %sub3A_2612 : vector<96x128xf32>
    %exp3A_2614 = math.exp %sub3A_2613 : vector<96x128xf32>
    %reduce_sum3A_2615 = arith.constant dense<0.000000e+00> : vector<128xf32>
    %reduce_sum3A_2616 = vector.multi_reduction <add>, %exp3A_2614, %reduce_sum3A_2615 [0] : vector<96x128xf32> to vector<128xf32>
    %broadcast_in_dim3A_2617 = vector.shape_cast %reduce_sum3A_2616 : vector<128xf32> to vector<1x128xf32>
    %div3A_2618 = arith.constant 1.000000e+00 : f32
    %div3A_2619 = vector.broadcast %div3A_2618 : f32 to vector<1x128xf32>
    %div3A_2620 = arith.divf %div3A_2619, %broadcast_in_dim3A_2617 : vector<1x128xf32>
    %mul3A_2621 = vector.broadcast %div3A_2620 : vector<1x128xf32> to vector<96x128xf32>
    %mul3A_2622 = arith.mulf %exp3A_2614, %mul3A_2621 : vector<96x128xf32>
    %eq3A_2623 = vector.broadcast %get3A_2603 : vector<1x128xi32> to vector<96x128xi32>
    %eq3A_2624 = arith.cmpi eq, %iota3A, %eq3A_2623 : vector<96x128xi32>
    %jit3A_2625 = arith.constant 0.000000e+00 : f32
    %broadcast_in_dim3A_2626 = vector.broadcast %jit3A_2625 : f32 to vector<96x128xf32>
    %select_n3A_2627 = arith.select %eq3A_2624, %mul3A_2622, %broadcast_in_dim3A_2626 : vector<96x128xi1>, vector<96x128xf32>
    %reduce_sum3A_2628 = arith.constant dense<0.000000e+00> : vector<128xf32>
    %reduce_sum3A_2629 = vector.multi_reduction <add>, %select_n3A_2627, %reduce_sum3A_2628 [0] : vector<96x128xf32> to vector<128xf32>
    %broadcast_in_dim3A_2630 = vector.shape_cast %reduce_sum3A_2629 : vector<128xf32> to vector<1x128xf32>
    %log3A_2631 = math.log %broadcast_in_dim3A_2630 : vector<1x128xf32>
    %mul3A_2632 = arith.mulf %log3A_2631, %get3A_2608 : vector<1x128xf32>
    %add3A_2633 = arith.addf %add3A_2591, %select_n3A_2627 : vector<96x128xf32>
    %add3A_2634 = arith.addf %add3A_2592, %mul3A_2622 : vector<96x128xf32>
    %add3A_2635 = arith.addf %add3A_2593, %mul3A_2632 : vector<1x128xf32>
    %get3A_2636 = arith.constant 0 : index
    %get3A_2637 = arith.constant 0 : index
    %get3A_2638 = arith.constant 8064 : index
    %get3A_2639 = vector.load %arg2[%get3A_2636, %get3A_2637, %get3A_2638] : memref<1x96x12544xf32, #tpu.memory_space<vmem>>, vector<1x96x128xf32>
    %get3A_2640 = vector.shape_cast %get3A_2639 : vector<1x96x128xf32> to vector<96x128xf32>
    %get3A_2641 = arith.constant 0 : index
    %get3A_2642 = arith.constant 0 : index
    %get3A_2643 = arith.constant 8064 : index
    %get3A_2644 = vector.load %arg3[%get3A_2641, %get3A_2642, %get3A_2643] : memref<1x1x12544xi32, #tpu.memory_space<vmem>>, vector<1x1x128xi32>
    %get3A_2645 = vector.shape_cast %get3A_2644 : vector<1x1x128xi32> to vector<1x128xi32>
    %get3A_2646 = arith.constant 0 : index
    %get3A_2647 = arith.constant 0 : index
    %get3A_2648 = arith.constant 8064 : index
    %get3A_2649 = vector.load %arg4[%get3A_2646, %get3A_2647, %get3A_2648] : memref<1x1x12544xf32, #tpu.memory_space<vmem>>, vector<1x1x128xf32>
    %get3A_2650 = vector.shape_cast %get3A_2649 : vector<1x1x128xf32> to vector<1x128xf32>
    %reduce_max3A_2651 = arith.constant dense<0xFF800000> : vector<128xf32>
    %reduce_max3A_2652 = vector.multi_reduction <maximumf>, %get3A_2640, %reduce_max3A_2651 [0] : vector<96x128xf32> to vector<128xf32>
    %broadcast_in_dim3A_2653 = vector.shape_cast %reduce_max3A_2652 : vector<128xf32> to vector<1x128xf32>
    %sub3A_2654 = vector.broadcast %broadcast_in_dim3A_2653 : vector<1x128xf32> to vector<96x128xf32>
    %sub3A_2655 = arith.subf %get3A_2640, %sub3A_2654 : vector<96x128xf32>
    %exp3A_2656 = math.exp %sub3A_2655 : vector<96x128xf32>
    %reduce_sum3A_2657 = arith.constant dense<0.000000e+00> : vector<128xf32>
    %reduce_sum3A_2658 = vector.multi_reduction <add>, %exp3A_2656, %reduce_sum3A_2657 [0] : vector<96x128xf32> to vector<128xf32>
    %broadcast_in_dim3A_2659 = vector.shape_cast %reduce_sum3A_2658 : vector<128xf32> to vector<1x128xf32>
    %div3A_2660 = arith.constant 1.000000e+00 : f32
    %div3A_2661 = vector.broadcast %div3A_2660 : f32 to vector<1x128xf32>
    %div3A_2662 = arith.divf %div3A_2661, %broadcast_in_dim3A_2659 : vector<1x128xf32>
    %mul3A_2663 = vector.broadcast %div3A_2662 : vector<1x128xf32> to vector<96x128xf32>
    %mul3A_2664 = arith.mulf %exp3A_2656, %mul3A_2663 : vector<96x128xf32>
    %eq3A_2665 = vector.broadcast %get3A_2645 : vector<1x128xi32> to vector<96x128xi32>
    %eq3A_2666 = arith.cmpi eq, %iota3A, %eq3A_2665 : vector<96x128xi32>
    %jit3A_2667 = arith.constant 0.000000e+00 : f32
    %broadcast_in_dim3A_2668 = vector.broadcast %jit3A_2667 : f32 to vector<96x128xf32>
    %select_n3A_2669 = arith.select %eq3A_2666, %mul3A_2664, %broadcast_in_dim3A_2668 : vector<96x128xi1>, vector<96x128xf32>
    %reduce_sum3A_2670 = arith.constant dense<0.000000e+00> : vector<128xf32>
    %reduce_sum3A_2671 = vector.multi_reduction <add>, %select_n3A_2669, %reduce_sum3A_2670 [0] : vector<96x128xf32> to vector<128xf32>
    %broadcast_in_dim3A_2672 = vector.shape_cast %reduce_sum3A_2671 : vector<128xf32> to vector<1x128xf32>
    %log3A_2673 = math.log %broadcast_in_dim3A_2672 : vector<1x128xf32>
    %mul3A_2674 = arith.mulf %log3A_2673, %get3A_2650 : vector<1x128xf32>
    %add3A_2675 = arith.addf %add3A_2633, %select_n3A_2669 : vector<96x128xf32>
    %add3A_2676 = arith.addf %add3A_2634, %mul3A_2664 : vector<96x128xf32>
    %add3A_2677 = arith.addf %add3A_2635, %mul3A_2674 : vector<1x128xf32>
    %get3A_2678 = arith.constant 0 : index
    %get3A_2679 = arith.constant 0 : index
    %get3A_2680 = arith.constant 8192 : index
    %get3A_2681 = vector.load %arg2[%get3A_2678, %get3A_2679, %get3A_2680] : memref<1x96x12544xf32, #tpu.memory_space<vmem>>, vector<1x96x128xf32>
    %get3A_2682 = vector.shape_cast %get3A_2681 : vector<1x96x128xf32> to vector<96x128xf32>
    %get3A_2683 = arith.constant 0 : index
    %get3A_2684 = arith.constant 0 : index
    %get3A_2685 = arith.constant 8192 : index
    %get3A_2686 = vector.load %arg3[%get3A_2683, %get3A_2684, %get3A_2685] : memref<1x1x12544xi32, #tpu.memory_space<vmem>>, vector<1x1x128xi32>
    %get3A_2687 = vector.shape_cast %get3A_2686 : vector<1x1x128xi32> to vector<1x128xi32>
    %get3A_2688 = arith.constant 0 : index
    %get3A_2689 = arith.constant 0 : index
    %get3A_2690 = arith.constant 8192 : index
    %get3A_2691 = vector.load %arg4[%get3A_2688, %get3A_2689, %get3A_2690] : memref<1x1x12544xf32, #tpu.memory_space<vmem>>, vector<1x1x128xf32>
    %get3A_2692 = vector.shape_cast %get3A_2691 : vector<1x1x128xf32> to vector<1x128xf32>
    %reduce_max3A_2693 = arith.constant dense<0xFF800000> : vector<128xf32>
    %reduce_max3A_2694 = vector.multi_reduction <maximumf>, %get3A_2682, %reduce_max3A_2693 [0] : vector<96x128xf32> to vector<128xf32>
    %broadcast_in_dim3A_2695 = vector.shape_cast %reduce_max3A_2694 : vector<128xf32> to vector<1x128xf32>
    %sub3A_2696 = vector.broadcast %broadcast_in_dim3A_2695 : vector<1x128xf32> to vector<96x128xf32>
    %sub3A_2697 = arith.subf %get3A_2682, %sub3A_2696 : vector<96x128xf32>
    %exp3A_2698 = math.exp %sub3A_2697 : vector<96x128xf32>
    %reduce_sum3A_2699 = arith.constant dense<0.000000e+00> : vector<128xf32>
    %reduce_sum3A_2700 = vector.multi_reduction <add>, %exp3A_2698, %reduce_sum3A_2699 [0] : vector<96x128xf32> to vector<128xf32>
    %broadcast_in_dim3A_2701 = vector.shape_cast %reduce_sum3A_2700 : vector<128xf32> to vector<1x128xf32>
    %div3A_2702 = arith.constant 1.000000e+00 : f32
    %div3A_2703 = vector.broadcast %div3A_2702 : f32 to vector<1x128xf32>
    %div3A_2704 = arith.divf %div3A_2703, %broadcast_in_dim3A_2701 : vector<1x128xf32>
    %mul3A_2705 = vector.broadcast %div3A_2704 : vector<1x128xf32> to vector<96x128xf32>
    %mul3A_2706 = arith.mulf %exp3A_2698, %mul3A_2705 : vector<96x128xf32>
    %eq3A_2707 = vector.broadcast %get3A_2687 : vector<1x128xi32> to vector<96x128xi32>
    %eq3A_2708 = arith.cmpi eq, %iota3A, %eq3A_2707 : vector<96x128xi32>
    %jit3A_2709 = arith.constant 0.000000e+00 : f32
    %broadcast_in_dim3A_2710 = vector.broadcast %jit3A_2709 : f32 to vector<96x128xf32>
    %select_n3A_2711 = arith.select %eq3A_2708, %mul3A_2706, %broadcast_in_dim3A_2710 : vector<96x128xi1>, vector<96x128xf32>
    %reduce_sum3A_2712 = arith.constant dense<0.000000e+00> : vector<128xf32>
    %reduce_sum3A_2713 = vector.multi_reduction <add>, %select_n3A_2711, %reduce_sum3A_2712 [0] : vector<96x128xf32> to vector<128xf32>
    %broadcast_in_dim3A_2714 = vector.shape_cast %reduce_sum3A_2713 : vector<128xf32> to vector<1x128xf32>
    %log3A_2715 = math.log %broadcast_in_dim3A_2714 : vector<1x128xf32>
    %mul3A_2716 = arith.mulf %log3A_2715, %get3A_2692 : vector<1x128xf32>
    %add3A_2717 = arith.addf %add3A_2675, %select_n3A_2711 : vector<96x128xf32>
    %add3A_2718 = arith.addf %add3A_2676, %mul3A_2706 : vector<96x128xf32>
    %add3A_2719 = arith.addf %add3A_2677, %mul3A_2716 : vector<1x128xf32>
    %get3A_2720 = arith.constant 0 : index
    %get3A_2721 = arith.constant 0 : index
    %get3A_2722 = arith.constant 8320 : index
    %get3A_2723 = vector.load %arg2[%get3A_2720, %get3A_2721, %get3A_2722] : memref<1x96x12544xf32, #tpu.memory_space<vmem>>, vector<1x96x128xf32>
    %get3A_2724 = vector.shape_cast %get3A_2723 : vector<1x96x128xf32> to vector<96x128xf32>
    %get3A_2725 = arith.constant 0 : index
    %get3A_2726 = arith.constant 0 : index
    %get3A_2727 = arith.constant 8320 : index
    %get3A_2728 = vector.load %arg3[%get3A_2725, %get3A_2726, %get3A_2727] : memref<1x1x12544xi32, #tpu.memory_space<vmem>>, vector<1x1x128xi32>
    %get3A_2729 = vector.shape_cast %get3A_2728 : vector<1x1x128xi32> to vector<1x128xi32>
    %get3A_2730 = arith.constant 0 : index
    %get3A_2731 = arith.constant 0 : index
    %get3A_2732 = arith.constant 8320 : index
    %get3A_2733 = vector.load %arg4[%get3A_2730, %get3A_2731, %get3A_2732] : memref<1x1x12544xf32, #tpu.memory_space<vmem>>, vector<1x1x128xf32>
    %get3A_2734 = vector.shape_cast %get3A_2733 : vector<1x1x128xf32> to vector<1x128xf32>
    %reduce_max3A_2735 = arith.constant dense<0xFF800000> : vector<128xf32>
    %reduce_max3A_2736 = vector.multi_reduction <maximumf>, %get3A_2724, %reduce_max3A_2735 [0] : vector<96x128xf32> to vector<128xf32>
    %broadcast_in_dim3A_2737 = vector.shape_cast %reduce_max3A_2736 : vector<128xf32> to vector<1x128xf32>
    %sub3A_2738 = vector.broadcast %broadcast_in_dim3A_2737 : vector<1x128xf32> to vector<96x128xf32>
    %sub3A_2739 = arith.subf %get3A_2724, %sub3A_2738 : vector<96x128xf32>
    %exp3A_2740 = math.exp %sub3A_2739 : vector<96x128xf32>
    %reduce_sum3A_2741 = arith.constant dense<0.000000e+00> : vector<128xf32>
    %reduce_sum3A_2742 = vector.multi_reduction <add>, %exp3A_2740, %reduce_sum3A_2741 [0] : vector<96x128xf32> to vector<128xf32>
    %broadcast_in_dim3A_2743 = vector.shape_cast %reduce_sum3A_2742 : vector<128xf32> to vector<1x128xf32>
    %div3A_2744 = arith.constant 1.000000e+00 : f32
    %div3A_2745 = vector.broadcast %div3A_2744 : f32 to vector<1x128xf32>
    %div3A_2746 = arith.divf %div3A_2745, %broadcast_in_dim3A_2743 : vector<1x128xf32>
    %mul3A_2747 = vector.broadcast %div3A_2746 : vector<1x128xf32> to vector<96x128xf32>
    %mul3A_2748 = arith.mulf %exp3A_2740, %mul3A_2747 : vector<96x128xf32>
    %eq3A_2749 = vector.broadcast %get3A_2729 : vector<1x128xi32> to vector<96x128xi32>
    %eq3A_2750 = arith.cmpi eq, %iota3A, %eq3A_2749 : vector<96x128xi32>
    %jit3A_2751 = arith.constant 0.000000e+00 : f32
    %broadcast_in_dim3A_2752 = vector.broadcast %jit3A_2751 : f32 to vector<96x128xf32>
    %select_n3A_2753 = arith.select %eq3A_2750, %mul3A_2748, %broadcast_in_dim3A_2752 : vector<96x128xi1>, vector<96x128xf32>
    %reduce_sum3A_2754 = arith.constant dense<0.000000e+00> : vector<128xf32>
    %reduce_sum3A_2755 = vector.multi_reduction <add>, %select_n3A_2753, %reduce_sum3A_2754 [0] : vector<96x128xf32> to vector<128xf32>
    %broadcast_in_dim3A_2756 = vector.shape_cast %reduce_sum3A_2755 : vector<128xf32> to vector<1x128xf32>
    %log3A_2757 = math.log %broadcast_in_dim3A_2756 : vector<1x128xf32>
    %mul3A_2758 = arith.mulf %log3A_2757, %get3A_2734 : vector<1x128xf32>
    %add3A_2759 = arith.addf %add3A_2717, %select_n3A_2753 : vector<96x128xf32>
    %add3A_2760 = arith.addf %add3A_2718, %mul3A_2748 : vector<96x128xf32>
    %add3A_2761 = arith.addf %add3A_2719, %mul3A_2758 : vector<1x128xf32>
    %get3A_2762 = arith.constant 0 : index
    %get3A_2763 = arith.constant 0 : index
    %get3A_2764 = arith.constant 8448 : index
    %get3A_2765 = vector.load %arg2[%get3A_2762, %get3A_2763, %get3A_2764] : memref<1x96x12544xf32, #tpu.memory_space<vmem>>, vector<1x96x128xf32>
    %get3A_2766 = vector.shape_cast %get3A_2765 : vector<1x96x128xf32> to vector<96x128xf32>
    %get3A_2767 = arith.constant 0 : index
    %get3A_2768 = arith.constant 0 : index
    %get3A_2769 = arith.constant 8448 : index
    %get3A_2770 = vector.load %arg3[%get3A_2767, %get3A_2768, %get3A_2769] : memref<1x1x12544xi32, #tpu.memory_space<vmem>>, vector<1x1x128xi32>
    %get3A_2771 = vector.shape_cast %get3A_2770 : vector<1x1x128xi32> to vector<1x128xi32>
    %get3A_2772 = arith.constant 0 : index
    %get3A_2773 = arith.constant 0 : index
    %get3A_2774 = arith.constant 8448 : index
    %get3A_2775 = vector.load %arg4[%get3A_2772, %get3A_2773, %get3A_2774] : memref<1x1x12544xf32, #tpu.memory_space<vmem>>, vector<1x1x128xf32>
    %get3A_2776 = vector.shape_cast %get3A_2775 : vector<1x1x128xf32> to vector<1x128xf32>
    %reduce_max3A_2777 = arith.constant dense<0xFF800000> : vector<128xf32>
    %reduce_max3A_2778 = vector.multi_reduction <maximumf>, %get3A_2766, %reduce_max3A_2777 [0] : vector<96x128xf32> to vector<128xf32>
    %broadcast_in_dim3A_2779 = vector.shape_cast %reduce_max3A_2778 : vector<128xf32> to vector<1x128xf32>
    %sub3A_2780 = vector.broadcast %broadcast_in_dim3A_2779 : vector<1x128xf32> to vector<96x128xf32>
    %sub3A_2781 = arith.subf %get3A_2766, %sub3A_2780 : vector<96x128xf32>
    %exp3A_2782 = math.exp %sub3A_2781 : vector<96x128xf32>
    %reduce_sum3A_2783 = arith.constant dense<0.000000e+00> : vector<128xf32>
    %reduce_sum3A_2784 = vector.multi_reduction <add>, %exp3A_2782, %reduce_sum3A_2783 [0] : vector<96x128xf32> to vector<128xf32>
    %broadcast_in_dim3A_2785 = vector.shape_cast %reduce_sum3A_2784 : vector<128xf32> to vector<1x128xf32>
    %div3A_2786 = arith.constant 1.000000e+00 : f32
    %div3A_2787 = vector.broadcast %div3A_2786 : f32 to vector<1x128xf32>
    %div3A_2788 = arith.divf %div3A_2787, %broadcast_in_dim3A_2785 : vector<1x128xf32>
    %mul3A_2789 = vector.broadcast %div3A_2788 : vector<1x128xf32> to vector<96x128xf32>
    %mul3A_2790 = arith.mulf %exp3A_2782, %mul3A_2789 : vector<96x128xf32>
    %eq3A_2791 = vector.broadcast %get3A_2771 : vector<1x128xi32> to vector<96x128xi32>
    %eq3A_2792 = arith.cmpi eq, %iota3A, %eq3A_2791 : vector<96x128xi32>
    %jit3A_2793 = arith.constant 0.000000e+00 : f32
    %broadcast_in_dim3A_2794 = vector.broadcast %jit3A_2793 : f32 to vector<96x128xf32>
    %select_n3A_2795 = arith.select %eq3A_2792, %mul3A_2790, %broadcast_in_dim3A_2794 : vector<96x128xi1>, vector<96x128xf32>
    %reduce_sum3A_2796 = arith.constant dense<0.000000e+00> : vector<128xf32>
    %reduce_sum3A_2797 = vector.multi_reduction <add>, %select_n3A_2795, %reduce_sum3A_2796 [0] : vector<96x128xf32> to vector<128xf32>
    %broadcast_in_dim3A_2798 = vector.shape_cast %reduce_sum3A_2797 : vector<128xf32> to vector<1x128xf32>
    %log3A_2799 = math.log %broadcast_in_dim3A_2798 : vector<1x128xf32>
    %mul3A_2800 = arith.mulf %log3A_2799, %get3A_2776 : vector<1x128xf32>
    %add3A_2801 = arith.addf %add3A_2759, %select_n3A_2795 : vector<96x128xf32>
    %add3A_2802 = arith.addf %add3A_2760, %mul3A_2790 : vector<96x128xf32>
    %add3A_2803 = arith.addf %add3A_2761, %mul3A_2800 : vector<1x128xf32>
    %get3A_2804 = arith.constant 0 : index
    %get3A_2805 = arith.constant 0 : index
    %get3A_2806 = arith.constant 8576 : index
    %get3A_2807 = vector.load %arg2[%get3A_2804, %get3A_2805, %get3A_2806] : memref<1x96x12544xf32, #tpu.memory_space<vmem>>, vector<1x96x128xf32>
    %get3A_2808 = vector.shape_cast %get3A_2807 : vector<1x96x128xf32> to vector<96x128xf32>
    %get3A_2809 = arith.constant 0 : index
    %get3A_2810 = arith.constant 0 : index
    %get3A_2811 = arith.constant 8576 : index
    %get3A_2812 = vector.load %arg3[%get3A_2809, %get3A_2810, %get3A_2811] : memref<1x1x12544xi32, #tpu.memory_space<vmem>>, vector<1x1x128xi32>
    %get3A_2813 = vector.shape_cast %get3A_2812 : vector<1x1x128xi32> to vector<1x128xi32>
    %get3A_2814 = arith.constant 0 : index
    %get3A_2815 = arith.constant 0 : index
    %get3A_2816 = arith.constant 8576 : index
    %get3A_2817 = vector.load %arg4[%get3A_2814, %get3A_2815, %get3A_2816] : memref<1x1x12544xf32, #tpu.memory_space<vmem>>, vector<1x1x128xf32>
    %get3A_2818 = vector.shape_cast %get3A_2817 : vector<1x1x128xf32> to vector<1x128xf32>
    %reduce_max3A_2819 = arith.constant dense<0xFF800000> : vector<128xf32>
    %reduce_max3A_2820 = vector.multi_reduction <maximumf>, %get3A_2808, %reduce_max3A_2819 [0] : vector<96x128xf32> to vector<128xf32>
    %broadcast_in_dim3A_2821 = vector.shape_cast %reduce_max3A_2820 : vector<128xf32> to vector<1x128xf32>
    %sub3A_2822 = vector.broadcast %broadcast_in_dim3A_2821 : vector<1x128xf32> to vector<96x128xf32>
    %sub3A_2823 = arith.subf %get3A_2808, %sub3A_2822 : vector<96x128xf32>
    %exp3A_2824 = math.exp %sub3A_2823 : vector<96x128xf32>
    %reduce_sum3A_2825 = arith.constant dense<0.000000e+00> : vector<128xf32>
    %reduce_sum3A_2826 = vector.multi_reduction <add>, %exp3A_2824, %reduce_sum3A_2825 [0] : vector<96x128xf32> to vector<128xf32>
    %broadcast_in_dim3A_2827 = vector.shape_cast %reduce_sum3A_2826 : vector<128xf32> to vector<1x128xf32>
    %div3A_2828 = arith.constant 1.000000e+00 : f32
    %div3A_2829 = vector.broadcast %div3A_2828 : f32 to vector<1x128xf32>
    %div3A_2830 = arith.divf %div3A_2829, %broadcast_in_dim3A_2827 : vector<1x128xf32>
    %mul3A_2831 = vector.broadcast %div3A_2830 : vector<1x128xf32> to vector<96x128xf32>
    %mul3A_2832 = arith.mulf %exp3A_2824, %mul3A_2831 : vector<96x128xf32>
    %eq3A_2833 = vector.broadcast %get3A_2813 : vector<1x128xi32> to vector<96x128xi32>
    %eq3A_2834 = arith.cmpi eq, %iota3A, %eq3A_2833 : vector<96x128xi32>
    %jit3A_2835 = arith.constant 0.000000e+00 : f32
    %broadcast_in_dim3A_2836 = vector.broadcast %jit3A_2835 : f32 to vector<96x128xf32>
    %select_n3A_2837 = arith.select %eq3A_2834, %mul3A_2832, %broadcast_in_dim3A_2836 : vector<96x128xi1>, vector<96x128xf32>
    %reduce_sum3A_2838 = arith.constant dense<0.000000e+00> : vector<128xf32>
    %reduce_sum3A_2839 = vector.multi_reduction <add>, %select_n3A_2837, %reduce_sum3A_2838 [0] : vector<96x128xf32> to vector<128xf32>
    %broadcast_in_dim3A_2840 = vector.shape_cast %reduce_sum3A_2839 : vector<128xf32> to vector<1x128xf32>
    %log3A_2841 = math.log %broadcast_in_dim3A_2840 : vector<1x128xf32>
    %mul3A_2842 = arith.mulf %log3A_2841, %get3A_2818 : vector<1x128xf32>
    %add3A_2843 = arith.addf %add3A_2801, %select_n3A_2837 : vector<96x128xf32>
    %add3A_2844 = arith.addf %add3A_2802, %mul3A_2832 : vector<96x128xf32>
    %add3A_2845 = arith.addf %add3A_2803, %mul3A_2842 : vector<1x128xf32>
    %get3A_2846 = arith.constant 0 : index
    %get3A_2847 = arith.constant 0 : index
    %get3A_2848 = arith.constant 8704 : index
    %get3A_2849 = vector.load %arg2[%get3A_2846, %get3A_2847, %get3A_2848] : memref<1x96x12544xf32, #tpu.memory_space<vmem>>, vector<1x96x128xf32>
    %get3A_2850 = vector.shape_cast %get3A_2849 : vector<1x96x128xf32> to vector<96x128xf32>
    %get3A_2851 = arith.constant 0 : index
    %get3A_2852 = arith.constant 0 : index
    %get3A_2853 = arith.constant 8704 : index
    %get3A_2854 = vector.load %arg3[%get3A_2851, %get3A_2852, %get3A_2853] : memref<1x1x12544xi32, #tpu.memory_space<vmem>>, vector<1x1x128xi32>
    %get3A_2855 = vector.shape_cast %get3A_2854 : vector<1x1x128xi32> to vector<1x128xi32>
    %get3A_2856 = arith.constant 0 : index
    %get3A_2857 = arith.constant 0 : index
    %get3A_2858 = arith.constant 8704 : index
    %get3A_2859 = vector.load %arg4[%get3A_2856, %get3A_2857, %get3A_2858] : memref<1x1x12544xf32, #tpu.memory_space<vmem>>, vector<1x1x128xf32>
    %get3A_2860 = vector.shape_cast %get3A_2859 : vector<1x1x128xf32> to vector<1x128xf32>
    %reduce_max3A_2861 = arith.constant dense<0xFF800000> : vector<128xf32>
    %reduce_max3A_2862 = vector.multi_reduction <maximumf>, %get3A_2850, %reduce_max3A_2861 [0] : vector<96x128xf32> to vector<128xf32>
    %broadcast_in_dim3A_2863 = vector.shape_cast %reduce_max3A_2862 : vector<128xf32> to vector<1x128xf32>
    %sub3A_2864 = vector.broadcast %broadcast_in_dim3A_2863 : vector<1x128xf32> to vector<96x128xf32>
    %sub3A_2865 = arith.subf %get3A_2850, %sub3A_2864 : vector<96x128xf32>
    %exp3A_2866 = math.exp %sub3A_2865 : vector<96x128xf32>
    %reduce_sum3A_2867 = arith.constant dense<0.000000e+00> : vector<128xf32>
    %reduce_sum3A_2868 = vector.multi_reduction <add>, %exp3A_2866, %reduce_sum3A_2867 [0] : vector<96x128xf32> to vector<128xf32>
    %broadcast_in_dim3A_2869 = vector.shape_cast %reduce_sum3A_2868 : vector<128xf32> to vector<1x128xf32>
    %div3A_2870 = arith.constant 1.000000e+00 : f32
    %div3A_2871 = vector.broadcast %div3A_2870 : f32 to vector<1x128xf32>
    %div3A_2872 = arith.divf %div3A_2871, %broadcast_in_dim3A_2869 : vector<1x128xf32>
    %mul3A_2873 = vector.broadcast %div3A_2872 : vector<1x128xf32> to vector<96x128xf32>
    %mul3A_2874 = arith.mulf %exp3A_2866, %mul3A_2873 : vector<96x128xf32>
    %eq3A_2875 = vector.broadcast %get3A_2855 : vector<1x128xi32> to vector<96x128xi32>
    %eq3A_2876 = arith.cmpi eq, %iota3A, %eq3A_2875 : vector<96x128xi32>
    %jit3A_2877 = arith.constant 0.000000e+00 : f32
    %broadcast_in_dim3A_2878 = vector.broadcast %jit3A_2877 : f32 to vector<96x128xf32>
    %select_n3A_2879 = arith.select %eq3A_2876, %mul3A_2874, %broadcast_in_dim3A_2878 : vector<96x128xi1>, vector<96x128xf32>
    %reduce_sum3A_2880 = arith.constant dense<0.000000e+00> : vector<128xf32>
    %reduce_sum3A_2881 = vector.multi_reduction <add>, %select_n3A_2879, %reduce_sum3A_2880 [0] : vector<96x128xf32> to vector<128xf32>
    %broadcast_in_dim3A_2882 = vector.shape_cast %reduce_sum3A_2881 : vector<128xf32> to vector<1x128xf32>
    %log3A_2883 = math.log %broadcast_in_dim3A_2882 : vector<1x128xf32>
    %mul3A_2884 = arith.mulf %log3A_2883, %get3A_2860 : vector<1x128xf32>
    %add3A_2885 = arith.addf %add3A_2843, %select_n3A_2879 : vector<96x128xf32>
    %add3A_2886 = arith.addf %add3A_2844, %mul3A_2874 : vector<96x128xf32>
    %add3A_2887 = arith.addf %add3A_2845, %mul3A_2884 : vector<1x128xf32>
    %get3A_2888 = arith.constant 0 : index
    %get3A_2889 = arith.constant 0 : index
    %get3A_2890 = arith.constant 8832 : index
    %get3A_2891 = vector.load %arg2[%get3A_2888, %get3A_2889, %get3A_2890] : memref<1x96x12544xf32, #tpu.memory_space<vmem>>, vector<1x96x128xf32>
    %get3A_2892 = vector.shape_cast %get3A_2891 : vector<1x96x128xf32> to vector<96x128xf32>
    %get3A_2893 = arith.constant 0 : index
    %get3A_2894 = arith.constant 0 : index
    %get3A_2895 = arith.constant 8832 : index
    %get3A_2896 = vector.load %arg3[%get3A_2893, %get3A_2894, %get3A_2895] : memref<1x1x12544xi32, #tpu.memory_space<vmem>>, vector<1x1x128xi32>
    %get3A_2897 = vector.shape_cast %get3A_2896 : vector<1x1x128xi32> to vector<1x128xi32>
    %get3A_2898 = arith.constant 0 : index
    %get3A_2899 = arith.constant 0 : index
    %get3A_2900 = arith.constant 8832 : index
    %get3A_2901 = vector.load %arg4[%get3A_2898, %get3A_2899, %get3A_2900] : memref<1x1x12544xf32, #tpu.memory_space<vmem>>, vector<1x1x128xf32>
    %get3A_2902 = vector.shape_cast %get3A_2901 : vector<1x1x128xf32> to vector<1x128xf32>
    %reduce_max3A_2903 = arith.constant dense<0xFF800000> : vector<128xf32>
    %reduce_max3A_2904 = vector.multi_reduction <maximumf>, %get3A_2892, %reduce_max3A_2903 [0] : vector<96x128xf32> to vector<128xf32>
    %broadcast_in_dim3A_2905 = vector.shape_cast %reduce_max3A_2904 : vector<128xf32> to vector<1x128xf32>
    %sub3A_2906 = vector.broadcast %broadcast_in_dim3A_2905 : vector<1x128xf32> to vector<96x128xf32>
    %sub3A_2907 = arith.subf %get3A_2892, %sub3A_2906 : vector<96x128xf32>
    %exp3A_2908 = math.exp %sub3A_2907 : vector<96x128xf32>
    %reduce_sum3A_2909 = arith.constant dense<0.000000e+00> : vector<128xf32>
    %reduce_sum3A_2910 = vector.multi_reduction <add>, %exp3A_2908, %reduce_sum3A_2909 [0] : vector<96x128xf32> to vector<128xf32>
    %broadcast_in_dim3A_2911 = vector.shape_cast %reduce_sum3A_2910 : vector<128xf32> to vector<1x128xf32>
    %div3A_2912 = arith.constant 1.000000e+00 : f32
    %div3A_2913 = vector.broadcast %div3A_2912 : f32 to vector<1x128xf32>
    %div3A_2914 = arith.divf %div3A_2913, %broadcast_in_dim3A_2911 : vector<1x128xf32>
    %mul3A_2915 = vector.broadcast %div3A_2914 : vector<1x128xf32> to vector<96x128xf32>
    %mul3A_2916 = arith.mulf %exp3A_2908, %mul3A_2915 : vector<96x128xf32>
    %eq3A_2917 = vector.broadcast %get3A_2897 : vector<1x128xi32> to vector<96x128xi32>
    %eq3A_2918 = arith.cmpi eq, %iota3A, %eq3A_2917 : vector<96x128xi32>
    %jit3A_2919 = arith.constant 0.000000e+00 : f32
    %broadcast_in_dim3A_2920 = vector.broadcast %jit3A_2919 : f32 to vector<96x128xf32>
    %select_n3A_2921 = arith.select %eq3A_2918, %mul3A_2916, %broadcast_in_dim3A_2920 : vector<96x128xi1>, vector<96x128xf32>
    %reduce_sum3A_2922 = arith.constant dense<0.000000e+00> : vector<128xf32>
    %reduce_sum3A_2923 = vector.multi_reduction <add>, %select_n3A_2921, %reduce_sum3A_2922 [0] : vector<96x128xf32> to vector<128xf32>
    %broadcast_in_dim3A_2924 = vector.shape_cast %reduce_sum3A_2923 : vector<128xf32> to vector<1x128xf32>
    %log3A_2925 = math.log %broadcast_in_dim3A_2924 : vector<1x128xf32>
    %mul3A_2926 = arith.mulf %log3A_2925, %get3A_2902 : vector<1x128xf32>
    %add3A_2927 = arith.addf %add3A_2885, %select_n3A_2921 : vector<96x128xf32>
    %add3A_2928 = arith.addf %add3A_2886, %mul3A_2916 : vector<96x128xf32>
    %add3A_2929 = arith.addf %add3A_2887, %mul3A_2926 : vector<1x128xf32>
    %get3A_2930 = arith.constant 0 : index
    %get3A_2931 = arith.constant 0 : index
    %get3A_2932 = arith.constant 8960 : index
    %get3A_2933 = vector.load %arg2[%get3A_2930, %get3A_2931, %get3A_2932] : memref<1x96x12544xf32, #tpu.memory_space<vmem>>, vector<1x96x128xf32>
    %get3A_2934 = vector.shape_cast %get3A_2933 : vector<1x96x128xf32> to vector<96x128xf32>
    %get3A_2935 = arith.constant 0 : index
    %get3A_2936 = arith.constant 0 : index
    %get3A_2937 = arith.constant 8960 : index
    %get3A_2938 = vector.load %arg3[%get3A_2935, %get3A_2936, %get3A_2937] : memref<1x1x12544xi32, #tpu.memory_space<vmem>>, vector<1x1x128xi32>
    %get3A_2939 = vector.shape_cast %get3A_2938 : vector<1x1x128xi32> to vector<1x128xi32>
    %get3A_2940 = arith.constant 0 : index
    %get3A_2941 = arith.constant 0 : index
    %get3A_2942 = arith.constant 8960 : index
    %get3A_2943 = vector.load %arg4[%get3A_2940, %get3A_2941, %get3A_2942] : memref<1x1x12544xf32, #tpu.memory_space<vmem>>, vector<1x1x128xf32>
    %get3A_2944 = vector.shape_cast %get3A_2943 : vector<1x1x128xf32> to vector<1x128xf32>
    %reduce_max3A_2945 = arith.constant dense<0xFF800000> : vector<128xf32>
    %reduce_max3A_2946 = vector.multi_reduction <maximumf>, %get3A_2934, %reduce_max3A_2945 [0] : vector<96x128xf32> to vector<128xf32>
    %broadcast_in_dim3A_2947 = vector.shape_cast %reduce_max3A_2946 : vector<128xf32> to vector<1x128xf32>
    %sub3A_2948 = vector.broadcast %broadcast_in_dim3A_2947 : vector<1x128xf32> to vector<96x128xf32>
    %sub3A_2949 = arith.subf %get3A_2934, %sub3A_2948 : vector<96x128xf32>
    %exp3A_2950 = math.exp %sub3A_2949 : vector<96x128xf32>
    %reduce_sum3A_2951 = arith.constant dense<0.000000e+00> : vector<128xf32>
    %reduce_sum3A_2952 = vector.multi_reduction <add>, %exp3A_2950, %reduce_sum3A_2951 [0] : vector<96x128xf32> to vector<128xf32>
    %broadcast_in_dim3A_2953 = vector.shape_cast %reduce_sum3A_2952 : vector<128xf32> to vector<1x128xf32>
    %div3A_2954 = arith.constant 1.000000e+00 : f32
    %div3A_2955 = vector.broadcast %div3A_2954 : f32 to vector<1x128xf32>
    %div3A_2956 = arith.divf %div3A_2955, %broadcast_in_dim3A_2953 : vector<1x128xf32>
    %mul3A_2957 = vector.broadcast %div3A_2956 : vector<1x128xf32> to vector<96x128xf32>
    %mul3A_2958 = arith.mulf %exp3A_2950, %mul3A_2957 : vector<96x128xf32>
    %eq3A_2959 = vector.broadcast %get3A_2939 : vector<1x128xi32> to vector<96x128xi32>
    %eq3A_2960 = arith.cmpi eq, %iota3A, %eq3A_2959 : vector<96x128xi32>
    %jit3A_2961 = arith.constant 0.000000e+00 : f32
    %broadcast_in_dim3A_2962 = vector.broadcast %jit3A_2961 : f32 to vector<96x128xf32>
    %select_n3A_2963 = arith.select %eq3A_2960, %mul3A_2958, %broadcast_in_dim3A_2962 : vector<96x128xi1>, vector<96x128xf32>
    %reduce_sum3A_2964 = arith.constant dense<0.000000e+00> : vector<128xf32>
    %reduce_sum3A_2965 = vector.multi_reduction <add>, %select_n3A_2963, %reduce_sum3A_2964 [0] : vector<96x128xf32> to vector<128xf32>
    %broadcast_in_dim3A_2966 = vector.shape_cast %reduce_sum3A_2965 : vector<128xf32> to vector<1x128xf32>
    %log3A_2967 = math.log %broadcast_in_dim3A_2966 : vector<1x128xf32>
    %mul3A_2968 = arith.mulf %log3A_2967, %get3A_2944 : vector<1x128xf32>
    %add3A_2969 = arith.addf %add3A_2927, %select_n3A_2963 : vector<96x128xf32>
    %add3A_2970 = arith.addf %add3A_2928, %mul3A_2958 : vector<96x128xf32>
    %add3A_2971 = arith.addf %add3A_2929, %mul3A_2968 : vector<1x128xf32>
    %get3A_2972 = arith.constant 0 : index
    %get3A_2973 = arith.constant 0 : index
    %get3A_2974 = arith.constant 9088 : index
    %get3A_2975 = vector.load %arg2[%get3A_2972, %get3A_2973, %get3A_2974] : memref<1x96x12544xf32, #tpu.memory_space<vmem>>, vector<1x96x128xf32>
    %get3A_2976 = vector.shape_cast %get3A_2975 : vector<1x96x128xf32> to vector<96x128xf32>
    %get3A_2977 = arith.constant 0 : index
    %get3A_2978 = arith.constant 0 : index
    %get3A_2979 = arith.constant 9088 : index
    %get3A_2980 = vector.load %arg3[%get3A_2977, %get3A_2978, %get3A_2979] : memref<1x1x12544xi32, #tpu.memory_space<vmem>>, vector<1x1x128xi32>
    %get3A_2981 = vector.shape_cast %get3A_2980 : vector<1x1x128xi32> to vector<1x128xi32>
    %get3A_2982 = arith.constant 0 : index
    %get3A_2983 = arith.constant 0 : index
    %get3A_2984 = arith.constant 9088 : index
    %get3A_2985 = vector.load %arg4[%get3A_2982, %get3A_2983, %get3A_2984] : memref<1x1x12544xf32, #tpu.memory_space<vmem>>, vector<1x1x128xf32>
    %get3A_2986 = vector.shape_cast %get3A_2985 : vector<1x1x128xf32> to vector<1x128xf32>
    %reduce_max3A_2987 = arith.constant dense<0xFF800000> : vector<128xf32>
    %reduce_max3A_2988 = vector.multi_reduction <maximumf>, %get3A_2976, %reduce_max3A_2987 [0] : vector<96x128xf32> to vector<128xf32>
    %broadcast_in_dim3A_2989 = vector.shape_cast %reduce_max3A_2988 : vector<128xf32> to vector<1x128xf32>
    %sub3A_2990 = vector.broadcast %broadcast_in_dim3A_2989 : vector<1x128xf32> to vector<96x128xf32>
    %sub3A_2991 = arith.subf %get3A_2976, %sub3A_2990 : vector<96x128xf32>
    %exp3A_2992 = math.exp %sub3A_2991 : vector<96x128xf32>
    %reduce_sum3A_2993 = arith.constant dense<0.000000e+00> : vector<128xf32>
    %reduce_sum3A_2994 = vector.multi_reduction <add>, %exp3A_2992, %reduce_sum3A_2993 [0] : vector<96x128xf32> to vector<128xf32>
    %broadcast_in_dim3A_2995 = vector.shape_cast %reduce_sum3A_2994 : vector<128xf32> to vector<1x128xf32>
    %div3A_2996 = arith.constant 1.000000e+00 : f32
    %div3A_2997 = vector.broadcast %div3A_2996 : f32 to vector<1x128xf32>
    %div3A_2998 = arith.divf %div3A_2997, %broadcast_in_dim3A_2995 : vector<1x128xf32>
    %mul3A_2999 = vector.broadcast %div3A_2998 : vector<1x128xf32> to vector<96x128xf32>
    %mul3A_3000 = arith.mulf %exp3A_2992, %mul3A_2999 : vector<96x128xf32>
    %eq3A_3001 = vector.broadcast %get3A_2981 : vector<1x128xi32> to vector<96x128xi32>
    %eq3A_3002 = arith.cmpi eq, %iota3A, %eq3A_3001 : vector<96x128xi32>
    %jit3A_3003 = arith.constant 0.000000e+00 : f32
    %broadcast_in_dim3A_3004 = vector.broadcast %jit3A_3003 : f32 to vector<96x128xf32>
    %select_n3A_3005 = arith.select %eq3A_3002, %mul3A_3000, %broadcast_in_dim3A_3004 : vector<96x128xi1>, vector<96x128xf32>
    %reduce_sum3A_3006 = arith.constant dense<0.000000e+00> : vector<128xf32>
    %reduce_sum3A_3007 = vector.multi_reduction <add>, %select_n3A_3005, %reduce_sum3A_3006 [0] : vector<96x128xf32> to vector<128xf32>
    %broadcast_in_dim3A_3008 = vector.shape_cast %reduce_sum3A_3007 : vector<128xf32> to vector<1x128xf32>
    %log3A_3009 = math.log %broadcast_in_dim3A_3008 : vector<1x128xf32>
    %mul3A_3010 = arith.mulf %log3A_3009, %get3A_2986 : vector<1x128xf32>
    %add3A_3011 = arith.addf %add3A_2969, %select_n3A_3005 : vector<96x128xf32>
    %add3A_3012 = arith.addf %add3A_2970, %mul3A_3000 : vector<96x128xf32>
    %add3A_3013 = arith.addf %add3A_2971, %mul3A_3010 : vector<1x128xf32>
    %get3A_3014 = arith.constant 0 : index
    %get3A_3015 = arith.constant 0 : index
    %get3A_3016 = arith.constant 9216 : index
    %get3A_3017 = vector.load %arg2[%get3A_3014, %get3A_3015, %get3A_3016] : memref<1x96x12544xf32, #tpu.memory_space<vmem>>, vector<1x96x128xf32>
    %get3A_3018 = vector.shape_cast %get3A_3017 : vector<1x96x128xf32> to vector<96x128xf32>
    %get3A_3019 = arith.constant 0 : index
    %get3A_3020 = arith.constant 0 : index
    %get3A_3021 = arith.constant 9216 : index
    %get3A_3022 = vector.load %arg3[%get3A_3019, %get3A_3020, %get3A_3021] : memref<1x1x12544xi32, #tpu.memory_space<vmem>>, vector<1x1x128xi32>
    %get3A_3023 = vector.shape_cast %get3A_3022 : vector<1x1x128xi32> to vector<1x128xi32>
    %get3A_3024 = arith.constant 0 : index
    %get3A_3025 = arith.constant 0 : index
    %get3A_3026 = arith.constant 9216 : index
    %get3A_3027 = vector.load %arg4[%get3A_3024, %get3A_3025, %get3A_3026] : memref<1x1x12544xf32, #tpu.memory_space<vmem>>, vector<1x1x128xf32>
    %get3A_3028 = vector.shape_cast %get3A_3027 : vector<1x1x128xf32> to vector<1x128xf32>
    %reduce_max3A_3029 = arith.constant dense<0xFF800000> : vector<128xf32>
    %reduce_max3A_3030 = vector.multi_reduction <maximumf>, %get3A_3018, %reduce_max3A_3029 [0] : vector<96x128xf32> to vector<128xf32>
    %broadcast_in_dim3A_3031 = vector.shape_cast %reduce_max3A_3030 : vector<128xf32> to vector<1x128xf32>
    %sub3A_3032 = vector.broadcast %broadcast_in_dim3A_3031 : vector<1x128xf32> to vector<96x128xf32>
    %sub3A_3033 = arith.subf %get3A_3018, %sub3A_3032 : vector<96x128xf32>
    %exp3A_3034 = math.exp %sub3A_3033 : vector<96x128xf32>
    %reduce_sum3A_3035 = arith.constant dense<0.000000e+00> : vector<128xf32>
    %reduce_sum3A_3036 = vector.multi_reduction <add>, %exp3A_3034, %reduce_sum3A_3035 [0] : vector<96x128xf32> to vector<128xf32>
    %broadcast_in_dim3A_3037 = vector.shape_cast %reduce_sum3A_3036 : vector<128xf32> to vector<1x128xf32>
    %div3A_3038 = arith.constant 1.000000e+00 : f32
    %div3A_3039 = vector.broadcast %div3A_3038 : f32 to vector<1x128xf32>
    %div3A_3040 = arith.divf %div3A_3039, %broadcast_in_dim3A_3037 : vector<1x128xf32>
    %mul3A_3041 = vector.broadcast %div3A_3040 : vector<1x128xf32> to vector<96x128xf32>
    %mul3A_3042 = arith.mulf %exp3A_3034, %mul3A_3041 : vector<96x128xf32>
    %eq3A_3043 = vector.broadcast %get3A_3023 : vector<1x128xi32> to vector<96x128xi32>
    %eq3A_3044 = arith.cmpi eq, %iota3A, %eq3A_3043 : vector<96x128xi32>
    %jit3A_3045 = arith.constant 0.000000e+00 : f32
    %broadcast_in_dim3A_3046 = vector.broadcast %jit3A_3045 : f32 to vector<96x128xf32>
    %select_n3A_3047 = arith.select %eq3A_3044, %mul3A_3042, %broadcast_in_dim3A_3046 : vector<96x128xi1>, vector<96x128xf32>
    %reduce_sum3A_3048 = arith.constant dense<0.000000e+00> : vector<128xf32>
    %reduce_sum3A_3049 = vector.multi_reduction <add>, %select_n3A_3047, %reduce_sum3A_3048 [0] : vector<96x128xf32> to vector<128xf32>
    %broadcast_in_dim3A_3050 = vector.shape_cast %reduce_sum3A_3049 : vector<128xf32> to vector<1x128xf32>
    %log3A_3051 = math.log %broadcast_in_dim3A_3050 : vector<1x128xf32>
    %mul3A_3052 = arith.mulf %log3A_3051, %get3A_3028 : vector<1x128xf32>
    %add3A_3053 = arith.addf %add3A_3011, %select_n3A_3047 : vector<96x128xf32>
    %add3A_3054 = arith.addf %add3A_3012, %mul3A_3042 : vector<96x128xf32>
    %add3A_3055 = arith.addf %add3A_3013, %mul3A_3052 : vector<1x128xf32>
    %get3A_3056 = arith.constant 0 : index
    %get3A_3057 = arith.constant 0 : index
    %get3A_3058 = arith.constant 9344 : index
    %get3A_3059 = vector.load %arg2[%get3A_3056, %get3A_3057, %get3A_3058] : memref<1x96x12544xf32, #tpu.memory_space<vmem>>, vector<1x96x128xf32>
    %get3A_3060 = vector.shape_cast %get3A_3059 : vector<1x96x128xf32> to vector<96x128xf32>
    %get3A_3061 = arith.constant 0 : index
    %get3A_3062 = arith.constant 0 : index
    %get3A_3063 = arith.constant 9344 : index
    %get3A_3064 = vector.load %arg3[%get3A_3061, %get3A_3062, %get3A_3063] : memref<1x1x12544xi32, #tpu.memory_space<vmem>>, vector<1x1x128xi32>
    %get3A_3065 = vector.shape_cast %get3A_3064 : vector<1x1x128xi32> to vector<1x128xi32>
    %get3A_3066 = arith.constant 0 : index
    %get3A_3067 = arith.constant 0 : index
    %get3A_3068 = arith.constant 9344 : index
    %get3A_3069 = vector.load %arg4[%get3A_3066, %get3A_3067, %get3A_3068] : memref<1x1x12544xf32, #tpu.memory_space<vmem>>, vector<1x1x128xf32>
    %get3A_3070 = vector.shape_cast %get3A_3069 : vector<1x1x128xf32> to vector<1x128xf32>
    %reduce_max3A_3071 = arith.constant dense<0xFF800000> : vector<128xf32>
    %reduce_max3A_3072 = vector.multi_reduction <maximumf>, %get3A_3060, %reduce_max3A_3071 [0] : vector<96x128xf32> to vector<128xf32>
    %broadcast_in_dim3A_3073 = vector.shape_cast %reduce_max3A_3072 : vector<128xf32> to vector<1x128xf32>
    %sub3A_3074 = vector.broadcast %broadcast_in_dim3A_3073 : vector<1x128xf32> to vector<96x128xf32>
    %sub3A_3075 = arith.subf %get3A_3060, %sub3A_3074 : vector<96x128xf32>
    %exp3A_3076 = math.exp %sub3A_3075 : vector<96x128xf32>
    %reduce_sum3A_3077 = arith.constant dense<0.000000e+00> : vector<128xf32>
    %reduce_sum3A_3078 = vector.multi_reduction <add>, %exp3A_3076, %reduce_sum3A_3077 [0] : vector<96x128xf32> to vector<128xf32>
    %broadcast_in_dim3A_3079 = vector.shape_cast %reduce_sum3A_3078 : vector<128xf32> to vector<1x128xf32>
    %div3A_3080 = arith.constant 1.000000e+00 : f32
    %div3A_3081 = vector.broadcast %div3A_3080 : f32 to vector<1x128xf32>
    %div3A_3082 = arith.divf %div3A_3081, %broadcast_in_dim3A_3079 : vector<1x128xf32>
    %mul3A_3083 = vector.broadcast %div3A_3082 : vector<1x128xf32> to vector<96x128xf32>
    %mul3A_3084 = arith.mulf %exp3A_3076, %mul3A_3083 : vector<96x128xf32>
    %eq3A_3085 = vector.broadcast %get3A_3065 : vector<1x128xi32> to vector<96x128xi32>
    %eq3A_3086 = arith.cmpi eq, %iota3A, %eq3A_3085 : vector<96x128xi32>
    %jit3A_3087 = arith.constant 0.000000e+00 : f32
    %broadcast_in_dim3A_3088 = vector.broadcast %jit3A_3087 : f32 to vector<96x128xf32>
    %select_n3A_3089 = arith.select %eq3A_3086, %mul3A_3084, %broadcast_in_dim3A_3088 : vector<96x128xi1>, vector<96x128xf32>
    %reduce_sum3A_3090 = arith.constant dense<0.000000e+00> : vector<128xf32>
    %reduce_sum3A_3091 = vector.multi_reduction <add>, %select_n3A_3089, %reduce_sum3A_3090 [0] : vector<96x128xf32> to vector<128xf32>
    %broadcast_in_dim3A_3092 = vector.shape_cast %reduce_sum3A_3091 : vector<128xf32> to vector<1x128xf32>
    %log3A_3093 = math.log %broadcast_in_dim3A_3092 : vector<1x128xf32>
    %mul3A_3094 = arith.mulf %log3A_3093, %get3A_3070 : vector<1x128xf32>
    %add3A_3095 = arith.addf %add3A_3053, %select_n3A_3089 : vector<96x128xf32>
    %add3A_3096 = arith.addf %add3A_3054, %mul3A_3084 : vector<96x128xf32>
    %add3A_3097 = arith.addf %add3A_3055, %mul3A_3094 : vector<1x128xf32>
    %get3A_3098 = arith.constant 0 : index
    %get3A_3099 = arith.constant 0 : index
    %get3A_3100 = arith.constant 9472 : index
    %get3A_3101 = vector.load %arg2[%get3A_3098, %get3A_3099, %get3A_3100] : memref<1x96x12544xf32, #tpu.memory_space<vmem>>, vector<1x96x128xf32>
    %get3A_3102 = vector.shape_cast %get3A_3101 : vector<1x96x128xf32> to vector<96x128xf32>
    %get3A_3103 = arith.constant 0 : index
    %get3A_3104 = arith.constant 0 : index
    %get3A_3105 = arith.constant 9472 : index
    %get3A_3106 = vector.load %arg3[%get3A_3103, %get3A_3104, %get3A_3105] : memref<1x1x12544xi32, #tpu.memory_space<vmem>>, vector<1x1x128xi32>
    %get3A_3107 = vector.shape_cast %get3A_3106 : vector<1x1x128xi32> to vector<1x128xi32>
    %get3A_3108 = arith.constant 0 : index
    %get3A_3109 = arith.constant 0 : index
    %get3A_3110 = arith.constant 9472 : index
    %get3A_3111 = vector.load %arg4[%get3A_3108, %get3A_3109, %get3A_3110] : memref<1x1x12544xf32, #tpu.memory_space<vmem>>, vector<1x1x128xf32>
    %get3A_3112 = vector.shape_cast %get3A_3111 : vector<1x1x128xf32> to vector<1x128xf32>
    %reduce_max3A_3113 = arith.constant dense<0xFF800000> : vector<128xf32>
    %reduce_max3A_3114 = vector.multi_reduction <maximumf>, %get3A_3102, %reduce_max3A_3113 [0] : vector<96x128xf32> to vector<128xf32>
    %broadcast_in_dim3A_3115 = vector.shape_cast %reduce_max3A_3114 : vector<128xf32> to vector<1x128xf32>
    %sub3A_3116 = vector.broadcast %broadcast_in_dim3A_3115 : vector<1x128xf32> to vector<96x128xf32>
    %sub3A_3117 = arith.subf %get3A_3102, %sub3A_3116 : vector<96x128xf32>
    %exp3A_3118 = math.exp %sub3A_3117 : vector<96x128xf32>
    %reduce_sum3A_3119 = arith.constant dense<0.000000e+00> : vector<128xf32>
    %reduce_sum3A_3120 = vector.multi_reduction <add>, %exp3A_3118, %reduce_sum3A_3119 [0] : vector<96x128xf32> to vector<128xf32>
    %broadcast_in_dim3A_3121 = vector.shape_cast %reduce_sum3A_3120 : vector<128xf32> to vector<1x128xf32>
    %div3A_3122 = arith.constant 1.000000e+00 : f32
    %div3A_3123 = vector.broadcast %div3A_3122 : f32 to vector<1x128xf32>
    %div3A_3124 = arith.divf %div3A_3123, %broadcast_in_dim3A_3121 : vector<1x128xf32>
    %mul3A_3125 = vector.broadcast %div3A_3124 : vector<1x128xf32> to vector<96x128xf32>
    %mul3A_3126 = arith.mulf %exp3A_3118, %mul3A_3125 : vector<96x128xf32>
    %eq3A_3127 = vector.broadcast %get3A_3107 : vector<1x128xi32> to vector<96x128xi32>
    %eq3A_3128 = arith.cmpi eq, %iota3A, %eq3A_3127 : vector<96x128xi32>
    %jit3A_3129 = arith.constant 0.000000e+00 : f32
    %broadcast_in_dim3A_3130 = vector.broadcast %jit3A_3129 : f32 to vector<96x128xf32>
    %select_n3A_3131 = arith.select %eq3A_3128, %mul3A_3126, %broadcast_in_dim3A_3130 : vector<96x128xi1>, vector<96x128xf32>
    %reduce_sum3A_3132 = arith.constant dense<0.000000e+00> : vector<128xf32>
    %reduce_sum3A_3133 = vector.multi_reduction <add>, %select_n3A_3131, %reduce_sum3A_3132 [0] : vector<96x128xf32> to vector<128xf32>
    %broadcast_in_dim3A_3134 = vector.shape_cast %reduce_sum3A_3133 : vector<128xf32> to vector<1x128xf32>
    %log3A_3135 = math.log %broadcast_in_dim3A_3134 : vector<1x128xf32>
    %mul3A_3136 = arith.mulf %log3A_3135, %get3A_3112 : vector<1x128xf32>
    %add3A_3137 = arith.addf %add3A_3095, %select_n3A_3131 : vector<96x128xf32>
    %add3A_3138 = arith.addf %add3A_3096, %mul3A_3126 : vector<96x128xf32>
    %add3A_3139 = arith.addf %add3A_3097, %mul3A_3136 : vector<1x128xf32>
    %get3A_3140 = arith.constant 0 : index
    %get3A_3141 = arith.constant 0 : index
    %get3A_3142 = arith.constant 9600 : index
    %get3A_3143 = vector.load %arg2[%get3A_3140, %get3A_3141, %get3A_3142] : memref<1x96x12544xf32, #tpu.memory_space<vmem>>, vector<1x96x128xf32>
    %get3A_3144 = vector.shape_cast %get3A_3143 : vector<1x96x128xf32> to vector<96x128xf32>
    %get3A_3145 = arith.constant 0 : index
    %get3A_3146 = arith.constant 0 : index
    %get3A_3147 = arith.constant 9600 : index
    %get3A_3148 = vector.load %arg3[%get3A_3145, %get3A_3146, %get3A_3147] : memref<1x1x12544xi32, #tpu.memory_space<vmem>>, vector<1x1x128xi32>
    %get3A_3149 = vector.shape_cast %get3A_3148 : vector<1x1x128xi32> to vector<1x128xi32>
    %get3A_3150 = arith.constant 0 : index
    %get3A_3151 = arith.constant 0 : index
    %get3A_3152 = arith.constant 9600 : index
    %get3A_3153 = vector.load %arg4[%get3A_3150, %get3A_3151, %get3A_3152] : memref<1x1x12544xf32, #tpu.memory_space<vmem>>, vector<1x1x128xf32>
    %get3A_3154 = vector.shape_cast %get3A_3153 : vector<1x1x128xf32> to vector<1x128xf32>
    %reduce_max3A_3155 = arith.constant dense<0xFF800000> : vector<128xf32>
    %reduce_max3A_3156 = vector.multi_reduction <maximumf>, %get3A_3144, %reduce_max3A_3155 [0] : vector<96x128xf32> to vector<128xf32>
    %broadcast_in_dim3A_3157 = vector.shape_cast %reduce_max3A_3156 : vector<128xf32> to vector<1x128xf32>
    %sub3A_3158 = vector.broadcast %broadcast_in_dim3A_3157 : vector<1x128xf32> to vector<96x128xf32>
    %sub3A_3159 = arith.subf %get3A_3144, %sub3A_3158 : vector<96x128xf32>
    %exp3A_3160 = math.exp %sub3A_3159 : vector<96x128xf32>
    %reduce_sum3A_3161 = arith.constant dense<0.000000e+00> : vector<128xf32>
    %reduce_sum3A_3162 = vector.multi_reduction <add>, %exp3A_3160, %reduce_sum3A_3161 [0] : vector<96x128xf32> to vector<128xf32>
    %broadcast_in_dim3A_3163 = vector.shape_cast %reduce_sum3A_3162 : vector<128xf32> to vector<1x128xf32>
    %div3A_3164 = arith.constant 1.000000e+00 : f32
    %div3A_3165 = vector.broadcast %div3A_3164 : f32 to vector<1x128xf32>
    %div3A_3166 = arith.divf %div3A_3165, %broadcast_in_dim3A_3163 : vector<1x128xf32>
    %mul3A_3167 = vector.broadcast %div3A_3166 : vector<1x128xf32> to vector<96x128xf32>
    %mul3A_3168 = arith.mulf %exp3A_3160, %mul3A_3167 : vector<96x128xf32>
    %eq3A_3169 = vector.broadcast %get3A_3149 : vector<1x128xi32> to vector<96x128xi32>
    %eq3A_3170 = arith.cmpi eq, %iota3A, %eq3A_3169 : vector<96x128xi32>
    %jit3A_3171 = arith.constant 0.000000e+00 : f32
    %broadcast_in_dim3A_3172 = vector.broadcast %jit3A_3171 : f32 to vector<96x128xf32>
    %select_n3A_3173 = arith.select %eq3A_3170, %mul3A_3168, %broadcast_in_dim3A_3172 : vector<96x128xi1>, vector<96x128xf32>
    %reduce_sum3A_3174 = arith.constant dense<0.000000e+00> : vector<128xf32>
    %reduce_sum3A_3175 = vector.multi_reduction <add>, %select_n3A_3173, %reduce_sum3A_3174 [0] : vector<96x128xf32> to vector<128xf32>
    %broadcast_in_dim3A_3176 = vector.shape_cast %reduce_sum3A_3175 : vector<128xf32> to vector<1x128xf32>
    %log3A_3177 = math.log %broadcast_in_dim3A_3176 : vector<1x128xf32>
    %mul3A_3178 = arith.mulf %log3A_3177, %get3A_3154 : vector<1x128xf32>
    %add3A_3179 = arith.addf %add3A_3137, %select_n3A_3173 : vector<96x128xf32>
    %add3A_3180 = arith.addf %add3A_3138, %mul3A_3168 : vector<96x128xf32>
    %add3A_3181 = arith.addf %add3A_3139, %mul3A_3178 : vector<1x128xf32>
    %get3A_3182 = arith.constant 0 : index
    %get3A_3183 = arith.constant 0 : index
    %get3A_3184 = arith.constant 9728 : index
    %get3A_3185 = vector.load %arg2[%get3A_3182, %get3A_3183, %get3A_3184] : memref<1x96x12544xf32, #tpu.memory_space<vmem>>, vector<1x96x128xf32>
    %get3A_3186 = vector.shape_cast %get3A_3185 : vector<1x96x128xf32> to vector<96x128xf32>
    %get3A_3187 = arith.constant 0 : index
    %get3A_3188 = arith.constant 0 : index
    %get3A_3189 = arith.constant 9728 : index
    %get3A_3190 = vector.load %arg3[%get3A_3187, %get3A_3188, %get3A_3189] : memref<1x1x12544xi32, #tpu.memory_space<vmem>>, vector<1x1x128xi32>
    %get3A_3191 = vector.shape_cast %get3A_3190 : vector<1x1x128xi32> to vector<1x128xi32>
    %get3A_3192 = arith.constant 0 : index
    %get3A_3193 = arith.constant 0 : index
    %get3A_3194 = arith.constant 9728 : index
    %get3A_3195 = vector.load %arg4[%get3A_3192, %get3A_3193, %get3A_3194] : memref<1x1x12544xf32, #tpu.memory_space<vmem>>, vector<1x1x128xf32>
    %get3A_3196 = vector.shape_cast %get3A_3195 : vector<1x1x128xf32> to vector<1x128xf32>
    %reduce_max3A_3197 = arith.constant dense<0xFF800000> : vector<128xf32>
    %reduce_max3A_3198 = vector.multi_reduction <maximumf>, %get3A_3186, %reduce_max3A_3197 [0] : vector<96x128xf32> to vector<128xf32>
    %broadcast_in_dim3A_3199 = vector.shape_cast %reduce_max3A_3198 : vector<128xf32> to vector<1x128xf32>
    %sub3A_3200 = vector.broadcast %broadcast_in_dim3A_3199 : vector<1x128xf32> to vector<96x128xf32>
    %sub3A_3201 = arith.subf %get3A_3186, %sub3A_3200 : vector<96x128xf32>
    %exp3A_3202 = math.exp %sub3A_3201 : vector<96x128xf32>
    %reduce_sum3A_3203 = arith.constant dense<0.000000e+00> : vector<128xf32>
    %reduce_sum3A_3204 = vector.multi_reduction <add>, %exp3A_3202, %reduce_sum3A_3203 [0] : vector<96x128xf32> to vector<128xf32>
    %broadcast_in_dim3A_3205 = vector.shape_cast %reduce_sum3A_3204 : vector<128xf32> to vector<1x128xf32>
    %div3A_3206 = arith.constant 1.000000e+00 : f32
    %div3A_3207 = vector.broadcast %div3A_3206 : f32 to vector<1x128xf32>
    %div3A_3208 = arith.divf %div3A_3207, %broadcast_in_dim3A_3205 : vector<1x128xf32>
    %mul3A_3209 = vector.broadcast %div3A_3208 : vector<1x128xf32> to vector<96x128xf32>
    %mul3A_3210 = arith.mulf %exp3A_3202, %mul3A_3209 : vector<96x128xf32>
    %eq3A_3211 = vector.broadcast %get3A_3191 : vector<1x128xi32> to vector<96x128xi32>
    %eq3A_3212 = arith.cmpi eq, %iota3A, %eq3A_3211 : vector<96x128xi32>
    %jit3A_3213 = arith.constant 0.000000e+00 : f32
    %broadcast_in_dim3A_3214 = vector.broadcast %jit3A_3213 : f32 to vector<96x128xf32>
    %select_n3A_3215 = arith.select %eq3A_3212, %mul3A_3210, %broadcast_in_dim3A_3214 : vector<96x128xi1>, vector<96x128xf32>
    %reduce_sum3A_3216 = arith.constant dense<0.000000e+00> : vector<128xf32>
    %reduce_sum3A_3217 = vector.multi_reduction <add>, %select_n3A_3215, %reduce_sum3A_3216 [0] : vector<96x128xf32> to vector<128xf32>
    %broadcast_in_dim3A_3218 = vector.shape_cast %reduce_sum3A_3217 : vector<128xf32> to vector<1x128xf32>
    %log3A_3219 = math.log %broadcast_in_dim3A_3218 : vector<1x128xf32>
    %mul3A_3220 = arith.mulf %log3A_3219, %get3A_3196 : vector<1x128xf32>
    %add3A_3221 = arith.addf %add3A_3179, %select_n3A_3215 : vector<96x128xf32>
    %add3A_3222 = arith.addf %add3A_3180, %mul3A_3210 : vector<96x128xf32>
    %add3A_3223 = arith.addf %add3A_3181, %mul3A_3220 : vector<1x128xf32>
    %get3A_3224 = arith.constant 0 : index
    %get3A_3225 = arith.constant 0 : index
    %get3A_3226 = arith.constant 9856 : index
    %get3A_3227 = vector.load %arg2[%get3A_3224, %get3A_3225, %get3A_3226] : memref<1x96x12544xf32, #tpu.memory_space<vmem>>, vector<1x96x128xf32>
    %get3A_3228 = vector.shape_cast %get3A_3227 : vector<1x96x128xf32> to vector<96x128xf32>
    %get3A_3229 = arith.constant 0 : index
    %get3A_3230 = arith.constant 0 : index
    %get3A_3231 = arith.constant 9856 : index
    %get3A_3232 = vector.load %arg3[%get3A_3229, %get3A_3230, %get3A_3231] : memref<1x1x12544xi32, #tpu.memory_space<vmem>>, vector<1x1x128xi32>
    %get3A_3233 = vector.shape_cast %get3A_3232 : vector<1x1x128xi32> to vector<1x128xi32>
    %get3A_3234 = arith.constant 0 : index
    %get3A_3235 = arith.constant 0 : index
    %get3A_3236 = arith.constant 9856 : index
    %get3A_3237 = vector.load %arg4[%get3A_3234, %get3A_3235, %get3A_3236] : memref<1x1x12544xf32, #tpu.memory_space<vmem>>, vector<1x1x128xf32>
    %get3A_3238 = vector.shape_cast %get3A_3237 : vector<1x1x128xf32> to vector<1x128xf32>
    %reduce_max3A_3239 = arith.constant dense<0xFF800000> : vector<128xf32>
    %reduce_max3A_3240 = vector.multi_reduction <maximumf>, %get3A_3228, %reduce_max3A_3239 [0] : vector<96x128xf32> to vector<128xf32>
    %broadcast_in_dim3A_3241 = vector.shape_cast %reduce_max3A_3240 : vector<128xf32> to vector<1x128xf32>
    %sub3A_3242 = vector.broadcast %broadcast_in_dim3A_3241 : vector<1x128xf32> to vector<96x128xf32>
    %sub3A_3243 = arith.subf %get3A_3228, %sub3A_3242 : vector<96x128xf32>
    %exp3A_3244 = math.exp %sub3A_3243 : vector<96x128xf32>
    %reduce_sum3A_3245 = arith.constant dense<0.000000e+00> : vector<128xf32>
    %reduce_sum3A_3246 = vector.multi_reduction <add>, %exp3A_3244, %reduce_sum3A_3245 [0] : vector<96x128xf32> to vector<128xf32>
    %broadcast_in_dim3A_3247 = vector.shape_cast %reduce_sum3A_3246 : vector<128xf32> to vector<1x128xf32>
    %div3A_3248 = arith.constant 1.000000e+00 : f32
    %div3A_3249 = vector.broadcast %div3A_3248 : f32 to vector<1x128xf32>
    %div3A_3250 = arith.divf %div3A_3249, %broadcast_in_dim3A_3247 : vector<1x128xf32>
    %mul3A_3251 = vector.broadcast %div3A_3250 : vector<1x128xf32> to vector<96x128xf32>
    %mul3A_3252 = arith.mulf %exp3A_3244, %mul3A_3251 : vector<96x128xf32>
    %eq3A_3253 = vector.broadcast %get3A_3233 : vector<1x128xi32> to vector<96x128xi32>
    %eq3A_3254 = arith.cmpi eq, %iota3A, %eq3A_3253 : vector<96x128xi32>
    %jit3A_3255 = arith.constant 0.000000e+00 : f32
    %broadcast_in_dim3A_3256 = vector.broadcast %jit3A_3255 : f32 to vector<96x128xf32>
    %select_n3A_3257 = arith.select %eq3A_3254, %mul3A_3252, %broadcast_in_dim3A_3256 : vector<96x128xi1>, vector<96x128xf32>
    %reduce_sum3A_3258 = arith.constant dense<0.000000e+00> : vector<128xf32>
    %reduce_sum3A_3259 = vector.multi_reduction <add>, %select_n3A_3257, %reduce_sum3A_3258 [0] : vector<96x128xf32> to vector<128xf32>
    %broadcast_in_dim3A_3260 = vector.shape_cast %reduce_sum3A_3259 : vector<128xf32> to vector<1x128xf32>
    %log3A_3261 = math.log %broadcast_in_dim3A_3260 : vector<1x128xf32>
    %mul3A_3262 = arith.mulf %log3A_3261, %get3A_3238 : vector<1x128xf32>
    %add3A_3263 = arith.addf %add3A_3221, %select_n3A_3257 : vector<96x128xf32>
    %add3A_3264 = arith.addf %add3A_3222, %mul3A_3252 : vector<96x128xf32>
    %add3A_3265 = arith.addf %add3A_3223, %mul3A_3262 : vector<1x128xf32>
    %get3A_3266 = arith.constant 0 : index
    %get3A_3267 = arith.constant 0 : index
    %get3A_3268 = arith.constant 9984 : index
    %get3A_3269 = vector.load %arg2[%get3A_3266, %get3A_3267, %get3A_3268] : memref<1x96x12544xf32, #tpu.memory_space<vmem>>, vector<1x96x128xf32>
    %get3A_3270 = vector.shape_cast %get3A_3269 : vector<1x96x128xf32> to vector<96x128xf32>
    %get3A_3271 = arith.constant 0 : index
    %get3A_3272 = arith.constant 0 : index
    %get3A_3273 = arith.constant 9984 : index
    %get3A_3274 = vector.load %arg3[%get3A_3271, %get3A_3272, %get3A_3273] : memref<1x1x12544xi32, #tpu.memory_space<vmem>>, vector<1x1x128xi32>
    %get3A_3275 = vector.shape_cast %get3A_3274 : vector<1x1x128xi32> to vector<1x128xi32>
    %get3A_3276 = arith.constant 0 : index
    %get3A_3277 = arith.constant 0 : index
    %get3A_3278 = arith.constant 9984 : index
    %get3A_3279 = vector.load %arg4[%get3A_3276, %get3A_3277, %get3A_3278] : memref<1x1x12544xf32, #tpu.memory_space<vmem>>, vector<1x1x128xf32>
    %get3A_3280 = vector.shape_cast %get3A_3279 : vector<1x1x128xf32> to vector<1x128xf32>
    %reduce_max3A_3281 = arith.constant dense<0xFF800000> : vector<128xf32>
    %reduce_max3A_3282 = vector.multi_reduction <maximumf>, %get3A_3270, %reduce_max3A_3281 [0] : vector<96x128xf32> to vector<128xf32>
    %broadcast_in_dim3A_3283 = vector.shape_cast %reduce_max3A_3282 : vector<128xf32> to vector<1x128xf32>
    %sub3A_3284 = vector.broadcast %broadcast_in_dim3A_3283 : vector<1x128xf32> to vector<96x128xf32>
    %sub3A_3285 = arith.subf %get3A_3270, %sub3A_3284 : vector<96x128xf32>
    %exp3A_3286 = math.exp %sub3A_3285 : vector<96x128xf32>
    %reduce_sum3A_3287 = arith.constant dense<0.000000e+00> : vector<128xf32>
    %reduce_sum3A_3288 = vector.multi_reduction <add>, %exp3A_3286, %reduce_sum3A_3287 [0] : vector<96x128xf32> to vector<128xf32>
    %broadcast_in_dim3A_3289 = vector.shape_cast %reduce_sum3A_3288 : vector<128xf32> to vector<1x128xf32>
    %div3A_3290 = arith.constant 1.000000e+00 : f32
    %div3A_3291 = vector.broadcast %div3A_3290 : f32 to vector<1x128xf32>
    %div3A_3292 = arith.divf %div3A_3291, %broadcast_in_dim3A_3289 : vector<1x128xf32>
    %mul3A_3293 = vector.broadcast %div3A_3292 : vector<1x128xf32> to vector<96x128xf32>
    %mul3A_3294 = arith.mulf %exp3A_3286, %mul3A_3293 : vector<96x128xf32>
    %eq3A_3295 = vector.broadcast %get3A_3275 : vector<1x128xi32> to vector<96x128xi32>
    %eq3A_3296 = arith.cmpi eq, %iota3A, %eq3A_3295 : vector<96x128xi32>
    %jit3A_3297 = arith.constant 0.000000e+00 : f32
    %broadcast_in_dim3A_3298 = vector.broadcast %jit3A_3297 : f32 to vector<96x128xf32>
    %select_n3A_3299 = arith.select %eq3A_3296, %mul3A_3294, %broadcast_in_dim3A_3298 : vector<96x128xi1>, vector<96x128xf32>
    %reduce_sum3A_3300 = arith.constant dense<0.000000e+00> : vector<128xf32>
    %reduce_sum3A_3301 = vector.multi_reduction <add>, %select_n3A_3299, %reduce_sum3A_3300 [0] : vector<96x128xf32> to vector<128xf32>
    %broadcast_in_dim3A_3302 = vector.shape_cast %reduce_sum3A_3301 : vector<128xf32> to vector<1x128xf32>
    %log3A_3303 = math.log %broadcast_in_dim3A_3302 : vector<1x128xf32>
    %mul3A_3304 = arith.mulf %log3A_3303, %get3A_3280 : vector<1x128xf32>
    %add3A_3305 = arith.addf %add3A_3263, %select_n3A_3299 : vector<96x128xf32>
    %add3A_3306 = arith.addf %add3A_3264, %mul3A_3294 : vector<96x128xf32>
    %add3A_3307 = arith.addf %add3A_3265, %mul3A_3304 : vector<1x128xf32>
    %get3A_3308 = arith.constant 0 : index
    %get3A_3309 = arith.constant 0 : index
    %get3A_3310 = arith.constant 10112 : index
    %get3A_3311 = vector.load %arg2[%get3A_3308, %get3A_3309, %get3A_3310] : memref<1x96x12544xf32, #tpu.memory_space<vmem>>, vector<1x96x128xf32>
    %get3A_3312 = vector.shape_cast %get3A_3311 : vector<1x96x128xf32> to vector<96x128xf32>
    %get3A_3313 = arith.constant 0 : index
    %get3A_3314 = arith.constant 0 : index
    %get3A_3315 = arith.constant 10112 : index
    %get3A_3316 = vector.load %arg3[%get3A_3313, %get3A_3314, %get3A_3315] : memref<1x1x12544xi32, #tpu.memory_space<vmem>>, vector<1x1x128xi32>
    %get3A_3317 = vector.shape_cast %get3A_3316 : vector<1x1x128xi32> to vector<1x128xi32>
    %get3A_3318 = arith.constant 0 : index
    %get3A_3319 = arith.constant 0 : index
    %get3A_3320 = arith.constant 10112 : index
    %get3A_3321 = vector.load %arg4[%get3A_3318, %get3A_3319, %get3A_3320] : memref<1x1x12544xf32, #tpu.memory_space<vmem>>, vector<1x1x128xf32>
    %get3A_3322 = vector.shape_cast %get3A_3321 : vector<1x1x128xf32> to vector<1x128xf32>
    %reduce_max3A_3323 = arith.constant dense<0xFF800000> : vector<128xf32>
    %reduce_max3A_3324 = vector.multi_reduction <maximumf>, %get3A_3312, %reduce_max3A_3323 [0] : vector<96x128xf32> to vector<128xf32>
    %broadcast_in_dim3A_3325 = vector.shape_cast %reduce_max3A_3324 : vector<128xf32> to vector<1x128xf32>
    %sub3A_3326 = vector.broadcast %broadcast_in_dim3A_3325 : vector<1x128xf32> to vector<96x128xf32>
    %sub3A_3327 = arith.subf %get3A_3312, %sub3A_3326 : vector<96x128xf32>
    %exp3A_3328 = math.exp %sub3A_3327 : vector<96x128xf32>
    %reduce_sum3A_3329 = arith.constant dense<0.000000e+00> : vector<128xf32>
    %reduce_sum3A_3330 = vector.multi_reduction <add>, %exp3A_3328, %reduce_sum3A_3329 [0] : vector<96x128xf32> to vector<128xf32>
    %broadcast_in_dim3A_3331 = vector.shape_cast %reduce_sum3A_3330 : vector<128xf32> to vector<1x128xf32>
    %div3A_3332 = arith.constant 1.000000e+00 : f32
    %div3A_3333 = vector.broadcast %div3A_3332 : f32 to vector<1x128xf32>
    %div3A_3334 = arith.divf %div3A_3333, %broadcast_in_dim3A_3331 : vector<1x128xf32>
    %mul3A_3335 = vector.broadcast %div3A_3334 : vector<1x128xf32> to vector<96x128xf32>
    %mul3A_3336 = arith.mulf %exp3A_3328, %mul3A_3335 : vector<96x128xf32>
    %eq3A_3337 = vector.broadcast %get3A_3317 : vector<1x128xi32> to vector<96x128xi32>
    %eq3A_3338 = arith.cmpi eq, %iota3A, %eq3A_3337 : vector<96x128xi32>
    %jit3A_3339 = arith.constant 0.000000e+00 : f32
    %broadcast_in_dim3A_3340 = vector.broadcast %jit3A_3339 : f32 to vector<96x128xf32>
    %select_n3A_3341 = arith.select %eq3A_3338, %mul3A_3336, %broadcast_in_dim3A_3340 : vector<96x128xi1>, vector<96x128xf32>
    %reduce_sum3A_3342 = arith.constant dense<0.000000e+00> : vector<128xf32>
    %reduce_sum3A_3343 = vector.multi_reduction <add>, %select_n3A_3341, %reduce_sum3A_3342 [0] : vector<96x128xf32> to vector<128xf32>
    %broadcast_in_dim3A_3344 = vector.shape_cast %reduce_sum3A_3343 : vector<128xf32> to vector<1x128xf32>
    %log3A_3345 = math.log %broadcast_in_dim3A_3344 : vector<1x128xf32>
    %mul3A_3346 = arith.mulf %log3A_3345, %get3A_3322 : vector<1x128xf32>
    %add3A_3347 = arith.addf %add3A_3305, %select_n3A_3341 : vector<96x128xf32>
    %add3A_3348 = arith.addf %add3A_3306, %mul3A_3336 : vector<96x128xf32>
    %add3A_3349 = arith.addf %add3A_3307, %mul3A_3346 : vector<1x128xf32>
    %get3A_3350 = arith.constant 0 : index
    %get3A_3351 = arith.constant 0 : index
    %get3A_3352 = arith.constant 10240 : index
    %get3A_3353 = vector.load %arg2[%get3A_3350, %get3A_3351, %get3A_3352] : memref<1x96x12544xf32, #tpu.memory_space<vmem>>, vector<1x96x128xf32>
    %get3A_3354 = vector.shape_cast %get3A_3353 : vector<1x96x128xf32> to vector<96x128xf32>
    %get3A_3355 = arith.constant 0 : index
    %get3A_3356 = arith.constant 0 : index
    %get3A_3357 = arith.constant 10240 : index
    %get3A_3358 = vector.load %arg3[%get3A_3355, %get3A_3356, %get3A_3357] : memref<1x1x12544xi32, #tpu.memory_space<vmem>>, vector<1x1x128xi32>
    %get3A_3359 = vector.shape_cast %get3A_3358 : vector<1x1x128xi32> to vector<1x128xi32>
    %get3A_3360 = arith.constant 0 : index
    %get3A_3361 = arith.constant 0 : index
    %get3A_3362 = arith.constant 10240 : index
    %get3A_3363 = vector.load %arg4[%get3A_3360, %get3A_3361, %get3A_3362] : memref<1x1x12544xf32, #tpu.memory_space<vmem>>, vector<1x1x128xf32>
    %get3A_3364 = vector.shape_cast %get3A_3363 : vector<1x1x128xf32> to vector<1x128xf32>
    %reduce_max3A_3365 = arith.constant dense<0xFF800000> : vector<128xf32>
    %reduce_max3A_3366 = vector.multi_reduction <maximumf>, %get3A_3354, %reduce_max3A_3365 [0] : vector<96x128xf32> to vector<128xf32>
    %broadcast_in_dim3A_3367 = vector.shape_cast %reduce_max3A_3366 : vector<128xf32> to vector<1x128xf32>
    %sub3A_3368 = vector.broadcast %broadcast_in_dim3A_3367 : vector<1x128xf32> to vector<96x128xf32>
    %sub3A_3369 = arith.subf %get3A_3354, %sub3A_3368 : vector<96x128xf32>
    %exp3A_3370 = math.exp %sub3A_3369 : vector<96x128xf32>
    %reduce_sum3A_3371 = arith.constant dense<0.000000e+00> : vector<128xf32>
    %reduce_sum3A_3372 = vector.multi_reduction <add>, %exp3A_3370, %reduce_sum3A_3371 [0] : vector<96x128xf32> to vector<128xf32>
    %broadcast_in_dim3A_3373 = vector.shape_cast %reduce_sum3A_3372 : vector<128xf32> to vector<1x128xf32>
    %div3A_3374 = arith.constant 1.000000e+00 : f32
    %div3A_3375 = vector.broadcast %div3A_3374 : f32 to vector<1x128xf32>
    %div3A_3376 = arith.divf %div3A_3375, %broadcast_in_dim3A_3373 : vector<1x128xf32>
    %mul3A_3377 = vector.broadcast %div3A_3376 : vector<1x128xf32> to vector<96x128xf32>
    %mul3A_3378 = arith.mulf %exp3A_3370, %mul3A_3377 : vector<96x128xf32>
    %eq3A_3379 = vector.broadcast %get3A_3359 : vector<1x128xi32> to vector<96x128xi32>
    %eq3A_3380 = arith.cmpi eq, %iota3A, %eq3A_3379 : vector<96x128xi32>
    %jit3A_3381 = arith.constant 0.000000e+00 : f32
    %broadcast_in_dim3A_3382 = vector.broadcast %jit3A_3381 : f32 to vector<96x128xf32>
    %select_n3A_3383 = arith.select %eq3A_3380, %mul3A_3378, %broadcast_in_dim3A_3382 : vector<96x128xi1>, vector<96x128xf32>
    %reduce_sum3A_3384 = arith.constant dense<0.000000e+00> : vector<128xf32>
    %reduce_sum3A_3385 = vector.multi_reduction <add>, %select_n3A_3383, %reduce_sum3A_3384 [0] : vector<96x128xf32> to vector<128xf32>
    %broadcast_in_dim3A_3386 = vector.shape_cast %reduce_sum3A_3385 : vector<128xf32> to vector<1x128xf32>
    %log3A_3387 = math.log %broadcast_in_dim3A_3386 : vector<1x128xf32>
    %mul3A_3388 = arith.mulf %log3A_3387, %get3A_3364 : vector<1x128xf32>
    %add3A_3389 = arith.addf %add3A_3347, %select_n3A_3383 : vector<96x128xf32>
    %add3A_3390 = arith.addf %add3A_3348, %mul3A_3378 : vector<96x128xf32>
    %add3A_3391 = arith.addf %add3A_3349, %mul3A_3388 : vector<1x128xf32>
    %get3A_3392 = arith.constant 0 : index
    %get3A_3393 = arith.constant 0 : index
    %get3A_3394 = arith.constant 10368 : index
    %get3A_3395 = vector.load %arg2[%get3A_3392, %get3A_3393, %get3A_3394] : memref<1x96x12544xf32, #tpu.memory_space<vmem>>, vector<1x96x128xf32>
    %get3A_3396 = vector.shape_cast %get3A_3395 : vector<1x96x128xf32> to vector<96x128xf32>
    %get3A_3397 = arith.constant 0 : index
    %get3A_3398 = arith.constant 0 : index
    %get3A_3399 = arith.constant 10368 : index
    %get3A_3400 = vector.load %arg3[%get3A_3397, %get3A_3398, %get3A_3399] : memref<1x1x12544xi32, #tpu.memory_space<vmem>>, vector<1x1x128xi32>
    %get3A_3401 = vector.shape_cast %get3A_3400 : vector<1x1x128xi32> to vector<1x128xi32>
    %get3A_3402 = arith.constant 0 : index
    %get3A_3403 = arith.constant 0 : index
    %get3A_3404 = arith.constant 10368 : index
    %get3A_3405 = vector.load %arg4[%get3A_3402, %get3A_3403, %get3A_3404] : memref<1x1x12544xf32, #tpu.memory_space<vmem>>, vector<1x1x128xf32>
    %get3A_3406 = vector.shape_cast %get3A_3405 : vector<1x1x128xf32> to vector<1x128xf32>
    %reduce_max3A_3407 = arith.constant dense<0xFF800000> : vector<128xf32>
    %reduce_max3A_3408 = vector.multi_reduction <maximumf>, %get3A_3396, %reduce_max3A_3407 [0] : vector<96x128xf32> to vector<128xf32>
    %broadcast_in_dim3A_3409 = vector.shape_cast %reduce_max3A_3408 : vector<128xf32> to vector<1x128xf32>
    %sub3A_3410 = vector.broadcast %broadcast_in_dim3A_3409 : vector<1x128xf32> to vector<96x128xf32>
    %sub3A_3411 = arith.subf %get3A_3396, %sub3A_3410 : vector<96x128xf32>
    %exp3A_3412 = math.exp %sub3A_3411 : vector<96x128xf32>
    %reduce_sum3A_3413 = arith.constant dense<0.000000e+00> : vector<128xf32>
    %reduce_sum3A_3414 = vector.multi_reduction <add>, %exp3A_3412, %reduce_sum3A_3413 [0] : vector<96x128xf32> to vector<128xf32>
    %broadcast_in_dim3A_3415 = vector.shape_cast %reduce_sum3A_3414 : vector<128xf32> to vector<1x128xf32>
    %div3A_3416 = arith.constant 1.000000e+00 : f32
    %div3A_3417 = vector.broadcast %div3A_3416 : f32 to vector<1x128xf32>
    %div3A_3418 = arith.divf %div3A_3417, %broadcast_in_dim3A_3415 : vector<1x128xf32>
    %mul3A_3419 = vector.broadcast %div3A_3418 : vector<1x128xf32> to vector<96x128xf32>
    %mul3A_3420 = arith.mulf %exp3A_3412, %mul3A_3419 : vector<96x128xf32>
    %eq3A_3421 = vector.broadcast %get3A_3401 : vector<1x128xi32> to vector<96x128xi32>
    %eq3A_3422 = arith.cmpi eq, %iota3A, %eq3A_3421 : vector<96x128xi32>
    %jit3A_3423 = arith.constant 0.000000e+00 : f32
    %broadcast_in_dim3A_3424 = vector.broadcast %jit3A_3423 : f32 to vector<96x128xf32>
    %select_n3A_3425 = arith.select %eq3A_3422, %mul3A_3420, %broadcast_in_dim3A_3424 : vector<96x128xi1>, vector<96x128xf32>
    %reduce_sum3A_3426 = arith.constant dense<0.000000e+00> : vector<128xf32>
    %reduce_sum3A_3427 = vector.multi_reduction <add>, %select_n3A_3425, %reduce_sum3A_3426 [0] : vector<96x128xf32> to vector<128xf32>
    %broadcast_in_dim3A_3428 = vector.shape_cast %reduce_sum3A_3427 : vector<128xf32> to vector<1x128xf32>
    %log3A_3429 = math.log %broadcast_in_dim3A_3428 : vector<1x128xf32>
    %mul3A_3430 = arith.mulf %log3A_3429, %get3A_3406 : vector<1x128xf32>
    %add3A_3431 = arith.addf %add3A_3389, %select_n3A_3425 : vector<96x128xf32>
    %add3A_3432 = arith.addf %add3A_3390, %mul3A_3420 : vector<96x128xf32>
    %add3A_3433 = arith.addf %add3A_3391, %mul3A_3430 : vector<1x128xf32>
    %get3A_3434 = arith.constant 0 : index
    %get3A_3435 = arith.constant 0 : index
    %get3A_3436 = arith.constant 10496 : index
    %get3A_3437 = vector.load %arg2[%get3A_3434, %get3A_3435, %get3A_3436] : memref<1x96x12544xf32, #tpu.memory_space<vmem>>, vector<1x96x128xf32>
    %get3A_3438 = vector.shape_cast %get3A_3437 : vector<1x96x128xf32> to vector<96x128xf32>
    %get3A_3439 = arith.constant 0 : index
    %get3A_3440 = arith.constant 0 : index
    %get3A_3441 = arith.constant 10496 : index
    %get3A_3442 = vector.load %arg3[%get3A_3439, %get3A_3440, %get3A_3441] : memref<1x1x12544xi32, #tpu.memory_space<vmem>>, vector<1x1x128xi32>
    %get3A_3443 = vector.shape_cast %get3A_3442 : vector<1x1x128xi32> to vector<1x128xi32>
    %get3A_3444 = arith.constant 0 : index
    %get3A_3445 = arith.constant 0 : index
    %get3A_3446 = arith.constant 10496 : index
    %get3A_3447 = vector.load %arg4[%get3A_3444, %get3A_3445, %get3A_3446] : memref<1x1x12544xf32, #tpu.memory_space<vmem>>, vector<1x1x128xf32>
    %get3A_3448 = vector.shape_cast %get3A_3447 : vector<1x1x128xf32> to vector<1x128xf32>
    %reduce_max3A_3449 = arith.constant dense<0xFF800000> : vector<128xf32>
    %reduce_max3A_3450 = vector.multi_reduction <maximumf>, %get3A_3438, %reduce_max3A_3449 [0] : vector<96x128xf32> to vector<128xf32>
    %broadcast_in_dim3A_3451 = vector.shape_cast %reduce_max3A_3450 : vector<128xf32> to vector<1x128xf32>
    %sub3A_3452 = vector.broadcast %broadcast_in_dim3A_3451 : vector<1x128xf32> to vector<96x128xf32>
    %sub3A_3453 = arith.subf %get3A_3438, %sub3A_3452 : vector<96x128xf32>
    %exp3A_3454 = math.exp %sub3A_3453 : vector<96x128xf32>
    %reduce_sum3A_3455 = arith.constant dense<0.000000e+00> : vector<128xf32>
    %reduce_sum3A_3456 = vector.multi_reduction <add>, %exp3A_3454, %reduce_sum3A_3455 [0] : vector<96x128xf32> to vector<128xf32>
    %broadcast_in_dim3A_3457 = vector.shape_cast %reduce_sum3A_3456 : vector<128xf32> to vector<1x128xf32>
    %div3A_3458 = arith.constant 1.000000e+00 : f32
    %div3A_3459 = vector.broadcast %div3A_3458 : f32 to vector<1x128xf32>
    %div3A_3460 = arith.divf %div3A_3459, %broadcast_in_dim3A_3457 : vector<1x128xf32>
    %mul3A_3461 = vector.broadcast %div3A_3460 : vector<1x128xf32> to vector<96x128xf32>
    %mul3A_3462 = arith.mulf %exp3A_3454, %mul3A_3461 : vector<96x128xf32>
    %eq3A_3463 = vector.broadcast %get3A_3443 : vector<1x128xi32> to vector<96x128xi32>
    %eq3A_3464 = arith.cmpi eq, %iota3A, %eq3A_3463 : vector<96x128xi32>
    %jit3A_3465 = arith.constant 0.000000e+00 : f32
    %broadcast_in_dim3A_3466 = vector.broadcast %jit3A_3465 : f32 to vector<96x128xf32>
    %select_n3A_3467 = arith.select %eq3A_3464, %mul3A_3462, %broadcast_in_dim3A_3466 : vector<96x128xi1>, vector<96x128xf32>
    %reduce_sum3A_3468 = arith.constant dense<0.000000e+00> : vector<128xf32>
    %reduce_sum3A_3469 = vector.multi_reduction <add>, %select_n3A_3467, %reduce_sum3A_3468 [0] : vector<96x128xf32> to vector<128xf32>
    %broadcast_in_dim3A_3470 = vector.shape_cast %reduce_sum3A_3469 : vector<128xf32> to vector<1x128xf32>
    %log3A_3471 = math.log %broadcast_in_dim3A_3470 : vector<1x128xf32>
    %mul3A_3472 = arith.mulf %log3A_3471, %get3A_3448 : vector<1x128xf32>
    %add3A_3473 = arith.addf %add3A_3431, %select_n3A_3467 : vector<96x128xf32>
    %add3A_3474 = arith.addf %add3A_3432, %mul3A_3462 : vector<96x128xf32>
    %add3A_3475 = arith.addf %add3A_3433, %mul3A_3472 : vector<1x128xf32>
    %get3A_3476 = arith.constant 0 : index
    %get3A_3477 = arith.constant 0 : index
    %get3A_3478 = arith.constant 10624 : index
    %get3A_3479 = vector.load %arg2[%get3A_3476, %get3A_3477, %get3A_3478] : memref<1x96x12544xf32, #tpu.memory_space<vmem>>, vector<1x96x128xf32>
    %get3A_3480 = vector.shape_cast %get3A_3479 : vector<1x96x128xf32> to vector<96x128xf32>
    %get3A_3481 = arith.constant 0 : index
    %get3A_3482 = arith.constant 0 : index
    %get3A_3483 = arith.constant 10624 : index
    %get3A_3484 = vector.load %arg3[%get3A_3481, %get3A_3482, %get3A_3483] : memref<1x1x12544xi32, #tpu.memory_space<vmem>>, vector<1x1x128xi32>
    %get3A_3485 = vector.shape_cast %get3A_3484 : vector<1x1x128xi32> to vector<1x128xi32>
    %get3A_3486 = arith.constant 0 : index
    %get3A_3487 = arith.constant 0 : index
    %get3A_3488 = arith.constant 10624 : index
    %get3A_3489 = vector.load %arg4[%get3A_3486, %get3A_3487, %get3A_3488] : memref<1x1x12544xf32, #tpu.memory_space<vmem>>, vector<1x1x128xf32>
    %get3A_3490 = vector.shape_cast %get3A_3489 : vector<1x1x128xf32> to vector<1x128xf32>
    %reduce_max3A_3491 = arith.constant dense<0xFF800000> : vector<128xf32>
    %reduce_max3A_3492 = vector.multi_reduction <maximumf>, %get3A_3480, %reduce_max3A_3491 [0] : vector<96x128xf32> to vector<128xf32>
    %broadcast_in_dim3A_3493 = vector.shape_cast %reduce_max3A_3492 : vector<128xf32> to vector<1x128xf32>
    %sub3A_3494 = vector.broadcast %broadcast_in_dim3A_3493 : vector<1x128xf32> to vector<96x128xf32>
    %sub3A_3495 = arith.subf %get3A_3480, %sub3A_3494 : vector<96x128xf32>
    %exp3A_3496 = math.exp %sub3A_3495 : vector<96x128xf32>
    %reduce_sum3A_3497 = arith.constant dense<0.000000e+00> : vector<128xf32>
    %reduce_sum3A_3498 = vector.multi_reduction <add>, %exp3A_3496, %reduce_sum3A_3497 [0] : vector<96x128xf32> to vector<128xf32>
    %broadcast_in_dim3A_3499 = vector.shape_cast %reduce_sum3A_3498 : vector<128xf32> to vector<1x128xf32>
    %div3A_3500 = arith.constant 1.000000e+00 : f32
    %div3A_3501 = vector.broadcast %div3A_3500 : f32 to vector<1x128xf32>
    %div3A_3502 = arith.divf %div3A_3501, %broadcast_in_dim3A_3499 : vector<1x128xf32>
    %mul3A_3503 = vector.broadcast %div3A_3502 : vector<1x128xf32> to vector<96x128xf32>
    %mul3A_3504 = arith.mulf %exp3A_3496, %mul3A_3503 : vector<96x128xf32>
    %eq3A_3505 = vector.broadcast %get3A_3485 : vector<1x128xi32> to vector<96x128xi32>
    %eq3A_3506 = arith.cmpi eq, %iota3A, %eq3A_3505 : vector<96x128xi32>
    %jit3A_3507 = arith.constant 0.000000e+00 : f32
    %broadcast_in_dim3A_3508 = vector.broadcast %jit3A_3507 : f32 to vector<96x128xf32>
    %select_n3A_3509 = arith.select %eq3A_3506, %mul3A_3504, %broadcast_in_dim3A_3508 : vector<96x128xi1>, vector<96x128xf32>
    %reduce_sum3A_3510 = arith.constant dense<0.000000e+00> : vector<128xf32>
    %reduce_sum3A_3511 = vector.multi_reduction <add>, %select_n3A_3509, %reduce_sum3A_3510 [0] : vector<96x128xf32> to vector<128xf32>
    %broadcast_in_dim3A_3512 = vector.shape_cast %reduce_sum3A_3511 : vector<128xf32> to vector<1x128xf32>
    %log3A_3513 = math.log %broadcast_in_dim3A_3512 : vector<1x128xf32>
    %mul3A_3514 = arith.mulf %log3A_3513, %get3A_3490 : vector<1x128xf32>
    %add3A_3515 = arith.addf %add3A_3473, %select_n3A_3509 : vector<96x128xf32>
    %add3A_3516 = arith.addf %add3A_3474, %mul3A_3504 : vector<96x128xf32>
    %add3A_3517 = arith.addf %add3A_3475, %mul3A_3514 : vector<1x128xf32>
    %get3A_3518 = arith.constant 0 : index
    %get3A_3519 = arith.constant 0 : index
    %get3A_3520 = arith.constant 10752 : index
    %get3A_3521 = vector.load %arg2[%get3A_3518, %get3A_3519, %get3A_3520] : memref<1x96x12544xf32, #tpu.memory_space<vmem>>, vector<1x96x128xf32>
    %get3A_3522 = vector.shape_cast %get3A_3521 : vector<1x96x128xf32> to vector<96x128xf32>
    %get3A_3523 = arith.constant 0 : index
    %get3A_3524 = arith.constant 0 : index
    %get3A_3525 = arith.constant 10752 : index
    %get3A_3526 = vector.load %arg3[%get3A_3523, %get3A_3524, %get3A_3525] : memref<1x1x12544xi32, #tpu.memory_space<vmem>>, vector<1x1x128xi32>
    %get3A_3527 = vector.shape_cast %get3A_3526 : vector<1x1x128xi32> to vector<1x128xi32>
    %get3A_3528 = arith.constant 0 : index
    %get3A_3529 = arith.constant 0 : index
    %get3A_3530 = arith.constant 10752 : index
    %get3A_3531 = vector.load %arg4[%get3A_3528, %get3A_3529, %get3A_3530] : memref<1x1x12544xf32, #tpu.memory_space<vmem>>, vector<1x1x128xf32>
    %get3A_3532 = vector.shape_cast %get3A_3531 : vector<1x1x128xf32> to vector<1x128xf32>
    %reduce_max3A_3533 = arith.constant dense<0xFF800000> : vector<128xf32>
    %reduce_max3A_3534 = vector.multi_reduction <maximumf>, %get3A_3522, %reduce_max3A_3533 [0] : vector<96x128xf32> to vector<128xf32>
    %broadcast_in_dim3A_3535 = vector.shape_cast %reduce_max3A_3534 : vector<128xf32> to vector<1x128xf32>
    %sub3A_3536 = vector.broadcast %broadcast_in_dim3A_3535 : vector<1x128xf32> to vector<96x128xf32>
    %sub3A_3537 = arith.subf %get3A_3522, %sub3A_3536 : vector<96x128xf32>
    %exp3A_3538 = math.exp %sub3A_3537 : vector<96x128xf32>
    %reduce_sum3A_3539 = arith.constant dense<0.000000e+00> : vector<128xf32>
    %reduce_sum3A_3540 = vector.multi_reduction <add>, %exp3A_3538, %reduce_sum3A_3539 [0] : vector<96x128xf32> to vector<128xf32>
    %broadcast_in_dim3A_3541 = vector.shape_cast %reduce_sum3A_3540 : vector<128xf32> to vector<1x128xf32>
    %div3A_3542 = arith.constant 1.000000e+00 : f32
    %div3A_3543 = vector.broadcast %div3A_3542 : f32 to vector<1x128xf32>
    %div3A_3544 = arith.divf %div3A_3543, %broadcast_in_dim3A_3541 : vector<1x128xf32>
    %mul3A_3545 = vector.broadcast %div3A_3544 : vector<1x128xf32> to vector<96x128xf32>
    %mul3A_3546 = arith.mulf %exp3A_3538, %mul3A_3545 : vector<96x128xf32>
    %eq3A_3547 = vector.broadcast %get3A_3527 : vector<1x128xi32> to vector<96x128xi32>
    %eq3A_3548 = arith.cmpi eq, %iota3A, %eq3A_3547 : vector<96x128xi32>
    %jit3A_3549 = arith.constant 0.000000e+00 : f32
    %broadcast_in_dim3A_3550 = vector.broadcast %jit3A_3549 : f32 to vector<96x128xf32>
    %select_n3A_3551 = arith.select %eq3A_3548, %mul3A_3546, %broadcast_in_dim3A_3550 : vector<96x128xi1>, vector<96x128xf32>
    %reduce_sum3A_3552 = arith.constant dense<0.000000e+00> : vector<128xf32>
    %reduce_sum3A_3553 = vector.multi_reduction <add>, %select_n3A_3551, %reduce_sum3A_3552 [0] : vector<96x128xf32> to vector<128xf32>
    %broadcast_in_dim3A_3554 = vector.shape_cast %reduce_sum3A_3553 : vector<128xf32> to vector<1x128xf32>
    %log3A_3555 = math.log %broadcast_in_dim3A_3554 : vector<1x128xf32>
    %mul3A_3556 = arith.mulf %log3A_3555, %get3A_3532 : vector<1x128xf32>
    %add3A_3557 = arith.addf %add3A_3515, %select_n3A_3551 : vector<96x128xf32>
    %add3A_3558 = arith.addf %add3A_3516, %mul3A_3546 : vector<96x128xf32>
    %add3A_3559 = arith.addf %add3A_3517, %mul3A_3556 : vector<1x128xf32>
    %get3A_3560 = arith.constant 0 : index
    %get3A_3561 = arith.constant 0 : index
    %get3A_3562 = arith.constant 10880 : index
    %get3A_3563 = vector.load %arg2[%get3A_3560, %get3A_3561, %get3A_3562] : memref<1x96x12544xf32, #tpu.memory_space<vmem>>, vector<1x96x128xf32>
    %get3A_3564 = vector.shape_cast %get3A_3563 : vector<1x96x128xf32> to vector<96x128xf32>
    %get3A_3565 = arith.constant 0 : index
    %get3A_3566 = arith.constant 0 : index
    %get3A_3567 = arith.constant 10880 : index
    %get3A_3568 = vector.load %arg3[%get3A_3565, %get3A_3566, %get3A_3567] : memref<1x1x12544xi32, #tpu.memory_space<vmem>>, vector<1x1x128xi32>
    %get3A_3569 = vector.shape_cast %get3A_3568 : vector<1x1x128xi32> to vector<1x128xi32>
    %get3A_3570 = arith.constant 0 : index
    %get3A_3571 = arith.constant 0 : index
    %get3A_3572 = arith.constant 10880 : index
    %get3A_3573 = vector.load %arg4[%get3A_3570, %get3A_3571, %get3A_3572] : memref<1x1x12544xf32, #tpu.memory_space<vmem>>, vector<1x1x128xf32>
    %get3A_3574 = vector.shape_cast %get3A_3573 : vector<1x1x128xf32> to vector<1x128xf32>
    %reduce_max3A_3575 = arith.constant dense<0xFF800000> : vector<128xf32>
    %reduce_max3A_3576 = vector.multi_reduction <maximumf>, %get3A_3564, %reduce_max3A_3575 [0] : vector<96x128xf32> to vector<128xf32>
    %broadcast_in_dim3A_3577 = vector.shape_cast %reduce_max3A_3576 : vector<128xf32> to vector<1x128xf32>
    %sub3A_3578 = vector.broadcast %broadcast_in_dim3A_3577 : vector<1x128xf32> to vector<96x128xf32>
    %sub3A_3579 = arith.subf %get3A_3564, %sub3A_3578 : vector<96x128xf32>
    %exp3A_3580 = math.exp %sub3A_3579 : vector<96x128xf32>
    %reduce_sum3A_3581 = arith.constant dense<0.000000e+00> : vector<128xf32>
    %reduce_sum3A_3582 = vector.multi_reduction <add>, %exp3A_3580, %reduce_sum3A_3581 [0] : vector<96x128xf32> to vector<128xf32>
    %broadcast_in_dim3A_3583 = vector.shape_cast %reduce_sum3A_3582 : vector<128xf32> to vector<1x128xf32>
    %div3A_3584 = arith.constant 1.000000e+00 : f32
    %div3A_3585 = vector.broadcast %div3A_3584 : f32 to vector<1x128xf32>
    %div3A_3586 = arith.divf %div3A_3585, %broadcast_in_dim3A_3583 : vector<1x128xf32>
    %mul3A_3587 = vector.broadcast %div3A_3586 : vector<1x128xf32> to vector<96x128xf32>
    %mul3A_3588 = arith.mulf %exp3A_3580, %mul3A_3587 : vector<96x128xf32>
    %eq3A_3589 = vector.broadcast %get3A_3569 : vector<1x128xi32> to vector<96x128xi32>
    %eq3A_3590 = arith.cmpi eq, %iota3A, %eq3A_3589 : vector<96x128xi32>
    %jit3A_3591 = arith.constant 0.000000e+00 : f32
    %broadcast_in_dim3A_3592 = vector.broadcast %jit3A_3591 : f32 to vector<96x128xf32>
    %select_n3A_3593 = arith.select %eq3A_3590, %mul3A_3588, %broadcast_in_dim3A_3592 : vector<96x128xi1>, vector<96x128xf32>
    %reduce_sum3A_3594 = arith.constant dense<0.000000e+00> : vector<128xf32>
    %reduce_sum3A_3595 = vector.multi_reduction <add>, %select_n3A_3593, %reduce_sum3A_3594 [0] : vector<96x128xf32> to vector<128xf32>
    %broadcast_in_dim3A_3596 = vector.shape_cast %reduce_sum3A_3595 : vector<128xf32> to vector<1x128xf32>
    %log3A_3597 = math.log %broadcast_in_dim3A_3596 : vector<1x128xf32>
    %mul3A_3598 = arith.mulf %log3A_3597, %get3A_3574 : vector<1x128xf32>
    %add3A_3599 = arith.addf %add3A_3557, %select_n3A_3593 : vector<96x128xf32>
    %add3A_3600 = arith.addf %add3A_3558, %mul3A_3588 : vector<96x128xf32>
    %add3A_3601 = arith.addf %add3A_3559, %mul3A_3598 : vector<1x128xf32>
    %get3A_3602 = arith.constant 0 : index
    %get3A_3603 = arith.constant 0 : index
    %get3A_3604 = arith.constant 11008 : index
    %get3A_3605 = vector.load %arg2[%get3A_3602, %get3A_3603, %get3A_3604] : memref<1x96x12544xf32, #tpu.memory_space<vmem>>, vector<1x96x128xf32>
    %get3A_3606 = vector.shape_cast %get3A_3605 : vector<1x96x128xf32> to vector<96x128xf32>
    %get3A_3607 = arith.constant 0 : index
    %get3A_3608 = arith.constant 0 : index
    %get3A_3609 = arith.constant 11008 : index
    %get3A_3610 = vector.load %arg3[%get3A_3607, %get3A_3608, %get3A_3609] : memref<1x1x12544xi32, #tpu.memory_space<vmem>>, vector<1x1x128xi32>
    %get3A_3611 = vector.shape_cast %get3A_3610 : vector<1x1x128xi32> to vector<1x128xi32>
    %get3A_3612 = arith.constant 0 : index
    %get3A_3613 = arith.constant 0 : index
    %get3A_3614 = arith.constant 11008 : index
    %get3A_3615 = vector.load %arg4[%get3A_3612, %get3A_3613, %get3A_3614] : memref<1x1x12544xf32, #tpu.memory_space<vmem>>, vector<1x1x128xf32>
    %get3A_3616 = vector.shape_cast %get3A_3615 : vector<1x1x128xf32> to vector<1x128xf32>
    %reduce_max3A_3617 = arith.constant dense<0xFF800000> : vector<128xf32>
    %reduce_max3A_3618 = vector.multi_reduction <maximumf>, %get3A_3606, %reduce_max3A_3617 [0] : vector<96x128xf32> to vector<128xf32>
    %broadcast_in_dim3A_3619 = vector.shape_cast %reduce_max3A_3618 : vector<128xf32> to vector<1x128xf32>
    %sub3A_3620 = vector.broadcast %broadcast_in_dim3A_3619 : vector<1x128xf32> to vector<96x128xf32>
    %sub3A_3621 = arith.subf %get3A_3606, %sub3A_3620 : vector<96x128xf32>
    %exp3A_3622 = math.exp %sub3A_3621 : vector<96x128xf32>
    %reduce_sum3A_3623 = arith.constant dense<0.000000e+00> : vector<128xf32>
    %reduce_sum3A_3624 = vector.multi_reduction <add>, %exp3A_3622, %reduce_sum3A_3623 [0] : vector<96x128xf32> to vector<128xf32>
    %broadcast_in_dim3A_3625 = vector.shape_cast %reduce_sum3A_3624 : vector<128xf32> to vector<1x128xf32>
    %div3A_3626 = arith.constant 1.000000e+00 : f32
    %div3A_3627 = vector.broadcast %div3A_3626 : f32 to vector<1x128xf32>
    %div3A_3628 = arith.divf %div3A_3627, %broadcast_in_dim3A_3625 : vector<1x128xf32>
    %mul3A_3629 = vector.broadcast %div3A_3628 : vector<1x128xf32> to vector<96x128xf32>
    %mul3A_3630 = arith.mulf %exp3A_3622, %mul3A_3629 : vector<96x128xf32>
    %eq3A_3631 = vector.broadcast %get3A_3611 : vector<1x128xi32> to vector<96x128xi32>
    %eq3A_3632 = arith.cmpi eq, %iota3A, %eq3A_3631 : vector<96x128xi32>
    %jit3A_3633 = arith.constant 0.000000e+00 : f32
    %broadcast_in_dim3A_3634 = vector.broadcast %jit3A_3633 : f32 to vector<96x128xf32>
    %select_n3A_3635 = arith.select %eq3A_3632, %mul3A_3630, %broadcast_in_dim3A_3634 : vector<96x128xi1>, vector<96x128xf32>
    %reduce_sum3A_3636 = arith.constant dense<0.000000e+00> : vector<128xf32>
    %reduce_sum3A_3637 = vector.multi_reduction <add>, %select_n3A_3635, %reduce_sum3A_3636 [0] : vector<96x128xf32> to vector<128xf32>
    %broadcast_in_dim3A_3638 = vector.shape_cast %reduce_sum3A_3637 : vector<128xf32> to vector<1x128xf32>
    %log3A_3639 = math.log %broadcast_in_dim3A_3638 : vector<1x128xf32>
    %mul3A_3640 = arith.mulf %log3A_3639, %get3A_3616 : vector<1x128xf32>
    %add3A_3641 = arith.addf %add3A_3599, %select_n3A_3635 : vector<96x128xf32>
    %add3A_3642 = arith.addf %add3A_3600, %mul3A_3630 : vector<96x128xf32>
    %add3A_3643 = arith.addf %add3A_3601, %mul3A_3640 : vector<1x128xf32>
    %get3A_3644 = arith.constant 0 : index
    %get3A_3645 = arith.constant 0 : index
    %get3A_3646 = arith.constant 11136 : index
    %get3A_3647 = vector.load %arg2[%get3A_3644, %get3A_3645, %get3A_3646] : memref<1x96x12544xf32, #tpu.memory_space<vmem>>, vector<1x96x128xf32>
    %get3A_3648 = vector.shape_cast %get3A_3647 : vector<1x96x128xf32> to vector<96x128xf32>
    %get3A_3649 = arith.constant 0 : index
    %get3A_3650 = arith.constant 0 : index
    %get3A_3651 = arith.constant 11136 : index
    %get3A_3652 = vector.load %arg3[%get3A_3649, %get3A_3650, %get3A_3651] : memref<1x1x12544xi32, #tpu.memory_space<vmem>>, vector<1x1x128xi32>
    %get3A_3653 = vector.shape_cast %get3A_3652 : vector<1x1x128xi32> to vector<1x128xi32>
    %get3A_3654 = arith.constant 0 : index
    %get3A_3655 = arith.constant 0 : index
    %get3A_3656 = arith.constant 11136 : index
    %get3A_3657 = vector.load %arg4[%get3A_3654, %get3A_3655, %get3A_3656] : memref<1x1x12544xf32, #tpu.memory_space<vmem>>, vector<1x1x128xf32>
    %get3A_3658 = vector.shape_cast %get3A_3657 : vector<1x1x128xf32> to vector<1x128xf32>
    %reduce_max3A_3659 = arith.constant dense<0xFF800000> : vector<128xf32>
    %reduce_max3A_3660 = vector.multi_reduction <maximumf>, %get3A_3648, %reduce_max3A_3659 [0] : vector<96x128xf32> to vector<128xf32>
    %broadcast_in_dim3A_3661 = vector.shape_cast %reduce_max3A_3660 : vector<128xf32> to vector<1x128xf32>
    %sub3A_3662 = vector.broadcast %broadcast_in_dim3A_3661 : vector<1x128xf32> to vector<96x128xf32>
    %sub3A_3663 = arith.subf %get3A_3648, %sub3A_3662 : vector<96x128xf32>
    %exp3A_3664 = math.exp %sub3A_3663 : vector<96x128xf32>
    %reduce_sum3A_3665 = arith.constant dense<0.000000e+00> : vector<128xf32>
    %reduce_sum3A_3666 = vector.multi_reduction <add>, %exp3A_3664, %reduce_sum3A_3665 [0] : vector<96x128xf32> to vector<128xf32>
    %broadcast_in_dim3A_3667 = vector.shape_cast %reduce_sum3A_3666 : vector<128xf32> to vector<1x128xf32>
    %div3A_3668 = arith.constant 1.000000e+00 : f32
    %div3A_3669 = vector.broadcast %div3A_3668 : f32 to vector<1x128xf32>
    %div3A_3670 = arith.divf %div3A_3669, %broadcast_in_dim3A_3667 : vector<1x128xf32>
    %mul3A_3671 = vector.broadcast %div3A_3670 : vector<1x128xf32> to vector<96x128xf32>
    %mul3A_3672 = arith.mulf %exp3A_3664, %mul3A_3671 : vector<96x128xf32>
    %eq3A_3673 = vector.broadcast %get3A_3653 : vector<1x128xi32> to vector<96x128xi32>
    %eq3A_3674 = arith.cmpi eq, %iota3A, %eq3A_3673 : vector<96x128xi32>
    %jit3A_3675 = arith.constant 0.000000e+00 : f32
    %broadcast_in_dim3A_3676 = vector.broadcast %jit3A_3675 : f32 to vector<96x128xf32>
    %select_n3A_3677 = arith.select %eq3A_3674, %mul3A_3672, %broadcast_in_dim3A_3676 : vector<96x128xi1>, vector<96x128xf32>
    %reduce_sum3A_3678 = arith.constant dense<0.000000e+00> : vector<128xf32>
    %reduce_sum3A_3679 = vector.multi_reduction <add>, %select_n3A_3677, %reduce_sum3A_3678 [0] : vector<96x128xf32> to vector<128xf32>
    %broadcast_in_dim3A_3680 = vector.shape_cast %reduce_sum3A_3679 : vector<128xf32> to vector<1x128xf32>
    %log3A_3681 = math.log %broadcast_in_dim3A_3680 : vector<1x128xf32>
    %mul3A_3682 = arith.mulf %log3A_3681, %get3A_3658 : vector<1x128xf32>
    %add3A_3683 = arith.addf %add3A_3641, %select_n3A_3677 : vector<96x128xf32>
    %add3A_3684 = arith.addf %add3A_3642, %mul3A_3672 : vector<96x128xf32>
    %add3A_3685 = arith.addf %add3A_3643, %mul3A_3682 : vector<1x128xf32>
    %get3A_3686 = arith.constant 0 : index
    %get3A_3687 = arith.constant 0 : index
    %get3A_3688 = arith.constant 11264 : index
    %get3A_3689 = vector.load %arg2[%get3A_3686, %get3A_3687, %get3A_3688] : memref<1x96x12544xf32, #tpu.memory_space<vmem>>, vector<1x96x128xf32>
    %get3A_3690 = vector.shape_cast %get3A_3689 : vector<1x96x128xf32> to vector<96x128xf32>
    %get3A_3691 = arith.constant 0 : index
    %get3A_3692 = arith.constant 0 : index
    %get3A_3693 = arith.constant 11264 : index
    %get3A_3694 = vector.load %arg3[%get3A_3691, %get3A_3692, %get3A_3693] : memref<1x1x12544xi32, #tpu.memory_space<vmem>>, vector<1x1x128xi32>
    %get3A_3695 = vector.shape_cast %get3A_3694 : vector<1x1x128xi32> to vector<1x128xi32>
    %get3A_3696 = arith.constant 0 : index
    %get3A_3697 = arith.constant 0 : index
    %get3A_3698 = arith.constant 11264 : index
    %get3A_3699 = vector.load %arg4[%get3A_3696, %get3A_3697, %get3A_3698] : memref<1x1x12544xf32, #tpu.memory_space<vmem>>, vector<1x1x128xf32>
    %get3A_3700 = vector.shape_cast %get3A_3699 : vector<1x1x128xf32> to vector<1x128xf32>
    %reduce_max3A_3701 = arith.constant dense<0xFF800000> : vector<128xf32>
    %reduce_max3A_3702 = vector.multi_reduction <maximumf>, %get3A_3690, %reduce_max3A_3701 [0] : vector<96x128xf32> to vector<128xf32>
    %broadcast_in_dim3A_3703 = vector.shape_cast %reduce_max3A_3702 : vector<128xf32> to vector<1x128xf32>
    %sub3A_3704 = vector.broadcast %broadcast_in_dim3A_3703 : vector<1x128xf32> to vector<96x128xf32>
    %sub3A_3705 = arith.subf %get3A_3690, %sub3A_3704 : vector<96x128xf32>
    %exp3A_3706 = math.exp %sub3A_3705 : vector<96x128xf32>
    %reduce_sum3A_3707 = arith.constant dense<0.000000e+00> : vector<128xf32>
    %reduce_sum3A_3708 = vector.multi_reduction <add>, %exp3A_3706, %reduce_sum3A_3707 [0] : vector<96x128xf32> to vector<128xf32>
    %broadcast_in_dim3A_3709 = vector.shape_cast %reduce_sum3A_3708 : vector<128xf32> to vector<1x128xf32>
    %div3A_3710 = arith.constant 1.000000e+00 : f32
    %div3A_3711 = vector.broadcast %div3A_3710 : f32 to vector<1x128xf32>
    %div3A_3712 = arith.divf %div3A_3711, %broadcast_in_dim3A_3709 : vector<1x128xf32>
    %mul3A_3713 = vector.broadcast %div3A_3712 : vector<1x128xf32> to vector<96x128xf32>
    %mul3A_3714 = arith.mulf %exp3A_3706, %mul3A_3713 : vector<96x128xf32>
    %eq3A_3715 = vector.broadcast %get3A_3695 : vector<1x128xi32> to vector<96x128xi32>
    %eq3A_3716 = arith.cmpi eq, %iota3A, %eq3A_3715 : vector<96x128xi32>
    %jit3A_3717 = arith.constant 0.000000e+00 : f32
    %broadcast_in_dim3A_3718 = vector.broadcast %jit3A_3717 : f32 to vector<96x128xf32>
    %select_n3A_3719 = arith.select %eq3A_3716, %mul3A_3714, %broadcast_in_dim3A_3718 : vector<96x128xi1>, vector<96x128xf32>
    %reduce_sum3A_3720 = arith.constant dense<0.000000e+00> : vector<128xf32>
    %reduce_sum3A_3721 = vector.multi_reduction <add>, %select_n3A_3719, %reduce_sum3A_3720 [0] : vector<96x128xf32> to vector<128xf32>
    %broadcast_in_dim3A_3722 = vector.shape_cast %reduce_sum3A_3721 : vector<128xf32> to vector<1x128xf32>
    %log3A_3723 = math.log %broadcast_in_dim3A_3722 : vector<1x128xf32>
    %mul3A_3724 = arith.mulf %log3A_3723, %get3A_3700 : vector<1x128xf32>
    %add3A_3725 = arith.addf %add3A_3683, %select_n3A_3719 : vector<96x128xf32>
    %add3A_3726 = arith.addf %add3A_3684, %mul3A_3714 : vector<96x128xf32>
    %add3A_3727 = arith.addf %add3A_3685, %mul3A_3724 : vector<1x128xf32>
    %get3A_3728 = arith.constant 0 : index
    %get3A_3729 = arith.constant 0 : index
    %get3A_3730 = arith.constant 11392 : index
    %get3A_3731 = vector.load %arg2[%get3A_3728, %get3A_3729, %get3A_3730] : memref<1x96x12544xf32, #tpu.memory_space<vmem>>, vector<1x96x128xf32>
    %get3A_3732 = vector.shape_cast %get3A_3731 : vector<1x96x128xf32> to vector<96x128xf32>
    %get3A_3733 = arith.constant 0 : index
    %get3A_3734 = arith.constant 0 : index
    %get3A_3735 = arith.constant 11392 : index
    %get3A_3736 = vector.load %arg3[%get3A_3733, %get3A_3734, %get3A_3735] : memref<1x1x12544xi32, #tpu.memory_space<vmem>>, vector<1x1x128xi32>
    %get3A_3737 = vector.shape_cast %get3A_3736 : vector<1x1x128xi32> to vector<1x128xi32>
    %get3A_3738 = arith.constant 0 : index
    %get3A_3739 = arith.constant 0 : index
    %get3A_3740 = arith.constant 11392 : index
    %get3A_3741 = vector.load %arg4[%get3A_3738, %get3A_3739, %get3A_3740] : memref<1x1x12544xf32, #tpu.memory_space<vmem>>, vector<1x1x128xf32>
    %get3A_3742 = vector.shape_cast %get3A_3741 : vector<1x1x128xf32> to vector<1x128xf32>
    %reduce_max3A_3743 = arith.constant dense<0xFF800000> : vector<128xf32>
    %reduce_max3A_3744 = vector.multi_reduction <maximumf>, %get3A_3732, %reduce_max3A_3743 [0] : vector<96x128xf32> to vector<128xf32>
    %broadcast_in_dim3A_3745 = vector.shape_cast %reduce_max3A_3744 : vector<128xf32> to vector<1x128xf32>
    %sub3A_3746 = vector.broadcast %broadcast_in_dim3A_3745 : vector<1x128xf32> to vector<96x128xf32>
    %sub3A_3747 = arith.subf %get3A_3732, %sub3A_3746 : vector<96x128xf32>
    %exp3A_3748 = math.exp %sub3A_3747 : vector<96x128xf32>
    %reduce_sum3A_3749 = arith.constant dense<0.000000e+00> : vector<128xf32>
    %reduce_sum3A_3750 = vector.multi_reduction <add>, %exp3A_3748, %reduce_sum3A_3749 [0] : vector<96x128xf32> to vector<128xf32>
    %broadcast_in_dim3A_3751 = vector.shape_cast %reduce_sum3A_3750 : vector<128xf32> to vector<1x128xf32>
    %div3A_3752 = arith.constant 1.000000e+00 : f32
    %div3A_3753 = vector.broadcast %div3A_3752 : f32 to vector<1x128xf32>
    %div3A_3754 = arith.divf %div3A_3753, %broadcast_in_dim3A_3751 : vector<1x128xf32>
    %mul3A_3755 = vector.broadcast %div3A_3754 : vector<1x128xf32> to vector<96x128xf32>
    %mul3A_3756 = arith.mulf %exp3A_3748, %mul3A_3755 : vector<96x128xf32>
    %eq3A_3757 = vector.broadcast %get3A_3737 : vector<1x128xi32> to vector<96x128xi32>
    %eq3A_3758 = arith.cmpi eq, %iota3A, %eq3A_3757 : vector<96x128xi32>
    %jit3A_3759 = arith.constant 0.000000e+00 : f32
    %broadcast_in_dim3A_3760 = vector.broadcast %jit3A_3759 : f32 to vector<96x128xf32>
    %select_n3A_3761 = arith.select %eq3A_3758, %mul3A_3756, %broadcast_in_dim3A_3760 : vector<96x128xi1>, vector<96x128xf32>
    %reduce_sum3A_3762 = arith.constant dense<0.000000e+00> : vector<128xf32>
    %reduce_sum3A_3763 = vector.multi_reduction <add>, %select_n3A_3761, %reduce_sum3A_3762 [0] : vector<96x128xf32> to vector<128xf32>
    %broadcast_in_dim3A_3764 = vector.shape_cast %reduce_sum3A_3763 : vector<128xf32> to vector<1x128xf32>
    %log3A_3765 = math.log %broadcast_in_dim3A_3764 : vector<1x128xf32>
    %mul3A_3766 = arith.mulf %log3A_3765, %get3A_3742 : vector<1x128xf32>
    %add3A_3767 = arith.addf %add3A_3725, %select_n3A_3761 : vector<96x128xf32>
    %add3A_3768 = arith.addf %add3A_3726, %mul3A_3756 : vector<96x128xf32>
    %add3A_3769 = arith.addf %add3A_3727, %mul3A_3766 : vector<1x128xf32>
    %get3A_3770 = arith.constant 0 : index
    %get3A_3771 = arith.constant 0 : index
    %get3A_3772 = arith.constant 11520 : index
    %get3A_3773 = vector.load %arg2[%get3A_3770, %get3A_3771, %get3A_3772] : memref<1x96x12544xf32, #tpu.memory_space<vmem>>, vector<1x96x128xf32>
    %get3A_3774 = vector.shape_cast %get3A_3773 : vector<1x96x128xf32> to vector<96x128xf32>
    %get3A_3775 = arith.constant 0 : index
    %get3A_3776 = arith.constant 0 : index
    %get3A_3777 = arith.constant 11520 : index
    %get3A_3778 = vector.load %arg3[%get3A_3775, %get3A_3776, %get3A_3777] : memref<1x1x12544xi32, #tpu.memory_space<vmem>>, vector<1x1x128xi32>
    %get3A_3779 = vector.shape_cast %get3A_3778 : vector<1x1x128xi32> to vector<1x128xi32>
    %get3A_3780 = arith.constant 0 : index
    %get3A_3781 = arith.constant 0 : index
    %get3A_3782 = arith.constant 11520 : index
    %get3A_3783 = vector.load %arg4[%get3A_3780, %get3A_3781, %get3A_3782] : memref<1x1x12544xf32, #tpu.memory_space<vmem>>, vector<1x1x128xf32>
    %get3A_3784 = vector.shape_cast %get3A_3783 : vector<1x1x128xf32> to vector<1x128xf32>
    %reduce_max3A_3785 = arith.constant dense<0xFF800000> : vector<128xf32>
    %reduce_max3A_3786 = vector.multi_reduction <maximumf>, %get3A_3774, %reduce_max3A_3785 [0] : vector<96x128xf32> to vector<128xf32>
    %broadcast_in_dim3A_3787 = vector.shape_cast %reduce_max3A_3786 : vector<128xf32> to vector<1x128xf32>
    %sub3A_3788 = vector.broadcast %broadcast_in_dim3A_3787 : vector<1x128xf32> to vector<96x128xf32>
    %sub3A_3789 = arith.subf %get3A_3774, %sub3A_3788 : vector<96x128xf32>
    %exp3A_3790 = math.exp %sub3A_3789 : vector<96x128xf32>
    %reduce_sum3A_3791 = arith.constant dense<0.000000e+00> : vector<128xf32>
    %reduce_sum3A_3792 = vector.multi_reduction <add>, %exp3A_3790, %reduce_sum3A_3791 [0] : vector<96x128xf32> to vector<128xf32>
    %broadcast_in_dim3A_3793 = vector.shape_cast %reduce_sum3A_3792 : vector<128xf32> to vector<1x128xf32>
    %div3A_3794 = arith.constant 1.000000e+00 : f32
    %div3A_3795 = vector.broadcast %div3A_3794 : f32 to vector<1x128xf32>
    %div3A_3796 = arith.divf %div3A_3795, %broadcast_in_dim3A_3793 : vector<1x128xf32>
    %mul3A_3797 = vector.broadcast %div3A_3796 : vector<1x128xf32> to vector<96x128xf32>
    %mul3A_3798 = arith.mulf %exp3A_3790, %mul3A_3797 : vector<96x128xf32>
    %eq3A_3799 = vector.broadcast %get3A_3779 : vector<1x128xi32> to vector<96x128xi32>
    %eq3A_3800 = arith.cmpi eq, %iota3A, %eq3A_3799 : vector<96x128xi32>
    %jit3A_3801 = arith.constant 0.000000e+00 : f32
    %broadcast_in_dim3A_3802 = vector.broadcast %jit3A_3801 : f32 to vector<96x128xf32>
    %select_n3A_3803 = arith.select %eq3A_3800, %mul3A_3798, %broadcast_in_dim3A_3802 : vector<96x128xi1>, vector<96x128xf32>
    %reduce_sum3A_3804 = arith.constant dense<0.000000e+00> : vector<128xf32>
    %reduce_sum3A_3805 = vector.multi_reduction <add>, %select_n3A_3803, %reduce_sum3A_3804 [0] : vector<96x128xf32> to vector<128xf32>
    %broadcast_in_dim3A_3806 = vector.shape_cast %reduce_sum3A_3805 : vector<128xf32> to vector<1x128xf32>
    %log3A_3807 = math.log %broadcast_in_dim3A_3806 : vector<1x128xf32>
    %mul3A_3808 = arith.mulf %log3A_3807, %get3A_3784 : vector<1x128xf32>
    %add3A_3809 = arith.addf %add3A_3767, %select_n3A_3803 : vector<96x128xf32>
    %add3A_3810 = arith.addf %add3A_3768, %mul3A_3798 : vector<96x128xf32>
    %add3A_3811 = arith.addf %add3A_3769, %mul3A_3808 : vector<1x128xf32>
    %get3A_3812 = arith.constant 0 : index
    %get3A_3813 = arith.constant 0 : index
    %get3A_3814 = arith.constant 11648 : index
    %get3A_3815 = vector.load %arg2[%get3A_3812, %get3A_3813, %get3A_3814] : memref<1x96x12544xf32, #tpu.memory_space<vmem>>, vector<1x96x128xf32>
    %get3A_3816 = vector.shape_cast %get3A_3815 : vector<1x96x128xf32> to vector<96x128xf32>
    %get3A_3817 = arith.constant 0 : index
    %get3A_3818 = arith.constant 0 : index
    %get3A_3819 = arith.constant 11648 : index
    %get3A_3820 = vector.load %arg3[%get3A_3817, %get3A_3818, %get3A_3819] : memref<1x1x12544xi32, #tpu.memory_space<vmem>>, vector<1x1x128xi32>
    %get3A_3821 = vector.shape_cast %get3A_3820 : vector<1x1x128xi32> to vector<1x128xi32>
    %get3A_3822 = arith.constant 0 : index
    %get3A_3823 = arith.constant 0 : index
    %get3A_3824 = arith.constant 11648 : index
    %get3A_3825 = vector.load %arg4[%get3A_3822, %get3A_3823, %get3A_3824] : memref<1x1x12544xf32, #tpu.memory_space<vmem>>, vector<1x1x128xf32>
    %get3A_3826 = vector.shape_cast %get3A_3825 : vector<1x1x128xf32> to vector<1x128xf32>
    %reduce_max3A_3827 = arith.constant dense<0xFF800000> : vector<128xf32>
    %reduce_max3A_3828 = vector.multi_reduction <maximumf>, %get3A_3816, %reduce_max3A_3827 [0] : vector<96x128xf32> to vector<128xf32>
    %broadcast_in_dim3A_3829 = vector.shape_cast %reduce_max3A_3828 : vector<128xf32> to vector<1x128xf32>
    %sub3A_3830 = vector.broadcast %broadcast_in_dim3A_3829 : vector<1x128xf32> to vector<96x128xf32>
    %sub3A_3831 = arith.subf %get3A_3816, %sub3A_3830 : vector<96x128xf32>
    %exp3A_3832 = math.exp %sub3A_3831 : vector<96x128xf32>
    %reduce_sum3A_3833 = arith.constant dense<0.000000e+00> : vector<128xf32>
    %reduce_sum3A_3834 = vector.multi_reduction <add>, %exp3A_3832, %reduce_sum3A_3833 [0] : vector<96x128xf32> to vector<128xf32>
    %broadcast_in_dim3A_3835 = vector.shape_cast %reduce_sum3A_3834 : vector<128xf32> to vector<1x128xf32>
    %div3A_3836 = arith.constant 1.000000e+00 : f32
    %div3A_3837 = vector.broadcast %div3A_3836 : f32 to vector<1x128xf32>
    %div3A_3838 = arith.divf %div3A_3837, %broadcast_in_dim3A_3835 : vector<1x128xf32>
    %mul3A_3839 = vector.broadcast %div3A_3838 : vector<1x128xf32> to vector<96x128xf32>
    %mul3A_3840 = arith.mulf %exp3A_3832, %mul3A_3839 : vector<96x128xf32>
    %eq3A_3841 = vector.broadcast %get3A_3821 : vector<1x128xi32> to vector<96x128xi32>
    %eq3A_3842 = arith.cmpi eq, %iota3A, %eq3A_3841 : vector<96x128xi32>
    %jit3A_3843 = arith.constant 0.000000e+00 : f32
    %broadcast_in_dim3A_3844 = vector.broadcast %jit3A_3843 : f32 to vector<96x128xf32>
    %select_n3A_3845 = arith.select %eq3A_3842, %mul3A_3840, %broadcast_in_dim3A_3844 : vector<96x128xi1>, vector<96x128xf32>
    %reduce_sum3A_3846 = arith.constant dense<0.000000e+00> : vector<128xf32>
    %reduce_sum3A_3847 = vector.multi_reduction <add>, %select_n3A_3845, %reduce_sum3A_3846 [0] : vector<96x128xf32> to vector<128xf32>
    %broadcast_in_dim3A_3848 = vector.shape_cast %reduce_sum3A_3847 : vector<128xf32> to vector<1x128xf32>
    %log3A_3849 = math.log %broadcast_in_dim3A_3848 : vector<1x128xf32>
    %mul3A_3850 = arith.mulf %log3A_3849, %get3A_3826 : vector<1x128xf32>
    %add3A_3851 = arith.addf %add3A_3809, %select_n3A_3845 : vector<96x128xf32>
    %add3A_3852 = arith.addf %add3A_3810, %mul3A_3840 : vector<96x128xf32>
    %add3A_3853 = arith.addf %add3A_3811, %mul3A_3850 : vector<1x128xf32>
    %get3A_3854 = arith.constant 0 : index
    %get3A_3855 = arith.constant 0 : index
    %get3A_3856 = arith.constant 11776 : index
    %get3A_3857 = vector.load %arg2[%get3A_3854, %get3A_3855, %get3A_3856] : memref<1x96x12544xf32, #tpu.memory_space<vmem>>, vector<1x96x128xf32>
    %get3A_3858 = vector.shape_cast %get3A_3857 : vector<1x96x128xf32> to vector<96x128xf32>
    %get3A_3859 = arith.constant 0 : index
    %get3A_3860 = arith.constant 0 : index
    %get3A_3861 = arith.constant 11776 : index
    %get3A_3862 = vector.load %arg3[%get3A_3859, %get3A_3860, %get3A_3861] : memref<1x1x12544xi32, #tpu.memory_space<vmem>>, vector<1x1x128xi32>
    %get3A_3863 = vector.shape_cast %get3A_3862 : vector<1x1x128xi32> to vector<1x128xi32>
    %get3A_3864 = arith.constant 0 : index
    %get3A_3865 = arith.constant 0 : index
    %get3A_3866 = arith.constant 11776 : index
    %get3A_3867 = vector.load %arg4[%get3A_3864, %get3A_3865, %get3A_3866] : memref<1x1x12544xf32, #tpu.memory_space<vmem>>, vector<1x1x128xf32>
    %get3A_3868 = vector.shape_cast %get3A_3867 : vector<1x1x128xf32> to vector<1x128xf32>
    %reduce_max3A_3869 = arith.constant dense<0xFF800000> : vector<128xf32>
    %reduce_max3A_3870 = vector.multi_reduction <maximumf>, %get3A_3858, %reduce_max3A_3869 [0] : vector<96x128xf32> to vector<128xf32>
    %broadcast_in_dim3A_3871 = vector.shape_cast %reduce_max3A_3870 : vector<128xf32> to vector<1x128xf32>
    %sub3A_3872 = vector.broadcast %broadcast_in_dim3A_3871 : vector<1x128xf32> to vector<96x128xf32>
    %sub3A_3873 = arith.subf %get3A_3858, %sub3A_3872 : vector<96x128xf32>
    %exp3A_3874 = math.exp %sub3A_3873 : vector<96x128xf32>
    %reduce_sum3A_3875 = arith.constant dense<0.000000e+00> : vector<128xf32>
    %reduce_sum3A_3876 = vector.multi_reduction <add>, %exp3A_3874, %reduce_sum3A_3875 [0] : vector<96x128xf32> to vector<128xf32>
    %broadcast_in_dim3A_3877 = vector.shape_cast %reduce_sum3A_3876 : vector<128xf32> to vector<1x128xf32>
    %div3A_3878 = arith.constant 1.000000e+00 : f32
    %div3A_3879 = vector.broadcast %div3A_3878 : f32 to vector<1x128xf32>
    %div3A_3880 = arith.divf %div3A_3879, %broadcast_in_dim3A_3877 : vector<1x128xf32>
    %mul3A_3881 = vector.broadcast %div3A_3880 : vector<1x128xf32> to vector<96x128xf32>
    %mul3A_3882 = arith.mulf %exp3A_3874, %mul3A_3881 : vector<96x128xf32>
    %eq3A_3883 = vector.broadcast %get3A_3863 : vector<1x128xi32> to vector<96x128xi32>
    %eq3A_3884 = arith.cmpi eq, %iota3A, %eq3A_3883 : vector<96x128xi32>
    %jit3A_3885 = arith.constant 0.000000e+00 : f32
    %broadcast_in_dim3A_3886 = vector.broadcast %jit3A_3885 : f32 to vector<96x128xf32>
    %select_n3A_3887 = arith.select %eq3A_3884, %mul3A_3882, %broadcast_in_dim3A_3886 : vector<96x128xi1>, vector<96x128xf32>
    %reduce_sum3A_3888 = arith.constant dense<0.000000e+00> : vector<128xf32>
    %reduce_sum3A_3889 = vector.multi_reduction <add>, %select_n3A_3887, %reduce_sum3A_3888 [0] : vector<96x128xf32> to vector<128xf32>
    %broadcast_in_dim3A_3890 = vector.shape_cast %reduce_sum3A_3889 : vector<128xf32> to vector<1x128xf32>
    %log3A_3891 = math.log %broadcast_in_dim3A_3890 : vector<1x128xf32>
    %mul3A_3892 = arith.mulf %log3A_3891, %get3A_3868 : vector<1x128xf32>
    %add3A_3893 = arith.addf %add3A_3851, %select_n3A_3887 : vector<96x128xf32>
    %add3A_3894 = arith.addf %add3A_3852, %mul3A_3882 : vector<96x128xf32>
    %add3A_3895 = arith.addf %add3A_3853, %mul3A_3892 : vector<1x128xf32>
    %get3A_3896 = arith.constant 0 : index
    %get3A_3897 = arith.constant 0 : index
    %get3A_3898 = arith.constant 11904 : index
    %get3A_3899 = vector.load %arg2[%get3A_3896, %get3A_3897, %get3A_3898] : memref<1x96x12544xf32, #tpu.memory_space<vmem>>, vector<1x96x128xf32>
    %get3A_3900 = vector.shape_cast %get3A_3899 : vector<1x96x128xf32> to vector<96x128xf32>
    %get3A_3901 = arith.constant 0 : index
    %get3A_3902 = arith.constant 0 : index
    %get3A_3903 = arith.constant 11904 : index
    %get3A_3904 = vector.load %arg3[%get3A_3901, %get3A_3902, %get3A_3903] : memref<1x1x12544xi32, #tpu.memory_space<vmem>>, vector<1x1x128xi32>
    %get3A_3905 = vector.shape_cast %get3A_3904 : vector<1x1x128xi32> to vector<1x128xi32>
    %get3A_3906 = arith.constant 0 : index
    %get3A_3907 = arith.constant 0 : index
    %get3A_3908 = arith.constant 11904 : index
    %get3A_3909 = vector.load %arg4[%get3A_3906, %get3A_3907, %get3A_3908] : memref<1x1x12544xf32, #tpu.memory_space<vmem>>, vector<1x1x128xf32>
    %get3A_3910 = vector.shape_cast %get3A_3909 : vector<1x1x128xf32> to vector<1x128xf32>
    %reduce_max3A_3911 = arith.constant dense<0xFF800000> : vector<128xf32>
    %reduce_max3A_3912 = vector.multi_reduction <maximumf>, %get3A_3900, %reduce_max3A_3911 [0] : vector<96x128xf32> to vector<128xf32>
    %broadcast_in_dim3A_3913 = vector.shape_cast %reduce_max3A_3912 : vector<128xf32> to vector<1x128xf32>
    %sub3A_3914 = vector.broadcast %broadcast_in_dim3A_3913 : vector<1x128xf32> to vector<96x128xf32>
    %sub3A_3915 = arith.subf %get3A_3900, %sub3A_3914 : vector<96x128xf32>
    %exp3A_3916 = math.exp %sub3A_3915 : vector<96x128xf32>
    %reduce_sum3A_3917 = arith.constant dense<0.000000e+00> : vector<128xf32>
    %reduce_sum3A_3918 = vector.multi_reduction <add>, %exp3A_3916, %reduce_sum3A_3917 [0] : vector<96x128xf32> to vector<128xf32>
    %broadcast_in_dim3A_3919 = vector.shape_cast %reduce_sum3A_3918 : vector<128xf32> to vector<1x128xf32>
    %div3A_3920 = arith.constant 1.000000e+00 : f32
    %div3A_3921 = vector.broadcast %div3A_3920 : f32 to vector<1x128xf32>
    %div3A_3922 = arith.divf %div3A_3921, %broadcast_in_dim3A_3919 : vector<1x128xf32>
    %mul3A_3923 = vector.broadcast %div3A_3922 : vector<1x128xf32> to vector<96x128xf32>
    %mul3A_3924 = arith.mulf %exp3A_3916, %mul3A_3923 : vector<96x128xf32>
    %eq3A_3925 = vector.broadcast %get3A_3905 : vector<1x128xi32> to vector<96x128xi32>
    %eq3A_3926 = arith.cmpi eq, %iota3A, %eq3A_3925 : vector<96x128xi32>
    %jit3A_3927 = arith.constant 0.000000e+00 : f32
    %broadcast_in_dim3A_3928 = vector.broadcast %jit3A_3927 : f32 to vector<96x128xf32>
    %select_n3A_3929 = arith.select %eq3A_3926, %mul3A_3924, %broadcast_in_dim3A_3928 : vector<96x128xi1>, vector<96x128xf32>
    %reduce_sum3A_3930 = arith.constant dense<0.000000e+00> : vector<128xf32>
    %reduce_sum3A_3931 = vector.multi_reduction <add>, %select_n3A_3929, %reduce_sum3A_3930 [0] : vector<96x128xf32> to vector<128xf32>
    %broadcast_in_dim3A_3932 = vector.shape_cast %reduce_sum3A_3931 : vector<128xf32> to vector<1x128xf32>
    %log3A_3933 = math.log %broadcast_in_dim3A_3932 : vector<1x128xf32>
    %mul3A_3934 = arith.mulf %log3A_3933, %get3A_3910 : vector<1x128xf32>
    %add3A_3935 = arith.addf %add3A_3893, %select_n3A_3929 : vector<96x128xf32>
    %add3A_3936 = arith.addf %add3A_3894, %mul3A_3924 : vector<96x128xf32>
    %add3A_3937 = arith.addf %add3A_3895, %mul3A_3934 : vector<1x128xf32>
    %get3A_3938 = arith.constant 0 : index
    %get3A_3939 = arith.constant 0 : index
    %get3A_3940 = arith.constant 12032 : index
    %get3A_3941 = vector.load %arg2[%get3A_3938, %get3A_3939, %get3A_3940] : memref<1x96x12544xf32, #tpu.memory_space<vmem>>, vector<1x96x128xf32>
    %get3A_3942 = vector.shape_cast %get3A_3941 : vector<1x96x128xf32> to vector<96x128xf32>
    %get3A_3943 = arith.constant 0 : index
    %get3A_3944 = arith.constant 0 : index
    %get3A_3945 = arith.constant 12032 : index
    %get3A_3946 = vector.load %arg3[%get3A_3943, %get3A_3944, %get3A_3945] : memref<1x1x12544xi32, #tpu.memory_space<vmem>>, vector<1x1x128xi32>
    %get3A_3947 = vector.shape_cast %get3A_3946 : vector<1x1x128xi32> to vector<1x128xi32>
    %get3A_3948 = arith.constant 0 : index
    %get3A_3949 = arith.constant 0 : index
    %get3A_3950 = arith.constant 12032 : index
    %get3A_3951 = vector.load %arg4[%get3A_3948, %get3A_3949, %get3A_3950] : memref<1x1x12544xf32, #tpu.memory_space<vmem>>, vector<1x1x128xf32>
    %get3A_3952 = vector.shape_cast %get3A_3951 : vector<1x1x128xf32> to vector<1x128xf32>
    %reduce_max3A_3953 = arith.constant dense<0xFF800000> : vector<128xf32>
    %reduce_max3A_3954 = vector.multi_reduction <maximumf>, %get3A_3942, %reduce_max3A_3953 [0] : vector<96x128xf32> to vector<128xf32>
    %broadcast_in_dim3A_3955 = vector.shape_cast %reduce_max3A_3954 : vector<128xf32> to vector<1x128xf32>
    %sub3A_3956 = vector.broadcast %broadcast_in_dim3A_3955 : vector<1x128xf32> to vector<96x128xf32>
    %sub3A_3957 = arith.subf %get3A_3942, %sub3A_3956 : vector<96x128xf32>
    %exp3A_3958 = math.exp %sub3A_3957 : vector<96x128xf32>
    %reduce_sum3A_3959 = arith.constant dense<0.000000e+00> : vector<128xf32>
    %reduce_sum3A_3960 = vector.multi_reduction <add>, %exp3A_3958, %reduce_sum3A_3959 [0] : vector<96x128xf32> to vector<128xf32>
    %broadcast_in_dim3A_3961 = vector.shape_cast %reduce_sum3A_3960 : vector<128xf32> to vector<1x128xf32>
    %div3A_3962 = arith.constant 1.000000e+00 : f32
    %div3A_3963 = vector.broadcast %div3A_3962 : f32 to vector<1x128xf32>
    %div3A_3964 = arith.divf %div3A_3963, %broadcast_in_dim3A_3961 : vector<1x128xf32>
    %mul3A_3965 = vector.broadcast %div3A_3964 : vector<1x128xf32> to vector<96x128xf32>
    %mul3A_3966 = arith.mulf %exp3A_3958, %mul3A_3965 : vector<96x128xf32>
    %eq3A_3967 = vector.broadcast %get3A_3947 : vector<1x128xi32> to vector<96x128xi32>
    %eq3A_3968 = arith.cmpi eq, %iota3A, %eq3A_3967 : vector<96x128xi32>
    %jit3A_3969 = arith.constant 0.000000e+00 : f32
    %broadcast_in_dim3A_3970 = vector.broadcast %jit3A_3969 : f32 to vector<96x128xf32>
    %select_n3A_3971 = arith.select %eq3A_3968, %mul3A_3966, %broadcast_in_dim3A_3970 : vector<96x128xi1>, vector<96x128xf32>
    %reduce_sum3A_3972 = arith.constant dense<0.000000e+00> : vector<128xf32>
    %reduce_sum3A_3973 = vector.multi_reduction <add>, %select_n3A_3971, %reduce_sum3A_3972 [0] : vector<96x128xf32> to vector<128xf32>
    %broadcast_in_dim3A_3974 = vector.shape_cast %reduce_sum3A_3973 : vector<128xf32> to vector<1x128xf32>
    %log3A_3975 = math.log %broadcast_in_dim3A_3974 : vector<1x128xf32>
    %mul3A_3976 = arith.mulf %log3A_3975, %get3A_3952 : vector<1x128xf32>
    %add3A_3977 = arith.addf %add3A_3935, %select_n3A_3971 : vector<96x128xf32>
    %add3A_3978 = arith.addf %add3A_3936, %mul3A_3966 : vector<96x128xf32>
    %add3A_3979 = arith.addf %add3A_3937, %mul3A_3976 : vector<1x128xf32>
    %get3A_3980 = arith.constant 0 : index
    %get3A_3981 = arith.constant 0 : index
    %get3A_3982 = arith.constant 12160 : index
    %get3A_3983 = vector.load %arg2[%get3A_3980, %get3A_3981, %get3A_3982] : memref<1x96x12544xf32, #tpu.memory_space<vmem>>, vector<1x96x128xf32>
    %get3A_3984 = vector.shape_cast %get3A_3983 : vector<1x96x128xf32> to vector<96x128xf32>
    %get3A_3985 = arith.constant 0 : index
    %get3A_3986 = arith.constant 0 : index
    %get3A_3987 = arith.constant 12160 : index
    %get3A_3988 = vector.load %arg3[%get3A_3985, %get3A_3986, %get3A_3987] : memref<1x1x12544xi32, #tpu.memory_space<vmem>>, vector<1x1x128xi32>
    %get3A_3989 = vector.shape_cast %get3A_3988 : vector<1x1x128xi32> to vector<1x128xi32>
    %get3A_3990 = arith.constant 0 : index
    %get3A_3991 = arith.constant 0 : index
    %get3A_3992 = arith.constant 12160 : index
    %get3A_3993 = vector.load %arg4[%get3A_3990, %get3A_3991, %get3A_3992] : memref<1x1x12544xf32, #tpu.memory_space<vmem>>, vector<1x1x128xf32>
    %get3A_3994 = vector.shape_cast %get3A_3993 : vector<1x1x128xf32> to vector<1x128xf32>
    %reduce_max3A_3995 = arith.constant dense<0xFF800000> : vector<128xf32>
    %reduce_max3A_3996 = vector.multi_reduction <maximumf>, %get3A_3984, %reduce_max3A_3995 [0] : vector<96x128xf32> to vector<128xf32>
    %broadcast_in_dim3A_3997 = vector.shape_cast %reduce_max3A_3996 : vector<128xf32> to vector<1x128xf32>
    %sub3A_3998 = vector.broadcast %broadcast_in_dim3A_3997 : vector<1x128xf32> to vector<96x128xf32>
    %sub3A_3999 = arith.subf %get3A_3984, %sub3A_3998 : vector<96x128xf32>
    %exp3A_4000 = math.exp %sub3A_3999 : vector<96x128xf32>
    %reduce_sum3A_4001 = arith.constant dense<0.000000e+00> : vector<128xf32>
    %reduce_sum3A_4002 = vector.multi_reduction <add>, %exp3A_4000, %reduce_sum3A_4001 [0] : vector<96x128xf32> to vector<128xf32>
    %broadcast_in_dim3A_4003 = vector.shape_cast %reduce_sum3A_4002 : vector<128xf32> to vector<1x128xf32>
    %div3A_4004 = arith.constant 1.000000e+00 : f32
    %div3A_4005 = vector.broadcast %div3A_4004 : f32 to vector<1x128xf32>
    %div3A_4006 = arith.divf %div3A_4005, %broadcast_in_dim3A_4003 : vector<1x128xf32>
    %mul3A_4007 = vector.broadcast %div3A_4006 : vector<1x128xf32> to vector<96x128xf32>
    %mul3A_4008 = arith.mulf %exp3A_4000, %mul3A_4007 : vector<96x128xf32>
    %eq3A_4009 = vector.broadcast %get3A_3989 : vector<1x128xi32> to vector<96x128xi32>
    %eq3A_4010 = arith.cmpi eq, %iota3A, %eq3A_4009 : vector<96x128xi32>
    %jit3A_4011 = arith.constant 0.000000e+00 : f32
    %broadcast_in_dim3A_4012 = vector.broadcast %jit3A_4011 : f32 to vector<96x128xf32>
    %select_n3A_4013 = arith.select %eq3A_4010, %mul3A_4008, %broadcast_in_dim3A_4012 : vector<96x128xi1>, vector<96x128xf32>
    %reduce_sum3A_4014 = arith.constant dense<0.000000e+00> : vector<128xf32>
    %reduce_sum3A_4015 = vector.multi_reduction <add>, %select_n3A_4013, %reduce_sum3A_4014 [0] : vector<96x128xf32> to vector<128xf32>
    %broadcast_in_dim3A_4016 = vector.shape_cast %reduce_sum3A_4015 : vector<128xf32> to vector<1x128xf32>
    %log3A_4017 = math.log %broadcast_in_dim3A_4016 : vector<1x128xf32>
    %mul3A_4018 = arith.mulf %log3A_4017, %get3A_3994 : vector<1x128xf32>
    %add3A_4019 = arith.addf %add3A_3977, %select_n3A_4013 : vector<96x128xf32>
    %add3A_4020 = arith.addf %add3A_3978, %mul3A_4008 : vector<96x128xf32>
    %add3A_4021 = arith.addf %add3A_3979, %mul3A_4018 : vector<1x128xf32>
    %get3A_4022 = arith.constant 0 : index
    %get3A_4023 = arith.constant 0 : index
    %get3A_4024 = arith.constant 12288 : index
    %get3A_4025 = vector.load %arg2[%get3A_4022, %get3A_4023, %get3A_4024] : memref<1x96x12544xf32, #tpu.memory_space<vmem>>, vector<1x96x128xf32>
    %get3A_4026 = vector.shape_cast %get3A_4025 : vector<1x96x128xf32> to vector<96x128xf32>
    %get3A_4027 = arith.constant 0 : index
    %get3A_4028 = arith.constant 0 : index
    %get3A_4029 = arith.constant 12288 : index
    %get3A_4030 = vector.load %arg3[%get3A_4027, %get3A_4028, %get3A_4029] : memref<1x1x12544xi32, #tpu.memory_space<vmem>>, vector<1x1x128xi32>
    %get3A_4031 = vector.shape_cast %get3A_4030 : vector<1x1x128xi32> to vector<1x128xi32>
    %get3A_4032 = arith.constant 0 : index
    %get3A_4033 = arith.constant 0 : index
    %get3A_4034 = arith.constant 12288 : index
    %get3A_4035 = vector.load %arg4[%get3A_4032, %get3A_4033, %get3A_4034] : memref<1x1x12544xf32, #tpu.memory_space<vmem>>, vector<1x1x128xf32>
    %get3A_4036 = vector.shape_cast %get3A_4035 : vector<1x1x128xf32> to vector<1x128xf32>
    %reduce_max3A_4037 = arith.constant dense<0xFF800000> : vector<128xf32>
    %reduce_max3A_4038 = vector.multi_reduction <maximumf>, %get3A_4026, %reduce_max3A_4037 [0] : vector<96x128xf32> to vector<128xf32>
    %broadcast_in_dim3A_4039 = vector.shape_cast %reduce_max3A_4038 : vector<128xf32> to vector<1x128xf32>
    %sub3A_4040 = vector.broadcast %broadcast_in_dim3A_4039 : vector<1x128xf32> to vector<96x128xf32>
    %sub3A_4041 = arith.subf %get3A_4026, %sub3A_4040 : vector<96x128xf32>
    %exp3A_4042 = math.exp %sub3A_4041 : vector<96x128xf32>
    %reduce_sum3A_4043 = arith.constant dense<0.000000e+00> : vector<128xf32>
    %reduce_sum3A_4044 = vector.multi_reduction <add>, %exp3A_4042, %reduce_sum3A_4043 [0] : vector<96x128xf32> to vector<128xf32>
    %broadcast_in_dim3A_4045 = vector.shape_cast %reduce_sum3A_4044 : vector<128xf32> to vector<1x128xf32>
    %div3A_4046 = arith.constant 1.000000e+00 : f32
    %div3A_4047 = vector.broadcast %div3A_4046 : f32 to vector<1x128xf32>
    %div3A_4048 = arith.divf %div3A_4047, %broadcast_in_dim3A_4045 : vector<1x128xf32>
    %mul3A_4049 = vector.broadcast %div3A_4048 : vector<1x128xf32> to vector<96x128xf32>
    %mul3A_4050 = arith.mulf %exp3A_4042, %mul3A_4049 : vector<96x128xf32>
    %eq3A_4051 = vector.broadcast %get3A_4031 : vector<1x128xi32> to vector<96x128xi32>
    %eq3A_4052 = arith.cmpi eq, %iota3A, %eq3A_4051 : vector<96x128xi32>
    %jit3A_4053 = arith.constant 0.000000e+00 : f32
    %broadcast_in_dim3A_4054 = vector.broadcast %jit3A_4053 : f32 to vector<96x128xf32>
    %select_n3A_4055 = arith.select %eq3A_4052, %mul3A_4050, %broadcast_in_dim3A_4054 : vector<96x128xi1>, vector<96x128xf32>
    %reduce_sum3A_4056 = arith.constant dense<0.000000e+00> : vector<128xf32>
    %reduce_sum3A_4057 = vector.multi_reduction <add>, %select_n3A_4055, %reduce_sum3A_4056 [0] : vector<96x128xf32> to vector<128xf32>
    %broadcast_in_dim3A_4058 = vector.shape_cast %reduce_sum3A_4057 : vector<128xf32> to vector<1x128xf32>
    %log3A_4059 = math.log %broadcast_in_dim3A_4058 : vector<1x128xf32>
    %mul3A_4060 = arith.mulf %log3A_4059, %get3A_4036 : vector<1x128xf32>
    %add3A_4061 = arith.addf %add3A_4019, %select_n3A_4055 : vector<96x128xf32>
    %add3A_4062 = arith.addf %add3A_4020, %mul3A_4050 : vector<96x128xf32>
    %add3A_4063 = arith.addf %add3A_4021, %mul3A_4060 : vector<1x128xf32>
    %get3A_4064 = arith.constant 0 : index
    %get3A_4065 = arith.constant 0 : index
    %get3A_4066 = arith.constant 12416 : index
    %get3A_4067 = vector.load %arg2[%get3A_4064, %get3A_4065, %get3A_4066] : memref<1x96x12544xf32, #tpu.memory_space<vmem>>, vector<1x96x128xf32>
    %get3A_4068 = vector.shape_cast %get3A_4067 : vector<1x96x128xf32> to vector<96x128xf32>
    %get3A_4069 = arith.constant 0 : index
    %get3A_4070 = arith.constant 0 : index
    %get3A_4071 = arith.constant 12416 : index
    %get3A_4072 = vector.load %arg3[%get3A_4069, %get3A_4070, %get3A_4071] : memref<1x1x12544xi32, #tpu.memory_space<vmem>>, vector<1x1x128xi32>
    %get3A_4073 = vector.shape_cast %get3A_4072 : vector<1x1x128xi32> to vector<1x128xi32>
    %get3A_4074 = arith.constant 0 : index
    %get3A_4075 = arith.constant 0 : index
    %get3A_4076 = arith.constant 12416 : index
    %get3A_4077 = vector.load %arg4[%get3A_4074, %get3A_4075, %get3A_4076] : memref<1x1x12544xf32, #tpu.memory_space<vmem>>, vector<1x1x128xf32>
    %get3A_4078 = vector.shape_cast %get3A_4077 : vector<1x1x128xf32> to vector<1x128xf32>
    %reduce_max3A_4079 = arith.constant dense<0xFF800000> : vector<128xf32>
    %reduce_max3A_4080 = vector.multi_reduction <maximumf>, %get3A_4068, %reduce_max3A_4079 [0] : vector<96x128xf32> to vector<128xf32>
    %broadcast_in_dim3A_4081 = vector.shape_cast %reduce_max3A_4080 : vector<128xf32> to vector<1x128xf32>
    %sub3A_4082 = vector.broadcast %broadcast_in_dim3A_4081 : vector<1x128xf32> to vector<96x128xf32>
    %sub3A_4083 = arith.subf %get3A_4068, %sub3A_4082 : vector<96x128xf32>
    %exp3A_4084 = math.exp %sub3A_4083 : vector<96x128xf32>
    %reduce_sum3A_4085 = arith.constant dense<0.000000e+00> : vector<128xf32>
    %reduce_sum3A_4086 = vector.multi_reduction <add>, %exp3A_4084, %reduce_sum3A_4085 [0] : vector<96x128xf32> to vector<128xf32>
    %broadcast_in_dim3A_4087 = vector.shape_cast %reduce_sum3A_4086 : vector<128xf32> to vector<1x128xf32>
    %div3A_4088 = arith.constant 1.000000e+00 : f32
    %div3A_4089 = vector.broadcast %div3A_4088 : f32 to vector<1x128xf32>
    %div3A_4090 = arith.divf %div3A_4089, %broadcast_in_dim3A_4087 : vector<1x128xf32>
    %mul3A_4091 = vector.broadcast %div3A_4090 : vector<1x128xf32> to vector<96x128xf32>
    %mul3A_4092 = arith.mulf %exp3A_4084, %mul3A_4091 : vector<96x128xf32>
    %eq3A_4093 = vector.broadcast %get3A_4073 : vector<1x128xi32> to vector<96x128xi32>
    %eq3A_4094 = arith.cmpi eq, %iota3A, %eq3A_4093 : vector<96x128xi32>
    %jit3A_4095 = arith.constant 0.000000e+00 : f32
    %broadcast_in_dim3A_4096 = vector.broadcast %jit3A_4095 : f32 to vector<96x128xf32>
    %select_n3A_4097 = arith.select %eq3A_4094, %mul3A_4092, %broadcast_in_dim3A_4096 : vector<96x128xi1>, vector<96x128xf32>
    %reduce_sum3A_4098 = arith.constant dense<0.000000e+00> : vector<128xf32>
    %reduce_sum3A_4099 = vector.multi_reduction <add>, %select_n3A_4097, %reduce_sum3A_4098 [0] : vector<96x128xf32> to vector<128xf32>
    %broadcast_in_dim3A_4100 = vector.shape_cast %reduce_sum3A_4099 : vector<128xf32> to vector<1x128xf32>
    %log3A_4101 = math.log %broadcast_in_dim3A_4100 : vector<1x128xf32>
    %mul3A_4102 = arith.mulf %log3A_4101, %get3A_4078 : vector<1x128xf32>
    %add3A_4103 = arith.addf %add3A_4061, %select_n3A_4097 : vector<96x128xf32>
    %add3A_4104 = arith.addf %add3A_4062, %mul3A_4092 : vector<96x128xf32>
    %add3A_4105 = arith.addf %add3A_4063, %mul3A_4102 : vector<1x128xf32>
    %get3A_4106 = arith.constant 0 : index
    %get3A_4107 = arith.constant 0 : index
    %get3A_4108 = vector.load %arg8[%get3A_4106, %get3A_4107] : memref<96x128xf32, #tpu.memory_space<vmem>>, vector<96x128xf32>
    %add3A_4109 = arith.addf %get3A_4108, %add3A_4103 : vector<96x128xf32>
    %swap3A = arith.constant 0 : index
    %swap3A_4110 = arith.constant 0 : index
    %swap3A_4111 = vector.load %arg8[%swap3A, %swap3A_4110] : memref<96x128xf32, #tpu.memory_space<vmem>>, vector<96x128xf32>
    tpu.vector_store %arg8[%swap3A, %swap3A_4110], %add3A_4109 {strides = array<i32>} : memref<96x128xf32, #tpu.memory_space<vmem>>, vector<96x128xf32>,
    %get3A_4112 = arith.constant 0 : index
    %get3A_4113 = arith.constant 0 : index
    %get3A_4114 = vector.load %arg7[%get3A_4112, %get3A_4113] : memref<96x128xf32, #tpu.memory_space<vmem>>, vector<96x128xf32>
    %add3A_4115 = arith.addf %get3A_4114, %add3A_4104 : vector<96x128xf32>
    %swap3A_4116 = arith.constant 0 : index
    %swap3A_4117 = arith.constant 0 : index
    %swap3A_4118 = vector.load %arg7[%swap3A_4116, %swap3A_4117] : memref<96x128xf32, #tpu.memory_space<vmem>>, vector<96x128xf32>
    tpu.vector_store %arg7[%swap3A_4116, %swap3A_4117], %add3A_4115 {strides = array<i32>} : memref<96x128xf32, #tpu.memory_space<vmem>>, vector<96x128xf32>,
    %get3A_4119 = arith.constant 0 : index
    %get3A_4120 = arith.constant 0 : index
    %get3A_4121 = vector.load %arg9[%get3A_4119, %get3A_4120] : memref<1x128xf32, #tpu.memory_space<vmem>>, vector<1x128xf32>
    %add3A_4122 = arith.addf %get3A_4121, %add3A_4105 : vector<1x128xf32>
    %swap3A_4123 = arith.constant 0 : index
    %swap3A_4124 = arith.constant 0 : index
    %swap3A_4125 = vector.load %arg9[%swap3A_4123, %swap3A_4124] : memref<1x128xf32, #tpu.memory_space<vmem>>, vector<1x128xf32>
    tpu.vector_store %arg9[%swap3A_4123, %swap3A_4124], %add3A_4122 {strides = array<i32>} : memref<1x128xf32, #tpu.memory_space<vmem>>, vector<1x128xf32>,
    %eq3A_4126 = arith.constant 15 : i32
    %eq3A_4127 = arith.cmpi eq, %add3A, %eq3A_4126 : i32
    %convert_element_type3A_4128 = arith.extui %eq3A_4127 : i1 to i32
    %cond3A_4129 = arith.constant 0 : i32
    %cond3A_4130 = arith.cmpi ne, %convert_element_type3A_4128, %cond3A_4129 : i32
    scf.if %cond3A_4130 {
      %get3A_4131 = arith.constant 0 : index
      %get3A_4132 = arith.constant 0 : index
      %get3A_4133 = vector.load %arg8[%get3A_4131, %get3A_4132] : memref<96x128xf32, #tpu.memory_space<vmem>>, vector<96x128xf32>
      %reduce_sum3A_4134 = arith.constant dense<0.000000e+00> : vector<96xf32>
      %reduce_sum3A_4135 = vector.multi_reduction <add>, %get3A_4133, %reduce_sum3A_4134 [1] : vector<96x128xf32> to vector<96xf32>
      %get3A_4136 = arith.constant 0 : index
      %get3A_4137 = arith.constant 0 : index
      %get3A_4138 = vector.load %arg5[%get3A_4136, %get3A_4137] : memref<32x96xf32, #tpu.memory_space<vmem>>, vector<32x96xf32>
      %reduce_sum3A_4139 = arith.constant dense<0.000000e+00> : vector<96xf32>
      %reduce_sum3A_4140 = vector.multi_reduction <add>, %get3A_4138, %reduce_sum3A_4139 [0] : vector<32x96xf32> to vector<96xf32>
      %get3A_4141 = arith.constant 0 : index
      %get3A_4142 = arith.constant 0 : index
      %get3A_4143 = vector.load %arg7[%get3A_4141, %get3A_4142] : memref<96x128xf32, #tpu.memory_space<vmem>>, vector<96x128xf32>
      %reduce_sum3A_4144 = arith.constant dense<0.000000e+00> : vector<96xf32>
      %reduce_sum3A_4145 = vector.multi_reduction <add>, %get3A_4143, %reduce_sum3A_4144 [1] : vector<96x128xf32> to vector<96xf32>
      %add3A_4146 = arith.addf %reduce_sum3A_4145, %reduce_sum3A_4140 : vector<96xf32>
      %mul3A_4147 = arith.constant 2.000000e+00 : f32
      %mul3A_4148 = vector.broadcast %mul3A_4147 : f32 to vector<96xf32>
      %mul3A_4149 = arith.mulf %mul3A_4148, %reduce_sum3A_4135 : vector<96xf32>
      %add3A_4150 = arith.constant 1.000000e+00 : f32
      %add3A_4151 = vector.broadcast %add3A_4150 : f32 to vector<96xf32>
      %add3A_4152 = arith.addf %mul3A_4149, %add3A_4151 : vector<96xf32>
      %add3A_4153 = arith.constant 1.000100e+00 : f32
      %add3A_4154 = vector.broadcast %add3A_4153 : f32 to vector<96xf32>
      %add3A_4155 = arith.addf %add3A_4146, %add3A_4154 : vector<96xf32>
      %div3A_4156 = arith.divf %add3A_4152, %add3A_4155 : vector<96xf32>
      %sub3A_4157 = arith.constant 1.000000e+00 : f32
      %sub3A_4158 = vector.broadcast %sub3A_4157 : f32 to vector<96xf32>
      %sub3A_4159 = arith.subf %sub3A_4158, %div3A_4156 : vector<96xf32>
      %reduce_sum3A_4160 = vector.shape_cast %sub3A_4159 : vector<96xf32> to vector<1x96xf32>
      %reduce_sum3A_4161 = arith.constant dense<0.000000e+00> : vector<1xf32>
      %reduce_sum3A_4162 = vector.multi_reduction <add>, %reduce_sum3A_4160, %reduce_sum3A_4161 [1] : vector<1x96xf32> to vector<1xf32>
      %reduce_sum3A_4163 = vector.shape_cast %reduce_sum3A_4162 : vector<1xf32> to vector<1x1xf32>
      %reduce_sum3A_4164 = vector.extract %reduce_sum3A_4163[0, 0] : f32 from vector<1x1xf32>
      %div3A_4165 = arith.constant 9.600000e+01 : f32
      %div3A_4166 = arith.divf %reduce_sum3A_4164, %div3A_4165 : f32
      %get3A_4167 = arith.constant 0 : index
      %get3A_4168 = arith.constant 0 : index
      %get3A_4169 = vector.load %arg9[%get3A_4167, %get3A_4168] : memref<1x128xf32, #tpu.memory_space<vmem>>, vector<1x128xf32>
      %reduce_sum3A_4170 = vector.shape_cast %get3A_4169 : vector<1x128xf32> to vector<1x1x128xf32>
      %reduce_sum3A_4171 = arith.constant dense<0.000000e+00> : vector<1xf32>
      %reduce_sum3A_4172 = vector.multi_reduction <add>, %reduce_sum3A_4170, %reduce_sum3A_4171 [1, 2] : vector<1x1x128xf32> to vector<1xf32>
      %reduce_sum3A_4173 = vector.shape_cast %reduce_sum3A_4172 : vector<1xf32> to vector<1x1x1xf32>
      %reduce_sum3A_4174 = vector.extract %reduce_sum3A_4173[0, 0, 0] : f32 from vector<1x1x1xf32>
      %neg3A = arith.constant 0.000000e+00 : f32
      %neg3A_4175 = arith.subf %neg3A, %reduce_sum3A_4174 : f32
      %div3A_4176 = arith.constant 2.007040e+05 : f32
      %div3A_4177 = arith.divf %neg3A_4175, %div3A_4176 : f32
      %add3A_4178 = arith.addf %div3A_4177, %div3A_4166 : f32
      %reshape3A = vector.broadcast %add3A_4178 : f32 to vector<1x1xf32>
      %reshape3A_4179 = vector.broadcast %div3A_4166 : f32 to vector<1x1xf32>
      %concatenate3A = tpu.concatenate %reshape3A, %reshape3A_4179 in 1 : vector<1x1xf32>, vector<1x1xf32> -> vector<1x2xf32>
      %swap3A_4180 = arith.constant 0 : index
      %swap3A_4181 = arith.constant 0 : index
      %swap3A_4182 = vector.load %arg6[%swap3A_4180, %swap3A_4181] : memref<1x2xf32, #tpu.memory_space<vmem>>, vector<1x2xf32>
      tpu.vector_store %arg6[%swap3A_4180, %swap3A_4181], %concatenate3A {strides = array<i32>} : memref<1x2xf32, #tpu.memory_space<vmem>>, vector<1x2xf32>,
    } else {
    }
    return
  }
  func.func @transform_0(%arg0: i32, %arg1: i32) -> (i32, i32, i32) {
    %c0_i32 = arith.constant 0 : i32
    %c0_i32_0 = arith.constant 0 : i32
    return %arg0, %c0_i32, %arg1 : i32, i32, i32
  }
  func.func @transform_1(%arg0: i32, %arg1: i32) -> (i32, i32, i32) {
    %c0_i32 = arith.constant 0 : i32
    %c0_i32_0 = arith.constant 0 : i32
    return %arg0, %c0_i32, %arg1 : i32, i32, i32
  }
  func.func @transform_2(%arg0: i32, %arg1: i32) -> (i32, i32, i32) {
    %c0_i32 = arith.constant 0 : i32
    %c0_i32_0 = arith.constant 0 : i32
    return %arg0, %c0_i32, %arg1 : i32, i32, i32
  }
  func.func @transform_3(%arg0: i32, %arg1: i32) -> (i32, i32) {
    %c0_i32 = arith.constant 0 : i32
    %c0_i32_0 = arith.constant 0 : i32
    %c0_i32_1 = arith.constant 0 : i32
    return %c0_i32, %c0_i32_0 : i32, i32
  }
  func.func @transform_4(%arg0: i32, %arg1: i32) -> (i32, i32) {
    %c0_i32 = arith.constant 0 : i32
    %c0_i32_0 = arith.constant 0 : i32
    %c0_i32_1 = arith.constant 0 : i32
    return %c0_i32, %c0_i32_0 : i32, i32
  }
}

</mosaic_0001>

<sc_bundles>
// kernel: kernel.4.cloned.1.call-start
scs
__scs_entry_jumppad:
0x0: {  	(pc) =	sbr.rel $0x88, $3  }
0x1: {  	(tag) =	ssettag $0x0;
	lr =	simm.s32 $0x1  }
0x2: {  	[smem:$0x3F9E] =	sst lr;
	_ =	strace $0xD0000000  }
0x3: {  	_ = 	snop  }
0x4: {  	_ = 	snop  }
0x5: {  	_ = 	snop  }
0x6: {  	_ = 	snop  }
0x7: {  	_ = 	snop  }
__scs_overlays_trampoline_lowered:
0x8: {  	[smem:$0x3FAD] =	sst s0  }
0x9: {  	[smem:$0x3FAE] =	sst s1  }
0xa: {  	[smem:$0x3FAF] =	sst s2  }
0xb: {  	[smem:$0x3FB0] =	sst s3  }
0xc: {  	[smem:$0x3FB1] =	sst s4  }
0xd: {  	[smem:$0x3FB2] =	sst s5  }
0xe: {  	[smem:$0x3FB3] =	sst s6  }
0xf: {  	[smem:$0x3FB4] =	sst s7  }
0x10: {  	[smem:$0x3FB5] =	sst s8  }
0x11: {  	[smem:$0x3FB6] =	sst s9;
	s0 =	simm.s32 @!p0 $0x0  }
0x12: {  	s1 =	sld [smem:$0x3F9C];
	s0 =	simm.s32 @p0 $0x1  }
0x13: {  	[smem:$0x3FB7] =	sst s0;
	s0 =	simm.s32 @!p1 $0x0  }
0x14: {  	s2 =	sld [smem:$0x3F9B];
	s0 =	simm.s32 @p1 $0x1  }
0x15: {  	[smem:$0x3FB8] =	sst s0;
	s0 =	simm.s32 @!p2 $0x0  }
0x16: {  	s3 =	sld [smem:$0x3FDB];
	s0 =	simm.s32 @p2 $0x1  }
0x17: {  	s4 =	simm.s32 $0x1BF5;
	[smem:$0x3FBA] =	sst s0  }
0x18: {  	s0 =	sld [smem:$0x3F9D];
	_ =	swait.ge [sflag:s4], $0x0  }
0x19: {  	s7 =	sld [smem:$0x3F9E]  }
0x1a: {  	s8 =	sadd.s32 $0xFFFFE003, lr  }
0x1b: {  	s9 =	sadd.s32 $0xFFFFFEF7, lr;
	s5 =	simm.s32 $0xFFFFFFFF;
	p2 =	slt.u32 s8, $0xFFFFF086  }
0x1c: {  	p1 =	slt.u32 s9, $0xF7A;
	s5 =	simm.s32 @!p2 $0x0  }
0x1d: {  	s5 =	simm.s32 @p1 $0x1;
	p0 =	seq.s32 s7, s2  }
0x1e: {  	s7 =	smul.u32 @!p0 $0xF7A, s2;
	p2 =	seq.s32 @!p0 s5, $0x0  }
0x1f: {  	s9 =	smul.u32 $0xF7A, s1;
	s8 =	simm.s32 @!p0 $0x1BF5;
	p2 =	por !p2, p0  }
0x20: {  	[sflag:s8] =	ssyncset.s32 @!p0 $0xFFFFF086;
	s6 =	sadd.s32 @!p0 s3, s7;
	s7 =	simm.s32 @!p0 $0x108  }
0x21: {  	s3 =	sadd.s32 s3, s9;
	s6 =	sadd.s32 @!p0 $0x88, s6;
	s7 =	simm.s32 @p2 $0x1082  }
0x22: {  	[simem:s7], [sflag:s8] =	dma.local @!p0 [hbm:s6], $0xF7A  }
0x23: {  	s9 =	sor.u32 $0xD0000000, s2;
	s6 =	simm.s32 $0x108;
	_ =	swait.ge @!p0 [sflag:s8], $0x0  }
0x24: {  	s3 =	sadd.s32 $0x88, s3;
	s6 =	simm.s32 @!p1 $0x1082;
	[sflag:s4] =	ssyncset.s32 $0xFFFFF086  }
0x25: {  	[simem:s6], [sflag:s4] =	dma.local [hbm:s3], $0xF7A  }
0x26: {  	[smem:$0x3F9E] =	sst s1;
	(tag) =	ssettag s2;
	_ =	strace s9  }
0x27: {  	s1 =	sld [smem:$0x3FAE]  }
0x28: {  	s2 =	sld [smem:$0x3FAF]  }
0x29: {  	s4 =	sld [smem:$0x3FB1]  }
0x2a: {  	p0 =	seq.s32 s5, $0x0;
	s5 =	sld [smem:$0x3FB2]  }
0x2b: {  	s6 =	sld [smem:$0x3FB3]  }
0x2c: {  	s7 =	sld [smem:$0x3FB4]  }
0x2d: {  	s3 =	simm.s32 $0x108;
	s8 =	sld [smem:$0x3FB5]  }
0x2e: {  	s3 =	simm.s32 @!p0 $0x1082;
	s9 =	sld [smem:$0x3FB6]  }
0x2f: {  	lr =	sadd.s32 s0, s3;
	s0 =	sld [smem:$0x3FAD]  }
0x30: {  	s3 =	sld [smem:$0x3FB0]  }
0x31: {  	[smem:$0x3FB9] =	sst s10  }
0x32: {  	s10 =	sld [smem:$0x3FB7];
	_ =	sdelay $0x3  }
0x33: {  	p0 =	seq.s32 s10, $0x1;
	s10 =	sld [smem:$0x3FB9];
	_ =	sdelay $0x3  }
0x34: {  	[smem:$0x3FB9] =	sst s10  }
0x35: {  	s10 =	sld [smem:$0x3FB8];
	_ =	sdelay $0x3  }
0x36: {  	p1 =	seq.s32 s10, $0x1;
	s10 =	sld [smem:$0x3FB9];
	_ =	sdelay $0x3  }
0x37: {  	[smem:$0x3FB9] =	sst s10  }
0x38: {  	s10 =	sld [smem:$0x3FBA]  }
0x39: {  	_ = 	snop;
	(pc) =	sbr.ind lr, $3  }
0x3a: {  	_ = 	snop  }
0x3b: {  	_ = 	snop  }
0x3c: {  	p2 =	seq.s32 s10, $0x1;
	s10 =	sld [smem:$0x3FB9]  }
0x3d: {  	_ =	shalt  }
0x3e: {  	_ =	shalt  }
0x3f: {  	_ =	shalt  }
0x40: {  	_ =	shalt  }
0x41: {  	_ =	shalt  }
0x42: {  	_ =	shalt  }
0x43: {  	_ =	shalt  }
0x44: {  	_ =	shalt  }
0x45: {  	_ =	shalt  }
0x46: {  	_ =	shalt  }
0x47: {  	_ =	shalt  }
0x48: {  	_ =	shalt  }
0x49: {  	_ =	shalt  }
0x4a: {  	_ =	shalt  }
0x4b: {  	_ =	shalt  }
0x4c: {  	_ =	shalt  }
0x4d: {  	_ =	shalt  }
0x4e: {  	_ =	shalt  }
0x4f: {  	_ =	shalt  }
0x50: {  	_ =	shalt  }
0x51: {  	_ =	shalt  }
0x52: {  	_ =	shalt  }
0x53: {  	_ =	shalt  }
0x54: {  	_ =	shalt  }
0x55: {  	_ =	shalt  }
0x56: {  	_ =	shalt  }
0x57: {  	_ =	shalt  }
0x58: {  	_ =	shalt  }
0x59: {  	_ =	shalt  }
0x5a: {  	_ =	shalt  }
0x5b: {  	_ =	shalt  }
0x5c: {  	_ =	shalt  }
0x5d: {  	_ =	shalt  }
0x5e: {  	_ =	shalt  }
0x5f: {  	_ =	shalt  }
0x60: {  	_ =	shalt  }
0x61: {  	_ =	shalt  }
0x62: {  	_ =	shalt  }
0x63: {  	_ =	shalt  }
0x64: {  	_ =	shalt  }
0x65: {  	_ =	shalt  }
0x66: {  	_ =	shalt  }
0x67: {  	_ =	shalt  }
0x68: {  	_ =	shalt  }
0x69: {  	_ =	shalt  }
0x6a: {  	_ =	shalt  }
0x6b: {  	_ =	shalt  }
0x6c: {  	_ =	shalt  }
0x6d: {  	_ =	shalt  }
0x6e: {  	_ =	shalt  }
0x6f: {  	_ =	shalt  }
0x70: {  	_ =	shalt  }
0x71: {  	_ =	shalt  }
0x72: {  	_ =	shalt  }
0x73: {  	_ =	shalt  }
0x74: {  	_ =	shalt  }
0x75: {  	_ =	shalt  }
0x76: {  	_ =	shalt  }
0x77: {  	_ =	shalt  }
0x78: {  	_ =	shalt  }
0x79: {  	_ =	shalt  }
0x7a: {  	_ =	shalt  }
0x7b: {  	_ =	shalt  }
0x7c: {  	_ =	shalt  }
0x7d: {  	_ =	shalt  }
0x7e: {  	_ =	shalt  }
0x7f: {  	_ =	shalt  }
0x80: {  	_ =	shalt  }
0x81: {  	_ =	shalt  }
0x82: {  	_ =	shalt  }
0x83: {  	_ =	shalt  }
0x84: {  	_ =	shalt  }
0x85: {  	_ =	shalt  }
0x86: {  	_ =	shalt  }
0x87: {  	_ =	shalt  }
.Lfunc_end0:
.L_simem_size_0:
called_computation_lowered:
.L_overlay_start_0:
0x88: {  	s2 =	sld [smem:$0x3FD9]  }
0x89: {  	s3 =	sld [smem:$0x3FFE];
	_ =	sdelay $0x1  }
0x8a: {  	s1 =	srdreg.scid  }
0x8b: {  	s0 =	sand.u32 $0x1, s1  }
0x8c: {  	s16 =	sshll.u32 s0, $0xA;
	s2 =	sadd.s32 s3, s2  }
0x8d: {  	s2 =	sadd.s32 s2, s16  }
0x8e: {  	[smem:$0x3FC5] =	sst s2  }
0x8f: {  	_ = 	snop  }
0x90: {  	(tm) =	ssettm $0x1  }
0x91: {  	s17 =	sld [smem:$0x3FFB];
	_ =	sdelay $0x3  }
0x92: {  	_ =	strace s17  }
0x93: {  	s2 =	sld [smem:$0x3FFC];
	_ =	sdelay $0x3  }
0x94: {  	_ =	strace s2  }
0x95: {  	s2 =	sld [smem:$0x3FFD];
	_ =	sdelay $0x3  }
0x96: {  	_ =	strace s2  }
0x97: {  	_ =	strace $0x8FFFFFFF  }
0x98: {  	s18 =	sld [smem:$0x3FDB];
	_ =	sdelay $0x1  }
0x99: {  	s19 =	simm.s32 $_scs_section_size  }
0x9a: {  	s4 =	simm.s32 $_size__tile_overlayer_lowered;
	s5 =	simm.s32 $_tile_overlayer_lowered  }
0x9b: {  	s22 =	simm.s32 $0x1BFF;
	s21 =	sshll.u32 s5, $0x1;
	s2 =	sadd.s32 s19, s18  }
0x9c: {  	s6 =	simm.s32 $0x0;
	s20 =	sshll.u32 s4, $0x1;
	s4 =	sadd.s32 s21, s2  }
0x9d: {  	[timem:s6], [sflag:s22] =	dma.local [hbm:s4], s20  }
0x9e: {  	_ =	swait.ge [sflag:s22], s20  }
0x9f: {  	s3 =	ssub.s32 $0x0, s20;
	[sflag:s22] =	ssyncset.done $0x0  }
0xa0: {  	[sflag:s22] =	ssyncadd.s32 s3;
	_ =	sdelay $0x1  }
0xa1: {  	s23 =	simm.s32 $0x1B8B  }
0xa2: {  	_ =	swait.ge [sflag:s23], $0x1  }
0xa3: {  	[sflag:s23] =	ssyncset.done $0x0  }
0xa4: {  	s25 =	simm.s32 $0x1B8E;
	s24 =	sld [smem:$0x3FFE];
	[sflag:s23] =	ssyncadd.s32 $0xFFFFFFFF  }
0xa5: {  	s26 =	simm.s32 $execute0_lowered;
	[smem:$0x3FD2] =	sst s25  }
0xa6: {  	s4 =	sshll.u32 s26, $0x1;
	_ =	strace $0x80000046;
	[dreg:$0x1] =	wrdreg $0xFFFFFFFF  }
0xa7: {  	s28 =	simm.s32 $_size_execute0_lowered;
	s2 =	sadd.s32 s2, s4;
	[dreg:$0x0] =	wrdreg $0x0  }
0xa8: {  	s4 =	sshll.u32 s28, $0x1;
	[dreg:$0x2] =	wrdreg s2  }
0xa9: {  	[dreg:$0x3] =	wrdreg s4  }
0xaa: {  	[dreg:$0x4] =	wrdreg $0xC0  }
0xab: {  	_ =	task [dreg:s6], $0x5FFFF  }
0xac: {  	[dreg:$0x1] =	wrdreg $0xFFFFFFFF  }
0xad: {  	[dreg:$0x0] =	wrdreg $0x60  }
0xae: {  	[dreg:$0x2] =	wrdreg s24  }
0xaf: {  	[dreg:$0x3] =	wrdreg $0x9  }
0xb0: {  	_ =	task.clear_ibuf [dreg:s6], $0x4FFFF;
	_ =	strace $0x90000046  }
0xb1: {  	s29 =	simm.s32 $0x9;
	_ =	strace $0x80000048  }
0xb2: {  	_ =	swait.ge [sflag:s29], $0x1  }
0xb3: {  	[sflag:s29] =	ssyncadd.s32 $0xFFFFFFFF  }
0xb4: {  	_ =	strace $0x90000048  }
0xb5: {  	_ =	sfence  }
0xb6: {  	s30 =	sld [smem:$0x0];
	_ =	sdelay $0x2  }
0xb7: {  	s31 =	sshll.u32 s1, $0xD;
	s1 =	sshrl.u32 s1, $0x2  }
0xb8: {  	s3 =	sand.u32 $0x4000, s31;
	s1 =	sadd.s32 s1, s30  }
0xb9: {  	s0 =	sor.u32 s3, s0;
	s1 =	sshll.u32 s1, $0x11  }
0xba: {  	s0 =	sor.u32 s1, s0  }
0xbb: {  	s0 =	sadd.s32 $0x8F2B, s0  }
0xbc: {  	[sflag:s0] =	ssyncadd.remote.s32 $0x1  }
0xbd: {  	_ =	sfence.sel $0xFFFF  }
0xbe: {  	[dreg:$0x0] =	wrdreg $0xFFFFFFFF;
	(pc) =	sbr.abs _section_cstart, $3  }
0xbf: {  	[dreg:$0x1] =	wrdreg $0xFFFFFFFF  }
0xc0: {  	_ =	task.clear_ibuf [dreg:s6], $0x2FFFF;
	_ =	strace $0x9FFFFFFF  }
0xc1: {  	(tm) =	ssettm $0x7FFFFFFF  }
tec
execute0_lowered:
.L_overlay_start_1:
0x0: {  	(tag) =	ssettag $0x1  }
0x1: {  	s1 =	srdreg.scid;
	s0 =	stileid.u32  }
0x2: {  	s3 =	rddreg [dreg:$0x0];
	s2 =	simm.s32 $0x0;
	s8 =	simm.s32 $0x0  }
0x3: {  	s4 =	sand.u32 $0x1, s1;
	s5 =	sshll.u32 s0, $0x1;
	s1 =	rddreg [dreg:$0x1]  }
0x4: {  	[smem:$0x7FF] =	sst s2;
	s5 =	sor.u32 s4, s5;
	s4 =	ssub.s32 $0x2, s4  }
0x5: {  	s6 =	smul.u32 $0x310, s5;
	s5 =	sshll.u32 s5, $0x4;
	s7 =	sshrl.u32 s4, $0x1  }
0x6: {  	_ =	strace $0x80000047;
	s5 =	sadd.s32 s5, s3;
	s7 =	ssub.s32 s4, s7  }
0x7: {  	s6 =	sadd.s32 s6, s3;
	s4 =	sadd.s32 $0x6A00, s5;
	s5 =	smax.u32 s7, $0x1  }
0x8: {  	v0 =	vimm.f32 $0.0e+00;
	v1 =	vimm.f32 $1.000000000e+00;
	s7 =	simm.s32 $0x1880;
	s3 =	sadd.s32 $0x800, s6;
	s6 =	simm.s32 $0x1  }
.LBB2_1:
0x9: {  	[tilespmem:s2], [sflag:$0x1] =	stream.linear.gather [hbm4b:s3+s2], $0x1880, $0x38;
	[tilespmem:$0x1900] =	vst v63  }
0xa: {  	_ =	swait.ge [sflag:s6], $0x1880  }
0xb: {  	[sflag:s6] =	ssyncset.done $0x0  }
0xc: {  	[sflag:s6] =	ssyncadd.s32 $0xFFFFE780  }
0xd: {  	[tilespmem:$0x1880] =	vst v0  }
0xe: {  	[tilespmem:$0x1890] =	vst v0  }
0xf: {  	[tilespmem:$0x18A0] =	vst v0  }
0x10: {  	[tilespmem:$0x18B0] =	vst v0  }
0x11: {  	[tilespmem:$0x18C0] =	vst v0  }
0x12: {  	s10 =	simm.s32 $0x0;
	s9 =	simm.s32 $0x40;
	[tilespmem:$0x18D0] =	vst v0  }
.LBB2_2:
0x13: {  	p0 =	sne.s32 s9, $0x61C0;
	v2 =	vld [tilespmem:s10+$0x0];
	_ =	sdelay $0x3  }
.Ltmp0:
0x14: {  	(pc) =	sbr.rel @p0 .LBB2_2-.Ltmp0, $2  }
0x15: {  	_ =	sdelay $0x2  }
0x16: {  	s10 =	sshra.s32 s9, $0x2;
	s9 =	sadd.s32 $0x40, s9;
	[tilespmem:v2+s7+$0x0] =	vst.idx.add.f32.msk $0xffff, v1  }
0x17: {  	v2 =	vld [tilespmem:s10+$0x0];
	_ =	sdelay $0x5  }
0x18: {  	s8 =	sadd.s32 $0x1, s8  }
0x19: {  	p0 =	sne.s32 s8, s5  }
.Ltmp1:
0x1a: {  	[tilespmem:v2+s7+$0x0] =	vst.idx.add.f32.msk $0xffff, v1;
	(pc) =	sbr.rel @p0 .LBB2_1-.Ltmp1, $4  }
0x1b: {  	[hbm4b:s4+s2] =	stream.linear.scatter [tilespmem:s7], [sflag:$0x1], $0x80, $0x38;
	[tilespmem:$0x1900] =	vst v63  }
0x1c: {  	_ =	swait.ge [sflag:s6], $0x80  }
0x1d: {  	[sflag:s6] =	ssyncset.done $0x0  }
0x1e: {  	[sflag:s6] =	ssyncadd.s32 $0xFFFFFF80  }
0x1f: {  	_ =	sfence.sel $0x180000  }
0x20: {  	[bflag:$0x0] =	sbarrier.arrive $0xFFFF  }
0x21: {  	p0 =	sne.s32 s0, $0x0;
	_ =	strace $0x90000047  }
0x22: {  	s0 =	sadd.s32 @!p0 $0x100000, s1;
	[bflag:$0x2] =	sbarrier.arrive $0xFFFF  }
0x23: {  	[sflag:s0] =	ssyncadd.tile.s32 @!p0 $0x1;
	_ =	shalt  }
.Lfunc_end2:
_tile_overlayer_lowered:
.L_overlay_start_2:
0x24: {  	(tag) =	ssettag $0x2  }
0x25: {  	s0 =	rddreg [dreg:$0x0];
	s2 =	stileid.u32  }
0x26: {  	s1 =	rddreg [dreg:$0x1];
	p0 =	sne.s32 s2, $0x0  }
0x27: {  	s3 =	rddreg [dreg:$0x2];
	[bflag:$0x3] =	sbarrier.arrive $0xFFFF;
	s2 =	simm.s32 @!p0 $0x1C01  }
0x28: {  	[timem:s3], [sflag:s2] =	dma.local @!p0 [hbm:s0], s1  }
0x29: {  	s0 =	simm.s32 @!p0 $0x1  }
0x2a: {  	_ =	swait.ge @!p0 [sflag:s0], s1  }
0x2b: {  	s1 =	ssub.s32 @!p0 $0x0, s1;
	[sflag:s0] =	ssyncset.done @!p0 $0x0  }
0x2c: {  	[sflag:s0] =	ssyncadd.s32 @!p0 s1  }
0x2d: {  	[bflag:$0x3] =	sbarrier.arrive $0xFFFF  }
0x2e: {  	_ =	shalt  }

</sc_bundles>
